<compile_context>
chip_gen: v7x
topology: tpu7x:2x2x1
jax: 0.10.2.dev20260603
libtpu: 0.0.44.dev20260713+nightly
codegen_flags: <defaults>
</compile_context>

<pallas_src>
import jax
import jax.numpy as jnp
from jax import lax
from jax.experimental import pallas as pl
from jax.experimental.pallas import tpu as pltpu
from jax.experimental.pallas import tpu_sc as plsc

_N = 32 * 1000
_NCLS = 91
_NW = 32
_PER = 1024
_PAD = _NW * _PER - _N
_LIMIT = _N * _NCLS - 1
_CHUNK = 128
_NCHUNK = _PER // _CHUNK


def _sc_body(cls_hbm, tb_hbm, pred_hbm, out_hbm, cls_v, tb_v, idx_v, sub_v,
             buf0, buf1, acc_v, sem0, sem1):
    wid = lax.axis_index("s") * 2 + lax.axis_index("c")
    base = wid * _PER

    pltpu.sync_copy(cls_hbm.at[pl.ds(base * 1, _PER)], cls_v)
    pltpu.sync_copy(tb_hbm.at[pl.ds(base * 4, _PER * 4)], tb_v)

    iota = lax.iota(jnp.int32, 16)
    ii4 = iota >> 2
    im4 = iota & 3

    bufs = (buf0, buf1)
    sems = (sem0, sem1)
    copies = [None] * _NCHUNK

    def fire(c):
        copies[c] = pltpu.async_copy(pred_hbm.at[idx_v.at[c]], bufs[c % 2],
                                     sems[c % 2])

    for c in range(_NCHUNK):
        for k in range(_CHUNK // 16):
            i = c * _CHUNK + k * 16
            cls16 = cls_v[pl.ds(i, 16)]
            q = jnp.minimum((base + i + iota) * _NCLS + cls16, _LIMIT)
            idx_v[c, pl.ds(k * 16, 16)] = q >> 5
            sub_v[pl.ds(i, 16)] = (q & 31) * 4
        if c < 2:
            fire(c)

    def chunk_body(c, buf):
        def body(j, carry):
            acc, cnt = carry
            e = c * _CHUNK * 4 + j * 16
            t = tb_v[pl.ds(e, 16)]
            rloc = j * 4 + ii4
            r4 = c * _CHUNK + rloc
            off = plsc.load_gather(sub_v, [r4]) + im4
            p = plsc.load_gather(buf, [rloc, off])
            c16 = plsc.load_gather(cls_v, [r4])
            d = jnp.abs(t - p)
            l = jnp.where(d < 1.0, 0.5 * d * d, d - 0.5)
            m = c16 > 0
            return acc + jnp.where(m, l, 0.0), cnt + jnp.where(m, 1.0, 0.0)
        return body

    zero = jnp.zeros((16,), jnp.float32)
    carry = (zero, zero)
    for c in range(_NCHUNK):
        copies[c].wait()
        carry = lax.fori_loop(0, (_CHUNK * 4) // 16, chunk_body(c, bufs[c % 2]),
                              carry)
        if c + 2 < _NCHUNK:
            fire(c + 2)
    acc, cnt = carry
    acc_v[pl.ds(0, 16)] = acc
    acc_v[pl.ds(16, 16)] = cnt
    pltpu.sync_copy(acc_v, out_hbm.at[wid])


def _tc_finish(part_ref, out_ref):
    p = part_ref[...]
    total = jnp.sum(p[:, :16])
    count = jnp.sum(p[:, 16:])
    loss = jnp.where(count > 0, total / jnp.maximum(count, 1.0), 0.0)
    out_ref[...] = jnp.reshape(loss, (1, 1))


def kernel(target_boxes, target_class_ids, pred_boxes):
    cls = target_class_ids.reshape(-1).astype(jnp.int32)
    cls = jnp.pad(cls, (0, _PAD))
    tb = jnp.pad(target_boxes.reshape(-1, 4), ((0, _PAD), (0, 0))).reshape(-1)
    pred = pred_boxes.reshape(-1, 128)

    mesh = plsc.VectorSubcoreMesh(core_axis_name="c", subcore_axis_name="s")
    sc = pl.kernel(
        _sc_body, mesh=mesh,
        compiler_params=pltpu.CompilerParams(needs_layout_passes=False),
        out_type=jax.ShapeDtypeStruct((_NW, 32), jnp.float32),
        scratch_types=[
            pltpu.VMEM((_PER,), jnp.int32),
            pltpu.VMEM((_PER * 4,), jnp.float32),
            pltpu.VMEM((_NCHUNK, _CHUNK), jnp.int32),
            pltpu.VMEM((_PER,), jnp.int32),
            pltpu.VMEM((_CHUNK, 128), jnp.float32),
            pltpu.VMEM((_CHUNK, 128), jnp.float32),
            pltpu.VMEM((32,), jnp.float32),
            pltpu.SemaphoreType.DMA,
            pltpu.SemaphoreType.DMA,
        ],
    )
    partials = sc(cls, tb, pred)

    out = pl.pallas_call(
        _tc_finish,
        out_shape=jax.ShapeDtypeStruct((1, 1), jnp.float32),
    )(partials)
    return out[0, 0]

# --- scband reference (transcript-rebuilt; emitter-appended) ---
"""Pipeline reference for scband-bounding-box-loss-13580686590540 (READ-ONLY COPY).

The authoritative reference and input builder live on the scoring server;
editing this copy changes nothing except your own understanding.
"""

import jax, jax.numpy as jnp
import numpy as np


def setup_inputs(seed: int = 0) -> dict:
    key = jax.random.key(seed)
    k1, k2, k3 = jax.random.split(key, 3)
    target_boxes = jax.random.normal(k1, (32, 1000, 4), dtype=jnp.float32)
    target_class_ids = jax.random.randint(k2, (32, 1000), 0, 91).astype(jnp.int64)
    pred_boxes = jax.random.normal(k3, (32, 1000, 91, 4), dtype=jnp.float32)
    return {"target_boxes": target_boxes, "target_class_ids": target_class_ids, "pred_boxes": pred_boxes}


def smooth_l1(y_true, y_pred):
    diff = jnp.abs(y_true - y_pred)
    less_than_one = (diff < 1.0).astype(jnp.float32)
    return less_than_one * 0.5 * diff ** 2 + (1.0 - less_than_one) * (diff - 0.5)


def reference(target_boxes, target_class_ids, pred_boxes):
    loss_weight = 1.0
    tci_flat = jnp.reshape(target_class_ids, (-1,))
    tb_flat = jnp.reshape(target_boxes, (-1, 4))
    positive_mask = tci_flat > 0
    cls_all = tci_flat.astype(jnp.int64)
    num_classes = pred_boxes.shape[2]
    pb_flat = jnp.reshape(pred_boxes, (-1, num_classes, 4))
    # gather_nd with indices [roi_idx, class_idx]
    roi_idx = jnp.arange(tci_flat.shape[0])
    pred_all = pb_flat[roi_idx, cls_all]
    loss_elems = smooth_l1(tb_flat, pred_all)
    mask_f = positive_mask.astype(jnp.float32)
    total = jnp.sum(loss_elems * mask_f[:, None])
    count = jnp.sum(mask_f) * loss_elems.shape[1]
    loss = jnp.where(count > 0, total / jnp.maximum(count, 1.0), jnp.float32(0.0))
    return loss * loss_weight

if __name__ == "__main__":
    import jax
    _d = setup_inputs()
    print(jax.jit(kernel)(*tuple(_d.values())))

</pallas_src>

<mosaic_0001>
#map = affine_map<(d0, d1) -> (0)>
#map1 = affine_map<(d0, d1) -> (0, 0)>
module attributes {stable_mosaic.version = 14 : i64} {
  func.func @_sc_body(%arg0: i32, %arg1: i32, %arg2: memref<32768xi32, #tpu.memory_space<hbm>>, %arg3: memref<131072xf32, #tpu.memory_space<hbm>>, %arg4: memref<91000x128xf32, #tpu.memory_space<hbm>>, %arg5: memref<32x32xf32, #tpu.memory_space<hbm>>, %arg6: memref<1024xi32, #tpu.memory_space<vmem>>, %arg7: memref<4096xf32, #tpu.memory_space<vmem>>, %arg8: memref<8x128xi32, #tpu.memory_space<vmem>>, %arg9: memref<1024xi32, #tpu.memory_space<vmem>>, %arg10: memref<128x128xf32, #tpu.memory_space<vmem>>, %arg11: memref<128x128xf32, #tpu.memory_space<vmem>>, %arg12: memref<32xf32, #tpu.memory_space<vmem>>, %arg13: memref<!tpu.dma_semaphore, #tpu.memory_space<semaphore_mem>>, %arg14: memref<!tpu.dma_semaphore, #tpu.memory_space<semaphore_mem>>) attributes {dimension_semantics = [#tpu.dimension_semantics<core_parallel>, #tpu.dimension_semantics<subcore_parallel>], iteration_bounds = array<i64: 2, 16>, scalar_prefetch = 0 : i64, scratch_operands = 9 : i64, tpu.core_type = #tpu.core_type<sc_vector_subcore>, window_params = [{transform_indices = #map}, {transform_indices = #map}, {transform_indices = #map1}, {transform_indices = #map1}]} {
    %mul3A = arith.constant 2 : i32
    %mul3A_0 = arith.muli %arg1, %mul3A : i32
    %add3A = arith.addi %mul3A_0, %arg0 : i32
    %mul3A_1 = arith.constant 1024 : i32
    %mul3A_2 = arith.muli %add3A, %mul3A_1 : i32
    %mul3A_3 = arith.constant 1 : i32
    %mul3A_4 = arith.muli %mul3A_2, %mul3A_3 : i32
    "tpu.region"() ({
      %run_scoped3A = tpu.sem_alloc : memref<!tpu.dma_semaphore, #tpu.memory_space<semaphore_mem>>
      %dma_start3A_1962 = tpu.memref_slice %arg2[%mul3A_4] : memref<32768xi32, #tpu.memory_space<hbm>> -> memref<1024xi32, #tpu.memory_space<hbm>>
      %dma_start3A_1963 = tpu.memref_slice %arg2[%mul3A_4] : memref<32768xi32, #tpu.memory_space<hbm>> -> memref<1024xi32, #tpu.memory_space<hbm>>
      tpu.enqueue_dma source(%dma_start3A_1963 : memref<1024xi32, #tpu.memory_space<hbm>>) target(%arg6 : memref<1024xi32, #tpu.memory_space<vmem>>) target_semaphore(%run_scoped3A : memref<!tpu.dma_semaphore, #tpu.memory_space<semaphore_mem>>)
      %dma_wait3A_1964 = tpu.memref_slice %arg2[%mul3A_4] : memref<32768xi32, #tpu.memory_space<hbm>> -> memref<1024xi32, #tpu.memory_space<hbm>>
      %dma_wait3A_1965 = tpu.memref_slice %arg2[%mul3A_4] : memref<32768xi32, #tpu.memory_space<hbm>> -> memref<1024xi32, #tpu.memory_space<hbm>>
      tpu.wait_dma2 semaphore(%run_scoped3A : memref<!tpu.dma_semaphore, #tpu.memory_space<semaphore_mem>>) src(%dma_wait3A_1965 : memref<1024xi32, #tpu.memory_space<hbm>>) dst(%arg6 : memref<1024xi32, #tpu.memory_space<vmem>>)
      tpu.yield
    }) : () -> ()
    %mul3A_5 = arith.constant 4 : i32
    %mul3A_6 = arith.muli %mul3A_2, %mul3A_5 : i32
    "tpu.region"() ({
      %run_scoped3A = tpu.sem_alloc : memref<!tpu.dma_semaphore, #tpu.memory_space<semaphore_mem>>
      %dma_start3A_1962 = tpu.memref_slice %arg3[%mul3A_6] : memref<131072xf32, #tpu.memory_space<hbm>> -> memref<4096xf32, #tpu.memory_space<hbm>>
      %dma_start3A_1963 = tpu.memref_slice %arg3[%mul3A_6] : memref<131072xf32, #tpu.memory_space<hbm>> -> memref<4096xf32, #tpu.memory_space<hbm>>
      tpu.enqueue_dma source(%dma_start3A_1963 : memref<4096xf32, #tpu.memory_space<hbm>>) target(%arg7 : memref<4096xf32, #tpu.memory_space<vmem>>) target_semaphore(%run_scoped3A : memref<!tpu.dma_semaphore, #tpu.memory_space<semaphore_mem>>)
      %dma_wait3A_1964 = tpu.memref_slice %arg3[%mul3A_6] : memref<131072xf32, #tpu.memory_space<hbm>> -> memref<4096xf32, #tpu.memory_space<hbm>>
      %dma_wait3A_1965 = tpu.memref_slice %arg3[%mul3A_6] : memref<131072xf32, #tpu.memory_space<hbm>> -> memref<4096xf32, #tpu.memory_space<hbm>>
      tpu.wait_dma2 semaphore(%run_scoped3A : memref<!tpu.dma_semaphore, #tpu.memory_space<semaphore_mem>>) src(%dma_wait3A_1965 : memref<4096xf32, #tpu.memory_space<hbm>>) dst(%arg7 : memref<4096xf32, #tpu.memory_space<vmem>>)
      tpu.yield
    }) : () -> ()
    %iota3A = tpu.iota {dimensions = array<i32: 0>} : vector<16xi32>
    %shift_right_arithmetic3A = arith.constant 2 : i32
    %shift_right_arithmetic3A_7 = vector.broadcast %shift_right_arithmetic3A : i32 to vector<16xi32>
    %shift_right_arithmetic3A_8 = arith.shrsi %iota3A, %shift_right_arithmetic3A_7 : vector<16xi32>
    %and3A = arith.constant 3 : i32
    %and3A_9 = vector.broadcast %and3A : i32 to vector<16xi32>
    %and3A_10 = arith.andi %iota3A, %and3A_9 : vector<16xi32>
    %get3A = arith.constant 0 : index
    %get3A_11 = tpu.vector_load %arg6[%get3A] {strides = array<i32>} : memref<1024xi32, #tpu.memory_space<vmem>>, vector<16xi32>,
    %add3A_12 = arith.constant 0 : i32
    %add3A_13 = arith.addi %mul3A_2, %add3A_12 : i32
    %add3A_14 = vector.broadcast %add3A_13 : i32 to vector<16xi32>
    %add3A_15 = arith.addi %add3A_14, %iota3A : vector<16xi32>
    %mul3A_16 = arith.constant 91 : i32
    %mul3A_17 = vector.broadcast %mul3A_16 : i32 to vector<16xi32>
    %mul3A_18 = arith.muli %add3A_15, %mul3A_17 : vector<16xi32>
    %add3A_19 = arith.addi %mul3A_18, %get3A_11 : vector<16xi32>
    %min3A = arith.constant 2911999 : i32
    %min3A_20 = vector.broadcast %min3A : i32 to vector<16xi32>
    %min3A_21 = arith.minsi %add3A_19, %min3A_20 : vector<16xi32>
    %shift_right_arithmetic3A_22 = arith.constant 5 : i32
    %shift_right_arithmetic3A_23 = vector.broadcast %shift_right_arithmetic3A_22 : i32 to vector<16xi32>
    %shift_right_arithmetic3A_24 = arith.shrsi %min3A_21, %shift_right_arithmetic3A_23 : vector<16xi32>
    %swap3A = arith.constant 0 : i32
    %swap3A_25 = arith.index_cast %swap3A : i32 to index
    %swap3A_26 = arith.constant 0 : index
    %swap3A_27 = tpu.vector_load %arg8[%swap3A_25, %swap3A_26] {strides = array<i32>} : memref<8x128xi32, #tpu.memory_space<vmem>>, vector<16xi32>,
    tpu.vector_store %arg8[%swap3A_25, %swap3A_26], %shift_right_arithmetic3A_24 {strides = array<i32>} : memref<8x128xi32, #tpu.memory_space<vmem>>, vector<16xi32>,
    %and3A_28 = arith.constant 31 : i32
    %and3A_29 = vector.broadcast %and3A_28 : i32 to vector<16xi32>
    %and3A_30 = arith.andi %min3A_21, %and3A_29 : vector<16xi32>
    %mul3A_31 = arith.constant 4 : i32
    %mul3A_32 = vector.broadcast %mul3A_31 : i32 to vector<16xi32>
    %mul3A_33 = arith.muli %and3A_30, %mul3A_32 : vector<16xi32>
    %swap3A_34 = arith.constant 0 : index
    %swap3A_35 = tpu.vector_load %arg9[%swap3A_34] {strides = array<i32>} : memref<1024xi32, #tpu.memory_space<vmem>>, vector<16xi32>,
    tpu.vector_store %arg9[%swap3A_34], %mul3A_33 {strides = array<i32>} : memref<1024xi32, #tpu.memory_space<vmem>>, vector<16xi32>,
    %get3A_36 = arith.constant 16 : index
    %get3A_37 = tpu.vector_load %arg6[%get3A_36] {strides = array<i32>} : memref<1024xi32, #tpu.memory_space<vmem>>, vector<16xi32>,
    %add3A_38 = arith.constant 16 : i32
    %add3A_39 = arith.addi %mul3A_2, %add3A_38 : i32
    %add3A_40 = vector.broadcast %add3A_39 : i32 to vector<16xi32>
    %add3A_41 = arith.addi %add3A_40, %iota3A : vector<16xi32>
    %mul3A_42 = arith.constant 91 : i32
    %mul3A_43 = vector.broadcast %mul3A_42 : i32 to vector<16xi32>
    %mul3A_44 = arith.muli %add3A_41, %mul3A_43 : vector<16xi32>
    %add3A_45 = arith.addi %mul3A_44, %get3A_37 : vector<16xi32>
    %min3A_46 = arith.constant 2911999 : i32
    %min3A_47 = vector.broadcast %min3A_46 : i32 to vector<16xi32>
    %min3A_48 = arith.minsi %add3A_45, %min3A_47 : vector<16xi32>
    %shift_right_arithmetic3A_49 = arith.constant 5 : i32
    %shift_right_arithmetic3A_50 = vector.broadcast %shift_right_arithmetic3A_49 : i32 to vector<16xi32>
    %shift_right_arithmetic3A_51 = arith.shrsi %min3A_48, %shift_right_arithmetic3A_50 : vector<16xi32>
    %swap3A_52 = arith.constant 0 : i32
    %swap3A_53 = arith.index_cast %swap3A_52 : i32 to index
    %swap3A_54 = arith.constant 16 : index
    %swap3A_55 = tpu.vector_load %arg8[%swap3A_53, %swap3A_54] {strides = array<i32>} : memref<8x128xi32, #tpu.memory_space<vmem>>, vector<16xi32>,
    tpu.vector_store %arg8[%swap3A_53, %swap3A_54], %shift_right_arithmetic3A_51 {strides = array<i32>} : memref<8x128xi32, #tpu.memory_space<vmem>>, vector<16xi32>,
    %and3A_56 = arith.constant 31 : i32
    %and3A_57 = vector.broadcast %and3A_56 : i32 to vector<16xi32>
    %and3A_58 = arith.andi %min3A_48, %and3A_57 : vector<16xi32>
    %mul3A_59 = arith.constant 4 : i32
    %mul3A_60 = vector.broadcast %mul3A_59 : i32 to vector<16xi32>
    %mul3A_61 = arith.muli %and3A_58, %mul3A_60 : vector<16xi32>
    %swap3A_62 = arith.constant 16 : index
    %swap3A_63 = tpu.vector_load %arg9[%swap3A_62] {strides = array<i32>} : memref<1024xi32, #tpu.memory_space<vmem>>, vector<16xi32>,
    tpu.vector_store %arg9[%swap3A_62], %mul3A_61 {strides = array<i32>} : memref<1024xi32, #tpu.memory_space<vmem>>, vector<16xi32>,
    %get3A_64 = arith.constant 32 : index
    %get3A_65 = tpu.vector_load %arg6[%get3A_64] {strides = array<i32>} : memref<1024xi32, #tpu.memory_space<vmem>>, vector<16xi32>,
    %add3A_66 = arith.constant 32 : i32
    %add3A_67 = arith.addi %mul3A_2, %add3A_66 : i32
    %add3A_68 = vector.broadcast %add3A_67 : i32 to vector<16xi32>
    %add3A_69 = arith.addi %add3A_68, %iota3A : vector<16xi32>
    %mul3A_70 = arith.constant 91 : i32
    %mul3A_71 = vector.broadcast %mul3A_70 : i32 to vector<16xi32>
    %mul3A_72 = arith.muli %add3A_69, %mul3A_71 : vector<16xi32>
    %add3A_73 = arith.addi %mul3A_72, %get3A_65 : vector<16xi32>
    %min3A_74 = arith.constant 2911999 : i32
    %min3A_75 = vector.broadcast %min3A_74 : i32 to vector<16xi32>
    %min3A_76 = arith.minsi %add3A_73, %min3A_75 : vector<16xi32>
    %shift_right_arithmetic3A_77 = arith.constant 5 : i32
    %shift_right_arithmetic3A_78 = vector.broadcast %shift_right_arithmetic3A_77 : i32 to vector<16xi32>
    %shift_right_arithmetic3A_79 = arith.shrsi %min3A_76, %shift_right_arithmetic3A_78 : vector<16xi32>
    %swap3A_80 = arith.constant 0 : i32
    %swap3A_81 = arith.index_cast %swap3A_80 : i32 to index
    %swap3A_82 = arith.constant 32 : index
    %swap3A_83 = tpu.vector_load %arg8[%swap3A_81, %swap3A_82] {strides = array<i32>} : memref<8x128xi32, #tpu.memory_space<vmem>>, vector<16xi32>,
    tpu.vector_store %arg8[%swap3A_81, %swap3A_82], %shift_right_arithmetic3A_79 {strides = array<i32>} : memref<8x128xi32, #tpu.memory_space<vmem>>, vector<16xi32>,
    %and3A_84 = arith.constant 31 : i32
    %and3A_85 = vector.broadcast %and3A_84 : i32 to vector<16xi32>
    %and3A_86 = arith.andi %min3A_76, %and3A_85 : vector<16xi32>
    %mul3A_87 = arith.constant 4 : i32
    %mul3A_88 = vector.broadcast %mul3A_87 : i32 to vector<16xi32>
    %mul3A_89 = arith.muli %and3A_86, %mul3A_88 : vector<16xi32>
    %swap3A_90 = arith.constant 32 : index
    %swap3A_91 = tpu.vector_load %arg9[%swap3A_90] {strides = array<i32>} : memref<1024xi32, #tpu.memory_space<vmem>>, vector<16xi32>,
    tpu.vector_store %arg9[%swap3A_90], %mul3A_89 {strides = array<i32>} : memref<1024xi32, #tpu.memory_space<vmem>>, vector<16xi32>,
    %get3A_92 = arith.constant 48 : index
    %get3A_93 = tpu.vector_load %arg6[%get3A_92] {strides = array<i32>} : memref<1024xi32, #tpu.memory_space<vmem>>, vector<16xi32>,
    %add3A_94 = arith.constant 48 : i32
    %add3A_95 = arith.addi %mul3A_2, %add3A_94 : i32
    %add3A_96 = vector.broadcast %add3A_95 : i32 to vector<16xi32>
    %add3A_97 = arith.addi %add3A_96, %iota3A : vector<16xi32>
    %mul3A_98 = arith.constant 91 : i32
    %mul3A_99 = vector.broadcast %mul3A_98 : i32 to vector<16xi32>
    %mul3A_100 = arith.muli %add3A_97, %mul3A_99 : vector<16xi32>
    %add3A_101 = arith.addi %mul3A_100, %get3A_93 : vector<16xi32>
    %min3A_102 = arith.constant 2911999 : i32
    %min3A_103 = vector.broadcast %min3A_102 : i32 to vector<16xi32>
    %min3A_104 = arith.minsi %add3A_101, %min3A_103 : vector<16xi32>
    %shift_right_arithmetic3A_105 = arith.constant 5 : i32
    %shift_right_arithmetic3A_106 = vector.broadcast %shift_right_arithmetic3A_105 : i32 to vector<16xi32>
    %shift_right_arithmetic3A_107 = arith.shrsi %min3A_104, %shift_right_arithmetic3A_106 : vector<16xi32>
    %swap3A_108 = arith.constant 0 : i32
    %swap3A_109 = arith.index_cast %swap3A_108 : i32 to index
    %swap3A_110 = arith.constant 48 : index
    %swap3A_111 = tpu.vector_load %arg8[%swap3A_109, %swap3A_110] {strides = array<i32>} : memref<8x128xi32, #tpu.memory_space<vmem>>, vector<16xi32>,
    tpu.vector_store %arg8[%swap3A_109, %swap3A_110], %shift_right_arithmetic3A_107 {strides = array<i32>} : memref<8x128xi32, #tpu.memory_space<vmem>>, vector<16xi32>,
    %and3A_112 = arith.constant 31 : i32
    %and3A_113 = vector.broadcast %and3A_112 : i32 to vector<16xi32>
    %and3A_114 = arith.andi %min3A_104, %and3A_113 : vector<16xi32>
    %mul3A_115 = arith.constant 4 : i32
    %mul3A_116 = vector.broadcast %mul3A_115 : i32 to vector<16xi32>
    %mul3A_117 = arith.muli %and3A_114, %mul3A_116 : vector<16xi32>
    %swap3A_118 = arith.constant 48 : index
    %swap3A_119 = tpu.vector_load %arg9[%swap3A_118] {strides = array<i32>} : memref<1024xi32, #tpu.memory_space<vmem>>, vector<16xi32>,
    tpu.vector_store %arg9[%swap3A_118], %mul3A_117 {strides = array<i32>} : memref<1024xi32, #tpu.memory_space<vmem>>, vector<16xi32>,
    %get3A_120 = arith.constant 64 : index
    %get3A_121 = tpu.vector_load %arg6[%get3A_120] {strides = array<i32>} : memref<1024xi32, #tpu.memory_space<vmem>>, vector<16xi32>,
    %add3A_122 = arith.constant 64 : i32
    %add3A_123 = arith.addi %mul3A_2, %add3A_122 : i32
    %add3A_124 = vector.broadcast %add3A_123 : i32 to vector<16xi32>
    %add3A_125 = arith.addi %add3A_124, %iota3A : vector<16xi32>
    %mul3A_126 = arith.constant 91 : i32
    %mul3A_127 = vector.broadcast %mul3A_126 : i32 to vector<16xi32>
    %mul3A_128 = arith.muli %add3A_125, %mul3A_127 : vector<16xi32>
    %add3A_129 = arith.addi %mul3A_128, %get3A_121 : vector<16xi32>
    %min3A_130 = arith.constant 2911999 : i32
    %min3A_131 = vector.broadcast %min3A_130 : i32 to vector<16xi32>
    %min3A_132 = arith.minsi %add3A_129, %min3A_131 : vector<16xi32>
    %shift_right_arithmetic3A_133 = arith.constant 5 : i32
    %shift_right_arithmetic3A_134 = vector.broadcast %shift_right_arithmetic3A_133 : i32 to vector<16xi32>
    %shift_right_arithmetic3A_135 = arith.shrsi %min3A_132, %shift_right_arithmetic3A_134 : vector<16xi32>
    %swap3A_136 = arith.constant 0 : i32
    %swap3A_137 = arith.index_cast %swap3A_136 : i32 to index
    %swap3A_138 = arith.constant 64 : index
    %swap3A_139 = tpu.vector_load %arg8[%swap3A_137, %swap3A_138] {strides = array<i32>} : memref<8x128xi32, #tpu.memory_space<vmem>>, vector<16xi32>,
    tpu.vector_store %arg8[%swap3A_137, %swap3A_138], %shift_right_arithmetic3A_135 {strides = array<i32>} : memref<8x128xi32, #tpu.memory_space<vmem>>, vector<16xi32>,
    %and3A_140 = arith.constant 31 : i32
    %and3A_141 = vector.broadcast %and3A_140 : i32 to vector<16xi32>
    %and3A_142 = arith.andi %min3A_132, %and3A_141 : vector<16xi32>
    %mul3A_143 = arith.constant 4 : i32
    %mul3A_144 = vector.broadcast %mul3A_143 : i32 to vector<16xi32>
    %mul3A_145 = arith.muli %and3A_142, %mul3A_144 : vector<16xi32>
    %swap3A_146 = arith.constant 64 : index
    %swap3A_147 = tpu.vector_load %arg9[%swap3A_146] {strides = array<i32>} : memref<1024xi32, #tpu.memory_space<vmem>>, vector<16xi32>,
    tpu.vector_store %arg9[%swap3A_146], %mul3A_145 {strides = array<i32>} : memref<1024xi32, #tpu.memory_space<vmem>>, vector<16xi32>,
    %get3A_148 = arith.constant 80 : index
    %get3A_149 = tpu.vector_load %arg6[%get3A_148] {strides = array<i32>} : memref<1024xi32, #tpu.memory_space<vmem>>, vector<16xi32>,
    %add3A_150 = arith.constant 80 : i32
    %add3A_151 = arith.addi %mul3A_2, %add3A_150 : i32
    %add3A_152 = vector.broadcast %add3A_151 : i32 to vector<16xi32>
    %add3A_153 = arith.addi %add3A_152, %iota3A : vector<16xi32>
    %mul3A_154 = arith.constant 91 : i32
    %mul3A_155 = vector.broadcast %mul3A_154 : i32 to vector<16xi32>
    %mul3A_156 = arith.muli %add3A_153, %mul3A_155 : vector<16xi32>
    %add3A_157 = arith.addi %mul3A_156, %get3A_149 : vector<16xi32>
    %min3A_158 = arith.constant 2911999 : i32
    %min3A_159 = vector.broadcast %min3A_158 : i32 to vector<16xi32>
    %min3A_160 = arith.minsi %add3A_157, %min3A_159 : vector<16xi32>
    %shift_right_arithmetic3A_161 = arith.constant 5 : i32
    %shift_right_arithmetic3A_162 = vector.broadcast %shift_right_arithmetic3A_161 : i32 to vector<16xi32>
    %shift_right_arithmetic3A_163 = arith.shrsi %min3A_160, %shift_right_arithmetic3A_162 : vector<16xi32>
    %swap3A_164 = arith.constant 0 : i32
    %swap3A_165 = arith.index_cast %swap3A_164 : i32 to index
    %swap3A_166 = arith.constant 80 : index
    %swap3A_167 = tpu.vector_load %arg8[%swap3A_165, %swap3A_166] {strides = array<i32>} : memref<8x128xi32, #tpu.memory_space<vmem>>, vector<16xi32>,
    tpu.vector_store %arg8[%swap3A_165, %swap3A_166], %shift_right_arithmetic3A_163 {strides = array<i32>} : memref<8x128xi32, #tpu.memory_space<vmem>>, vector<16xi32>,
    %and3A_168 = arith.constant 31 : i32
    %and3A_169 = vector.broadcast %and3A_168 : i32 to vector<16xi32>
    %and3A_170 = arith.andi %min3A_160, %and3A_169 : vector<16xi32>
    %mul3A_171 = arith.constant 4 : i32
    %mul3A_172 = vector.broadcast %mul3A_171 : i32 to vector<16xi32>
    %mul3A_173 = arith.muli %and3A_170, %mul3A_172 : vector<16xi32>
    %swap3A_174 = arith.constant 80 : index
    %swap3A_175 = tpu.vector_load %arg9[%swap3A_174] {strides = array<i32>} : memref<1024xi32, #tpu.memory_space<vmem>>, vector<16xi32>,
    tpu.vector_store %arg9[%swap3A_174], %mul3A_173 {strides = array<i32>} : memref<1024xi32, #tpu.memory_space<vmem>>, vector<16xi32>,
    %get3A_176 = arith.constant 96 : index
    %get3A_177 = tpu.vector_load %arg6[%get3A_176] {strides = array<i32>} : memref<1024xi32, #tpu.memory_space<vmem>>, vector<16xi32>,
    %add3A_178 = arith.constant 96 : i32
    %add3A_179 = arith.addi %mul3A_2, %add3A_178 : i32
    %add3A_180 = vector.broadcast %add3A_179 : i32 to vector<16xi32>
    %add3A_181 = arith.addi %add3A_180, %iota3A : vector<16xi32>
    %mul3A_182 = arith.constant 91 : i32
    %mul3A_183 = vector.broadcast %mul3A_182 : i32 to vector<16xi32>
    %mul3A_184 = arith.muli %add3A_181, %mul3A_183 : vector<16xi32>
    %add3A_185 = arith.addi %mul3A_184, %get3A_177 : vector<16xi32>
    %min3A_186 = arith.constant 2911999 : i32
    %min3A_187 = vector.broadcast %min3A_186 : i32 to vector<16xi32>
    %min3A_188 = arith.minsi %add3A_185, %min3A_187 : vector<16xi32>
    %shift_right_arithmetic3A_189 = arith.constant 5 : i32
    %shift_right_arithmetic3A_190 = vector.broadcast %shift_right_arithmetic3A_189 : i32 to vector<16xi32>
    %shift_right_arithmetic3A_191 = arith.shrsi %min3A_188, %shift_right_arithmetic3A_190 : vector<16xi32>
    %swap3A_192 = arith.constant 0 : i32
    %swap3A_193 = arith.index_cast %swap3A_192 : i32 to index
    %swap3A_194 = arith.constant 96 : index
    %swap3A_195 = tpu.vector_load %arg8[%swap3A_193, %swap3A_194] {strides = array<i32>} : memref<8x128xi32, #tpu.memory_space<vmem>>, vector<16xi32>,
    tpu.vector_store %arg8[%swap3A_193, %swap3A_194], %shift_right_arithmetic3A_191 {strides = array<i32>} : memref<8x128xi32, #tpu.memory_space<vmem>>, vector<16xi32>,
    %and3A_196 = arith.constant 31 : i32
    %and3A_197 = vector.broadcast %and3A_196 : i32 to vector<16xi32>
    %and3A_198 = arith.andi %min3A_188, %and3A_197 : vector<16xi32>
    %mul3A_199 = arith.constant 4 : i32
    %mul3A_200 = vector.broadcast %mul3A_199 : i32 to vector<16xi32>
    %mul3A_201 = arith.muli %and3A_198, %mul3A_200 : vector<16xi32>
    %swap3A_202 = arith.constant 96 : index
    %swap3A_203 = tpu.vector_load %arg9[%swap3A_202] {strides = array<i32>} : memref<1024xi32, #tpu.memory_space<vmem>>, vector<16xi32>,
    tpu.vector_store %arg9[%swap3A_202], %mul3A_201 {strides = array<i32>} : memref<1024xi32, #tpu.memory_space<vmem>>, vector<16xi32>,
    %get3A_204 = arith.constant 112 : index
    %get3A_205 = tpu.vector_load %arg6[%get3A_204] {strides = array<i32>} : memref<1024xi32, #tpu.memory_space<vmem>>, vector<16xi32>,
    %add3A_206 = arith.constant 112 : i32
    %add3A_207 = arith.addi %mul3A_2, %add3A_206 : i32
    %add3A_208 = vector.broadcast %add3A_207 : i32 to vector<16xi32>
    %add3A_209 = arith.addi %add3A_208, %iota3A : vector<16xi32>
    %mul3A_210 = arith.constant 91 : i32
    %mul3A_211 = vector.broadcast %mul3A_210 : i32 to vector<16xi32>
    %mul3A_212 = arith.muli %add3A_209, %mul3A_211 : vector<16xi32>
    %add3A_213 = arith.addi %mul3A_212, %get3A_205 : vector<16xi32>
    %min3A_214 = arith.constant 2911999 : i32
    %min3A_215 = vector.broadcast %min3A_214 : i32 to vector<16xi32>
    %min3A_216 = arith.minsi %add3A_213, %min3A_215 : vector<16xi32>
    %shift_right_arithmetic3A_217 = arith.constant 5 : i32
    %shift_right_arithmetic3A_218 = vector.broadcast %shift_right_arithmetic3A_217 : i32 to vector<16xi32>
    %shift_right_arithmetic3A_219 = arith.shrsi %min3A_216, %shift_right_arithmetic3A_218 : vector<16xi32>
    %swap3A_220 = arith.constant 0 : i32
    %swap3A_221 = arith.index_cast %swap3A_220 : i32 to index
    %swap3A_222 = arith.constant 112 : index
    %swap3A_223 = tpu.vector_load %arg8[%swap3A_221, %swap3A_222] {strides = array<i32>} : memref<8x128xi32, #tpu.memory_space<vmem>>, vector<16xi32>,
    tpu.vector_store %arg8[%swap3A_221, %swap3A_222], %shift_right_arithmetic3A_219 {strides = array<i32>} : memref<8x128xi32, #tpu.memory_space<vmem>>, vector<16xi32>,
    %and3A_224 = arith.constant 31 : i32
    %and3A_225 = vector.broadcast %and3A_224 : i32 to vector<16xi32>
    %and3A_226 = arith.andi %min3A_216, %and3A_225 : vector<16xi32>
    %mul3A_227 = arith.constant 4 : i32
    %mul3A_228 = vector.broadcast %mul3A_227 : i32 to vector<16xi32>
    %mul3A_229 = arith.muli %and3A_226, %mul3A_228 : vector<16xi32>
    %swap3A_230 = arith.constant 112 : index
    %swap3A_231 = tpu.vector_load %arg9[%swap3A_230] {strides = array<i32>} : memref<1024xi32, #tpu.memory_space<vmem>>, vector<16xi32>,
    tpu.vector_store %arg9[%swap3A_230], %mul3A_229 {strides = array<i32>} : memref<1024xi32, #tpu.memory_space<vmem>>, vector<16xi32>,
    %dma_start3A = arith.constant 0 : i32
    %dma_start3A_232 = arith.constant 0 : i32
    %dma_start3A_233 = tpu.memref_slice %arg8[%dma_start3A, %dma_start3A_232] : memref<8x128xi32, #tpu.memory_space<vmem>> -> memref<1x128xi32, #tpu.memory_space<vmem>>
    %dma_start3A_234 = tpu.memref_squeeze %dma_start3A_233 : memref<1x128xi32, #tpu.memory_space<vmem>> -> memref<128xi32, #tpu.memory_space<vmem>>
    %dma_start3A_235 = arith.constant 0 : i32
    %dma_start3A_236 = arith.constant 0 : i32
    %dma_start3A_237 = tpu.memref_slice %arg4[%dma_start3A_235, %dma_start3A_236] : memref<91000x128xf32, #tpu.memory_space<hbm>> -> memref<91000x128xf32, #tpu.memory_space<hbm>>
    tpu.enqueue_indirect_dma source(%dma_start3A_237 : memref<91000x128xf32, #tpu.memory_space<hbm>>) target(%arg10 : memref<128x128xf32, #tpu.memory_space<vmem>>) offsets(%dma_start3A_234 : memref<128xi32, #tpu.memory_space<vmem>>) semaphore(%arg13 : memref<!tpu.dma_semaphore, #tpu.memory_space<semaphore_mem>>)
    %get3A_238 = arith.constant 128 : index
    %get3A_239 = tpu.vector_load %arg6[%get3A_238] {strides = array<i32>} : memref<1024xi32, #tpu.memory_space<vmem>>, vector<16xi32>,
    %add3A_240 = arith.constant 128 : i32
    %add3A_241 = arith.addi %mul3A_2, %add3A_240 : i32
    %add3A_242 = vector.broadcast %add3A_241 : i32 to vector<16xi32>
    %add3A_243 = arith.addi %add3A_242, %iota3A : vector<16xi32>
    %mul3A_244 = arith.constant 91 : i32
    %mul3A_245 = vector.broadcast %mul3A_244 : i32 to vector<16xi32>
    %mul3A_246 = arith.muli %add3A_243, %mul3A_245 : vector<16xi32>
    %add3A_247 = arith.addi %mul3A_246, %get3A_239 : vector<16xi32>
    %min3A_248 = arith.constant 2911999 : i32
    %min3A_249 = vector.broadcast %min3A_248 : i32 to vector<16xi32>
    %min3A_250 = arith.minsi %add3A_247, %min3A_249 : vector<16xi32>
    %shift_right_arithmetic3A_251 = arith.constant 5 : i32
    %shift_right_arithmetic3A_252 = vector.broadcast %shift_right_arithmetic3A_251 : i32 to vector<16xi32>
    %shift_right_arithmetic3A_253 = arith.shrsi %min3A_250, %shift_right_arithmetic3A_252 : vector<16xi32>
    %swap3A_254 = arith.constant 1 : i32
    %swap3A_255 = arith.index_cast %swap3A_254 : i32 to index
    %swap3A_256 = arith.constant 0 : index
    %swap3A_257 = tpu.vector_load %arg8[%swap3A_255, %swap3A_256] {strides = array<i32>} : memref<8x128xi32, #tpu.memory_space<vmem>>, vector<16xi32>,
    tpu.vector_store %arg8[%swap3A_255, %swap3A_256], %shift_right_arithmetic3A_253 {strides = array<i32>} : memref<8x128xi32, #tpu.memory_space<vmem>>, vector<16xi32>,
    %and3A_258 = arith.constant 31 : i32
    %and3A_259 = vector.broadcast %and3A_258 : i32 to vector<16xi32>
    %and3A_260 = arith.andi %min3A_250, %and3A_259 : vector<16xi32>
    %mul3A_261 = arith.constant 4 : i32
    %mul3A_262 = vector.broadcast %mul3A_261 : i32 to vector<16xi32>
    %mul3A_263 = arith.muli %and3A_260, %mul3A_262 : vector<16xi32>
    %swap3A_264 = arith.constant 128 : index
    %swap3A_265 = tpu.vector_load %arg9[%swap3A_264] {strides = array<i32>} : memref<1024xi32, #tpu.memory_space<vmem>>, vector<16xi32>,
    tpu.vector_store %arg9[%swap3A_264], %mul3A_263 {strides = array<i32>} : memref<1024xi32, #tpu.memory_space<vmem>>, vector<16xi32>,
    %get3A_266 = arith.constant 144 : index
    %get3A_267 = tpu.vector_load %arg6[%get3A_266] {strides = array<i32>} : memref<1024xi32, #tpu.memory_space<vmem>>, vector<16xi32>,
    %add3A_268 = arith.constant 144 : i32
    %add3A_269 = arith.addi %mul3A_2, %add3A_268 : i32
    %add3A_270 = vector.broadcast %add3A_269 : i32 to vector<16xi32>
    %add3A_271 = arith.addi %add3A_270, %iota3A : vector<16xi32>
    %mul3A_272 = arith.constant 91 : i32
    %mul3A_273 = vector.broadcast %mul3A_272 : i32 to vector<16xi32>
    %mul3A_274 = arith.muli %add3A_271, %mul3A_273 : vector<16xi32>
    %add3A_275 = arith.addi %mul3A_274, %get3A_267 : vector<16xi32>
    %min3A_276 = arith.constant 2911999 : i32
    %min3A_277 = vector.broadcast %min3A_276 : i32 to vector<16xi32>
    %min3A_278 = arith.minsi %add3A_275, %min3A_277 : vector<16xi32>
    %shift_right_arithmetic3A_279 = arith.constant 5 : i32
    %shift_right_arithmetic3A_280 = vector.broadcast %shift_right_arithmetic3A_279 : i32 to vector<16xi32>
    %shift_right_arithmetic3A_281 = arith.shrsi %min3A_278, %shift_right_arithmetic3A_280 : vector<16xi32>
    %swap3A_282 = arith.constant 1 : i32
    %swap3A_283 = arith.index_cast %swap3A_282 : i32 to index
    %swap3A_284 = arith.constant 16 : index
    %swap3A_285 = tpu.vector_load %arg8[%swap3A_283, %swap3A_284] {strides = array<i32>} : memref<8x128xi32, #tpu.memory_space<vmem>>, vector<16xi32>,
    tpu.vector_store %arg8[%swap3A_283, %swap3A_284], %shift_right_arithmetic3A_281 {strides = array<i32>} : memref<8x128xi32, #tpu.memory_space<vmem>>, vector<16xi32>,
    %and3A_286 = arith.constant 31 : i32
    %and3A_287 = vector.broadcast %and3A_286 : i32 to vector<16xi32>
    %and3A_288 = arith.andi %min3A_278, %and3A_287 : vector<16xi32>
    %mul3A_289 = arith.constant 4 : i32
    %mul3A_290 = vector.broadcast %mul3A_289 : i32 to vector<16xi32>
    %mul3A_291 = arith.muli %and3A_288, %mul3A_290 : vector<16xi32>
    %swap3A_292 = arith.constant 144 : index
    %swap3A_293 = tpu.vector_load %arg9[%swap3A_292] {strides = array<i32>} : memref<1024xi32, #tpu.memory_space<vmem>>, vector<16xi32>,
    tpu.vector_store %arg9[%swap3A_292], %mul3A_291 {strides = array<i32>} : memref<1024xi32, #tpu.memory_space<vmem>>, vector<16xi32>,
    %get3A_294 = arith.constant 160 : index
    %get3A_295 = tpu.vector_load %arg6[%get3A_294] {strides = array<i32>} : memref<1024xi32, #tpu.memory_space<vmem>>, vector<16xi32>,
    %add3A_296 = arith.constant 160 : i32
    %add3A_297 = arith.addi %mul3A_2, %add3A_296 : i32
    %add3A_298 = vector.broadcast %add3A_297 : i32 to vector<16xi32>
    %add3A_299 = arith.addi %add3A_298, %iota3A : vector<16xi32>
    %mul3A_300 = arith.constant 91 : i32
    %mul3A_301 = vector.broadcast %mul3A_300 : i32 to vector<16xi32>
    %mul3A_302 = arith.muli %add3A_299, %mul3A_301 : vector<16xi32>
    %add3A_303 = arith.addi %mul3A_302, %get3A_295 : vector<16xi32>
    %min3A_304 = arith.constant 2911999 : i32
    %min3A_305 = vector.broadcast %min3A_304 : i32 to vector<16xi32>
    %min3A_306 = arith.minsi %add3A_303, %min3A_305 : vector<16xi32>
    %shift_right_arithmetic3A_307 = arith.constant 5 : i32
    %shift_right_arithmetic3A_308 = vector.broadcast %shift_right_arithmetic3A_307 : i32 to vector<16xi32>
    %shift_right_arithmetic3A_309 = arith.shrsi %min3A_306, %shift_right_arithmetic3A_308 : vector<16xi32>
    %swap3A_310 = arith.constant 1 : i32
    %swap3A_311 = arith.index_cast %swap3A_310 : i32 to index
    %swap3A_312 = arith.constant 32 : index
    %swap3A_313 = tpu.vector_load %arg8[%swap3A_311, %swap3A_312] {strides = array<i32>} : memref<8x128xi32, #tpu.memory_space<vmem>>, vector<16xi32>,
    tpu.vector_store %arg8[%swap3A_311, %swap3A_312], %shift_right_arithmetic3A_309 {strides = array<i32>} : memref<8x128xi32, #tpu.memory_space<vmem>>, vector<16xi32>,
    %and3A_314 = arith.constant 31 : i32
    %and3A_315 = vector.broadcast %and3A_314 : i32 to vector<16xi32>
    %and3A_316 = arith.andi %min3A_306, %and3A_315 : vector<16xi32>
    %mul3A_317 = arith.constant 4 : i32
    %mul3A_318 = vector.broadcast %mul3A_317 : i32 to vector<16xi32>
    %mul3A_319 = arith.muli %and3A_316, %mul3A_318 : vector<16xi32>
    %swap3A_320 = arith.constant 160 : index
    %swap3A_321 = tpu.vector_load %arg9[%swap3A_320] {strides = array<i32>} : memref<1024xi32, #tpu.memory_space<vmem>>, vector<16xi32>,
    tpu.vector_store %arg9[%swap3A_320], %mul3A_319 {strides = array<i32>} : memref<1024xi32, #tpu.memory_space<vmem>>, vector<16xi32>,
    %get3A_322 = arith.constant 176 : index
    %get3A_323 = tpu.vector_load %arg6[%get3A_322] {strides = array<i32>} : memref<1024xi32, #tpu.memory_space<vmem>>, vector<16xi32>,
    %add3A_324 = arith.constant 176 : i32
    %add3A_325 = arith.addi %mul3A_2, %add3A_324 : i32
    %add3A_326 = vector.broadcast %add3A_325 : i32 to vector<16xi32>
    %add3A_327 = arith.addi %add3A_326, %iota3A : vector<16xi32>
    %mul3A_328 = arith.constant 91 : i32
    %mul3A_329 = vector.broadcast %mul3A_328 : i32 to vector<16xi32>
    %mul3A_330 = arith.muli %add3A_327, %mul3A_329 : vector<16xi32>
    %add3A_331 = arith.addi %mul3A_330, %get3A_323 : vector<16xi32>
    %min3A_332 = arith.constant 2911999 : i32
    %min3A_333 = vector.broadcast %min3A_332 : i32 to vector<16xi32>
    %min3A_334 = arith.minsi %add3A_331, %min3A_333 : vector<16xi32>
    %shift_right_arithmetic3A_335 = arith.constant 5 : i32
    %shift_right_arithmetic3A_336 = vector.broadcast %shift_right_arithmetic3A_335 : i32 to vector<16xi32>
    %shift_right_arithmetic3A_337 = arith.shrsi %min3A_334, %shift_right_arithmetic3A_336 : vector<16xi32>
    %swap3A_338 = arith.constant 1 : i32
    %swap3A_339 = arith.index_cast %swap3A_338 : i32 to index
    %swap3A_340 = arith.constant 48 : index
    %swap3A_341 = tpu.vector_load %arg8[%swap3A_339, %swap3A_340] {strides = array<i32>} : memref<8x128xi32, #tpu.memory_space<vmem>>, vector<16xi32>,
    tpu.vector_store %arg8[%swap3A_339, %swap3A_340], %shift_right_arithmetic3A_337 {strides = array<i32>} : memref<8x128xi32, #tpu.memory_space<vmem>>, vector<16xi32>,
    %and3A_342 = arith.constant 31 : i32
    %and3A_343 = vector.broadcast %and3A_342 : i32 to vector<16xi32>
    %and3A_344 = arith.andi %min3A_334, %and3A_343 : vector<16xi32>
    %mul3A_345 = arith.constant 4 : i32
    %mul3A_346 = vector.broadcast %mul3A_345 : i32 to vector<16xi32>
    %mul3A_347 = arith.muli %and3A_344, %mul3A_346 : vector<16xi32>
    %swap3A_348 = arith.constant 176 : index
    %swap3A_349 = tpu.vector_load %arg9[%swap3A_348] {strides = array<i32>} : memref<1024xi32, #tpu.memory_space<vmem>>, vector<16xi32>,
    tpu.vector_store %arg9[%swap3A_348], %mul3A_347 {strides = array<i32>} : memref<1024xi32, #tpu.memory_space<vmem>>, vector<16xi32>,
    %get3A_350 = arith.constant 192 : index
    %get3A_351 = tpu.vector_load %arg6[%get3A_350] {strides = array<i32>} : memref<1024xi32, #tpu.memory_space<vmem>>, vector<16xi32>,
    %add3A_352 = arith.constant 192 : i32
    %add3A_353 = arith.addi %mul3A_2, %add3A_352 : i32
    %add3A_354 = vector.broadcast %add3A_353 : i32 to vector<16xi32>
    %add3A_355 = arith.addi %add3A_354, %iota3A : vector<16xi32>
    %mul3A_356 = arith.constant 91 : i32
    %mul3A_357 = vector.broadcast %mul3A_356 : i32 to vector<16xi32>
    %mul3A_358 = arith.muli %add3A_355, %mul3A_357 : vector<16xi32>
    %add3A_359 = arith.addi %mul3A_358, %get3A_351 : vector<16xi32>
    %min3A_360 = arith.constant 2911999 : i32
    %min3A_361 = vector.broadcast %min3A_360 : i32 to vector<16xi32>
    %min3A_362 = arith.minsi %add3A_359, %min3A_361 : vector<16xi32>
    %shift_right_arithmetic3A_363 = arith.constant 5 : i32
    %shift_right_arithmetic3A_364 = vector.broadcast %shift_right_arithmetic3A_363 : i32 to vector<16xi32>
    %shift_right_arithmetic3A_365 = arith.shrsi %min3A_362, %shift_right_arithmetic3A_364 : vector<16xi32>
    %swap3A_366 = arith.constant 1 : i32
    %swap3A_367 = arith.index_cast %swap3A_366 : i32 to index
    %swap3A_368 = arith.constant 64 : index
    %swap3A_369 = tpu.vector_load %arg8[%swap3A_367, %swap3A_368] {strides = array<i32>} : memref<8x128xi32, #tpu.memory_space<vmem>>, vector<16xi32>,
    tpu.vector_store %arg8[%swap3A_367, %swap3A_368], %shift_right_arithmetic3A_365 {strides = array<i32>} : memref<8x128xi32, #tpu.memory_space<vmem>>, vector<16xi32>,
    %and3A_370 = arith.constant 31 : i32
    %and3A_371 = vector.broadcast %and3A_370 : i32 to vector<16xi32>
    %and3A_372 = arith.andi %min3A_362, %and3A_371 : vector<16xi32>
    %mul3A_373 = arith.constant 4 : i32
    %mul3A_374 = vector.broadcast %mul3A_373 : i32 to vector<16xi32>
    %mul3A_375 = arith.muli %and3A_372, %mul3A_374 : vector<16xi32>
    %swap3A_376 = arith.constant 192 : index
    %swap3A_377 = tpu.vector_load %arg9[%swap3A_376] {strides = array<i32>} : memref<1024xi32, #tpu.memory_space<vmem>>, vector<16xi32>,
    tpu.vector_store %arg9[%swap3A_376], %mul3A_375 {strides = array<i32>} : memref<1024xi32, #tpu.memory_space<vmem>>, vector<16xi32>,
    %get3A_378 = arith.constant 208 : index
    %get3A_379 = tpu.vector_load %arg6[%get3A_378] {strides = array<i32>} : memref<1024xi32, #tpu.memory_space<vmem>>, vector<16xi32>,
    %add3A_380 = arith.constant 208 : i32
    %add3A_381 = arith.addi %mul3A_2, %add3A_380 : i32
    %add3A_382 = vector.broadcast %add3A_381 : i32 to vector<16xi32>
    %add3A_383 = arith.addi %add3A_382, %iota3A : vector<16xi32>
    %mul3A_384 = arith.constant 91 : i32
    %mul3A_385 = vector.broadcast %mul3A_384 : i32 to vector<16xi32>
    %mul3A_386 = arith.muli %add3A_383, %mul3A_385 : vector<16xi32>
    %add3A_387 = arith.addi %mul3A_386, %get3A_379 : vector<16xi32>
    %min3A_388 = arith.constant 2911999 : i32
    %min3A_389 = vector.broadcast %min3A_388 : i32 to vector<16xi32>
    %min3A_390 = arith.minsi %add3A_387, %min3A_389 : vector<16xi32>
    %shift_right_arithmetic3A_391 = arith.constant 5 : i32
    %shift_right_arithmetic3A_392 = vector.broadcast %shift_right_arithmetic3A_391 : i32 to vector<16xi32>
    %shift_right_arithmetic3A_393 = arith.shrsi %min3A_390, %shift_right_arithmetic3A_392 : vector<16xi32>
    %swap3A_394 = arith.constant 1 : i32
    %swap3A_395 = arith.index_cast %swap3A_394 : i32 to index
    %swap3A_396 = arith.constant 80 : index
    %swap3A_397 = tpu.vector_load %arg8[%swap3A_395, %swap3A_396] {strides = array<i32>} : memref<8x128xi32, #tpu.memory_space<vmem>>, vector<16xi32>,
    tpu.vector_store %arg8[%swap3A_395, %swap3A_396], %shift_right_arithmetic3A_393 {strides = array<i32>} : memref<8x128xi32, #tpu.memory_space<vmem>>, vector<16xi32>,
    %and3A_398 = arith.constant 31 : i32
    %and3A_399 = vector.broadcast %and3A_398 : i32 to vector<16xi32>
    %and3A_400 = arith.andi %min3A_390, %and3A_399 : vector<16xi32>
    %mul3A_401 = arith.constant 4 : i32
    %mul3A_402 = vector.broadcast %mul3A_401 : i32 to vector<16xi32>
    %mul3A_403 = arith.muli %and3A_400, %mul3A_402 : vector<16xi32>
    %swap3A_404 = arith.constant 208 : index
    %swap3A_405 = tpu.vector_load %arg9[%swap3A_404] {strides = array<i32>} : memref<1024xi32, #tpu.memory_space<vmem>>, vector<16xi32>,
    tpu.vector_store %arg9[%swap3A_404], %mul3A_403 {strides = array<i32>} : memref<1024xi32, #tpu.memory_space<vmem>>, vector<16xi32>,
    %get3A_406 = arith.constant 224 : index
    %get3A_407 = tpu.vector_load %arg6[%get3A_406] {strides = array<i32>} : memref<1024xi32, #tpu.memory_space<vmem>>, vector<16xi32>,
    %add3A_408 = arith.constant 224 : i32
    %add3A_409 = arith.addi %mul3A_2, %add3A_408 : i32
    %add3A_410 = vector.broadcast %add3A_409 : i32 to vector<16xi32>
    %add3A_411 = arith.addi %add3A_410, %iota3A : vector<16xi32>
    %mul3A_412 = arith.constant 91 : i32
    %mul3A_413 = vector.broadcast %mul3A_412 : i32 to vector<16xi32>
    %mul3A_414 = arith.muli %add3A_411, %mul3A_413 : vector<16xi32>
    %add3A_415 = arith.addi %mul3A_414, %get3A_407 : vector<16xi32>
    %min3A_416 = arith.constant 2911999 : i32
    %min3A_417 = vector.broadcast %min3A_416 : i32 to vector<16xi32>
    %min3A_418 = arith.minsi %add3A_415, %min3A_417 : vector<16xi32>
    %shift_right_arithmetic3A_419 = arith.constant 5 : i32
    %shift_right_arithmetic3A_420 = vector.broadcast %shift_right_arithmetic3A_419 : i32 to vector<16xi32>
    %shift_right_arithmetic3A_421 = arith.shrsi %min3A_418, %shift_right_arithmetic3A_420 : vector<16xi32>
    %swap3A_422 = arith.constant 1 : i32
    %swap3A_423 = arith.index_cast %swap3A_422 : i32 to index
    %swap3A_424 = arith.constant 96 : index
    %swap3A_425 = tpu.vector_load %arg8[%swap3A_423, %swap3A_424] {strides = array<i32>} : memref<8x128xi32, #tpu.memory_space<vmem>>, vector<16xi32>,
    tpu.vector_store %arg8[%swap3A_423, %swap3A_424], %shift_right_arithmetic3A_421 {strides = array<i32>} : memref<8x128xi32, #tpu.memory_space<vmem>>, vector<16xi32>,
    %and3A_426 = arith.constant 31 : i32
    %and3A_427 = vector.broadcast %and3A_426 : i32 to vector<16xi32>
    %and3A_428 = arith.andi %min3A_418, %and3A_427 : vector<16xi32>
    %mul3A_429 = arith.constant 4 : i32
    %mul3A_430 = vector.broadcast %mul3A_429 : i32 to vector<16xi32>
    %mul3A_431 = arith.muli %and3A_428, %mul3A_430 : vector<16xi32>
    %swap3A_432 = arith.constant 224 : index
    %swap3A_433 = tpu.vector_load %arg9[%swap3A_432] {strides = array<i32>} : memref<1024xi32, #tpu.memory_space<vmem>>, vector<16xi32>,
    tpu.vector_store %arg9[%swap3A_432], %mul3A_431 {strides = array<i32>} : memref<1024xi32, #tpu.memory_space<vmem>>, vector<16xi32>,
    %get3A_434 = arith.constant 240 : index
    %get3A_435 = tpu.vector_load %arg6[%get3A_434] {strides = array<i32>} : memref<1024xi32, #tpu.memory_space<vmem>>, vector<16xi32>,
    %add3A_436 = arith.constant 240 : i32
    %add3A_437 = arith.addi %mul3A_2, %add3A_436 : i32
    %add3A_438 = vector.broadcast %add3A_437 : i32 to vector<16xi32>
    %add3A_439 = arith.addi %add3A_438, %iota3A : vector<16xi32>
    %mul3A_440 = arith.constant 91 : i32
    %mul3A_441 = vector.broadcast %mul3A_440 : i32 to vector<16xi32>
    %mul3A_442 = arith.muli %add3A_439, %mul3A_441 : vector<16xi32>
    %add3A_443 = arith.addi %mul3A_442, %get3A_435 : vector<16xi32>
    %min3A_444 = arith.constant 2911999 : i32
    %min3A_445 = vector.broadcast %min3A_444 : i32 to vector<16xi32>
    %min3A_446 = arith.minsi %add3A_443, %min3A_445 : vector<16xi32>
    %shift_right_arithmetic3A_447 = arith.constant 5 : i32
    %shift_right_arithmetic3A_448 = vector.broadcast %shift_right_arithmetic3A_447 : i32 to vector<16xi32>
    %shift_right_arithmetic3A_449 = arith.shrsi %min3A_446, %shift_right_arithmetic3A_448 : vector<16xi32>
    %swap3A_450 = arith.constant 1 : i32
    %swap3A_451 = arith.index_cast %swap3A_450 : i32 to index
    %swap3A_452 = arith.constant 112 : index
    %swap3A_453 = tpu.vector_load %arg8[%swap3A_451, %swap3A_452] {strides = array<i32>} : memref<8x128xi32, #tpu.memory_space<vmem>>, vector<16xi32>,
    tpu.vector_store %arg8[%swap3A_451, %swap3A_452], %shift_right_arithmetic3A_449 {strides = array<i32>} : memref<8x128xi32, #tpu.memory_space<vmem>>, vector<16xi32>,
    %and3A_454 = arith.constant 31 : i32
    %and3A_455 = vector.broadcast %and3A_454 : i32 to vector<16xi32>
    %and3A_456 = arith.andi %min3A_446, %and3A_455 : vector<16xi32>
    %mul3A_457 = arith.constant 4 : i32
    %mul3A_458 = vector.broadcast %mul3A_457 : i32 to vector<16xi32>
    %mul3A_459 = arith.muli %and3A_456, %mul3A_458 : vector<16xi32>
    %swap3A_460 = arith.constant 240 : index
    %swap3A_461 = tpu.vector_load %arg9[%swap3A_460] {strides = array<i32>} : memref<1024xi32, #tpu.memory_space<vmem>>, vector<16xi32>,
    tpu.vector_store %arg9[%swap3A_460], %mul3A_459 {strides = array<i32>} : memref<1024xi32, #tpu.memory_space<vmem>>, vector<16xi32>,
    %dma_start3A_462 = arith.constant 1 : i32
    %dma_start3A_463 = arith.constant 0 : i32
    %dma_start3A_464 = tpu.memref_slice %arg8[%dma_start3A_462, %dma_start3A_463] : memref<8x128xi32, #tpu.memory_space<vmem>> -> memref<1x128xi32, #tpu.memory_space<vmem>>
    %dma_start3A_465 = tpu.memref_squeeze %dma_start3A_464 : memref<1x128xi32, #tpu.memory_space<vmem>> -> memref<128xi32, #tpu.memory_space<vmem>>
    %dma_start3A_466 = arith.constant 0 : i32
    %dma_start3A_467 = arith.constant 0 : i32
    %dma_start3A_468 = tpu.memref_slice %arg4[%dma_start3A_466, %dma_start3A_467] : memref<91000x128xf32, #tpu.memory_space<hbm>> -> memref<91000x128xf32, #tpu.memory_space<hbm>>
    tpu.enqueue_indirect_dma source(%dma_start3A_468 : memref<91000x128xf32, #tpu.memory_space<hbm>>) target(%arg11 : memref<128x128xf32, #tpu.memory_space<vmem>>) offsets(%dma_start3A_465 : memref<128xi32, #tpu.memory_space<vmem>>) semaphore(%arg14 : memref<!tpu.dma_semaphore, #tpu.memory_space<semaphore_mem>>)
    %get3A_469 = arith.constant 256 : index
    %get3A_470 = tpu.vector_load %arg6[%get3A_469] {strides = array<i32>} : memref<1024xi32, #tpu.memory_space<vmem>>, vector<16xi32>,
    %add3A_471 = arith.constant 256 : i32
    %add3A_472 = arith.addi %mul3A_2, %add3A_471 : i32
    %add3A_473 = vector.broadcast %add3A_472 : i32 to vector<16xi32>
    %add3A_474 = arith.addi %add3A_473, %iota3A : vector<16xi32>
    %mul3A_475 = arith.constant 91 : i32
    %mul3A_476 = vector.broadcast %mul3A_475 : i32 to vector<16xi32>
    %mul3A_477 = arith.muli %add3A_474, %mul3A_476 : vector<16xi32>
    %add3A_478 = arith.addi %mul3A_477, %get3A_470 : vector<16xi32>
    %min3A_479 = arith.constant 2911999 : i32
    %min3A_480 = vector.broadcast %min3A_479 : i32 to vector<16xi32>
    %min3A_481 = arith.minsi %add3A_478, %min3A_480 : vector<16xi32>
    %shift_right_arithmetic3A_482 = arith.constant 5 : i32
    %shift_right_arithmetic3A_483 = vector.broadcast %shift_right_arithmetic3A_482 : i32 to vector<16xi32>
    %shift_right_arithmetic3A_484 = arith.shrsi %min3A_481, %shift_right_arithmetic3A_483 : vector<16xi32>
    %swap3A_485 = arith.constant 2 : i32
    %swap3A_486 = arith.index_cast %swap3A_485 : i32 to index
    %swap3A_487 = arith.constant 0 : index
    %swap3A_488 = tpu.vector_load %arg8[%swap3A_486, %swap3A_487] {strides = array<i32>} : memref<8x128xi32, #tpu.memory_space<vmem>>, vector<16xi32>,
    tpu.vector_store %arg8[%swap3A_486, %swap3A_487], %shift_right_arithmetic3A_484 {strides = array<i32>} : memref<8x128xi32, #tpu.memory_space<vmem>>, vector<16xi32>,
    %and3A_489 = arith.constant 31 : i32
    %and3A_490 = vector.broadcast %and3A_489 : i32 to vector<16xi32>
    %and3A_491 = arith.andi %min3A_481, %and3A_490 : vector<16xi32>
    %mul3A_492 = arith.constant 4 : i32
    %mul3A_493 = vector.broadcast %mul3A_492 : i32 to vector<16xi32>
    %mul3A_494 = arith.muli %and3A_491, %mul3A_493 : vector<16xi32>
    %swap3A_495 = arith.constant 256 : index
    %swap3A_496 = tpu.vector_load %arg9[%swap3A_495] {strides = array<i32>} : memref<1024xi32, #tpu.memory_space<vmem>>, vector<16xi32>,
    tpu.vector_store %arg9[%swap3A_495], %mul3A_494 {strides = array<i32>} : memref<1024xi32, #tpu.memory_space<vmem>>, vector<16xi32>,
    %get3A_497 = arith.constant 272 : index
    %get3A_498 = tpu.vector_load %arg6[%get3A_497] {strides = array<i32>} : memref<1024xi32, #tpu.memory_space<vmem>>, vector<16xi32>,
    %add3A_499 = arith.constant 272 : i32
    %add3A_500 = arith.addi %mul3A_2, %add3A_499 : i32
    %add3A_501 = vector.broadcast %add3A_500 : i32 to vector<16xi32>
    %add3A_502 = arith.addi %add3A_501, %iota3A : vector<16xi32>
    %mul3A_503 = arith.constant 91 : i32
    %mul3A_504 = vector.broadcast %mul3A_503 : i32 to vector<16xi32>
    %mul3A_505 = arith.muli %add3A_502, %mul3A_504 : vector<16xi32>
    %add3A_506 = arith.addi %mul3A_505, %get3A_498 : vector<16xi32>
    %min3A_507 = arith.constant 2911999 : i32
    %min3A_508 = vector.broadcast %min3A_507 : i32 to vector<16xi32>
    %min3A_509 = arith.minsi %add3A_506, %min3A_508 : vector<16xi32>
    %shift_right_arithmetic3A_510 = arith.constant 5 : i32
    %shift_right_arithmetic3A_511 = vector.broadcast %shift_right_arithmetic3A_510 : i32 to vector<16xi32>
    %shift_right_arithmetic3A_512 = arith.shrsi %min3A_509, %shift_right_arithmetic3A_511 : vector<16xi32>
    %swap3A_513 = arith.constant 2 : i32
    %swap3A_514 = arith.index_cast %swap3A_513 : i32 to index
    %swap3A_515 = arith.constant 16 : index
    %swap3A_516 = tpu.vector_load %arg8[%swap3A_514, %swap3A_515] {strides = array<i32>} : memref<8x128xi32, #tpu.memory_space<vmem>>, vector<16xi32>,
    tpu.vector_store %arg8[%swap3A_514, %swap3A_515], %shift_right_arithmetic3A_512 {strides = array<i32>} : memref<8x128xi32, #tpu.memory_space<vmem>>, vector<16xi32>,
    %and3A_517 = arith.constant 31 : i32
    %and3A_518 = vector.broadcast %and3A_517 : i32 to vector<16xi32>
    %and3A_519 = arith.andi %min3A_509, %and3A_518 : vector<16xi32>
    %mul3A_520 = arith.constant 4 : i32
    %mul3A_521 = vector.broadcast %mul3A_520 : i32 to vector<16xi32>
    %mul3A_522 = arith.muli %and3A_519, %mul3A_521 : vector<16xi32>
    %swap3A_523 = arith.constant 272 : index
    %swap3A_524 = tpu.vector_load %arg9[%swap3A_523] {strides = array<i32>} : memref<1024xi32, #tpu.memory_space<vmem>>, vector<16xi32>,
    tpu.vector_store %arg9[%swap3A_523], %mul3A_522 {strides = array<i32>} : memref<1024xi32, #tpu.memory_space<vmem>>, vector<16xi32>,
    %get3A_525 = arith.constant 288 : index
    %get3A_526 = tpu.vector_load %arg6[%get3A_525] {strides = array<i32>} : memref<1024xi32, #tpu.memory_space<vmem>>, vector<16xi32>,
    %add3A_527 = arith.constant 288 : i32
    %add3A_528 = arith.addi %mul3A_2, %add3A_527 : i32
    %add3A_529 = vector.broadcast %add3A_528 : i32 to vector<16xi32>
    %add3A_530 = arith.addi %add3A_529, %iota3A : vector<16xi32>
    %mul3A_531 = arith.constant 91 : i32
    %mul3A_532 = vector.broadcast %mul3A_531 : i32 to vector<16xi32>
    %mul3A_533 = arith.muli %add3A_530, %mul3A_532 : vector<16xi32>
    %add3A_534 = arith.addi %mul3A_533, %get3A_526 : vector<16xi32>
    %min3A_535 = arith.constant 2911999 : i32
    %min3A_536 = vector.broadcast %min3A_535 : i32 to vector<16xi32>
    %min3A_537 = arith.minsi %add3A_534, %min3A_536 : vector<16xi32>
    %shift_right_arithmetic3A_538 = arith.constant 5 : i32
    %shift_right_arithmetic3A_539 = vector.broadcast %shift_right_arithmetic3A_538 : i32 to vector<16xi32>
    %shift_right_arithmetic3A_540 = arith.shrsi %min3A_537, %shift_right_arithmetic3A_539 : vector<16xi32>
    %swap3A_541 = arith.constant 2 : i32
    %swap3A_542 = arith.index_cast %swap3A_541 : i32 to index
    %swap3A_543 = arith.constant 32 : index
    %swap3A_544 = tpu.vector_load %arg8[%swap3A_542, %swap3A_543] {strides = array<i32>} : memref<8x128xi32, #tpu.memory_space<vmem>>, vector<16xi32>,
    tpu.vector_store %arg8[%swap3A_542, %swap3A_543], %shift_right_arithmetic3A_540 {strides = array<i32>} : memref<8x128xi32, #tpu.memory_space<vmem>>, vector<16xi32>,
    %and3A_545 = arith.constant 31 : i32
    %and3A_546 = vector.broadcast %and3A_545 : i32 to vector<16xi32>
    %and3A_547 = arith.andi %min3A_537, %and3A_546 : vector<16xi32>
    %mul3A_548 = arith.constant 4 : i32
    %mul3A_549 = vector.broadcast %mul3A_548 : i32 to vector<16xi32>
    %mul3A_550 = arith.muli %and3A_547, %mul3A_549 : vector<16xi32>
    %swap3A_551 = arith.constant 288 : index
    %swap3A_552 = tpu.vector_load %arg9[%swap3A_551] {strides = array<i32>} : memref<1024xi32, #tpu.memory_space<vmem>>, vector<16xi32>,
    tpu.vector_store %arg9[%swap3A_551], %mul3A_550 {strides = array<i32>} : memref<1024xi32, #tpu.memory_space<vmem>>, vector<16xi32>,
    %get3A_553 = arith.constant 304 : index
    %get3A_554 = tpu.vector_load %arg6[%get3A_553] {strides = array<i32>} : memref<1024xi32, #tpu.memory_space<vmem>>, vector<16xi32>,
    %add3A_555 = arith.constant 304 : i32
    %add3A_556 = arith.addi %mul3A_2, %add3A_555 : i32
    %add3A_557 = vector.broadcast %add3A_556 : i32 to vector<16xi32>
    %add3A_558 = arith.addi %add3A_557, %iota3A : vector<16xi32>
    %mul3A_559 = arith.constant 91 : i32
    %mul3A_560 = vector.broadcast %mul3A_559 : i32 to vector<16xi32>
    %mul3A_561 = arith.muli %add3A_558, %mul3A_560 : vector<16xi32>
    %add3A_562 = arith.addi %mul3A_561, %get3A_554 : vector<16xi32>
    %min3A_563 = arith.constant 2911999 : i32
    %min3A_564 = vector.broadcast %min3A_563 : i32 to vector<16xi32>
    %min3A_565 = arith.minsi %add3A_562, %min3A_564 : vector<16xi32>
    %shift_right_arithmetic3A_566 = arith.constant 5 : i32
    %shift_right_arithmetic3A_567 = vector.broadcast %shift_right_arithmetic3A_566 : i32 to vector<16xi32>
    %shift_right_arithmetic3A_568 = arith.shrsi %min3A_565, %shift_right_arithmetic3A_567 : vector<16xi32>
    %swap3A_569 = arith.constant 2 : i32
    %swap3A_570 = arith.index_cast %swap3A_569 : i32 to index
    %swap3A_571 = arith.constant 48 : index
    %swap3A_572 = tpu.vector_load %arg8[%swap3A_570, %swap3A_571] {strides = array<i32>} : memref<8x128xi32, #tpu.memory_space<vmem>>, vector<16xi32>,
    tpu.vector_store %arg8[%swap3A_570, %swap3A_571], %shift_right_arithmetic3A_568 {strides = array<i32>} : memref<8x128xi32, #tpu.memory_space<vmem>>, vector<16xi32>,
    %and3A_573 = arith.constant 31 : i32
    %and3A_574 = vector.broadcast %and3A_573 : i32 to vector<16xi32>
    %and3A_575 = arith.andi %min3A_565, %and3A_574 : vector<16xi32>
    %mul3A_576 = arith.constant 4 : i32
    %mul3A_577 = vector.broadcast %mul3A_576 : i32 to vector<16xi32>
    %mul3A_578 = arith.muli %and3A_575, %mul3A_577 : vector<16xi32>
    %swap3A_579 = arith.constant 304 : index
    %swap3A_580 = tpu.vector_load %arg9[%swap3A_579] {strides = array<i32>} : memref<1024xi32, #tpu.memory_space<vmem>>, vector<16xi32>,
    tpu.vector_store %arg9[%swap3A_579], %mul3A_578 {strides = array<i32>} : memref<1024xi32, #tpu.memory_space<vmem>>, vector<16xi32>,
    %get3A_581 = arith.constant 320 : index
    %get3A_582 = tpu.vector_load %arg6[%get3A_581] {strides = array<i32>} : memref<1024xi32, #tpu.memory_space<vmem>>, vector<16xi32>,
    %add3A_583 = arith.constant 320 : i32
    %add3A_584 = arith.addi %mul3A_2, %add3A_583 : i32
    %add3A_585 = vector.broadcast %add3A_584 : i32 to vector<16xi32>
    %add3A_586 = arith.addi %add3A_585, %iota3A : vector<16xi32>
    %mul3A_587 = arith.constant 91 : i32
    %mul3A_588 = vector.broadcast %mul3A_587 : i32 to vector<16xi32>
    %mul3A_589 = arith.muli %add3A_586, %mul3A_588 : vector<16xi32>
    %add3A_590 = arith.addi %mul3A_589, %get3A_582 : vector<16xi32>
    %min3A_591 = arith.constant 2911999 : i32
    %min3A_592 = vector.broadcast %min3A_591 : i32 to vector<16xi32>
    %min3A_593 = arith.minsi %add3A_590, %min3A_592 : vector<16xi32>
    %shift_right_arithmetic3A_594 = arith.constant 5 : i32
    %shift_right_arithmetic3A_595 = vector.broadcast %shift_right_arithmetic3A_594 : i32 to vector<16xi32>
    %shift_right_arithmetic3A_596 = arith.shrsi %min3A_593, %shift_right_arithmetic3A_595 : vector<16xi32>
    %swap3A_597 = arith.constant 2 : i32
    %swap3A_598 = arith.index_cast %swap3A_597 : i32 to index
    %swap3A_599 = arith.constant 64 : index
    %swap3A_600 = tpu.vector_load %arg8[%swap3A_598, %swap3A_599] {strides = array<i32>} : memref<8x128xi32, #tpu.memory_space<vmem>>, vector<16xi32>,
    tpu.vector_store %arg8[%swap3A_598, %swap3A_599], %shift_right_arithmetic3A_596 {strides = array<i32>} : memref<8x128xi32, #tpu.memory_space<vmem>>, vector<16xi32>,
    %and3A_601 = arith.constant 31 : i32
    %and3A_602 = vector.broadcast %and3A_601 : i32 to vector<16xi32>
    %and3A_603 = arith.andi %min3A_593, %and3A_602 : vector<16xi32>
    %mul3A_604 = arith.constant 4 : i32
    %mul3A_605 = vector.broadcast %mul3A_604 : i32 to vector<16xi32>
    %mul3A_606 = arith.muli %and3A_603, %mul3A_605 : vector<16xi32>
    %swap3A_607 = arith.constant 320 : index
    %swap3A_608 = tpu.vector_load %arg9[%swap3A_607] {strides = array<i32>} : memref<1024xi32, #tpu.memory_space<vmem>>, vector<16xi32>,
    tpu.vector_store %arg9[%swap3A_607], %mul3A_606 {strides = array<i32>} : memref<1024xi32, #tpu.memory_space<vmem>>, vector<16xi32>,
    %get3A_609 = arith.constant 336 : index
    %get3A_610 = tpu.vector_load %arg6[%get3A_609] {strides = array<i32>} : memref<1024xi32, #tpu.memory_space<vmem>>, vector<16xi32>,
    %add3A_611 = arith.constant 336 : i32
    %add3A_612 = arith.addi %mul3A_2, %add3A_611 : i32
    %add3A_613 = vector.broadcast %add3A_612 : i32 to vector<16xi32>
    %add3A_614 = arith.addi %add3A_613, %iota3A : vector<16xi32>
    %mul3A_615 = arith.constant 91 : i32
    %mul3A_616 = vector.broadcast %mul3A_615 : i32 to vector<16xi32>
    %mul3A_617 = arith.muli %add3A_614, %mul3A_616 : vector<16xi32>
    %add3A_618 = arith.addi %mul3A_617, %get3A_610 : vector<16xi32>
    %min3A_619 = arith.constant 2911999 : i32
    %min3A_620 = vector.broadcast %min3A_619 : i32 to vector<16xi32>
    %min3A_621 = arith.minsi %add3A_618, %min3A_620 : vector<16xi32>
    %shift_right_arithmetic3A_622 = arith.constant 5 : i32
    %shift_right_arithmetic3A_623 = vector.broadcast %shift_right_arithmetic3A_622 : i32 to vector<16xi32>
    %shift_right_arithmetic3A_624 = arith.shrsi %min3A_621, %shift_right_arithmetic3A_623 : vector<16xi32>
    %swap3A_625 = arith.constant 2 : i32
    %swap3A_626 = arith.index_cast %swap3A_625 : i32 to index
    %swap3A_627 = arith.constant 80 : index
    %swap3A_628 = tpu.vector_load %arg8[%swap3A_626, %swap3A_627] {strides = array<i32>} : memref<8x128xi32, #tpu.memory_space<vmem>>, vector<16xi32>,
    tpu.vector_store %arg8[%swap3A_626, %swap3A_627], %shift_right_arithmetic3A_624 {strides = array<i32>} : memref<8x128xi32, #tpu.memory_space<vmem>>, vector<16xi32>,
    %and3A_629 = arith.constant 31 : i32
    %and3A_630 = vector.broadcast %and3A_629 : i32 to vector<16xi32>
    %and3A_631 = arith.andi %min3A_621, %and3A_630 : vector<16xi32>
    %mul3A_632 = arith.constant 4 : i32
    %mul3A_633 = vector.broadcast %mul3A_632 : i32 to vector<16xi32>
    %mul3A_634 = arith.muli %and3A_631, %mul3A_633 : vector<16xi32>
    %swap3A_635 = arith.constant 336 : index
    %swap3A_636 = tpu.vector_load %arg9[%swap3A_635] {strides = array<i32>} : memref<1024xi32, #tpu.memory_space<vmem>>, vector<16xi32>,
    tpu.vector_store %arg9[%swap3A_635], %mul3A_634 {strides = array<i32>} : memref<1024xi32, #tpu.memory_space<vmem>>, vector<16xi32>,
    %get3A_637 = arith.constant 352 : index
    %get3A_638 = tpu.vector_load %arg6[%get3A_637] {strides = array<i32>} : memref<1024xi32, #tpu.memory_space<vmem>>, vector<16xi32>,
    %add3A_639 = arith.constant 352 : i32
    %add3A_640 = arith.addi %mul3A_2, %add3A_639 : i32
    %add3A_641 = vector.broadcast %add3A_640 : i32 to vector<16xi32>
    %add3A_642 = arith.addi %add3A_641, %iota3A : vector<16xi32>
    %mul3A_643 = arith.constant 91 : i32
    %mul3A_644 = vector.broadcast %mul3A_643 : i32 to vector<16xi32>
    %mul3A_645 = arith.muli %add3A_642, %mul3A_644 : vector<16xi32>
    %add3A_646 = arith.addi %mul3A_645, %get3A_638 : vector<16xi32>
    %min3A_647 = arith.constant 2911999 : i32
    %min3A_648 = vector.broadcast %min3A_647 : i32 to vector<16xi32>
    %min3A_649 = arith.minsi %add3A_646, %min3A_648 : vector<16xi32>
    %shift_right_arithmetic3A_650 = arith.constant 5 : i32
    %shift_right_arithmetic3A_651 = vector.broadcast %shift_right_arithmetic3A_650 : i32 to vector<16xi32>
    %shift_right_arithmetic3A_652 = arith.shrsi %min3A_649, %shift_right_arithmetic3A_651 : vector<16xi32>
    %swap3A_653 = arith.constant 2 : i32
    %swap3A_654 = arith.index_cast %swap3A_653 : i32 to index
    %swap3A_655 = arith.constant 96 : index
    %swap3A_656 = tpu.vector_load %arg8[%swap3A_654, %swap3A_655] {strides = array<i32>} : memref<8x128xi32, #tpu.memory_space<vmem>>, vector<16xi32>,
    tpu.vector_store %arg8[%swap3A_654, %swap3A_655], %shift_right_arithmetic3A_652 {strides = array<i32>} : memref<8x128xi32, #tpu.memory_space<vmem>>, vector<16xi32>,
    %and3A_657 = arith.constant 31 : i32
    %and3A_658 = vector.broadcast %and3A_657 : i32 to vector<16xi32>
    %and3A_659 = arith.andi %min3A_649, %and3A_658 : vector<16xi32>
    %mul3A_660 = arith.constant 4 : i32
    %mul3A_661 = vector.broadcast %mul3A_660 : i32 to vector<16xi32>
    %mul3A_662 = arith.muli %and3A_659, %mul3A_661 : vector<16xi32>
    %swap3A_663 = arith.constant 352 : index
    %swap3A_664 = tpu.vector_load %arg9[%swap3A_663] {strides = array<i32>} : memref<1024xi32, #tpu.memory_space<vmem>>, vector<16xi32>,
    tpu.vector_store %arg9[%swap3A_663], %mul3A_662 {strides = array<i32>} : memref<1024xi32, #tpu.memory_space<vmem>>, vector<16xi32>,
    %get3A_665 = arith.constant 368 : index
    %get3A_666 = tpu.vector_load %arg6[%get3A_665] {strides = array<i32>} : memref<1024xi32, #tpu.memory_space<vmem>>, vector<16xi32>,
    %add3A_667 = arith.constant 368 : i32
    %add3A_668 = arith.addi %mul3A_2, %add3A_667 : i32
    %add3A_669 = vector.broadcast %add3A_668 : i32 to vector<16xi32>
    %add3A_670 = arith.addi %add3A_669, %iota3A : vector<16xi32>
    %mul3A_671 = arith.constant 91 : i32
    %mul3A_672 = vector.broadcast %mul3A_671 : i32 to vector<16xi32>
    %mul3A_673 = arith.muli %add3A_670, %mul3A_672 : vector<16xi32>
    %add3A_674 = arith.addi %mul3A_673, %get3A_666 : vector<16xi32>
    %min3A_675 = arith.constant 2911999 : i32
    %min3A_676 = vector.broadcast %min3A_675 : i32 to vector<16xi32>
    %min3A_677 = arith.minsi %add3A_674, %min3A_676 : vector<16xi32>
    %shift_right_arithmetic3A_678 = arith.constant 5 : i32
    %shift_right_arithmetic3A_679 = vector.broadcast %shift_right_arithmetic3A_678 : i32 to vector<16xi32>
    %shift_right_arithmetic3A_680 = arith.shrsi %min3A_677, %shift_right_arithmetic3A_679 : vector<16xi32>
    %swap3A_681 = arith.constant 2 : i32
    %swap3A_682 = arith.index_cast %swap3A_681 : i32 to index
    %swap3A_683 = arith.constant 112 : index
    %swap3A_684 = tpu.vector_load %arg8[%swap3A_682, %swap3A_683] {strides = array<i32>} : memref<8x128xi32, #tpu.memory_space<vmem>>, vector<16xi32>,
    tpu.vector_store %arg8[%swap3A_682, %swap3A_683], %shift_right_arithmetic3A_680 {strides = array<i32>} : memref<8x128xi32, #tpu.memory_space<vmem>>, vector<16xi32>,
    %and3A_685 = arith.constant 31 : i32
    %and3A_686 = vector.broadcast %and3A_685 : i32 to vector<16xi32>
    %and3A_687 = arith.andi %min3A_677, %and3A_686 : vector<16xi32>
    %mul3A_688 = arith.constant 4 : i32
    %mul3A_689 = vector.broadcast %mul3A_688 : i32 to vector<16xi32>
    %mul3A_690 = arith.muli %and3A_687, %mul3A_689 : vector<16xi32>
    %swap3A_691 = arith.constant 368 : index
    %swap3A_692 = tpu.vector_load %arg9[%swap3A_691] {strides = array<i32>} : memref<1024xi32, #tpu.memory_space<vmem>>, vector<16xi32>,
    tpu.vector_store %arg9[%swap3A_691], %mul3A_690 {strides = array<i32>} : memref<1024xi32, #tpu.memory_space<vmem>>, vector<16xi32>,
    %get3A_693 = arith.constant 384 : index
    %get3A_694 = tpu.vector_load %arg6[%get3A_693] {strides = array<i32>} : memref<1024xi32, #tpu.memory_space<vmem>>, vector<16xi32>,
    %add3A_695 = arith.constant 384 : i32
    %add3A_696 = arith.addi %mul3A_2, %add3A_695 : i32
    %add3A_697 = vector.broadcast %add3A_696 : i32 to vector<16xi32>
    %add3A_698 = arith.addi %add3A_697, %iota3A : vector<16xi32>
    %mul3A_699 = arith.constant 91 : i32
    %mul3A_700 = vector.broadcast %mul3A_699 : i32 to vector<16xi32>
    %mul3A_701 = arith.muli %add3A_698, %mul3A_700 : vector<16xi32>
    %add3A_702 = arith.addi %mul3A_701, %get3A_694 : vector<16xi32>
    %min3A_703 = arith.constant 2911999 : i32
    %min3A_704 = vector.broadcast %min3A_703 : i32 to vector<16xi32>
    %min3A_705 = arith.minsi %add3A_702, %min3A_704 : vector<16xi32>
    %shift_right_arithmetic3A_706 = arith.constant 5 : i32
    %shift_right_arithmetic3A_707 = vector.broadcast %shift_right_arithmetic3A_706 : i32 to vector<16xi32>
    %shift_right_arithmetic3A_708 = arith.shrsi %min3A_705, %shift_right_arithmetic3A_707 : vector<16xi32>
    %swap3A_709 = arith.constant 3 : i32
    %swap3A_710 = arith.index_cast %swap3A_709 : i32 to index
    %swap3A_711 = arith.constant 0 : index
    %swap3A_712 = tpu.vector_load %arg8[%swap3A_710, %swap3A_711] {strides = array<i32>} : memref<8x128xi32, #tpu.memory_space<vmem>>, vector<16xi32>,
    tpu.vector_store %arg8[%swap3A_710, %swap3A_711], %shift_right_arithmetic3A_708 {strides = array<i32>} : memref<8x128xi32, #tpu.memory_space<vmem>>, vector<16xi32>,
    %and3A_713 = arith.constant 31 : i32
    %and3A_714 = vector.broadcast %and3A_713 : i32 to vector<16xi32>
    %and3A_715 = arith.andi %min3A_705, %and3A_714 : vector<16xi32>
    %mul3A_716 = arith.constant 4 : i32
    %mul3A_717 = vector.broadcast %mul3A_716 : i32 to vector<16xi32>
    %mul3A_718 = arith.muli %and3A_715, %mul3A_717 : vector<16xi32>
    %swap3A_719 = arith.constant 384 : index
    %swap3A_720 = tpu.vector_load %arg9[%swap3A_719] {strides = array<i32>} : memref<1024xi32, #tpu.memory_space<vmem>>, vector<16xi32>,
    tpu.vector_store %arg9[%swap3A_719], %mul3A_718 {strides = array<i32>} : memref<1024xi32, #tpu.memory_space<vmem>>, vector<16xi32>,
    %get3A_721 = arith.constant 400 : index
    %get3A_722 = tpu.vector_load %arg6[%get3A_721] {strides = array<i32>} : memref<1024xi32, #tpu.memory_space<vmem>>, vector<16xi32>,
    %add3A_723 = arith.constant 400 : i32
    %add3A_724 = arith.addi %mul3A_2, %add3A_723 : i32
    %add3A_725 = vector.broadcast %add3A_724 : i32 to vector<16xi32>
    %add3A_726 = arith.addi %add3A_725, %iota3A : vector<16xi32>
    %mul3A_727 = arith.constant 91 : i32
    %mul3A_728 = vector.broadcast %mul3A_727 : i32 to vector<16xi32>
    %mul3A_729 = arith.muli %add3A_726, %mul3A_728 : vector<16xi32>
    %add3A_730 = arith.addi %mul3A_729, %get3A_722 : vector<16xi32>
    %min3A_731 = arith.constant 2911999 : i32
    %min3A_732 = vector.broadcast %min3A_731 : i32 to vector<16xi32>
    %min3A_733 = arith.minsi %add3A_730, %min3A_732 : vector<16xi32>
    %shift_right_arithmetic3A_734 = arith.constant 5 : i32
    %shift_right_arithmetic3A_735 = vector.broadcast %shift_right_arithmetic3A_734 : i32 to vector<16xi32>
    %shift_right_arithmetic3A_736 = arith.shrsi %min3A_733, %shift_right_arithmetic3A_735 : vector<16xi32>
    %swap3A_737 = arith.constant 3 : i32
    %swap3A_738 = arith.index_cast %swap3A_737 : i32 to index
    %swap3A_739 = arith.constant 16 : index
    %swap3A_740 = tpu.vector_load %arg8[%swap3A_738, %swap3A_739] {strides = array<i32>} : memref<8x128xi32, #tpu.memory_space<vmem>>, vector<16xi32>,
    tpu.vector_store %arg8[%swap3A_738, %swap3A_739], %shift_right_arithmetic3A_736 {strides = array<i32>} : memref<8x128xi32, #tpu.memory_space<vmem>>, vector<16xi32>,
    %and3A_741 = arith.constant 31 : i32
    %and3A_742 = vector.broadcast %and3A_741 : i32 to vector<16xi32>
    %and3A_743 = arith.andi %min3A_733, %and3A_742 : vector<16xi32>
    %mul3A_744 = arith.constant 4 : i32
    %mul3A_745 = vector.broadcast %mul3A_744 : i32 to vector<16xi32>
    %mul3A_746 = arith.muli %and3A_743, %mul3A_745 : vector<16xi32>
    %swap3A_747 = arith.constant 400 : index
    %swap3A_748 = tpu.vector_load %arg9[%swap3A_747] {strides = array<i32>} : memref<1024xi32, #tpu.memory_space<vmem>>, vector<16xi32>,
    tpu.vector_store %arg9[%swap3A_747], %mul3A_746 {strides = array<i32>} : memref<1024xi32, #tpu.memory_space<vmem>>, vector<16xi32>,
    %get3A_749 = arith.constant 416 : index
    %get3A_750 = tpu.vector_load %arg6[%get3A_749] {strides = array<i32>} : memref<1024xi32, #tpu.memory_space<vmem>>, vector<16xi32>,
    %add3A_751 = arith.constant 416 : i32
    %add3A_752 = arith.addi %mul3A_2, %add3A_751 : i32
    %add3A_753 = vector.broadcast %add3A_752 : i32 to vector<16xi32>
    %add3A_754 = arith.addi %add3A_753, %iota3A : vector<16xi32>
    %mul3A_755 = arith.constant 91 : i32
    %mul3A_756 = vector.broadcast %mul3A_755 : i32 to vector<16xi32>
    %mul3A_757 = arith.muli %add3A_754, %mul3A_756 : vector<16xi32>
    %add3A_758 = arith.addi %mul3A_757, %get3A_750 : vector<16xi32>
    %min3A_759 = arith.constant 2911999 : i32
    %min3A_760 = vector.broadcast %min3A_759 : i32 to vector<16xi32>
    %min3A_761 = arith.minsi %add3A_758, %min3A_760 : vector<16xi32>
    %shift_right_arithmetic3A_762 = arith.constant 5 : i32
    %shift_right_arithmetic3A_763 = vector.broadcast %shift_right_arithmetic3A_762 : i32 to vector<16xi32>
    %shift_right_arithmetic3A_764 = arith.shrsi %min3A_761, %shift_right_arithmetic3A_763 : vector<16xi32>
    %swap3A_765 = arith.constant 3 : i32
    %swap3A_766 = arith.index_cast %swap3A_765 : i32 to index
    %swap3A_767 = arith.constant 32 : index
    %swap3A_768 = tpu.vector_load %arg8[%swap3A_766, %swap3A_767] {strides = array<i32>} : memref<8x128xi32, #tpu.memory_space<vmem>>, vector<16xi32>,
    tpu.vector_store %arg8[%swap3A_766, %swap3A_767], %shift_right_arithmetic3A_764 {strides = array<i32>} : memref<8x128xi32, #tpu.memory_space<vmem>>, vector<16xi32>,
    %and3A_769 = arith.constant 31 : i32
    %and3A_770 = vector.broadcast %and3A_769 : i32 to vector<16xi32>
    %and3A_771 = arith.andi %min3A_761, %and3A_770 : vector<16xi32>
    %mul3A_772 = arith.constant 4 : i32
    %mul3A_773 = vector.broadcast %mul3A_772 : i32 to vector<16xi32>
    %mul3A_774 = arith.muli %and3A_771, %mul3A_773 : vector<16xi32>
    %swap3A_775 = arith.constant 416 : index
    %swap3A_776 = tpu.vector_load %arg9[%swap3A_775] {strides = array<i32>} : memref<1024xi32, #tpu.memory_space<vmem>>, vector<16xi32>,
    tpu.vector_store %arg9[%swap3A_775], %mul3A_774 {strides = array<i32>} : memref<1024xi32, #tpu.memory_space<vmem>>, vector<16xi32>,
    %get3A_777 = arith.constant 432 : index
    %get3A_778 = tpu.vector_load %arg6[%get3A_777] {strides = array<i32>} : memref<1024xi32, #tpu.memory_space<vmem>>, vector<16xi32>,
    %add3A_779 = arith.constant 432 : i32
    %add3A_780 = arith.addi %mul3A_2, %add3A_779 : i32
    %add3A_781 = vector.broadcast %add3A_780 : i32 to vector<16xi32>
    %add3A_782 = arith.addi %add3A_781, %iota3A : vector<16xi32>
    %mul3A_783 = arith.constant 91 : i32
    %mul3A_784 = vector.broadcast %mul3A_783 : i32 to vector<16xi32>
    %mul3A_785 = arith.muli %add3A_782, %mul3A_784 : vector<16xi32>
    %add3A_786 = arith.addi %mul3A_785, %get3A_778 : vector<16xi32>
    %min3A_787 = arith.constant 2911999 : i32
    %min3A_788 = vector.broadcast %min3A_787 : i32 to vector<16xi32>
    %min3A_789 = arith.minsi %add3A_786, %min3A_788 : vector<16xi32>
    %shift_right_arithmetic3A_790 = arith.constant 5 : i32
    %shift_right_arithmetic3A_791 = vector.broadcast %shift_right_arithmetic3A_790 : i32 to vector<16xi32>
    %shift_right_arithmetic3A_792 = arith.shrsi %min3A_789, %shift_right_arithmetic3A_791 : vector<16xi32>
    %swap3A_793 = arith.constant 3 : i32
    %swap3A_794 = arith.index_cast %swap3A_793 : i32 to index
    %swap3A_795 = arith.constant 48 : index
    %swap3A_796 = tpu.vector_load %arg8[%swap3A_794, %swap3A_795] {strides = array<i32>} : memref<8x128xi32, #tpu.memory_space<vmem>>, vector<16xi32>,
    tpu.vector_store %arg8[%swap3A_794, %swap3A_795], %shift_right_arithmetic3A_792 {strides = array<i32>} : memref<8x128xi32, #tpu.memory_space<vmem>>, vector<16xi32>,
    %and3A_797 = arith.constant 31 : i32
    %and3A_798 = vector.broadcast %and3A_797 : i32 to vector<16xi32>
    %and3A_799 = arith.andi %min3A_789, %and3A_798 : vector<16xi32>
    %mul3A_800 = arith.constant 4 : i32
    %mul3A_801 = vector.broadcast %mul3A_800 : i32 to vector<16xi32>
    %mul3A_802 = arith.muli %and3A_799, %mul3A_801 : vector<16xi32>
    %swap3A_803 = arith.constant 432 : index
    %swap3A_804 = tpu.vector_load %arg9[%swap3A_803] {strides = array<i32>} : memref<1024xi32, #tpu.memory_space<vmem>>, vector<16xi32>,
    tpu.vector_store %arg9[%swap3A_803], %mul3A_802 {strides = array<i32>} : memref<1024xi32, #tpu.memory_space<vmem>>, vector<16xi32>,
    %get3A_805 = arith.constant 448 : index
    %get3A_806 = tpu.vector_load %arg6[%get3A_805] {strides = array<i32>} : memref<1024xi32, #tpu.memory_space<vmem>>, vector<16xi32>,
    %add3A_807 = arith.constant 448 : i32
    %add3A_808 = arith.addi %mul3A_2, %add3A_807 : i32
    %add3A_809 = vector.broadcast %add3A_808 : i32 to vector<16xi32>
    %add3A_810 = arith.addi %add3A_809, %iota3A : vector<16xi32>
    %mul3A_811 = arith.constant 91 : i32
    %mul3A_812 = vector.broadcast %mul3A_811 : i32 to vector<16xi32>
    %mul3A_813 = arith.muli %add3A_810, %mul3A_812 : vector<16xi32>
    %add3A_814 = arith.addi %mul3A_813, %get3A_806 : vector<16xi32>
    %min3A_815 = arith.constant 2911999 : i32
    %min3A_816 = vector.broadcast %min3A_815 : i32 to vector<16xi32>
    %min3A_817 = arith.minsi %add3A_814, %min3A_816 : vector<16xi32>
    %shift_right_arithmetic3A_818 = arith.constant 5 : i32
    %shift_right_arithmetic3A_819 = vector.broadcast %shift_right_arithmetic3A_818 : i32 to vector<16xi32>
    %shift_right_arithmetic3A_820 = arith.shrsi %min3A_817, %shift_right_arithmetic3A_819 : vector<16xi32>
    %swap3A_821 = arith.constant 3 : i32
    %swap3A_822 = arith.index_cast %swap3A_821 : i32 to index
    %swap3A_823 = arith.constant 64 : index
    %swap3A_824 = tpu.vector_load %arg8[%swap3A_822, %swap3A_823] {strides = array<i32>} : memref<8x128xi32, #tpu.memory_space<vmem>>, vector<16xi32>,
    tpu.vector_store %arg8[%swap3A_822, %swap3A_823], %shift_right_arithmetic3A_820 {strides = array<i32>} : memref<8x128xi32, #tpu.memory_space<vmem>>, vector<16xi32>,
    %and3A_825 = arith.constant 31 : i32
    %and3A_826 = vector.broadcast %and3A_825 : i32 to vector<16xi32>
    %and3A_827 = arith.andi %min3A_817, %and3A_826 : vector<16xi32>
    %mul3A_828 = arith.constant 4 : i32
    %mul3A_829 = vector.broadcast %mul3A_828 : i32 to vector<16xi32>
    %mul3A_830 = arith.muli %and3A_827, %mul3A_829 : vector<16xi32>
    %swap3A_831 = arith.constant 448 : index
    %swap3A_832 = tpu.vector_load %arg9[%swap3A_831] {strides = array<i32>} : memref<1024xi32, #tpu.memory_space<vmem>>, vector<16xi32>,
    tpu.vector_store %arg9[%swap3A_831], %mul3A_830 {strides = array<i32>} : memref<1024xi32, #tpu.memory_space<vmem>>, vector<16xi32>,
    %get3A_833 = arith.constant 464 : index
    %get3A_834 = tpu.vector_load %arg6[%get3A_833] {strides = array<i32>} : memref<1024xi32, #tpu.memory_space<vmem>>, vector<16xi32>,
    %add3A_835 = arith.constant 464 : i32
    %add3A_836 = arith.addi %mul3A_2, %add3A_835 : i32
    %add3A_837 = vector.broadcast %add3A_836 : i32 to vector<16xi32>
    %add3A_838 = arith.addi %add3A_837, %iota3A : vector<16xi32>
    %mul3A_839 = arith.constant 91 : i32
    %mul3A_840 = vector.broadcast %mul3A_839 : i32 to vector<16xi32>
    %mul3A_841 = arith.muli %add3A_838, %mul3A_840 : vector<16xi32>
    %add3A_842 = arith.addi %mul3A_841, %get3A_834 : vector<16xi32>
    %min3A_843 = arith.constant 2911999 : i32
    %min3A_844 = vector.broadcast %min3A_843 : i32 to vector<16xi32>
    %min3A_845 = arith.minsi %add3A_842, %min3A_844 : vector<16xi32>
    %shift_right_arithmetic3A_846 = arith.constant 5 : i32
    %shift_right_arithmetic3A_847 = vector.broadcast %shift_right_arithmetic3A_846 : i32 to vector<16xi32>
    %shift_right_arithmetic3A_848 = arith.shrsi %min3A_845, %shift_right_arithmetic3A_847 : vector<16xi32>
    %swap3A_849 = arith.constant 3 : i32
    %swap3A_850 = arith.index_cast %swap3A_849 : i32 to index
    %swap3A_851 = arith.constant 80 : index
    %swap3A_852 = tpu.vector_load %arg8[%swap3A_850, %swap3A_851] {strides = array<i32>} : memref<8x128xi32, #tpu.memory_space<vmem>>, vector<16xi32>,
    tpu.vector_store %arg8[%swap3A_850, %swap3A_851], %shift_right_arithmetic3A_848 {strides = array<i32>} : memref<8x128xi32, #tpu.memory_space<vmem>>, vector<16xi32>,
    %and3A_853 = arith.constant 31 : i32
    %and3A_854 = vector.broadcast %and3A_853 : i32 to vector<16xi32>
    %and3A_855 = arith.andi %min3A_845, %and3A_854 : vector<16xi32>
    %mul3A_856 = arith.constant 4 : i32
    %mul3A_857 = vector.broadcast %mul3A_856 : i32 to vector<16xi32>
    %mul3A_858 = arith.muli %and3A_855, %mul3A_857 : vector<16xi32>
    %swap3A_859 = arith.constant 464 : index
    %swap3A_860 = tpu.vector_load %arg9[%swap3A_859] {strides = array<i32>} : memref<1024xi32, #tpu.memory_space<vmem>>, vector<16xi32>,
    tpu.vector_store %arg9[%swap3A_859], %mul3A_858 {strides = array<i32>} : memref<1024xi32, #tpu.memory_space<vmem>>, vector<16xi32>,
    %get3A_861 = arith.constant 480 : index
    %get3A_862 = tpu.vector_load %arg6[%get3A_861] {strides = array<i32>} : memref<1024xi32, #tpu.memory_space<vmem>>, vector<16xi32>,
    %add3A_863 = arith.constant 480 : i32
    %add3A_864 = arith.addi %mul3A_2, %add3A_863 : i32
    %add3A_865 = vector.broadcast %add3A_864 : i32 to vector<16xi32>
    %add3A_866 = arith.addi %add3A_865, %iota3A : vector<16xi32>
    %mul3A_867 = arith.constant 91 : i32
    %mul3A_868 = vector.broadcast %mul3A_867 : i32 to vector<16xi32>
    %mul3A_869 = arith.muli %add3A_866, %mul3A_868 : vector<16xi32>
    %add3A_870 = arith.addi %mul3A_869, %get3A_862 : vector<16xi32>
    %min3A_871 = arith.constant 2911999 : i32
    %min3A_872 = vector.broadcast %min3A_871 : i32 to vector<16xi32>
    %min3A_873 = arith.minsi %add3A_870, %min3A_872 : vector<16xi32>
    %shift_right_arithmetic3A_874 = arith.constant 5 : i32
    %shift_right_arithmetic3A_875 = vector.broadcast %shift_right_arithmetic3A_874 : i32 to vector<16xi32>
    %shift_right_arithmetic3A_876 = arith.shrsi %min3A_873, %shift_right_arithmetic3A_875 : vector<16xi32>
    %swap3A_877 = arith.constant 3 : i32
    %swap3A_878 = arith.index_cast %swap3A_877 : i32 to index
    %swap3A_879 = arith.constant 96 : index
    %swap3A_880 = tpu.vector_load %arg8[%swap3A_878, %swap3A_879] {strides = array<i32>} : memref<8x128xi32, #tpu.memory_space<vmem>>, vector<16xi32>,
    tpu.vector_store %arg8[%swap3A_878, %swap3A_879], %shift_right_arithmetic3A_876 {strides = array<i32>} : memref<8x128xi32, #tpu.memory_space<vmem>>, vector<16xi32>,
    %and3A_881 = arith.constant 31 : i32
    %and3A_882 = vector.broadcast %and3A_881 : i32 to vector<16xi32>
    %and3A_883 = arith.andi %min3A_873, %and3A_882 : vector<16xi32>
    %mul3A_884 = arith.constant 4 : i32
    %mul3A_885 = vector.broadcast %mul3A_884 : i32 to vector<16xi32>
    %mul3A_886 = arith.muli %and3A_883, %mul3A_885 : vector<16xi32>
    %swap3A_887 = arith.constant 480 : index
    %swap3A_888 = tpu.vector_load %arg9[%swap3A_887] {strides = array<i32>} : memref<1024xi32, #tpu.memory_space<vmem>>, vector<16xi32>,
    tpu.vector_store %arg9[%swap3A_887], %mul3A_886 {strides = array<i32>} : memref<1024xi32, #tpu.memory_space<vmem>>, vector<16xi32>,
    %get3A_889 = arith.constant 496 : index
    %get3A_890 = tpu.vector_load %arg6[%get3A_889] {strides = array<i32>} : memref<1024xi32, #tpu.memory_space<vmem>>, vector<16xi32>,
    %add3A_891 = arith.constant 496 : i32
    %add3A_892 = arith.addi %mul3A_2, %add3A_891 : i32
    %add3A_893 = vector.broadcast %add3A_892 : i32 to vector<16xi32>
    %add3A_894 = arith.addi %add3A_893, %iota3A : vector<16xi32>
    %mul3A_895 = arith.constant 91 : i32
    %mul3A_896 = vector.broadcast %mul3A_895 : i32 to vector<16xi32>
    %mul3A_897 = arith.muli %add3A_894, %mul3A_896 : vector<16xi32>
    %add3A_898 = arith.addi %mul3A_897, %get3A_890 : vector<16xi32>
    %min3A_899 = arith.constant 2911999 : i32
    %min3A_900 = vector.broadcast %min3A_899 : i32 to vector<16xi32>
    %min3A_901 = arith.minsi %add3A_898, %min3A_900 : vector<16xi32>
    %shift_right_arithmetic3A_902 = arith.constant 5 : i32
    %shift_right_arithmetic3A_903 = vector.broadcast %shift_right_arithmetic3A_902 : i32 to vector<16xi32>
    %shift_right_arithmetic3A_904 = arith.shrsi %min3A_901, %shift_right_arithmetic3A_903 : vector<16xi32>
    %swap3A_905 = arith.constant 3 : i32
    %swap3A_906 = arith.index_cast %swap3A_905 : i32 to index
    %swap3A_907 = arith.constant 112 : index
    %swap3A_908 = tpu.vector_load %arg8[%swap3A_906, %swap3A_907] {strides = array<i32>} : memref<8x128xi32, #tpu.memory_space<vmem>>, vector<16xi32>,
    tpu.vector_store %arg8[%swap3A_906, %swap3A_907], %shift_right_arithmetic3A_904 {strides = array<i32>} : memref<8x128xi32, #tpu.memory_space<vmem>>, vector<16xi32>,
    %and3A_909 = arith.constant 31 : i32
    %and3A_910 = vector.broadcast %and3A_909 : i32 to vector<16xi32>
    %and3A_911 = arith.andi %min3A_901, %and3A_910 : vector<16xi32>
    %mul3A_912 = arith.constant 4 : i32
    %mul3A_913 = vector.broadcast %mul3A_912 : i32 to vector<16xi32>
    %mul3A_914 = arith.muli %and3A_911, %mul3A_913 : vector<16xi32>
    %swap3A_915 = arith.constant 496 : index
    %swap3A_916 = tpu.vector_load %arg9[%swap3A_915] {strides = array<i32>} : memref<1024xi32, #tpu.memory_space<vmem>>, vector<16xi32>,
    tpu.vector_store %arg9[%swap3A_915], %mul3A_914 {strides = array<i32>} : memref<1024xi32, #tpu.memory_space<vmem>>, vector<16xi32>,
    %get3A_917 = arith.constant 512 : index
    %get3A_918 = tpu.vector_load %arg6[%get3A_917] {strides = array<i32>} : memref<1024xi32, #tpu.memory_space<vmem>>, vector<16xi32>,
    %add3A_919 = arith.constant 512 : i32
    %add3A_920 = arith.addi %mul3A_2, %add3A_919 : i32
    %add3A_921 = vector.broadcast %add3A_920 : i32 to vector<16xi32>
    %add3A_922 = arith.addi %add3A_921, %iota3A : vector<16xi32>
    %mul3A_923 = arith.constant 91 : i32
    %mul3A_924 = vector.broadcast %mul3A_923 : i32 to vector<16xi32>
    %mul3A_925 = arith.muli %add3A_922, %mul3A_924 : vector<16xi32>
    %add3A_926 = arith.addi %mul3A_925, %get3A_918 : vector<16xi32>
    %min3A_927 = arith.constant 2911999 : i32
    %min3A_928 = vector.broadcast %min3A_927 : i32 to vector<16xi32>
    %min3A_929 = arith.minsi %add3A_926, %min3A_928 : vector<16xi32>
    %shift_right_arithmetic3A_930 = arith.constant 5 : i32
    %shift_right_arithmetic3A_931 = vector.broadcast %shift_right_arithmetic3A_930 : i32 to vector<16xi32>
    %shift_right_arithmetic3A_932 = arith.shrsi %min3A_929, %shift_right_arithmetic3A_931 : vector<16xi32>
    %swap3A_933 = arith.constant 4 : i32
    %swap3A_934 = arith.index_cast %swap3A_933 : i32 to index
    %swap3A_935 = arith.constant 0 : index
    %swap3A_936 = tpu.vector_load %arg8[%swap3A_934, %swap3A_935] {strides = array<i32>} : memref<8x128xi32, #tpu.memory_space<vmem>>, vector<16xi32>,
    tpu.vector_store %arg8[%swap3A_934, %swap3A_935], %shift_right_arithmetic3A_932 {strides = array<i32>} : memref<8x128xi32, #tpu.memory_space<vmem>>, vector<16xi32>,
    %and3A_937 = arith.constant 31 : i32
    %and3A_938 = vector.broadcast %and3A_937 : i32 to vector<16xi32>
    %and3A_939 = arith.andi %min3A_929, %and3A_938 : vector<16xi32>
    %mul3A_940 = arith.constant 4 : i32
    %mul3A_941 = vector.broadcast %mul3A_940 : i32 to vector<16xi32>
    %mul3A_942 = arith.muli %and3A_939, %mul3A_941 : vector<16xi32>
    %swap3A_943 = arith.constant 512 : index
    %swap3A_944 = tpu.vector_load %arg9[%swap3A_943] {strides = array<i32>} : memref<1024xi32, #tpu.memory_space<vmem>>, vector<16xi32>,
    tpu.vector_store %arg9[%swap3A_943], %mul3A_942 {strides = array<i32>} : memref<1024xi32, #tpu.memory_space<vmem>>, vector<16xi32>,
    %get3A_945 = arith.constant 528 : index
    %get3A_946 = tpu.vector_load %arg6[%get3A_945] {strides = array<i32>} : memref<1024xi32, #tpu.memory_space<vmem>>, vector<16xi32>,
    %add3A_947 = arith.constant 528 : i32
    %add3A_948 = arith.addi %mul3A_2, %add3A_947 : i32
    %add3A_949 = vector.broadcast %add3A_948 : i32 to vector<16xi32>
    %add3A_950 = arith.addi %add3A_949, %iota3A : vector<16xi32>
    %mul3A_951 = arith.constant 91 : i32
    %mul3A_952 = vector.broadcast %mul3A_951 : i32 to vector<16xi32>
    %mul3A_953 = arith.muli %add3A_950, %mul3A_952 : vector<16xi32>
    %add3A_954 = arith.addi %mul3A_953, %get3A_946 : vector<16xi32>
    %min3A_955 = arith.constant 2911999 : i32
    %min3A_956 = vector.broadcast %min3A_955 : i32 to vector<16xi32>
    %min3A_957 = arith.minsi %add3A_954, %min3A_956 : vector<16xi32>
    %shift_right_arithmetic3A_958 = arith.constant 5 : i32
    %shift_right_arithmetic3A_959 = vector.broadcast %shift_right_arithmetic3A_958 : i32 to vector<16xi32>
    %shift_right_arithmetic3A_960 = arith.shrsi %min3A_957, %shift_right_arithmetic3A_959 : vector<16xi32>
    %swap3A_961 = arith.constant 4 : i32
    %swap3A_962 = arith.index_cast %swap3A_961 : i32 to index
    %swap3A_963 = arith.constant 16 : index
    %swap3A_964 = tpu.vector_load %arg8[%swap3A_962, %swap3A_963] {strides = array<i32>} : memref<8x128xi32, #tpu.memory_space<vmem>>, vector<16xi32>,
    tpu.vector_store %arg8[%swap3A_962, %swap3A_963], %shift_right_arithmetic3A_960 {strides = array<i32>} : memref<8x128xi32, #tpu.memory_space<vmem>>, vector<16xi32>,
    %and3A_965 = arith.constant 31 : i32
    %and3A_966 = vector.broadcast %and3A_965 : i32 to vector<16xi32>
    %and3A_967 = arith.andi %min3A_957, %and3A_966 : vector<16xi32>
    %mul3A_968 = arith.constant 4 : i32
    %mul3A_969 = vector.broadcast %mul3A_968 : i32 to vector<16xi32>
    %mul3A_970 = arith.muli %and3A_967, %mul3A_969 : vector<16xi32>
    %swap3A_971 = arith.constant 528 : index
    %swap3A_972 = tpu.vector_load %arg9[%swap3A_971] {strides = array<i32>} : memref<1024xi32, #tpu.memory_space<vmem>>, vector<16xi32>,
    tpu.vector_store %arg9[%swap3A_971], %mul3A_970 {strides = array<i32>} : memref<1024xi32, #tpu.memory_space<vmem>>, vector<16xi32>,
    %get3A_973 = arith.constant 544 : index
    %get3A_974 = tpu.vector_load %arg6[%get3A_973] {strides = array<i32>} : memref<1024xi32, #tpu.memory_space<vmem>>, vector<16xi32>,
    %add3A_975 = arith.constant 544 : i32
    %add3A_976 = arith.addi %mul3A_2, %add3A_975 : i32
    %add3A_977 = vector.broadcast %add3A_976 : i32 to vector<16xi32>
    %add3A_978 = arith.addi %add3A_977, %iota3A : vector<16xi32>
    %mul3A_979 = arith.constant 91 : i32
    %mul3A_980 = vector.broadcast %mul3A_979 : i32 to vector<16xi32>
    %mul3A_981 = arith.muli %add3A_978, %mul3A_980 : vector<16xi32>
    %add3A_982 = arith.addi %mul3A_981, %get3A_974 : vector<16xi32>
    %min3A_983 = arith.constant 2911999 : i32
    %min3A_984 = vector.broadcast %min3A_983 : i32 to vector<16xi32>
    %min3A_985 = arith.minsi %add3A_982, %min3A_984 : vector<16xi32>
    %shift_right_arithmetic3A_986 = arith.constant 5 : i32
    %shift_right_arithmetic3A_987 = vector.broadcast %shift_right_arithmetic3A_986 : i32 to vector<16xi32>
    %shift_right_arithmetic3A_988 = arith.shrsi %min3A_985, %shift_right_arithmetic3A_987 : vector<16xi32>
    %swap3A_989 = arith.constant 4 : i32
    %swap3A_990 = arith.index_cast %swap3A_989 : i32 to index
    %swap3A_991 = arith.constant 32 : index
    %swap3A_992 = tpu.vector_load %arg8[%swap3A_990, %swap3A_991] {strides = array<i32>} : memref<8x128xi32, #tpu.memory_space<vmem>>, vector<16xi32>,
    tpu.vector_store %arg8[%swap3A_990, %swap3A_991], %shift_right_arithmetic3A_988 {strides = array<i32>} : memref<8x128xi32, #tpu.memory_space<vmem>>, vector<16xi32>,
    %and3A_993 = arith.constant 31 : i32
    %and3A_994 = vector.broadcast %and3A_993 : i32 to vector<16xi32>
    %and3A_995 = arith.andi %min3A_985, %and3A_994 : vector<16xi32>
    %mul3A_996 = arith.constant 4 : i32
    %mul3A_997 = vector.broadcast %mul3A_996 : i32 to vector<16xi32>
    %mul3A_998 = arith.muli %and3A_995, %mul3A_997 : vector<16xi32>
    %swap3A_999 = arith.constant 544 : index
    %swap3A_1000 = tpu.vector_load %arg9[%swap3A_999] {strides = array<i32>} : memref<1024xi32, #tpu.memory_space<vmem>>, vector<16xi32>,
    tpu.vector_store %arg9[%swap3A_999], %mul3A_998 {strides = array<i32>} : memref<1024xi32, #tpu.memory_space<vmem>>, vector<16xi32>,
    %get3A_1001 = arith.constant 560 : index
    %get3A_1002 = tpu.vector_load %arg6[%get3A_1001] {strides = array<i32>} : memref<1024xi32, #tpu.memory_space<vmem>>, vector<16xi32>,
    %add3A_1003 = arith.constant 560 : i32
    %add3A_1004 = arith.addi %mul3A_2, %add3A_1003 : i32
    %add3A_1005 = vector.broadcast %add3A_1004 : i32 to vector<16xi32>
    %add3A_1006 = arith.addi %add3A_1005, %iota3A : vector<16xi32>
    %mul3A_1007 = arith.constant 91 : i32
    %mul3A_1008 = vector.broadcast %mul3A_1007 : i32 to vector<16xi32>
    %mul3A_1009 = arith.muli %add3A_1006, %mul3A_1008 : vector<16xi32>
    %add3A_1010 = arith.addi %mul3A_1009, %get3A_1002 : vector<16xi32>
    %min3A_1011 = arith.constant 2911999 : i32
    %min3A_1012 = vector.broadcast %min3A_1011 : i32 to vector<16xi32>
    %min3A_1013 = arith.minsi %add3A_1010, %min3A_1012 : vector<16xi32>
    %shift_right_arithmetic3A_1014 = arith.constant 5 : i32
    %shift_right_arithmetic3A_1015 = vector.broadcast %shift_right_arithmetic3A_1014 : i32 to vector<16xi32>
    %shift_right_arithmetic3A_1016 = arith.shrsi %min3A_1013, %shift_right_arithmetic3A_1015 : vector<16xi32>
    %swap3A_1017 = arith.constant 4 : i32
    %swap3A_1018 = arith.index_cast %swap3A_1017 : i32 to index
    %swap3A_1019 = arith.constant 48 : index
    %swap3A_1020 = tpu.vector_load %arg8[%swap3A_1018, %swap3A_1019] {strides = array<i32>} : memref<8x128xi32, #tpu.memory_space<vmem>>, vector<16xi32>,
    tpu.vector_store %arg8[%swap3A_1018, %swap3A_1019], %shift_right_arithmetic3A_1016 {strides = array<i32>} : memref<8x128xi32, #tpu.memory_space<vmem>>, vector<16xi32>,
    %and3A_1021 = arith.constant 31 : i32
    %and3A_1022 = vector.broadcast %and3A_1021 : i32 to vector<16xi32>
    %and3A_1023 = arith.andi %min3A_1013, %and3A_1022 : vector<16xi32>
    %mul3A_1024 = arith.constant 4 : i32
    %mul3A_1025 = vector.broadcast %mul3A_1024 : i32 to vector<16xi32>
    %mul3A_1026 = arith.muli %and3A_1023, %mul3A_1025 : vector<16xi32>
    %swap3A_1027 = arith.constant 560 : index
    %swap3A_1028 = tpu.vector_load %arg9[%swap3A_1027] {strides = array<i32>} : memref<1024xi32, #tpu.memory_space<vmem>>, vector<16xi32>,
    tpu.vector_store %arg9[%swap3A_1027], %mul3A_1026 {strides = array<i32>} : memref<1024xi32, #tpu.memory_space<vmem>>, vector<16xi32>,
    %get3A_1029 = arith.constant 576 : index
    %get3A_1030 = tpu.vector_load %arg6[%get3A_1029] {strides = array<i32>} : memref<1024xi32, #tpu.memory_space<vmem>>, vector<16xi32>,
    %add3A_1031 = arith.constant 576 : i32
    %add3A_1032 = arith.addi %mul3A_2, %add3A_1031 : i32
    %add3A_1033 = vector.broadcast %add3A_1032 : i32 to vector<16xi32>
    %add3A_1034 = arith.addi %add3A_1033, %iota3A : vector<16xi32>
    %mul3A_1035 = arith.constant 91 : i32
    %mul3A_1036 = vector.broadcast %mul3A_1035 : i32 to vector<16xi32>
    %mul3A_1037 = arith.muli %add3A_1034, %mul3A_1036 : vector<16xi32>
    %add3A_1038 = arith.addi %mul3A_1037, %get3A_1030 : vector<16xi32>
    %min3A_1039 = arith.constant 2911999 : i32
    %min3A_1040 = vector.broadcast %min3A_1039 : i32 to vector<16xi32>
    %min3A_1041 = arith.minsi %add3A_1038, %min3A_1040 : vector<16xi32>
    %shift_right_arithmetic3A_1042 = arith.constant 5 : i32
    %shift_right_arithmetic3A_1043 = vector.broadcast %shift_right_arithmetic3A_1042 : i32 to vector<16xi32>
    %shift_right_arithmetic3A_1044 = arith.shrsi %min3A_1041, %shift_right_arithmetic3A_1043 : vector<16xi32>
    %swap3A_1045 = arith.constant 4 : i32
    %swap3A_1046 = arith.index_cast %swap3A_1045 : i32 to index
    %swap3A_1047 = arith.constant 64 : index
    %swap3A_1048 = tpu.vector_load %arg8[%swap3A_1046, %swap3A_1047] {strides = array<i32>} : memref<8x128xi32, #tpu.memory_space<vmem>>, vector<16xi32>,
    tpu.vector_store %arg8[%swap3A_1046, %swap3A_1047], %shift_right_arithmetic3A_1044 {strides = array<i32>} : memref<8x128xi32, #tpu.memory_space<vmem>>, vector<16xi32>,
    %and3A_1049 = arith.constant 31 : i32
    %and3A_1050 = vector.broadcast %and3A_1049 : i32 to vector<16xi32>
    %and3A_1051 = arith.andi %min3A_1041, %and3A_1050 : vector<16xi32>
    %mul3A_1052 = arith.constant 4 : i32
    %mul3A_1053 = vector.broadcast %mul3A_1052 : i32 to vector<16xi32>
    %mul3A_1054 = arith.muli %and3A_1051, %mul3A_1053 : vector<16xi32>
    %swap3A_1055 = arith.constant 576 : index
    %swap3A_1056 = tpu.vector_load %arg9[%swap3A_1055] {strides = array<i32>} : memref<1024xi32, #tpu.memory_space<vmem>>, vector<16xi32>,
    tpu.vector_store %arg9[%swap3A_1055], %mul3A_1054 {strides = array<i32>} : memref<1024xi32, #tpu.memory_space<vmem>>, vector<16xi32>,
    %get3A_1057 = arith.constant 592 : index
    %get3A_1058 = tpu.vector_load %arg6[%get3A_1057] {strides = array<i32>} : memref<1024xi32, #tpu.memory_space<vmem>>, vector<16xi32>,
    %add3A_1059 = arith.constant 592 : i32
    %add3A_1060 = arith.addi %mul3A_2, %add3A_1059 : i32
    %add3A_1061 = vector.broadcast %add3A_1060 : i32 to vector<16xi32>
    %add3A_1062 = arith.addi %add3A_1061, %iota3A : vector<16xi32>
    %mul3A_1063 = arith.constant 91 : i32
    %mul3A_1064 = vector.broadcast %mul3A_1063 : i32 to vector<16xi32>
    %mul3A_1065 = arith.muli %add3A_1062, %mul3A_1064 : vector<16xi32>
    %add3A_1066 = arith.addi %mul3A_1065, %get3A_1058 : vector<16xi32>
    %min3A_1067 = arith.constant 2911999 : i32
    %min3A_1068 = vector.broadcast %min3A_1067 : i32 to vector<16xi32>
    %min3A_1069 = arith.minsi %add3A_1066, %min3A_1068 : vector<16xi32>
    %shift_right_arithmetic3A_1070 = arith.constant 5 : i32
    %shift_right_arithmetic3A_1071 = vector.broadcast %shift_right_arithmetic3A_1070 : i32 to vector<16xi32>
    %shift_right_arithmetic3A_1072 = arith.shrsi %min3A_1069, %shift_right_arithmetic3A_1071 : vector<16xi32>
    %swap3A_1073 = arith.constant 4 : i32
    %swap3A_1074 = arith.index_cast %swap3A_1073 : i32 to index
    %swap3A_1075 = arith.constant 80 : index
    %swap3A_1076 = tpu.vector_load %arg8[%swap3A_1074, %swap3A_1075] {strides = array<i32>} : memref<8x128xi32, #tpu.memory_space<vmem>>, vector<16xi32>,
    tpu.vector_store %arg8[%swap3A_1074, %swap3A_1075], %shift_right_arithmetic3A_1072 {strides = array<i32>} : memref<8x128xi32, #tpu.memory_space<vmem>>, vector<16xi32>,
    %and3A_1077 = arith.constant 31 : i32
    %and3A_1078 = vector.broadcast %and3A_1077 : i32 to vector<16xi32>
    %and3A_1079 = arith.andi %min3A_1069, %and3A_1078 : vector<16xi32>
    %mul3A_1080 = arith.constant 4 : i32
    %mul3A_1081 = vector.broadcast %mul3A_1080 : i32 to vector<16xi32>
    %mul3A_1082 = arith.muli %and3A_1079, %mul3A_1081 : vector<16xi32>
    %swap3A_1083 = arith.constant 592 : index
    %swap3A_1084 = tpu.vector_load %arg9[%swap3A_1083] {strides = array<i32>} : memref<1024xi32, #tpu.memory_space<vmem>>, vector<16xi32>,
    tpu.vector_store %arg9[%swap3A_1083], %mul3A_1082 {strides = array<i32>} : memref<1024xi32, #tpu.memory_space<vmem>>, vector<16xi32>,
    %get3A_1085 = arith.constant 608 : index
    %get3A_1086 = tpu.vector_load %arg6[%get3A_1085] {strides = array<i32>} : memref<1024xi32, #tpu.memory_space<vmem>>, vector<16xi32>,
    %add3A_1087 = arith.constant 608 : i32
    %add3A_1088 = arith.addi %mul3A_2, %add3A_1087 : i32
    %add3A_1089 = vector.broadcast %add3A_1088 : i32 to vector<16xi32>
    %add3A_1090 = arith.addi %add3A_1089, %iota3A : vector<16xi32>
    %mul3A_1091 = arith.constant 91 : i32
    %mul3A_1092 = vector.broadcast %mul3A_1091 : i32 to vector<16xi32>
    %mul3A_1093 = arith.muli %add3A_1090, %mul3A_1092 : vector<16xi32>
    %add3A_1094 = arith.addi %mul3A_1093, %get3A_1086 : vector<16xi32>
    %min3A_1095 = arith.constant 2911999 : i32
    %min3A_1096 = vector.broadcast %min3A_1095 : i32 to vector<16xi32>
    %min3A_1097 = arith.minsi %add3A_1094, %min3A_1096 : vector<16xi32>
    %shift_right_arithmetic3A_1098 = arith.constant 5 : i32
    %shift_right_arithmetic3A_1099 = vector.broadcast %shift_right_arithmetic3A_1098 : i32 to vector<16xi32>
    %shift_right_arithmetic3A_1100 = arith.shrsi %min3A_1097, %shift_right_arithmetic3A_1099 : vector<16xi32>
    %swap3A_1101 = arith.constant 4 : i32
    %swap3A_1102 = arith.index_cast %swap3A_1101 : i32 to index
    %swap3A_1103 = arith.constant 96 : index
    %swap3A_1104 = tpu.vector_load %arg8[%swap3A_1102, %swap3A_1103] {strides = array<i32>} : memref<8x128xi32, #tpu.memory_space<vmem>>, vector<16xi32>,
    tpu.vector_store %arg8[%swap3A_1102, %swap3A_1103], %shift_right_arithmetic3A_1100 {strides = array<i32>} : memref<8x128xi32, #tpu.memory_space<vmem>>, vector<16xi32>,
    %and3A_1105 = arith.constant 31 : i32
    %and3A_1106 = vector.broadcast %and3A_1105 : i32 to vector<16xi32>
    %and3A_1107 = arith.andi %min3A_1097, %and3A_1106 : vector<16xi32>
    %mul3A_1108 = arith.constant 4 : i32
    %mul3A_1109 = vector.broadcast %mul3A_1108 : i32 to vector<16xi32>
    %mul3A_1110 = arith.muli %and3A_1107, %mul3A_1109 : vector<16xi32>
    %swap3A_1111 = arith.constant 608 : index
    %swap3A_1112 = tpu.vector_load %arg9[%swap3A_1111] {strides = array<i32>} : memref<1024xi32, #tpu.memory_space<vmem>>, vector<16xi32>,
    tpu.vector_store %arg9[%swap3A_1111], %mul3A_1110 {strides = array<i32>} : memref<1024xi32, #tpu.memory_space<vmem>>, vector<16xi32>,
    %get3A_1113 = arith.constant 624 : index
    %get3A_1114 = tpu.vector_load %arg6[%get3A_1113] {strides = array<i32>} : memref<1024xi32, #tpu.memory_space<vmem>>, vector<16xi32>,
    %add3A_1115 = arith.constant 624 : i32
    %add3A_1116 = arith.addi %mul3A_2, %add3A_1115 : i32
    %add3A_1117 = vector.broadcast %add3A_1116 : i32 to vector<16xi32>
    %add3A_1118 = arith.addi %add3A_1117, %iota3A : vector<16xi32>
    %mul3A_1119 = arith.constant 91 : i32
    %mul3A_1120 = vector.broadcast %mul3A_1119 : i32 to vector<16xi32>
    %mul3A_1121 = arith.muli %add3A_1118, %mul3A_1120 : vector<16xi32>
    %add3A_1122 = arith.addi %mul3A_1121, %get3A_1114 : vector<16xi32>
    %min3A_1123 = arith.constant 2911999 : i32
    %min3A_1124 = vector.broadcast %min3A_1123 : i32 to vector<16xi32>
    %min3A_1125 = arith.minsi %add3A_1122, %min3A_1124 : vector<16xi32>
    %shift_right_arithmetic3A_1126 = arith.constant 5 : i32
    %shift_right_arithmetic3A_1127 = vector.broadcast %shift_right_arithmetic3A_1126 : i32 to vector<16xi32>
    %shift_right_arithmetic3A_1128 = arith.shrsi %min3A_1125, %shift_right_arithmetic3A_1127 : vector<16xi32>
    %swap3A_1129 = arith.constant 4 : i32
    %swap3A_1130 = arith.index_cast %swap3A_1129 : i32 to index
    %swap3A_1131 = arith.constant 112 : index
    %swap3A_1132 = tpu.vector_load %arg8[%swap3A_1130, %swap3A_1131] {strides = array<i32>} : memref<8x128xi32, #tpu.memory_space<vmem>>, vector<16xi32>,
    tpu.vector_store %arg8[%swap3A_1130, %swap3A_1131], %shift_right_arithmetic3A_1128 {strides = array<i32>} : memref<8x128xi32, #tpu.memory_space<vmem>>, vector<16xi32>,
    %and3A_1133 = arith.constant 31 : i32
    %and3A_1134 = vector.broadcast %and3A_1133 : i32 to vector<16xi32>
    %and3A_1135 = arith.andi %min3A_1125, %and3A_1134 : vector<16xi32>
    %mul3A_1136 = arith.constant 4 : i32
    %mul3A_1137 = vector.broadcast %mul3A_1136 : i32 to vector<16xi32>
    %mul3A_1138 = arith.muli %and3A_1135, %mul3A_1137 : vector<16xi32>
    %swap3A_1139 = arith.constant 624 : index
    %swap3A_1140 = tpu.vector_load %arg9[%swap3A_1139] {strides = array<i32>} : memref<1024xi32, #tpu.memory_space<vmem>>, vector<16xi32>,
    tpu.vector_store %arg9[%swap3A_1139], %mul3A_1138 {strides = array<i32>} : memref<1024xi32, #tpu.memory_space<vmem>>, vector<16xi32>,
    %get3A_1141 = arith.constant 640 : index
    %get3A_1142 = tpu.vector_load %arg6[%get3A_1141] {strides = array<i32>} : memref<1024xi32, #tpu.memory_space<vmem>>, vector<16xi32>,
    %add3A_1143 = arith.constant 640 : i32
    %add3A_1144 = arith.addi %mul3A_2, %add3A_1143 : i32
    %add3A_1145 = vector.broadcast %add3A_1144 : i32 to vector<16xi32>
    %add3A_1146 = arith.addi %add3A_1145, %iota3A : vector<16xi32>
    %mul3A_1147 = arith.constant 91 : i32
    %mul3A_1148 = vector.broadcast %mul3A_1147 : i32 to vector<16xi32>
    %mul3A_1149 = arith.muli %add3A_1146, %mul3A_1148 : vector<16xi32>
    %add3A_1150 = arith.addi %mul3A_1149, %get3A_1142 : vector<16xi32>
    %min3A_1151 = arith.constant 2911999 : i32
    %min3A_1152 = vector.broadcast %min3A_1151 : i32 to vector<16xi32>
    %min3A_1153 = arith.minsi %add3A_1150, %min3A_1152 : vector<16xi32>
    %shift_right_arithmetic3A_1154 = arith.constant 5 : i32
    %shift_right_arithmetic3A_1155 = vector.broadcast %shift_right_arithmetic3A_1154 : i32 to vector<16xi32>
    %shift_right_arithmetic3A_1156 = arith.shrsi %min3A_1153, %shift_right_arithmetic3A_1155 : vector<16xi32>
    %swap3A_1157 = arith.constant 5 : i32
    %swap3A_1158 = arith.index_cast %swap3A_1157 : i32 to index
    %swap3A_1159 = arith.constant 0 : index
    %swap3A_1160 = tpu.vector_load %arg8[%swap3A_1158, %swap3A_1159] {strides = array<i32>} : memref<8x128xi32, #tpu.memory_space<vmem>>, vector<16xi32>,
    tpu.vector_store %arg8[%swap3A_1158, %swap3A_1159], %shift_right_arithmetic3A_1156 {strides = array<i32>} : memref<8x128xi32, #tpu.memory_space<vmem>>, vector<16xi32>,
    %and3A_1161 = arith.constant 31 : i32
    %and3A_1162 = vector.broadcast %and3A_1161 : i32 to vector<16xi32>
    %and3A_1163 = arith.andi %min3A_1153, %and3A_1162 : vector<16xi32>
    %mul3A_1164 = arith.constant 4 : i32
    %mul3A_1165 = vector.broadcast %mul3A_1164 : i32 to vector<16xi32>
    %mul3A_1166 = arith.muli %and3A_1163, %mul3A_1165 : vector<16xi32>
    %swap3A_1167 = arith.constant 640 : index
    %swap3A_1168 = tpu.vector_load %arg9[%swap3A_1167] {strides = array<i32>} : memref<1024xi32, #tpu.memory_space<vmem>>, vector<16xi32>,
    tpu.vector_store %arg9[%swap3A_1167], %mul3A_1166 {strides = array<i32>} : memref<1024xi32, #tpu.memory_space<vmem>>, vector<16xi32>,
    %get3A_1169 = arith.constant 656 : index
    %get3A_1170 = tpu.vector_load %arg6[%get3A_1169] {strides = array<i32>} : memref<1024xi32, #tpu.memory_space<vmem>>, vector<16xi32>,
    %add3A_1171 = arith.constant 656 : i32
    %add3A_1172 = arith.addi %mul3A_2, %add3A_1171 : i32
    %add3A_1173 = vector.broadcast %add3A_1172 : i32 to vector<16xi32>
    %add3A_1174 = arith.addi %add3A_1173, %iota3A : vector<16xi32>
    %mul3A_1175 = arith.constant 91 : i32
    %mul3A_1176 = vector.broadcast %mul3A_1175 : i32 to vector<16xi32>
    %mul3A_1177 = arith.muli %add3A_1174, %mul3A_1176 : vector<16xi32>
    %add3A_1178 = arith.addi %mul3A_1177, %get3A_1170 : vector<16xi32>
    %min3A_1179 = arith.constant 2911999 : i32
    %min3A_1180 = vector.broadcast %min3A_1179 : i32 to vector<16xi32>
    %min3A_1181 = arith.minsi %add3A_1178, %min3A_1180 : vector<16xi32>
    %shift_right_arithmetic3A_1182 = arith.constant 5 : i32
    %shift_right_arithmetic3A_1183 = vector.broadcast %shift_right_arithmetic3A_1182 : i32 to vector<16xi32>
    %shift_right_arithmetic3A_1184 = arith.shrsi %min3A_1181, %shift_right_arithmetic3A_1183 : vector<16xi32>
    %swap3A_1185 = arith.constant 5 : i32
    %swap3A_1186 = arith.index_cast %swap3A_1185 : i32 to index
    %swap3A_1187 = arith.constant 16 : index
    %swap3A_1188 = tpu.vector_load %arg8[%swap3A_1186, %swap3A_1187] {strides = array<i32>} : memref<8x128xi32, #tpu.memory_space<vmem>>, vector<16xi32>,
    tpu.vector_store %arg8[%swap3A_1186, %swap3A_1187], %shift_right_arithmetic3A_1184 {strides = array<i32>} : memref<8x128xi32, #tpu.memory_space<vmem>>, vector<16xi32>,
    %and3A_1189 = arith.constant 31 : i32
    %and3A_1190 = vector.broadcast %and3A_1189 : i32 to vector<16xi32>
    %and3A_1191 = arith.andi %min3A_1181, %and3A_1190 : vector<16xi32>
    %mul3A_1192 = arith.constant 4 : i32
    %mul3A_1193 = vector.broadcast %mul3A_1192 : i32 to vector<16xi32>
    %mul3A_1194 = arith.muli %and3A_1191, %mul3A_1193 : vector<16xi32>
    %swap3A_1195 = arith.constant 656 : index
    %swap3A_1196 = tpu.vector_load %arg9[%swap3A_1195] {strides = array<i32>} : memref<1024xi32, #tpu.memory_space<vmem>>, vector<16xi32>,
    tpu.vector_store %arg9[%swap3A_1195], %mul3A_1194 {strides = array<i32>} : memref<1024xi32, #tpu.memory_space<vmem>>, vector<16xi32>,
    %get3A_1197 = arith.constant 672 : index
    %get3A_1198 = tpu.vector_load %arg6[%get3A_1197] {strides = array<i32>} : memref<1024xi32, #tpu.memory_space<vmem>>, vector<16xi32>,
    %add3A_1199 = arith.constant 672 : i32
    %add3A_1200 = arith.addi %mul3A_2, %add3A_1199 : i32
    %add3A_1201 = vector.broadcast %add3A_1200 : i32 to vector<16xi32>
    %add3A_1202 = arith.addi %add3A_1201, %iota3A : vector<16xi32>
    %mul3A_1203 = arith.constant 91 : i32
    %mul3A_1204 = vector.broadcast %mul3A_1203 : i32 to vector<16xi32>
    %mul3A_1205 = arith.muli %add3A_1202, %mul3A_1204 : vector<16xi32>
    %add3A_1206 = arith.addi %mul3A_1205, %get3A_1198 : vector<16xi32>
    %min3A_1207 = arith.constant 2911999 : i32
    %min3A_1208 = vector.broadcast %min3A_1207 : i32 to vector<16xi32>
    %min3A_1209 = arith.minsi %add3A_1206, %min3A_1208 : vector<16xi32>
    %shift_right_arithmetic3A_1210 = arith.constant 5 : i32
    %shift_right_arithmetic3A_1211 = vector.broadcast %shift_right_arithmetic3A_1210 : i32 to vector<16xi32>
    %shift_right_arithmetic3A_1212 = arith.shrsi %min3A_1209, %shift_right_arithmetic3A_1211 : vector<16xi32>
    %swap3A_1213 = arith.constant 5 : i32
    %swap3A_1214 = arith.index_cast %swap3A_1213 : i32 to index
    %swap3A_1215 = arith.constant 32 : index
    %swap3A_1216 = tpu.vector_load %arg8[%swap3A_1214, %swap3A_1215] {strides = array<i32>} : memref<8x128xi32, #tpu.memory_space<vmem>>, vector<16xi32>,
    tpu.vector_store %arg8[%swap3A_1214, %swap3A_1215], %shift_right_arithmetic3A_1212 {strides = array<i32>} : memref<8x128xi32, #tpu.memory_space<vmem>>, vector<16xi32>,
    %and3A_1217 = arith.constant 31 : i32
    %and3A_1218 = vector.broadcast %and3A_1217 : i32 to vector<16xi32>
    %and3A_1219 = arith.andi %min3A_1209, %and3A_1218 : vector<16xi32>
    %mul3A_1220 = arith.constant 4 : i32
    %mul3A_1221 = vector.broadcast %mul3A_1220 : i32 to vector<16xi32>
    %mul3A_1222 = arith.muli %and3A_1219, %mul3A_1221 : vector<16xi32>
    %swap3A_1223 = arith.constant 672 : index
    %swap3A_1224 = tpu.vector_load %arg9[%swap3A_1223] {strides = array<i32>} : memref<1024xi32, #tpu.memory_space<vmem>>, vector<16xi32>,
    tpu.vector_store %arg9[%swap3A_1223], %mul3A_1222 {strides = array<i32>} : memref<1024xi32, #tpu.memory_space<vmem>>, vector<16xi32>,
    %get3A_1225 = arith.constant 688 : index
    %get3A_1226 = tpu.vector_load %arg6[%get3A_1225] {strides = array<i32>} : memref<1024xi32, #tpu.memory_space<vmem>>, vector<16xi32>,
    %add3A_1227 = arith.constant 688 : i32
    %add3A_1228 = arith.addi %mul3A_2, %add3A_1227 : i32
    %add3A_1229 = vector.broadcast %add3A_1228 : i32 to vector<16xi32>
    %add3A_1230 = arith.addi %add3A_1229, %iota3A : vector<16xi32>
    %mul3A_1231 = arith.constant 91 : i32
    %mul3A_1232 = vector.broadcast %mul3A_1231 : i32 to vector<16xi32>
    %mul3A_1233 = arith.muli %add3A_1230, %mul3A_1232 : vector<16xi32>
    %add3A_1234 = arith.addi %mul3A_1233, %get3A_1226 : vector<16xi32>
    %min3A_1235 = arith.constant 2911999 : i32
    %min3A_1236 = vector.broadcast %min3A_1235 : i32 to vector<16xi32>
    %min3A_1237 = arith.minsi %add3A_1234, %min3A_1236 : vector<16xi32>
    %shift_right_arithmetic3A_1238 = arith.constant 5 : i32
    %shift_right_arithmetic3A_1239 = vector.broadcast %shift_right_arithmetic3A_1238 : i32 to vector<16xi32>
    %shift_right_arithmetic3A_1240 = arith.shrsi %min3A_1237, %shift_right_arithmetic3A_1239 : vector<16xi32>
    %swap3A_1241 = arith.constant 5 : i32
    %swap3A_1242 = arith.index_cast %swap3A_1241 : i32 to index
    %swap3A_1243 = arith.constant 48 : index
    %swap3A_1244 = tpu.vector_load %arg8[%swap3A_1242, %swap3A_1243] {strides = array<i32>} : memref<8x128xi32, #tpu.memory_space<vmem>>, vector<16xi32>,
    tpu.vector_store %arg8[%swap3A_1242, %swap3A_1243], %shift_right_arithmetic3A_1240 {strides = array<i32>} : memref<8x128xi32, #tpu.memory_space<vmem>>, vector<16xi32>,
    %and3A_1245 = arith.constant 31 : i32
    %and3A_1246 = vector.broadcast %and3A_1245 : i32 to vector<16xi32>
    %and3A_1247 = arith.andi %min3A_1237, %and3A_1246 : vector<16xi32>
    %mul3A_1248 = arith.constant 4 : i32
    %mul3A_1249 = vector.broadcast %mul3A_1248 : i32 to vector<16xi32>
    %mul3A_1250 = arith.muli %and3A_1247, %mul3A_1249 : vector<16xi32>
    %swap3A_1251 = arith.constant 688 : index
    %swap3A_1252 = tpu.vector_load %arg9[%swap3A_1251] {strides = array<i32>} : memref<1024xi32, #tpu.memory_space<vmem>>, vector<16xi32>,
    tpu.vector_store %arg9[%swap3A_1251], %mul3A_1250 {strides = array<i32>} : memref<1024xi32, #tpu.memory_space<vmem>>, vector<16xi32>,
    %get3A_1253 = arith.constant 704 : index
    %get3A_1254 = tpu.vector_load %arg6[%get3A_1253] {strides = array<i32>} : memref<1024xi32, #tpu.memory_space<vmem>>, vector<16xi32>,
    %add3A_1255 = arith.constant 704 : i32
    %add3A_1256 = arith.addi %mul3A_2, %add3A_1255 : i32
    %add3A_1257 = vector.broadcast %add3A_1256 : i32 to vector<16xi32>
    %add3A_1258 = arith.addi %add3A_1257, %iota3A : vector<16xi32>
    %mul3A_1259 = arith.constant 91 : i32
    %mul3A_1260 = vector.broadcast %mul3A_1259 : i32 to vector<16xi32>
    %mul3A_1261 = arith.muli %add3A_1258, %mul3A_1260 : vector<16xi32>
    %add3A_1262 = arith.addi %mul3A_1261, %get3A_1254 : vector<16xi32>
    %min3A_1263 = arith.constant 2911999 : i32
    %min3A_1264 = vector.broadcast %min3A_1263 : i32 to vector<16xi32>
    %min3A_1265 = arith.minsi %add3A_1262, %min3A_1264 : vector<16xi32>
    %shift_right_arithmetic3A_1266 = arith.constant 5 : i32
    %shift_right_arithmetic3A_1267 = vector.broadcast %shift_right_arithmetic3A_1266 : i32 to vector<16xi32>
    %shift_right_arithmetic3A_1268 = arith.shrsi %min3A_1265, %shift_right_arithmetic3A_1267 : vector<16xi32>
    %swap3A_1269 = arith.constant 5 : i32
    %swap3A_1270 = arith.index_cast %swap3A_1269 : i32 to index
    %swap3A_1271 = arith.constant 64 : index
    %swap3A_1272 = tpu.vector_load %arg8[%swap3A_1270, %swap3A_1271] {strides = array<i32>} : memref<8x128xi32, #tpu.memory_space<vmem>>, vector<16xi32>,
    tpu.vector_store %arg8[%swap3A_1270, %swap3A_1271], %shift_right_arithmetic3A_1268 {strides = array<i32>} : memref<8x128xi32, #tpu.memory_space<vmem>>, vector<16xi32>,
    %and3A_1273 = arith.constant 31 : i32
    %and3A_1274 = vector.broadcast %and3A_1273 : i32 to vector<16xi32>
    %and3A_1275 = arith.andi %min3A_1265, %and3A_1274 : vector<16xi32>
    %mul3A_1276 = arith.constant 4 : i32
    %mul3A_1277 = vector.broadcast %mul3A_1276 : i32 to vector<16xi32>
    %mul3A_1278 = arith.muli %and3A_1275, %mul3A_1277 : vector<16xi32>
    %swap3A_1279 = arith.constant 704 : index
    %swap3A_1280 = tpu.vector_load %arg9[%swap3A_1279] {strides = array<i32>} : memref<1024xi32, #tpu.memory_space<vmem>>, vector<16xi32>,
    tpu.vector_store %arg9[%swap3A_1279], %mul3A_1278 {strides = array<i32>} : memref<1024xi32, #tpu.memory_space<vmem>>, vector<16xi32>,
    %get3A_1281 = arith.constant 720 : index
    %get3A_1282 = tpu.vector_load %arg6[%get3A_1281] {strides = array<i32>} : memref<1024xi32, #tpu.memory_space<vmem>>, vector<16xi32>,
    %add3A_1283 = arith.constant 720 : i32
    %add3A_1284 = arith.addi %mul3A_2, %add3A_1283 : i32
    %add3A_1285 = vector.broadcast %add3A_1284 : i32 to vector<16xi32>
    %add3A_1286 = arith.addi %add3A_1285, %iota3A : vector<16xi32>
    %mul3A_1287 = arith.constant 91 : i32
    %mul3A_1288 = vector.broadcast %mul3A_1287 : i32 to vector<16xi32>
    %mul3A_1289 = arith.muli %add3A_1286, %mul3A_1288 : vector<16xi32>
    %add3A_1290 = arith.addi %mul3A_1289, %get3A_1282 : vector<16xi32>
    %min3A_1291 = arith.constant 2911999 : i32
    %min3A_1292 = vector.broadcast %min3A_1291 : i32 to vector<16xi32>
    %min3A_1293 = arith.minsi %add3A_1290, %min3A_1292 : vector<16xi32>
    %shift_right_arithmetic3A_1294 = arith.constant 5 : i32
    %shift_right_arithmetic3A_1295 = vector.broadcast %shift_right_arithmetic3A_1294 : i32 to vector<16xi32>
    %shift_right_arithmetic3A_1296 = arith.shrsi %min3A_1293, %shift_right_arithmetic3A_1295 : vector<16xi32>
    %swap3A_1297 = arith.constant 5 : i32
    %swap3A_1298 = arith.index_cast %swap3A_1297 : i32 to index
    %swap3A_1299 = arith.constant 80 : index
    %swap3A_1300 = tpu.vector_load %arg8[%swap3A_1298, %swap3A_1299] {strides = array<i32>} : memref<8x128xi32, #tpu.memory_space<vmem>>, vector<16xi32>,
    tpu.vector_store %arg8[%swap3A_1298, %swap3A_1299], %shift_right_arithmetic3A_1296 {strides = array<i32>} : memref<8x128xi32, #tpu.memory_space<vmem>>, vector<16xi32>,
    %and3A_1301 = arith.constant 31 : i32
    %and3A_1302 = vector.broadcast %and3A_1301 : i32 to vector<16xi32>
    %and3A_1303 = arith.andi %min3A_1293, %and3A_1302 : vector<16xi32>
    %mul3A_1304 = arith.constant 4 : i32
    %mul3A_1305 = vector.broadcast %mul3A_1304 : i32 to vector<16xi32>
    %mul3A_1306 = arith.muli %and3A_1303, %mul3A_1305 : vector<16xi32>
    %swap3A_1307 = arith.constant 720 : index
    %swap3A_1308 = tpu.vector_load %arg9[%swap3A_1307] {strides = array<i32>} : memref<1024xi32, #tpu.memory_space<vmem>>, vector<16xi32>,
    tpu.vector_store %arg9[%swap3A_1307], %mul3A_1306 {strides = array<i32>} : memref<1024xi32, #tpu.memory_space<vmem>>, vector<16xi32>,
    %get3A_1309 = arith.constant 736 : index
    %get3A_1310 = tpu.vector_load %arg6[%get3A_1309] {strides = array<i32>} : memref<1024xi32, #tpu.memory_space<vmem>>, vector<16xi32>,
    %add3A_1311 = arith.constant 736 : i32
    %add3A_1312 = arith.addi %mul3A_2, %add3A_1311 : i32
    %add3A_1313 = vector.broadcast %add3A_1312 : i32 to vector<16xi32>
    %add3A_1314 = arith.addi %add3A_1313, %iota3A : vector<16xi32>
    %mul3A_1315 = arith.constant 91 : i32
    %mul3A_1316 = vector.broadcast %mul3A_1315 : i32 to vector<16xi32>
    %mul3A_1317 = arith.muli %add3A_1314, %mul3A_1316 : vector<16xi32>
    %add3A_1318 = arith.addi %mul3A_1317, %get3A_1310 : vector<16xi32>
    %min3A_1319 = arith.constant 2911999 : i32
    %min3A_1320 = vector.broadcast %min3A_1319 : i32 to vector<16xi32>
    %min3A_1321 = arith.minsi %add3A_1318, %min3A_1320 : vector<16xi32>
    %shift_right_arithmetic3A_1322 = arith.constant 5 : i32
    %shift_right_arithmetic3A_1323 = vector.broadcast %shift_right_arithmetic3A_1322 : i32 to vector<16xi32>
    %shift_right_arithmetic3A_1324 = arith.shrsi %min3A_1321, %shift_right_arithmetic3A_1323 : vector<16xi32>
    %swap3A_1325 = arith.constant 5 : i32
    %swap3A_1326 = arith.index_cast %swap3A_1325 : i32 to index
    %swap3A_1327 = arith.constant 96 : index
    %swap3A_1328 = tpu.vector_load %arg8[%swap3A_1326, %swap3A_1327] {strides = array<i32>} : memref<8x128xi32, #tpu.memory_space<vmem>>, vector<16xi32>,
    tpu.vector_store %arg8[%swap3A_1326, %swap3A_1327], %shift_right_arithmetic3A_1324 {strides = array<i32>} : memref<8x128xi32, #tpu.memory_space<vmem>>, vector<16xi32>,
    %and3A_1329 = arith.constant 31 : i32
    %and3A_1330 = vector.broadcast %and3A_1329 : i32 to vector<16xi32>
    %and3A_1331 = arith.andi %min3A_1321, %and3A_1330 : vector<16xi32>
    %mul3A_1332 = arith.constant 4 : i32
    %mul3A_1333 = vector.broadcast %mul3A_1332 : i32 to vector<16xi32>
    %mul3A_1334 = arith.muli %and3A_1331, %mul3A_1333 : vector<16xi32>
    %swap3A_1335 = arith.constant 736 : index
    %swap3A_1336 = tpu.vector_load %arg9[%swap3A_1335] {strides = array<i32>} : memref<1024xi32, #tpu.memory_space<vmem>>, vector<16xi32>,
    tpu.vector_store %arg9[%swap3A_1335], %mul3A_1334 {strides = array<i32>} : memref<1024xi32, #tpu.memory_space<vmem>>, vector<16xi32>,
    %get3A_1337 = arith.constant 752 : index
    %get3A_1338 = tpu.vector_load %arg6[%get3A_1337] {strides = array<i32>} : memref<1024xi32, #tpu.memory_space<vmem>>, vector<16xi32>,
    %add3A_1339 = arith.constant 752 : i32
    %add3A_1340 = arith.addi %mul3A_2, %add3A_1339 : i32
    %add3A_1341 = vector.broadcast %add3A_1340 : i32 to vector<16xi32>
    %add3A_1342 = arith.addi %add3A_1341, %iota3A : vector<16xi32>
    %mul3A_1343 = arith.constant 91 : i32
    %mul3A_1344 = vector.broadcast %mul3A_1343 : i32 to vector<16xi32>
    %mul3A_1345 = arith.muli %add3A_1342, %mul3A_1344 : vector<16xi32>
    %add3A_1346 = arith.addi %mul3A_1345, %get3A_1338 : vector<16xi32>
    %min3A_1347 = arith.constant 2911999 : i32
    %min3A_1348 = vector.broadcast %min3A_1347 : i32 to vector<16xi32>
    %min3A_1349 = arith.minsi %add3A_1346, %min3A_1348 : vector<16xi32>
    %shift_right_arithmetic3A_1350 = arith.constant 5 : i32
    %shift_right_arithmetic3A_1351 = vector.broadcast %shift_right_arithmetic3A_1350 : i32 to vector<16xi32>
    %shift_right_arithmetic3A_1352 = arith.shrsi %min3A_1349, %shift_right_arithmetic3A_1351 : vector<16xi32>
    %swap3A_1353 = arith.constant 5 : i32
    %swap3A_1354 = arith.index_cast %swap3A_1353 : i32 to index
    %swap3A_1355 = arith.constant 112 : index
    %swap3A_1356 = tpu.vector_load %arg8[%swap3A_1354, %swap3A_1355] {strides = array<i32>} : memref<8x128xi32, #tpu.memory_space<vmem>>, vector<16xi32>,
    tpu.vector_store %arg8[%swap3A_1354, %swap3A_1355], %shift_right_arithmetic3A_1352 {strides = array<i32>} : memref<8x128xi32, #tpu.memory_space<vmem>>, vector<16xi32>,
    %and3A_1357 = arith.constant 31 : i32
    %and3A_1358 = vector.broadcast %and3A_1357 : i32 to vector<16xi32>
    %and3A_1359 = arith.andi %min3A_1349, %and3A_1358 : vector<16xi32>
    %mul3A_1360 = arith.constant 4 : i32
    %mul3A_1361 = vector.broadcast %mul3A_1360 : i32 to vector<16xi32>
    %mul3A_1362 = arith.muli %and3A_1359, %mul3A_1361 : vector<16xi32>
    %swap3A_1363 = arith.constant 752 : index
    %swap3A_1364 = tpu.vector_load %arg9[%swap3A_1363] {strides = array<i32>} : memref<1024xi32, #tpu.memory_space<vmem>>, vector<16xi32>,
    tpu.vector_store %arg9[%swap3A_1363], %mul3A_1362 {strides = array<i32>} : memref<1024xi32, #tpu.memory_space<vmem>>, vector<16xi32>,
    %get3A_1365 = arith.constant 768 : index
    %get3A_1366 = tpu.vector_load %arg6[%get3A_1365] {strides = array<i32>} : memref<1024xi32, #tpu.memory_space<vmem>>, vector<16xi32>,
    %add3A_1367 = arith.constant 768 : i32
    %add3A_1368 = arith.addi %mul3A_2, %add3A_1367 : i32
    %add3A_1369 = vector.broadcast %add3A_1368 : i32 to vector<16xi32>
    %add3A_1370 = arith.addi %add3A_1369, %iota3A : vector<16xi32>
    %mul3A_1371 = arith.constant 91 : i32
    %mul3A_1372 = vector.broadcast %mul3A_1371 : i32 to vector<16xi32>
    %mul3A_1373 = arith.muli %add3A_1370, %mul3A_1372 : vector<16xi32>
    %add3A_1374 = arith.addi %mul3A_1373, %get3A_1366 : vector<16xi32>
    %min3A_1375 = arith.constant 2911999 : i32
    %min3A_1376 = vector.broadcast %min3A_1375 : i32 to vector<16xi32>
    %min3A_1377 = arith.minsi %add3A_1374, %min3A_1376 : vector<16xi32>
    %shift_right_arithmetic3A_1378 = arith.constant 5 : i32
    %shift_right_arithmetic3A_1379 = vector.broadcast %shift_right_arithmetic3A_1378 : i32 to vector<16xi32>
    %shift_right_arithmetic3A_1380 = arith.shrsi %min3A_1377, %shift_right_arithmetic3A_1379 : vector<16xi32>
    %swap3A_1381 = arith.constant 6 : i32
    %swap3A_1382 = arith.index_cast %swap3A_1381 : i32 to index
    %swap3A_1383 = arith.constant 0 : index
    %swap3A_1384 = tpu.vector_load %arg8[%swap3A_1382, %swap3A_1383] {strides = array<i32>} : memref<8x128xi32, #tpu.memory_space<vmem>>, vector<16xi32>,
    tpu.vector_store %arg8[%swap3A_1382, %swap3A_1383], %shift_right_arithmetic3A_1380 {strides = array<i32>} : memref<8x128xi32, #tpu.memory_space<vmem>>, vector<16xi32>,
    %and3A_1385 = arith.constant 31 : i32
    %and3A_1386 = vector.broadcast %and3A_1385 : i32 to vector<16xi32>
    %and3A_1387 = arith.andi %min3A_1377, %and3A_1386 : vector<16xi32>
    %mul3A_1388 = arith.constant 4 : i32
    %mul3A_1389 = vector.broadcast %mul3A_1388 : i32 to vector<16xi32>
    %mul3A_1390 = arith.muli %and3A_1387, %mul3A_1389 : vector<16xi32>
    %swap3A_1391 = arith.constant 768 : index
    %swap3A_1392 = tpu.vector_load %arg9[%swap3A_1391] {strides = array<i32>} : memref<1024xi32, #tpu.memory_space<vmem>>, vector<16xi32>,
    tpu.vector_store %arg9[%swap3A_1391], %mul3A_1390 {strides = array<i32>} : memref<1024xi32, #tpu.memory_space<vmem>>, vector<16xi32>,
    %get3A_1393 = arith.constant 784 : index
    %get3A_1394 = tpu.vector_load %arg6[%get3A_1393] {strides = array<i32>} : memref<1024xi32, #tpu.memory_space<vmem>>, vector<16xi32>,
    %add3A_1395 = arith.constant 784 : i32
    %add3A_1396 = arith.addi %mul3A_2, %add3A_1395 : i32
    %add3A_1397 = vector.broadcast %add3A_1396 : i32 to vector<16xi32>
    %add3A_1398 = arith.addi %add3A_1397, %iota3A : vector<16xi32>
    %mul3A_1399 = arith.constant 91 : i32
    %mul3A_1400 = vector.broadcast %mul3A_1399 : i32 to vector<16xi32>
    %mul3A_1401 = arith.muli %add3A_1398, %mul3A_1400 : vector<16xi32>
    %add3A_1402 = arith.addi %mul3A_1401, %get3A_1394 : vector<16xi32>
    %min3A_1403 = arith.constant 2911999 : i32
    %min3A_1404 = vector.broadcast %min3A_1403 : i32 to vector<16xi32>
    %min3A_1405 = arith.minsi %add3A_1402, %min3A_1404 : vector<16xi32>
    %shift_right_arithmetic3A_1406 = arith.constant 5 : i32
    %shift_right_arithmetic3A_1407 = vector.broadcast %shift_right_arithmetic3A_1406 : i32 to vector<16xi32>
    %shift_right_arithmetic3A_1408 = arith.shrsi %min3A_1405, %shift_right_arithmetic3A_1407 : vector<16xi32>
    %swap3A_1409 = arith.constant 6 : i32
    %swap3A_1410 = arith.index_cast %swap3A_1409 : i32 to index
    %swap3A_1411 = arith.constant 16 : index
    %swap3A_1412 = tpu.vector_load %arg8[%swap3A_1410, %swap3A_1411] {strides = array<i32>} : memref<8x128xi32, #tpu.memory_space<vmem>>, vector<16xi32>,
    tpu.vector_store %arg8[%swap3A_1410, %swap3A_1411], %shift_right_arithmetic3A_1408 {strides = array<i32>} : memref<8x128xi32, #tpu.memory_space<vmem>>, vector<16xi32>,
    %and3A_1413 = arith.constant 31 : i32
    %and3A_1414 = vector.broadcast %and3A_1413 : i32 to vector<16xi32>
    %and3A_1415 = arith.andi %min3A_1405, %and3A_1414 : vector<16xi32>
    %mul3A_1416 = arith.constant 4 : i32
    %mul3A_1417 = vector.broadcast %mul3A_1416 : i32 to vector<16xi32>
    %mul3A_1418 = arith.muli %and3A_1415, %mul3A_1417 : vector<16xi32>
    %swap3A_1419 = arith.constant 784 : index
    %swap3A_1420 = tpu.vector_load %arg9[%swap3A_1419] {strides = array<i32>} : memref<1024xi32, #tpu.memory_space<vmem>>, vector<16xi32>,
    tpu.vector_store %arg9[%swap3A_1419], %mul3A_1418 {strides = array<i32>} : memref<1024xi32, #tpu.memory_space<vmem>>, vector<16xi32>,
    %get3A_1421 = arith.constant 800 : index
    %get3A_1422 = tpu.vector_load %arg6[%get3A_1421] {strides = array<i32>} : memref<1024xi32, #tpu.memory_space<vmem>>, vector<16xi32>,
    %add3A_1423 = arith.constant 800 : i32
    %add3A_1424 = arith.addi %mul3A_2, %add3A_1423 : i32
    %add3A_1425 = vector.broadcast %add3A_1424 : i32 to vector<16xi32>
    %add3A_1426 = arith.addi %add3A_1425, %iota3A : vector<16xi32>
    %mul3A_1427 = arith.constant 91 : i32
    %mul3A_1428 = vector.broadcast %mul3A_1427 : i32 to vector<16xi32>
    %mul3A_1429 = arith.muli %add3A_1426, %mul3A_1428 : vector<16xi32>
    %add3A_1430 = arith.addi %mul3A_1429, %get3A_1422 : vector<16xi32>
    %min3A_1431 = arith.constant 2911999 : i32
    %min3A_1432 = vector.broadcast %min3A_1431 : i32 to vector<16xi32>
    %min3A_1433 = arith.minsi %add3A_1430, %min3A_1432 : vector<16xi32>
    %shift_right_arithmetic3A_1434 = arith.constant 5 : i32
    %shift_right_arithmetic3A_1435 = vector.broadcast %shift_right_arithmetic3A_1434 : i32 to vector<16xi32>
    %shift_right_arithmetic3A_1436 = arith.shrsi %min3A_1433, %shift_right_arithmetic3A_1435 : vector<16xi32>
    %swap3A_1437 = arith.constant 6 : i32
    %swap3A_1438 = arith.index_cast %swap3A_1437 : i32 to index
    %swap3A_1439 = arith.constant 32 : index
    %swap3A_1440 = tpu.vector_load %arg8[%swap3A_1438, %swap3A_1439] {strides = array<i32>} : memref<8x128xi32, #tpu.memory_space<vmem>>, vector<16xi32>,
    tpu.vector_store %arg8[%swap3A_1438, %swap3A_1439], %shift_right_arithmetic3A_1436 {strides = array<i32>} : memref<8x128xi32, #tpu.memory_space<vmem>>, vector<16xi32>,
    %and3A_1441 = arith.constant 31 : i32
    %and3A_1442 = vector.broadcast %and3A_1441 : i32 to vector<16xi32>
    %and3A_1443 = arith.andi %min3A_1433, %and3A_1442 : vector<16xi32>
    %mul3A_1444 = arith.constant 4 : i32
    %mul3A_1445 = vector.broadcast %mul3A_1444 : i32 to vector<16xi32>
    %mul3A_1446 = arith.muli %and3A_1443, %mul3A_1445 : vector<16xi32>
    %swap3A_1447 = arith.constant 800 : index
    %swap3A_1448 = tpu.vector_load %arg9[%swap3A_1447] {strides = array<i32>} : memref<1024xi32, #tpu.memory_space<vmem>>, vector<16xi32>,
    tpu.vector_store %arg9[%swap3A_1447], %mul3A_1446 {strides = array<i32>} : memref<1024xi32, #tpu.memory_space<vmem>>, vector<16xi32>,
    %get3A_1449 = arith.constant 816 : index
    %get3A_1450 = tpu.vector_load %arg6[%get3A_1449] {strides = array<i32>} : memref<1024xi32, #tpu.memory_space<vmem>>, vector<16xi32>,
    %add3A_1451 = arith.constant 816 : i32
    %add3A_1452 = arith.addi %mul3A_2, %add3A_1451 : i32
    %add3A_1453 = vector.broadcast %add3A_1452 : i32 to vector<16xi32>
    %add3A_1454 = arith.addi %add3A_1453, %iota3A : vector<16xi32>
    %mul3A_1455 = arith.constant 91 : i32
    %mul3A_1456 = vector.broadcast %mul3A_1455 : i32 to vector<16xi32>
    %mul3A_1457 = arith.muli %add3A_1454, %mul3A_1456 : vector<16xi32>
    %add3A_1458 = arith.addi %mul3A_1457, %get3A_1450 : vector<16xi32>
    %min3A_1459 = arith.constant 2911999 : i32
    %min3A_1460 = vector.broadcast %min3A_1459 : i32 to vector<16xi32>
    %min3A_1461 = arith.minsi %add3A_1458, %min3A_1460 : vector<16xi32>
    %shift_right_arithmetic3A_1462 = arith.constant 5 : i32
    %shift_right_arithmetic3A_1463 = vector.broadcast %shift_right_arithmetic3A_1462 : i32 to vector<16xi32>
    %shift_right_arithmetic3A_1464 = arith.shrsi %min3A_1461, %shift_right_arithmetic3A_1463 : vector<16xi32>
    %swap3A_1465 = arith.constant 6 : i32
    %swap3A_1466 = arith.index_cast %swap3A_1465 : i32 to index
    %swap3A_1467 = arith.constant 48 : index
    %swap3A_1468 = tpu.vector_load %arg8[%swap3A_1466, %swap3A_1467] {strides = array<i32>} : memref<8x128xi32, #tpu.memory_space<vmem>>, vector<16xi32>,
    tpu.vector_store %arg8[%swap3A_1466, %swap3A_1467], %shift_right_arithmetic3A_1464 {strides = array<i32>} : memref<8x128xi32, #tpu.memory_space<vmem>>, vector<16xi32>,
    %and3A_1469 = arith.constant 31 : i32
    %and3A_1470 = vector.broadcast %and3A_1469 : i32 to vector<16xi32>
    %and3A_1471 = arith.andi %min3A_1461, %and3A_1470 : vector<16xi32>
    %mul3A_1472 = arith.constant 4 : i32
    %mul3A_1473 = vector.broadcast %mul3A_1472 : i32 to vector<16xi32>
    %mul3A_1474 = arith.muli %and3A_1471, %mul3A_1473 : vector<16xi32>
    %swap3A_1475 = arith.constant 816 : index
    %swap3A_1476 = tpu.vector_load %arg9[%swap3A_1475] {strides = array<i32>} : memref<1024xi32, #tpu.memory_space<vmem>>, vector<16xi32>,
    tpu.vector_store %arg9[%swap3A_1475], %mul3A_1474 {strides = array<i32>} : memref<1024xi32, #tpu.memory_space<vmem>>, vector<16xi32>,
    %get3A_1477 = arith.constant 832 : index
    %get3A_1478 = tpu.vector_load %arg6[%get3A_1477] {strides = array<i32>} : memref<1024xi32, #tpu.memory_space<vmem>>, vector<16xi32>,
    %add3A_1479 = arith.constant 832 : i32
    %add3A_1480 = arith.addi %mul3A_2, %add3A_1479 : i32
    %add3A_1481 = vector.broadcast %add3A_1480 : i32 to vector<16xi32>
    %add3A_1482 = arith.addi %add3A_1481, %iota3A : vector<16xi32>
    %mul3A_1483 = arith.constant 91 : i32
    %mul3A_1484 = vector.broadcast %mul3A_1483 : i32 to vector<16xi32>
    %mul3A_1485 = arith.muli %add3A_1482, %mul3A_1484 : vector<16xi32>
    %add3A_1486 = arith.addi %mul3A_1485, %get3A_1478 : vector<16xi32>
    %min3A_1487 = arith.constant 2911999 : i32
    %min3A_1488 = vector.broadcast %min3A_1487 : i32 to vector<16xi32>
    %min3A_1489 = arith.minsi %add3A_1486, %min3A_1488 : vector<16xi32>
    %shift_right_arithmetic3A_1490 = arith.constant 5 : i32
    %shift_right_arithmetic3A_1491 = vector.broadcast %shift_right_arithmetic3A_1490 : i32 to vector<16xi32>
    %shift_right_arithmetic3A_1492 = arith.shrsi %min3A_1489, %shift_right_arithmetic3A_1491 : vector<16xi32>
    %swap3A_1493 = arith.constant 6 : i32
    %swap3A_1494 = arith.index_cast %swap3A_1493 : i32 to index
    %swap3A_1495 = arith.constant 64 : index
    %swap3A_1496 = tpu.vector_load %arg8[%swap3A_1494, %swap3A_1495] {strides = array<i32>} : memref<8x128xi32, #tpu.memory_space<vmem>>, vector<16xi32>,
    tpu.vector_store %arg8[%swap3A_1494, %swap3A_1495], %shift_right_arithmetic3A_1492 {strides = array<i32>} : memref<8x128xi32, #tpu.memory_space<vmem>>, vector<16xi32>,
    %and3A_1497 = arith.constant 31 : i32
    %and3A_1498 = vector.broadcast %and3A_1497 : i32 to vector<16xi32>
    %and3A_1499 = arith.andi %min3A_1489, %and3A_1498 : vector<16xi32>
    %mul3A_1500 = arith.constant 4 : i32
    %mul3A_1501 = vector.broadcast %mul3A_1500 : i32 to vector<16xi32>
    %mul3A_1502 = arith.muli %and3A_1499, %mul3A_1501 : vector<16xi32>
    %swap3A_1503 = arith.constant 832 : index
    %swap3A_1504 = tpu.vector_load %arg9[%swap3A_1503] {strides = array<i32>} : memref<1024xi32, #tpu.memory_space<vmem>>, vector<16xi32>,
    tpu.vector_store %arg9[%swap3A_1503], %mul3A_1502 {strides = array<i32>} : memref<1024xi32, #tpu.memory_space<vmem>>, vector<16xi32>,
    %get3A_1505 = arith.constant 848 : index
    %get3A_1506 = tpu.vector_load %arg6[%get3A_1505] {strides = array<i32>} : memref<1024xi32, #tpu.memory_space<vmem>>, vector<16xi32>,
    %add3A_1507 = arith.constant 848 : i32
    %add3A_1508 = arith.addi %mul3A_2, %add3A_1507 : i32
    %add3A_1509 = vector.broadcast %add3A_1508 : i32 to vector<16xi32>
    %add3A_1510 = arith.addi %add3A_1509, %iota3A : vector<16xi32>
    %mul3A_1511 = arith.constant 91 : i32
    %mul3A_1512 = vector.broadcast %mul3A_1511 : i32 to vector<16xi32>
    %mul3A_1513 = arith.muli %add3A_1510, %mul3A_1512 : vector<16xi32>
    %add3A_1514 = arith.addi %mul3A_1513, %get3A_1506 : vector<16xi32>
    %min3A_1515 = arith.constant 2911999 : i32
    %min3A_1516 = vector.broadcast %min3A_1515 : i32 to vector<16xi32>
    %min3A_1517 = arith.minsi %add3A_1514, %min3A_1516 : vector<16xi32>
    %shift_right_arithmetic3A_1518 = arith.constant 5 : i32
    %shift_right_arithmetic3A_1519 = vector.broadcast %shift_right_arithmetic3A_1518 : i32 to vector<16xi32>
    %shift_right_arithmetic3A_1520 = arith.shrsi %min3A_1517, %shift_right_arithmetic3A_1519 : vector<16xi32>
    %swap3A_1521 = arith.constant 6 : i32
    %swap3A_1522 = arith.index_cast %swap3A_1521 : i32 to index
    %swap3A_1523 = arith.constant 80 : index
    %swap3A_1524 = tpu.vector_load %arg8[%swap3A_1522, %swap3A_1523] {strides = array<i32>} : memref<8x128xi32, #tpu.memory_space<vmem>>, vector<16xi32>,
    tpu.vector_store %arg8[%swap3A_1522, %swap3A_1523], %shift_right_arithmetic3A_1520 {strides = array<i32>} : memref<8x128xi32, #tpu.memory_space<vmem>>, vector<16xi32>,
    %and3A_1525 = arith.constant 31 : i32
    %and3A_1526 = vector.broadcast %and3A_1525 : i32 to vector<16xi32>
    %and3A_1527 = arith.andi %min3A_1517, %and3A_1526 : vector<16xi32>
    %mul3A_1528 = arith.constant 4 : i32
    %mul3A_1529 = vector.broadcast %mul3A_1528 : i32 to vector<16xi32>
    %mul3A_1530 = arith.muli %and3A_1527, %mul3A_1529 : vector<16xi32>
    %swap3A_1531 = arith.constant 848 : index
    %swap3A_1532 = tpu.vector_load %arg9[%swap3A_1531] {strides = array<i32>} : memref<1024xi32, #tpu.memory_space<vmem>>, vector<16xi32>,
    tpu.vector_store %arg9[%swap3A_1531], %mul3A_1530 {strides = array<i32>} : memref<1024xi32, #tpu.memory_space<vmem>>, vector<16xi32>,
    %get3A_1533 = arith.constant 864 : index
    %get3A_1534 = tpu.vector_load %arg6[%get3A_1533] {strides = array<i32>} : memref<1024xi32, #tpu.memory_space<vmem>>, vector<16xi32>,
    %add3A_1535 = arith.constant 864 : i32
    %add3A_1536 = arith.addi %mul3A_2, %add3A_1535 : i32
    %add3A_1537 = vector.broadcast %add3A_1536 : i32 to vector<16xi32>
    %add3A_1538 = arith.addi %add3A_1537, %iota3A : vector<16xi32>
    %mul3A_1539 = arith.constant 91 : i32
    %mul3A_1540 = vector.broadcast %mul3A_1539 : i32 to vector<16xi32>
    %mul3A_1541 = arith.muli %add3A_1538, %mul3A_1540 : vector<16xi32>
    %add3A_1542 = arith.addi %mul3A_1541, %get3A_1534 : vector<16xi32>
    %min3A_1543 = arith.constant 2911999 : i32
    %min3A_1544 = vector.broadcast %min3A_1543 : i32 to vector<16xi32>
    %min3A_1545 = arith.minsi %add3A_1542, %min3A_1544 : vector<16xi32>
    %shift_right_arithmetic3A_1546 = arith.constant 5 : i32
    %shift_right_arithmetic3A_1547 = vector.broadcast %shift_right_arithmetic3A_1546 : i32 to vector<16xi32>
    %shift_right_arithmetic3A_1548 = arith.shrsi %min3A_1545, %shift_right_arithmetic3A_1547 : vector<16xi32>
    %swap3A_1549 = arith.constant 6 : i32
    %swap3A_1550 = arith.index_cast %swap3A_1549 : i32 to index
    %swap3A_1551 = arith.constant 96 : index
    %swap3A_1552 = tpu.vector_load %arg8[%swap3A_1550, %swap3A_1551] {strides = array<i32>} : memref<8x128xi32, #tpu.memory_space<vmem>>, vector<16xi32>,
    tpu.vector_store %arg8[%swap3A_1550, %swap3A_1551], %shift_right_arithmetic3A_1548 {strides = array<i32>} : memref<8x128xi32, #tpu.memory_space<vmem>>, vector<16xi32>,
    %and3A_1553 = arith.constant 31 : i32
    %and3A_1554 = vector.broadcast %and3A_1553 : i32 to vector<16xi32>
    %and3A_1555 = arith.andi %min3A_1545, %and3A_1554 : vector<16xi32>
    %mul3A_1556 = arith.constant 4 : i32
    %mul3A_1557 = vector.broadcast %mul3A_1556 : i32 to vector<16xi32>
    %mul3A_1558 = arith.muli %and3A_1555, %mul3A_1557 : vector<16xi32>
    %swap3A_1559 = arith.constant 864 : index
    %swap3A_1560 = tpu.vector_load %arg9[%swap3A_1559] {strides = array<i32>} : memref<1024xi32, #tpu.memory_space<vmem>>, vector<16xi32>,
    tpu.vector_store %arg9[%swap3A_1559], %mul3A_1558 {strides = array<i32>} : memref<1024xi32, #tpu.memory_space<vmem>>, vector<16xi32>,
    %get3A_1561 = arith.constant 880 : index
    %get3A_1562 = tpu.vector_load %arg6[%get3A_1561] {strides = array<i32>} : memref<1024xi32, #tpu.memory_space<vmem>>, vector<16xi32>,
    %add3A_1563 = arith.constant 880 : i32
    %add3A_1564 = arith.addi %mul3A_2, %add3A_1563 : i32
    %add3A_1565 = vector.broadcast %add3A_1564 : i32 to vector<16xi32>
    %add3A_1566 = arith.addi %add3A_1565, %iota3A : vector<16xi32>
    %mul3A_1567 = arith.constant 91 : i32
    %mul3A_1568 = vector.broadcast %mul3A_1567 : i32 to vector<16xi32>
    %mul3A_1569 = arith.muli %add3A_1566, %mul3A_1568 : vector<16xi32>
    %add3A_1570 = arith.addi %mul3A_1569, %get3A_1562 : vector<16xi32>
    %min3A_1571 = arith.constant 2911999 : i32
    %min3A_1572 = vector.broadcast %min3A_1571 : i32 to vector<16xi32>
    %min3A_1573 = arith.minsi %add3A_1570, %min3A_1572 : vector<16xi32>
    %shift_right_arithmetic3A_1574 = arith.constant 5 : i32
    %shift_right_arithmetic3A_1575 = vector.broadcast %shift_right_arithmetic3A_1574 : i32 to vector<16xi32>
    %shift_right_arithmetic3A_1576 = arith.shrsi %min3A_1573, %shift_right_arithmetic3A_1575 : vector<16xi32>
    %swap3A_1577 = arith.constant 6 : i32
    %swap3A_1578 = arith.index_cast %swap3A_1577 : i32 to index
    %swap3A_1579 = arith.constant 112 : index
    %swap3A_1580 = tpu.vector_load %arg8[%swap3A_1578, %swap3A_1579] {strides = array<i32>} : memref<8x128xi32, #tpu.memory_space<vmem>>, vector<16xi32>,
    tpu.vector_store %arg8[%swap3A_1578, %swap3A_1579], %shift_right_arithmetic3A_1576 {strides = array<i32>} : memref<8x128xi32, #tpu.memory_space<vmem>>, vector<16xi32>,
    %and3A_1581 = arith.constant 31 : i32
    %and3A_1582 = vector.broadcast %and3A_1581 : i32 to vector<16xi32>
    %and3A_1583 = arith.andi %min3A_1573, %and3A_1582 : vector<16xi32>
    %mul3A_1584 = arith.constant 4 : i32
    %mul3A_1585 = vector.broadcast %mul3A_1584 : i32 to vector<16xi32>
    %mul3A_1586 = arith.muli %and3A_1583, %mul3A_1585 : vector<16xi32>
    %swap3A_1587 = arith.constant 880 : index
    %swap3A_1588 = tpu.vector_load %arg9[%swap3A_1587] {strides = array<i32>} : memref<1024xi32, #tpu.memory_space<vmem>>, vector<16xi32>,
    tpu.vector_store %arg9[%swap3A_1587], %mul3A_1586 {strides = array<i32>} : memref<1024xi32, #tpu.memory_space<vmem>>, vector<16xi32>,
    %get3A_1589 = arith.constant 896 : index
    %get3A_1590 = tpu.vector_load %arg6[%get3A_1589] {strides = array<i32>} : memref<1024xi32, #tpu.memory_space<vmem>>, vector<16xi32>,
    %add3A_1591 = arith.constant 896 : i32
    %add3A_1592 = arith.addi %mul3A_2, %add3A_1591 : i32
    %add3A_1593 = vector.broadcast %add3A_1592 : i32 to vector<16xi32>
    %add3A_1594 = arith.addi %add3A_1593, %iota3A : vector<16xi32>
    %mul3A_1595 = arith.constant 91 : i32
    %mul3A_1596 = vector.broadcast %mul3A_1595 : i32 to vector<16xi32>
    %mul3A_1597 = arith.muli %add3A_1594, %mul3A_1596 : vector<16xi32>
    %add3A_1598 = arith.addi %mul3A_1597, %get3A_1590 : vector<16xi32>
    %min3A_1599 = arith.constant 2911999 : i32
    %min3A_1600 = vector.broadcast %min3A_1599 : i32 to vector<16xi32>
    %min3A_1601 = arith.minsi %add3A_1598, %min3A_1600 : vector<16xi32>
    %shift_right_arithmetic3A_1602 = arith.constant 5 : i32
    %shift_right_arithmetic3A_1603 = vector.broadcast %shift_right_arithmetic3A_1602 : i32 to vector<16xi32>
    %shift_right_arithmetic3A_1604 = arith.shrsi %min3A_1601, %shift_right_arithmetic3A_1603 : vector<16xi32>
    %swap3A_1605 = arith.constant 7 : i32
    %swap3A_1606 = arith.index_cast %swap3A_1605 : i32 to index
    %swap3A_1607 = arith.constant 0 : index
    %swap3A_1608 = tpu.vector_load %arg8[%swap3A_1606, %swap3A_1607] {strides = array<i32>} : memref<8x128xi32, #tpu.memory_space<vmem>>, vector<16xi32>,
    tpu.vector_store %arg8[%swap3A_1606, %swap3A_1607], %shift_right_arithmetic3A_1604 {strides = array<i32>} : memref<8x128xi32, #tpu.memory_space<vmem>>, vector<16xi32>,
    %and3A_1609 = arith.constant 31 : i32
    %and3A_1610 = vector.broadcast %and3A_1609 : i32 to vector<16xi32>
    %and3A_1611 = arith.andi %min3A_1601, %and3A_1610 : vector<16xi32>
    %mul3A_1612 = arith.constant 4 : i32
    %mul3A_1613 = vector.broadcast %mul3A_1612 : i32 to vector<16xi32>
    %mul3A_1614 = arith.muli %and3A_1611, %mul3A_1613 : vector<16xi32>
    %swap3A_1615 = arith.constant 896 : index
    %swap3A_1616 = tpu.vector_load %arg9[%swap3A_1615] {strides = array<i32>} : memref<1024xi32, #tpu.memory_space<vmem>>, vector<16xi32>,
    tpu.vector_store %arg9[%swap3A_1615], %mul3A_1614 {strides = array<i32>} : memref<1024xi32, #tpu.memory_space<vmem>>, vector<16xi32>,
    %get3A_1617 = arith.constant 912 : index
    %get3A_1618 = tpu.vector_load %arg6[%get3A_1617] {strides = array<i32>} : memref<1024xi32, #tpu.memory_space<vmem>>, vector<16xi32>,
    %add3A_1619 = arith.constant 912 : i32
    %add3A_1620 = arith.addi %mul3A_2, %add3A_1619 : i32
    %add3A_1621 = vector.broadcast %add3A_1620 : i32 to vector<16xi32>
    %add3A_1622 = arith.addi %add3A_1621, %iota3A : vector<16xi32>
    %mul3A_1623 = arith.constant 91 : i32
    %mul3A_1624 = vector.broadcast %mul3A_1623 : i32 to vector<16xi32>
    %mul3A_1625 = arith.muli %add3A_1622, %mul3A_1624 : vector<16xi32>
    %add3A_1626 = arith.addi %mul3A_1625, %get3A_1618 : vector<16xi32>
    %min3A_1627 = arith.constant 2911999 : i32
    %min3A_1628 = vector.broadcast %min3A_1627 : i32 to vector<16xi32>
    %min3A_1629 = arith.minsi %add3A_1626, %min3A_1628 : vector<16xi32>
    %shift_right_arithmetic3A_1630 = arith.constant 5 : i32
    %shift_right_arithmetic3A_1631 = vector.broadcast %shift_right_arithmetic3A_1630 : i32 to vector<16xi32>
    %shift_right_arithmetic3A_1632 = arith.shrsi %min3A_1629, %shift_right_arithmetic3A_1631 : vector<16xi32>
    %swap3A_1633 = arith.constant 7 : i32
    %swap3A_1634 = arith.index_cast %swap3A_1633 : i32 to index
    %swap3A_1635 = arith.constant 16 : index
    %swap3A_1636 = tpu.vector_load %arg8[%swap3A_1634, %swap3A_1635] {strides = array<i32>} : memref<8x128xi32, #tpu.memory_space<vmem>>, vector<16xi32>,
    tpu.vector_store %arg8[%swap3A_1634, %swap3A_1635], %shift_right_arithmetic3A_1632 {strides = array<i32>} : memref<8x128xi32, #tpu.memory_space<vmem>>, vector<16xi32>,
    %and3A_1637 = arith.constant 31 : i32
    %and3A_1638 = vector.broadcast %and3A_1637 : i32 to vector<16xi32>
    %and3A_1639 = arith.andi %min3A_1629, %and3A_1638 : vector<16xi32>
    %mul3A_1640 = arith.constant 4 : i32
    %mul3A_1641 = vector.broadcast %mul3A_1640 : i32 to vector<16xi32>
    %mul3A_1642 = arith.muli %and3A_1639, %mul3A_1641 : vector<16xi32>
    %swap3A_1643 = arith.constant 912 : index
    %swap3A_1644 = tpu.vector_load %arg9[%swap3A_1643] {strides = array<i32>} : memref<1024xi32, #tpu.memory_space<vmem>>, vector<16xi32>,
    tpu.vector_store %arg9[%swap3A_1643], %mul3A_1642 {strides = array<i32>} : memref<1024xi32, #tpu.memory_space<vmem>>, vector<16xi32>,
    %get3A_1645 = arith.constant 928 : index
    %get3A_1646 = tpu.vector_load %arg6[%get3A_1645] {strides = array<i32>} : memref<1024xi32, #tpu.memory_space<vmem>>, vector<16xi32>,
    %add3A_1647 = arith.constant 928 : i32
    %add3A_1648 = arith.addi %mul3A_2, %add3A_1647 : i32
    %add3A_1649 = vector.broadcast %add3A_1648 : i32 to vector<16xi32>
    %add3A_1650 = arith.addi %add3A_1649, %iota3A : vector<16xi32>
    %mul3A_1651 = arith.constant 91 : i32
    %mul3A_1652 = vector.broadcast %mul3A_1651 : i32 to vector<16xi32>
    %mul3A_1653 = arith.muli %add3A_1650, %mul3A_1652 : vector<16xi32>
    %add3A_1654 = arith.addi %mul3A_1653, %get3A_1646 : vector<16xi32>
    %min3A_1655 = arith.constant 2911999 : i32
    %min3A_1656 = vector.broadcast %min3A_1655 : i32 to vector<16xi32>
    %min3A_1657 = arith.minsi %add3A_1654, %min3A_1656 : vector<16xi32>
    %shift_right_arithmetic3A_1658 = arith.constant 5 : i32
    %shift_right_arithmetic3A_1659 = vector.broadcast %shift_right_arithmetic3A_1658 : i32 to vector<16xi32>
    %shift_right_arithmetic3A_1660 = arith.shrsi %min3A_1657, %shift_right_arithmetic3A_1659 : vector<16xi32>
    %swap3A_1661 = arith.constant 7 : i32
    %swap3A_1662 = arith.index_cast %swap3A_1661 : i32 to index
    %swap3A_1663 = arith.constant 32 : index
    %swap3A_1664 = tpu.vector_load %arg8[%swap3A_1662, %swap3A_1663] {strides = array<i32>} : memref<8x128xi32, #tpu.memory_space<vmem>>, vector<16xi32>,
    tpu.vector_store %arg8[%swap3A_1662, %swap3A_1663], %shift_right_arithmetic3A_1660 {strides = array<i32>} : memref<8x128xi32, #tpu.memory_space<vmem>>, vector<16xi32>,
    %and3A_1665 = arith.constant 31 : i32
    %and3A_1666 = vector.broadcast %and3A_1665 : i32 to vector<16xi32>
    %and3A_1667 = arith.andi %min3A_1657, %and3A_1666 : vector<16xi32>
    %mul3A_1668 = arith.constant 4 : i32
    %mul3A_1669 = vector.broadcast %mul3A_1668 : i32 to vector<16xi32>
    %mul3A_1670 = arith.muli %and3A_1667, %mul3A_1669 : vector<16xi32>
    %swap3A_1671 = arith.constant 928 : index
    %swap3A_1672 = tpu.vector_load %arg9[%swap3A_1671] {strides = array<i32>} : memref<1024xi32, #tpu.memory_space<vmem>>, vector<16xi32>,
    tpu.vector_store %arg9[%swap3A_1671], %mul3A_1670 {strides = array<i32>} : memref<1024xi32, #tpu.memory_space<vmem>>, vector<16xi32>,
    %get3A_1673 = arith.constant 944 : index
    %get3A_1674 = tpu.vector_load %arg6[%get3A_1673] {strides = array<i32>} : memref<1024xi32, #tpu.memory_space<vmem>>, vector<16xi32>,
    %add3A_1675 = arith.constant 944 : i32
    %add3A_1676 = arith.addi %mul3A_2, %add3A_1675 : i32
    %add3A_1677 = vector.broadcast %add3A_1676 : i32 to vector<16xi32>
    %add3A_1678 = arith.addi %add3A_1677, %iota3A : vector<16xi32>
    %mul3A_1679 = arith.constant 91 : i32
    %mul3A_1680 = vector.broadcast %mul3A_1679 : i32 to vector<16xi32>
    %mul3A_1681 = arith.muli %add3A_1678, %mul3A_1680 : vector<16xi32>
    %add3A_1682 = arith.addi %mul3A_1681, %get3A_1674 : vector<16xi32>
    %min3A_1683 = arith.constant 2911999 : i32
    %min3A_1684 = vector.broadcast %min3A_1683 : i32 to vector<16xi32>
    %min3A_1685 = arith.minsi %add3A_1682, %min3A_1684 : vector<16xi32>
    %shift_right_arithmetic3A_1686 = arith.constant 5 : i32
    %shift_right_arithmetic3A_1687 = vector.broadcast %shift_right_arithmetic3A_1686 : i32 to vector<16xi32>
    %shift_right_arithmetic3A_1688 = arith.shrsi %min3A_1685, %shift_right_arithmetic3A_1687 : vector<16xi32>
    %swap3A_1689 = arith.constant 7 : i32
    %swap3A_1690 = arith.index_cast %swap3A_1689 : i32 to index
    %swap3A_1691 = arith.constant 48 : index
    %swap3A_1692 = tpu.vector_load %arg8[%swap3A_1690, %swap3A_1691] {strides = array<i32>} : memref<8x128xi32, #tpu.memory_space<vmem>>, vector<16xi32>,
    tpu.vector_store %arg8[%swap3A_1690, %swap3A_1691], %shift_right_arithmetic3A_1688 {strides = array<i32>} : memref<8x128xi32, #tpu.memory_space<vmem>>, vector<16xi32>,
    %and3A_1693 = arith.constant 31 : i32
    %and3A_1694 = vector.broadcast %and3A_1693 : i32 to vector<16xi32>
    %and3A_1695 = arith.andi %min3A_1685, %and3A_1694 : vector<16xi32>
    %mul3A_1696 = arith.constant 4 : i32
    %mul3A_1697 = vector.broadcast %mul3A_1696 : i32 to vector<16xi32>
    %mul3A_1698 = arith.muli %and3A_1695, %mul3A_1697 : vector<16xi32>
    %swap3A_1699 = arith.constant 944 : index
    %swap3A_1700 = tpu.vector_load %arg9[%swap3A_1699] {strides = array<i32>} : memref<1024xi32, #tpu.memory_space<vmem>>, vector<16xi32>,
    tpu.vector_store %arg9[%swap3A_1699], %mul3A_1698 {strides = array<i32>} : memref<1024xi32, #tpu.memory_space<vmem>>, vector<16xi32>,
    %get3A_1701 = arith.constant 960 : index
    %get3A_1702 = tpu.vector_load %arg6[%get3A_1701] {strides = array<i32>} : memref<1024xi32, #tpu.memory_space<vmem>>, vector<16xi32>,
    %add3A_1703 = arith.constant 960 : i32
    %add3A_1704 = arith.addi %mul3A_2, %add3A_1703 : i32
    %add3A_1705 = vector.broadcast %add3A_1704 : i32 to vector<16xi32>
    %add3A_1706 = arith.addi %add3A_1705, %iota3A : vector<16xi32>
    %mul3A_1707 = arith.constant 91 : i32
    %mul3A_1708 = vector.broadcast %mul3A_1707 : i32 to vector<16xi32>
    %mul3A_1709 = arith.muli %add3A_1706, %mul3A_1708 : vector<16xi32>
    %add3A_1710 = arith.addi %mul3A_1709, %get3A_1702 : vector<16xi32>
    %min3A_1711 = arith.constant 2911999 : i32
    %min3A_1712 = vector.broadcast %min3A_1711 : i32 to vector<16xi32>
    %min3A_1713 = arith.minsi %add3A_1710, %min3A_1712 : vector<16xi32>
    %shift_right_arithmetic3A_1714 = arith.constant 5 : i32
    %shift_right_arithmetic3A_1715 = vector.broadcast %shift_right_arithmetic3A_1714 : i32 to vector<16xi32>
    %shift_right_arithmetic3A_1716 = arith.shrsi %min3A_1713, %shift_right_arithmetic3A_1715 : vector<16xi32>
    %swap3A_1717 = arith.constant 7 : i32
    %swap3A_1718 = arith.index_cast %swap3A_1717 : i32 to index
    %swap3A_1719 = arith.constant 64 : index
    %swap3A_1720 = tpu.vector_load %arg8[%swap3A_1718, %swap3A_1719] {strides = array<i32>} : memref<8x128xi32, #tpu.memory_space<vmem>>, vector<16xi32>,
    tpu.vector_store %arg8[%swap3A_1718, %swap3A_1719], %shift_right_arithmetic3A_1716 {strides = array<i32>} : memref<8x128xi32, #tpu.memory_space<vmem>>, vector<16xi32>,
    %and3A_1721 = arith.constant 31 : i32
    %and3A_1722 = vector.broadcast %and3A_1721 : i32 to vector<16xi32>
    %and3A_1723 = arith.andi %min3A_1713, %and3A_1722 : vector<16xi32>
    %mul3A_1724 = arith.constant 4 : i32
    %mul3A_1725 = vector.broadcast %mul3A_1724 : i32 to vector<16xi32>
    %mul3A_1726 = arith.muli %and3A_1723, %mul3A_1725 : vector<16xi32>
    %swap3A_1727 = arith.constant 960 : index
    %swap3A_1728 = tpu.vector_load %arg9[%swap3A_1727] {strides = array<i32>} : memref<1024xi32, #tpu.memory_space<vmem>>, vector<16xi32>,
    tpu.vector_store %arg9[%swap3A_1727], %mul3A_1726 {strides = array<i32>} : memref<1024xi32, #tpu.memory_space<vmem>>, vector<16xi32>,
    %get3A_1729 = arith.constant 976 : index
    %get3A_1730 = tpu.vector_load %arg6[%get3A_1729] {strides = array<i32>} : memref<1024xi32, #tpu.memory_space<vmem>>, vector<16xi32>,
    %add3A_1731 = arith.constant 976 : i32
    %add3A_1732 = arith.addi %mul3A_2, %add3A_1731 : i32
    %add3A_1733 = vector.broadcast %add3A_1732 : i32 to vector<16xi32>
    %add3A_1734 = arith.addi %add3A_1733, %iota3A : vector<16xi32>
    %mul3A_1735 = arith.constant 91 : i32
    %mul3A_1736 = vector.broadcast %mul3A_1735 : i32 to vector<16xi32>
    %mul3A_1737 = arith.muli %add3A_1734, %mul3A_1736 : vector<16xi32>
    %add3A_1738 = arith.addi %mul3A_1737, %get3A_1730 : vector<16xi32>
    %min3A_1739 = arith.constant 2911999 : i32
    %min3A_1740 = vector.broadcast %min3A_1739 : i32 to vector<16xi32>
    %min3A_1741 = arith.minsi %add3A_1738, %min3A_1740 : vector<16xi32>
    %shift_right_arithmetic3A_1742 = arith.constant 5 : i32
    %shift_right_arithmetic3A_1743 = vector.broadcast %shift_right_arithmetic3A_1742 : i32 to vector<16xi32>
    %shift_right_arithmetic3A_1744 = arith.shrsi %min3A_1741, %shift_right_arithmetic3A_1743 : vector<16xi32>
    %swap3A_1745 = arith.constant 7 : i32
    %swap3A_1746 = arith.index_cast %swap3A_1745 : i32 to index
    %swap3A_1747 = arith.constant 80 : index
    %swap3A_1748 = tpu.vector_load %arg8[%swap3A_1746, %swap3A_1747] {strides = array<i32>} : memref<8x128xi32, #tpu.memory_space<vmem>>, vector<16xi32>,
    tpu.vector_store %arg8[%swap3A_1746, %swap3A_1747], %shift_right_arithmetic3A_1744 {strides = array<i32>} : memref<8x128xi32, #tpu.memory_space<vmem>>, vector<16xi32>,
    %and3A_1749 = arith.constant 31 : i32
    %and3A_1750 = vector.broadcast %and3A_1749 : i32 to vector<16xi32>
    %and3A_1751 = arith.andi %min3A_1741, %and3A_1750 : vector<16xi32>
    %mul3A_1752 = arith.constant 4 : i32
    %mul3A_1753 = vector.broadcast %mul3A_1752 : i32 to vector<16xi32>
    %mul3A_1754 = arith.muli %and3A_1751, %mul3A_1753 : vector<16xi32>
    %swap3A_1755 = arith.constant 976 : index
    %swap3A_1756 = tpu.vector_load %arg9[%swap3A_1755] {strides = array<i32>} : memref<1024xi32, #tpu.memory_space<vmem>>, vector<16xi32>,
    tpu.vector_store %arg9[%swap3A_1755], %mul3A_1754 {strides = array<i32>} : memref<1024xi32, #tpu.memory_space<vmem>>, vector<16xi32>,
    %get3A_1757 = arith.constant 992 : index
    %get3A_1758 = tpu.vector_load %arg6[%get3A_1757] {strides = array<i32>} : memref<1024xi32, #tpu.memory_space<vmem>>, vector<16xi32>,
    %add3A_1759 = arith.constant 992 : i32
    %add3A_1760 = arith.addi %mul3A_2, %add3A_1759 : i32
    %add3A_1761 = vector.broadcast %add3A_1760 : i32 to vector<16xi32>
    %add3A_1762 = arith.addi %add3A_1761, %iota3A : vector<16xi32>
    %mul3A_1763 = arith.constant 91 : i32
    %mul3A_1764 = vector.broadcast %mul3A_1763 : i32 to vector<16xi32>
    %mul3A_1765 = arith.muli %add3A_1762, %mul3A_1764 : vector<16xi32>
    %add3A_1766 = arith.addi %mul3A_1765, %get3A_1758 : vector<16xi32>
    %min3A_1767 = arith.constant 2911999 : i32
    %min3A_1768 = vector.broadcast %min3A_1767 : i32 to vector<16xi32>
    %min3A_1769 = arith.minsi %add3A_1766, %min3A_1768 : vector<16xi32>
    %shift_right_arithmetic3A_1770 = arith.constant 5 : i32
    %shift_right_arithmetic3A_1771 = vector.broadcast %shift_right_arithmetic3A_1770 : i32 to vector<16xi32>
    %shift_right_arithmetic3A_1772 = arith.shrsi %min3A_1769, %shift_right_arithmetic3A_1771 : vector<16xi32>
    %swap3A_1773 = arith.constant 7 : i32
    %swap3A_1774 = arith.index_cast %swap3A_1773 : i32 to index
    %swap3A_1775 = arith.constant 96 : index
    %swap3A_1776 = tpu.vector_load %arg8[%swap3A_1774, %swap3A_1775] {strides = array<i32>} : memref<8x128xi32, #tpu.memory_space<vmem>>, vector<16xi32>,
    tpu.vector_store %arg8[%swap3A_1774, %swap3A_1775], %shift_right_arithmetic3A_1772 {strides = array<i32>} : memref<8x128xi32, #tpu.memory_space<vmem>>, vector<16xi32>,
    %and3A_1777 = arith.constant 31 : i32
    %and3A_1778 = vector.broadcast %and3A_1777 : i32 to vector<16xi32>
    %and3A_1779 = arith.andi %min3A_1769, %and3A_1778 : vector<16xi32>
    %mul3A_1780 = arith.constant 4 : i32
    %mul3A_1781 = vector.broadcast %mul3A_1780 : i32 to vector<16xi32>
    %mul3A_1782 = arith.muli %and3A_1779, %mul3A_1781 : vector<16xi32>
    %swap3A_1783 = arith.constant 992 : index
    %swap3A_1784 = tpu.vector_load %arg9[%swap3A_1783] {strides = array<i32>} : memref<1024xi32, #tpu.memory_space<vmem>>, vector<16xi32>,
    tpu.vector_store %arg9[%swap3A_1783], %mul3A_1782 {strides = array<i32>} : memref<1024xi32, #tpu.memory_space<vmem>>, vector<16xi32>,
    %get3A_1785 = arith.constant 1008 : index
    %get3A_1786 = tpu.vector_load %arg6[%get3A_1785] {strides = array<i32>} : memref<1024xi32, #tpu.memory_space<vmem>>, vector<16xi32>,
    %add3A_1787 = arith.constant 1008 : i32
    %add3A_1788 = arith.addi %mul3A_2, %add3A_1787 : i32
    %add3A_1789 = vector.broadcast %add3A_1788 : i32 to vector<16xi32>
    %add3A_1790 = arith.addi %add3A_1789, %iota3A : vector<16xi32>
    %mul3A_1791 = arith.constant 91 : i32
    %mul3A_1792 = vector.broadcast %mul3A_1791 : i32 to vector<16xi32>
    %mul3A_1793 = arith.muli %add3A_1790, %mul3A_1792 : vector<16xi32>
    %add3A_1794 = arith.addi %mul3A_1793, %get3A_1786 : vector<16xi32>
    %min3A_1795 = arith.constant 2911999 : i32
    %min3A_1796 = vector.broadcast %min3A_1795 : i32 to vector<16xi32>
    %min3A_1797 = arith.minsi %add3A_1794, %min3A_1796 : vector<16xi32>
    %shift_right_arithmetic3A_1798 = arith.constant 5 : i32
    %shift_right_arithmetic3A_1799 = vector.broadcast %shift_right_arithmetic3A_1798 : i32 to vector<16xi32>
    %shift_right_arithmetic3A_1800 = arith.shrsi %min3A_1797, %shift_right_arithmetic3A_1799 : vector<16xi32>
    %swap3A_1801 = arith.constant 7 : i32
    %swap3A_1802 = arith.index_cast %swap3A_1801 : i32 to index
    %swap3A_1803 = arith.constant 112 : index
    %swap3A_1804 = tpu.vector_load %arg8[%swap3A_1802, %swap3A_1803] {strides = array<i32>} : memref<8x128xi32, #tpu.memory_space<vmem>>, vector<16xi32>,
    tpu.vector_store %arg8[%swap3A_1802, %swap3A_1803], %shift_right_arithmetic3A_1800 {strides = array<i32>} : memref<8x128xi32, #tpu.memory_space<vmem>>, vector<16xi32>,
    %and3A_1805 = arith.constant 31 : i32
    %and3A_1806 = vector.broadcast %and3A_1805 : i32 to vector<16xi32>
    %and3A_1807 = arith.andi %min3A_1797, %and3A_1806 : vector<16xi32>
    %mul3A_1808 = arith.constant 4 : i32
    %mul3A_1809 = vector.broadcast %mul3A_1808 : i32 to vector<16xi32>
    %mul3A_1810 = arith.muli %and3A_1807, %mul3A_1809 : vector<16xi32>
    %swap3A_1811 = arith.constant 1008 : index
    %swap3A_1812 = tpu.vector_load %arg9[%swap3A_1811] {strides = array<i32>} : memref<1024xi32, #tpu.memory_space<vmem>>, vector<16xi32>,
    tpu.vector_store %arg9[%swap3A_1811], %mul3A_1810 {strides = array<i32>} : memref<1024xi32, #tpu.memory_space<vmem>>, vector<16xi32>,
    %broadcast_in_dim3A = arith.constant 0.000000e+00 : f32
    %broadcast_in_dim3A_1813 = vector.broadcast %broadcast_in_dim3A : f32 to vector<16xf32>
    %dma_wait3A = arith.constant 0 : i32
    %dma_wait3A_1814 = arith.constant 0 : i32
    %dma_wait3A_1815 = tpu.memref_slice %arg8[%dma_wait3A, %dma_wait3A_1814] : memref<8x128xi32, #tpu.memory_space<vmem>> -> memref<1x128xi32, #tpu.memory_space<vmem>>
    %dma_wait3A_1816 = tpu.memref_squeeze %dma_wait3A_1815 : memref<1x128xi32, #tpu.memory_space<vmem>> -> memref<128xi32, #tpu.memory_space<vmem>>
    %dma_wait3A_1817 = arith.constant 0 : i32
    %dma_wait3A_1818 = arith.constant 0 : i32
    %dma_wait3A_1819 = tpu.memref_slice %arg4[%dma_wait3A_1817, %dma_wait3A_1818] : memref<91000x128xf32, #tpu.memory_space<hbm>> -> memref<91000x128xf32, #tpu.memory_space<hbm>>
    tpu.wait_indirect_dma semaphore(%arg13 : memref<!tpu.dma_semaphore, #tpu.memory_space<semaphore_mem>>) src(%dma_wait3A_1819 : memref<91000x128xf32, #tpu.memory_space<hbm>>) dst(%arg10 : memref<128x128xf32, #tpu.memory_space<vmem>>)
    %scan3A = arith.constant 0 : i32
    %scan3A_1820 = arith.constant 32 : i32
    %scan3A_1821 = arith.addi %scan3A, %scan3A_1820 : i32
    %scan3A_1822 = arith.constant 1 : i32
    %scan3A_1823:2 = scf.for %scan3A_1962 = %scan3A to %scan3A_1821 step %scan3A_1822 iter_args(%scan3A_1963 = %broadcast_in_dim3A_1813, %scan3A_1964 = %broadcast_in_dim3A_1813) -> (vector<16xf32>, vector<16xf32>)  : i32 {
      %mul3A_1965 = arith.constant 16 : i32
      %mul3A_1966 = arith.muli %scan3A_1962, %mul3A_1965 : i32
      %add3A_1967 = arith.constant 0 : i32
      %add3A_1968 = arith.addi %add3A_1967, %mul3A_1966 : i32
      %get3A_1969 = arith.index_cast %add3A_1968 : i32 to index
      %get3A_1970 = tpu.vector_load %arg7[%get3A_1969] {strides = array<i32>} : memref<4096xf32, #tpu.memory_space<vmem>>, vector<16xf32>,
      %mul3A_1971 = arith.constant 4 : i32
      %mul3A_1972 = arith.muli %scan3A_1962, %mul3A_1971 : i32
      %add3A_1973 = vector.broadcast %mul3A_1972 : i32 to vector<16xi32>
      %add3A_1974 = arith.addi %add3A_1973, %shift_right_arithmetic3A_8 : vector<16xi32>
      %add3A_1975 = arith.constant 0 : i32
      %add3A_1976 = vector.broadcast %add3A_1975 : i32 to vector<16xi32>
      %add3A_1977 = arith.addi %add3A_1976, %add3A_1974 : vector<16xi32>
      %gather3A = tpu.vector_load_idx %arg9[%add3A_1977] : memref<1024xi32, #tpu.memory_space<vmem>>[vector<16xi32>], vector<16xi32>,
      %add3A_1978 = arith.addi %gather3A, %and3A_10 : vector<16xi32>
      %gather3A_1979 = tpu.vector_load_idx %arg10[%add3A_1974, %add3A_1978] : memref<128x128xf32, #tpu.memory_space<vmem>>[vector<16xi32>, vector<16xi32>], vector<16xf32>,
      %gather3A_1980 = tpu.vector_load_idx %arg6[%add3A_1977] : memref<1024xi32, #tpu.memory_space<vmem>>[vector<16xi32>], vector<16xi32>,
      %sub3A = arith.subf %get3A_1970, %gather3A_1979 : vector<16xf32>
      %abs3A = math.absf %sub3A : vector<16xf32>
      %lt3A = arith.constant 1.000000e+00 : f32
      %lt3A_1981 = vector.broadcast %lt3A : f32 to vector<16xf32>
      %lt3A_1982 = arith.cmpf olt, %abs3A, %lt3A_1981 : vector<16xf32>
      %mul3A_1983 = arith.constant 5.000000e-01 : f32
      %mul3A_1984 = vector.broadcast %mul3A_1983 : f32 to vector<16xf32>
      %mul3A_1985 = arith.mulf %mul3A_1984, %abs3A : vector<16xf32>
      %mul3A_1986 = arith.mulf %mul3A_1985, %abs3A : vector<16xf32>
      %sub3A_1987 = arith.constant 5.000000e-01 : f32
      %sub3A_1988 = vector.broadcast %sub3A_1987 : f32 to vector<16xf32>
      %sub3A_1989 = arith.subf %abs3A, %sub3A_1988 : vector<16xf32>
      %select_n3A = arith.select %lt3A_1982, %mul3A_1986, %sub3A_1989 : vector<16xi1>, vector<16xf32>
      %gt3A = arith.constant 0 : i32
      %gt3A_1990 = vector.broadcast %gt3A : i32 to vector<16xi32>
      %gt3A_1991 = arith.cmpi sgt, %gather3A_1980, %gt3A_1990 : vector<16xi32>
      %jit3A = arith.constant 0.000000e+00 : f32
      %broadcast_in_dim3A_1992 = vector.broadcast %jit3A : f32 to vector<16xf32>
      %select_n3A_1993 = arith.select %gt3A_1991, %select_n3A, %broadcast_in_dim3A_1992 : vector<16xi1>, vector<16xf32>
      %add3A_1994 = arith.addf %scan3A_1963, %select_n3A_1993 : vector<16xf32>
      %jit3A_1995 = arith.constant 1.000000e+00 : f32
      %jit3A_1996 = arith.constant 0.000000e+00 : f32
      %broadcast_in_dim3A_1997 = vector.broadcast %jit3A_1995 : f32 to vector<16xf32>
      %broadcast_in_dim3A_1998 = vector.broadcast %jit3A_1996 : f32 to vector<16xf32>
      %select_n3A_1999 = arith.select %gt3A_1991, %broadcast_in_dim3A_1997, %broadcast_in_dim3A_1998 : vector<16xi1>, vector<16xf32>
      %add3A_2000 = arith.addf %scan3A_1964, %select_n3A_1999 : vector<16xf32>
      scf.yield %add3A_1994, %add3A_2000 : vector<16xf32>, vector<16xf32>
    }
    %scan3A_1824 = arith.constant 32 : i32
    %dma_start3A_1825 = arith.constant 2 : i32
    %dma_start3A_1826 = arith.constant 0 : i32
    %dma_start3A_1827 = tpu.memref_slice %arg8[%dma_start3A_1825, %dma_start3A_1826] : memref<8x128xi32, #tpu.memory_space<vmem>> -> memref<1x128xi32, #tpu.memory_space<vmem>>
    %dma_start3A_1828 = tpu.memref_squeeze %dma_start3A_1827 : memref<1x128xi32, #tpu.memory_space<vmem>> -> memref<128xi32, #tpu.memory_space<vmem>>
    %dma_start3A_1829 = arith.constant 0 : i32
    %dma_start3A_1830 = arith.constant 0 : i32
    %dma_start3A_1831 = tpu.memref_slice %arg4[%dma_start3A_1829, %dma_start3A_1830] : memref<91000x128xf32, #tpu.memory_space<hbm>> -> memref<91000x128xf32, #tpu.memory_space<hbm>>
    tpu.enqueue_indirect_dma source(%dma_start3A_1831 : memref<91000x128xf32, #tpu.memory_space<hbm>>) target(%arg10 : memref<128x128xf32, #tpu.memory_space<vmem>>) offsets(%dma_start3A_1828 : memref<128xi32, #tpu.memory_space<vmem>>) semaphore(%arg13 : memref<!tpu.dma_semaphore, #tpu.memory_space<semaphore_mem>>)
    %dma_wait3A_1832 = arith.constant 1 : i32
    %dma_wait3A_1833 = arith.constant 0 : i32
    %dma_wait3A_1834 = tpu.memref_slice %arg8[%dma_wait3A_1832, %dma_wait3A_1833] : memref<8x128xi32, #tpu.memory_space<vmem>> -> memref<1x128xi32, #tpu.memory_space<vmem>>
    %dma_wait3A_1835 = tpu.memref_squeeze %dma_wait3A_1834 : memref<1x128xi32, #tpu.memory_space<vmem>> -> memref<128xi32, #tpu.memory_space<vmem>>
    %dma_wait3A_1836 = arith.constant 0 : i32
    %dma_wait3A_1837 = arith.constant 0 : i32
    %dma_wait3A_1838 = tpu.memref_slice %arg4[%dma_wait3A_1836, %dma_wait3A_1837] : memref<91000x128xf32, #tpu.memory_space<hbm>> -> memref<91000x128xf32, #tpu.memory_space<hbm>>
    tpu.wait_indirect_dma semaphore(%arg14 : memref<!tpu.dma_semaphore, #tpu.memory_space<semaphore_mem>>) src(%dma_wait3A_1838 : memref<91000x128xf32, #tpu.memory_space<hbm>>) dst(%arg11 : memref<128x128xf32, #tpu.memory_space<vmem>>)
    %scan3A_1839 = arith.constant 0 : i32
    %scan3A_1840 = arith.constant 32 : i32
    %scan3A_1841 = arith.addi %scan3A_1839, %scan3A_1840 : i32
    %scan3A_1842 = arith.constant 1 : i32
    %scan3A_1843:2 = scf.for %scan3A_1962 = %scan3A_1839 to %scan3A_1841 step %scan3A_1842 iter_args(%scan3A_1963 = %scan3A_1823#0, %scan3A_1964 = %scan3A_1823#1) -> (vector<16xf32>, vector<16xf32>)  : i32 {
      %mul3A_1965 = arith.constant 16 : i32
      %mul3A_1966 = arith.muli %scan3A_1962, %mul3A_1965 : i32
      %add3A_1967 = arith.constant 512 : i32
      %add3A_1968 = arith.addi %add3A_1967, %mul3A_1966 : i32
      %get3A_1969 = arith.index_cast %add3A_1968 : i32 to index
      %get3A_1970 = tpu.vector_load %arg7[%get3A_1969] {strides = array<i32>} : memref<4096xf32, #tpu.memory_space<vmem>>, vector<16xf32>,
      %mul3A_1971 = arith.constant 4 : i32
      %mul3A_1972 = arith.muli %scan3A_1962, %mul3A_1971 : i32
      %add3A_1973 = vector.broadcast %mul3A_1972 : i32 to vector<16xi32>
      %add3A_1974 = arith.addi %add3A_1973, %shift_right_arithmetic3A_8 : vector<16xi32>
      %add3A_1975 = arith.constant 128 : i32
      %add3A_1976 = vector.broadcast %add3A_1975 : i32 to vector<16xi32>
      %add3A_1977 = arith.addi %add3A_1976, %add3A_1974 : vector<16xi32>
      %gather3A = tpu.vector_load_idx %arg9[%add3A_1977] : memref<1024xi32, #tpu.memory_space<vmem>>[vector<16xi32>], vector<16xi32>,
      %add3A_1978 = arith.addi %gather3A, %and3A_10 : vector<16xi32>
      %gather3A_1979 = tpu.vector_load_idx %arg11[%add3A_1974, %add3A_1978] : memref<128x128xf32, #tpu.memory_space<vmem>>[vector<16xi32>, vector<16xi32>], vector<16xf32>,
      %gather3A_1980 = tpu.vector_load_idx %arg6[%add3A_1977] : memref<1024xi32, #tpu.memory_space<vmem>>[vector<16xi32>], vector<16xi32>,
      %sub3A = arith.subf %get3A_1970, %gather3A_1979 : vector<16xf32>
      %abs3A = math.absf %sub3A : vector<16xf32>
      %lt3A = arith.constant 1.000000e+00 : f32
      %lt3A_1981 = vector.broadcast %lt3A : f32 to vector<16xf32>
      %lt3A_1982 = arith.cmpf olt, %abs3A, %lt3A_1981 : vector<16xf32>
      %mul3A_1983 = arith.constant 5.000000e-01 : f32
      %mul3A_1984 = vector.broadcast %mul3A_1983 : f32 to vector<16xf32>
      %mul3A_1985 = arith.mulf %mul3A_1984, %abs3A : vector<16xf32>
      %mul3A_1986 = arith.mulf %mul3A_1985, %abs3A : vector<16xf32>
      %sub3A_1987 = arith.constant 5.000000e-01 : f32
      %sub3A_1988 = vector.broadcast %sub3A_1987 : f32 to vector<16xf32>
      %sub3A_1989 = arith.subf %abs3A, %sub3A_1988 : vector<16xf32>
      %select_n3A = arith.select %lt3A_1982, %mul3A_1986, %sub3A_1989 : vector<16xi1>, vector<16xf32>
      %gt3A = arith.constant 0 : i32
      %gt3A_1990 = vector.broadcast %gt3A : i32 to vector<16xi32>
      %gt3A_1991 = arith.cmpi sgt, %gather3A_1980, %gt3A_1990 : vector<16xi32>
      %jit3A = arith.constant 0.000000e+00 : f32
      %broadcast_in_dim3A_1992 = vector.broadcast %jit3A : f32 to vector<16xf32>
      %select_n3A_1993 = arith.select %gt3A_1991, %select_n3A, %broadcast_in_dim3A_1992 : vector<16xi1>, vector<16xf32>
      %add3A_1994 = arith.addf %scan3A_1963, %select_n3A_1993 : vector<16xf32>
      %jit3A_1995 = arith.constant 1.000000e+00 : f32
      %jit3A_1996 = arith.constant 0.000000e+00 : f32
      %broadcast_in_dim3A_1997 = vector.broadcast %jit3A_1995 : f32 to vector<16xf32>
      %broadcast_in_dim3A_1998 = vector.broadcast %jit3A_1996 : f32 to vector<16xf32>
      %select_n3A_1999 = arith.select %gt3A_1991, %broadcast_in_dim3A_1997, %broadcast_in_dim3A_1998 : vector<16xi1>, vector<16xf32>
      %add3A_2000 = arith.addf %scan3A_1964, %select_n3A_1999 : vector<16xf32>
      scf.yield %add3A_1994, %add3A_2000 : vector<16xf32>, vector<16xf32>
    }
    %scan3A_1844 = arith.constant 32 : i32
    %dma_start3A_1845 = arith.constant 3 : i32
    %dma_start3A_1846 = arith.constant 0 : i32
    %dma_start3A_1847 = tpu.memref_slice %arg8[%dma_start3A_1845, %dma_start3A_1846] : memref<8x128xi32, #tpu.memory_space<vmem>> -> memref<1x128xi32, #tpu.memory_space<vmem>>
    %dma_start3A_1848 = tpu.memref_squeeze %dma_start3A_1847 : memref<1x128xi32, #tpu.memory_space<vmem>> -> memref<128xi32, #tpu.memory_space<vmem>>
    %dma_start3A_1849 = arith.constant 0 : i32
    %dma_start3A_1850 = arith.constant 0 : i32
    %dma_start3A_1851 = tpu.memref_slice %arg4[%dma_start3A_1849, %dma_start3A_1850] : memref<91000x128xf32, #tpu.memory_space<hbm>> -> memref<91000x128xf32, #tpu.memory_space<hbm>>
    tpu.enqueue_indirect_dma source(%dma_start3A_1851 : memref<91000x128xf32, #tpu.memory_space<hbm>>) target(%arg11 : memref<128x128xf32, #tpu.memory_space<vmem>>) offsets(%dma_start3A_1848 : memref<128xi32, #tpu.memory_space<vmem>>) semaphore(%arg14 : memref<!tpu.dma_semaphore, #tpu.memory_space<semaphore_mem>>)
    %dma_wait3A_1852 = arith.constant 2 : i32
    %dma_wait3A_1853 = arith.constant 0 : i32
    %dma_wait3A_1854 = tpu.memref_slice %arg8[%dma_wait3A_1852, %dma_wait3A_1853] : memref<8x128xi32, #tpu.memory_space<vmem>> -> memref<1x128xi32, #tpu.memory_space<vmem>>
    %dma_wait3A_1855 = tpu.memref_squeeze %dma_wait3A_1854 : memref<1x128xi32, #tpu.memory_space<vmem>> -> memref<128xi32, #tpu.memory_space<vmem>>
    %dma_wait3A_1856 = arith.constant 0 : i32
    %dma_wait3A_1857 = arith.constant 0 : i32
    %dma_wait3A_1858 = tpu.memref_slice %arg4[%dma_wait3A_1856, %dma_wait3A_1857] : memref<91000x128xf32, #tpu.memory_space<hbm>> -> memref<91000x128xf32, #tpu.memory_space<hbm>>
    tpu.wait_indirect_dma semaphore(%arg13 : memref<!tpu.dma_semaphore, #tpu.memory_space<semaphore_mem>>) src(%dma_wait3A_1858 : memref<91000x128xf32, #tpu.memory_space<hbm>>) dst(%arg10 : memref<128x128xf32, #tpu.memory_space<vmem>>)
    %scan3A_1859 = arith.constant 0 : i32
    %scan3A_1860 = arith.constant 32 : i32
    %scan3A_1861 = arith.addi %scan3A_1859, %scan3A_1860 : i32
    %scan3A_1862 = arith.constant 1 : i32
    %scan3A_1863:2 = scf.for %scan3A_1962 = %scan3A_1859 to %scan3A_1861 step %scan3A_1862 iter_args(%scan3A_1963 = %scan3A_1843#0, %scan3A_1964 = %scan3A_1843#1) -> (vector<16xf32>, vector<16xf32>)  : i32 {
      %mul3A_1965 = arith.constant 16 : i32
      %mul3A_1966 = arith.muli %scan3A_1962, %mul3A_1965 : i32
      %add3A_1967 = arith.constant 1024 : i32
      %add3A_1968 = arith.addi %add3A_1967, %mul3A_1966 : i32
      %get3A_1969 = arith.index_cast %add3A_1968 : i32 to index
      %get3A_1970 = tpu.vector_load %arg7[%get3A_1969] {strides = array<i32>} : memref<4096xf32, #tpu.memory_space<vmem>>, vector<16xf32>,
      %mul3A_1971 = arith.constant 4 : i32
      %mul3A_1972 = arith.muli %scan3A_1962, %mul3A_1971 : i32
      %add3A_1973 = vector.broadcast %mul3A_1972 : i32 to vector<16xi32>
      %add3A_1974 = arith.addi %add3A_1973, %shift_right_arithmetic3A_8 : vector<16xi32>
      %add3A_1975 = arith.constant 256 : i32
      %add3A_1976 = vector.broadcast %add3A_1975 : i32 to vector<16xi32>
      %add3A_1977 = arith.addi %add3A_1976, %add3A_1974 : vector<16xi32>
      %gather3A = tpu.vector_load_idx %arg9[%add3A_1977] : memref<1024xi32, #tpu.memory_space<vmem>>[vector<16xi32>], vector<16xi32>,
      %add3A_1978 = arith.addi %gather3A, %and3A_10 : vector<16xi32>
      %gather3A_1979 = tpu.vector_load_idx %arg10[%add3A_1974, %add3A_1978] : memref<128x128xf32, #tpu.memory_space<vmem>>[vector<16xi32>, vector<16xi32>], vector<16xf32>,
      %gather3A_1980 = tpu.vector_load_idx %arg6[%add3A_1977] : memref<1024xi32, #tpu.memory_space<vmem>>[vector<16xi32>], vector<16xi32>,
      %sub3A = arith.subf %get3A_1970, %gather3A_1979 : vector<16xf32>
      %abs3A = math.absf %sub3A : vector<16xf32>
      %lt3A = arith.constant 1.000000e+00 : f32
      %lt3A_1981 = vector.broadcast %lt3A : f32 to vector<16xf32>
      %lt3A_1982 = arith.cmpf olt, %abs3A, %lt3A_1981 : vector<16xf32>
      %mul3A_1983 = arith.constant 5.000000e-01 : f32
      %mul3A_1984 = vector.broadcast %mul3A_1983 : f32 to vector<16xf32>
      %mul3A_1985 = arith.mulf %mul3A_1984, %abs3A : vector<16xf32>
      %mul3A_1986 = arith.mulf %mul3A_1985, %abs3A : vector<16xf32>
      %sub3A_1987 = arith.constant 5.000000e-01 : f32
      %sub3A_1988 = vector.broadcast %sub3A_1987 : f32 to vector<16xf32>
      %sub3A_1989 = arith.subf %abs3A, %sub3A_1988 : vector<16xf32>
      %select_n3A = arith.select %lt3A_1982, %mul3A_1986, %sub3A_1989 : vector<16xi1>, vector<16xf32>
      %gt3A = arith.constant 0 : i32
      %gt3A_1990 = vector.broadcast %gt3A : i32 to vector<16xi32>
      %gt3A_1991 = arith.cmpi sgt, %gather3A_1980, %gt3A_1990 : vector<16xi32>
      %jit3A = arith.constant 0.000000e+00 : f32
      %broadcast_in_dim3A_1992 = vector.broadcast %jit3A : f32 to vector<16xf32>
      %select_n3A_1993 = arith.select %gt3A_1991, %select_n3A, %broadcast_in_dim3A_1992 : vector<16xi1>, vector<16xf32>
      %add3A_1994 = arith.addf %scan3A_1963, %select_n3A_1993 : vector<16xf32>
      %jit3A_1995 = arith.constant 1.000000e+00 : f32
      %jit3A_1996 = arith.constant 0.000000e+00 : f32
      %broadcast_in_dim3A_1997 = vector.broadcast %jit3A_1995 : f32 to vector<16xf32>
      %broadcast_in_dim3A_1998 = vector.broadcast %jit3A_1996 : f32 to vector<16xf32>
      %select_n3A_1999 = arith.select %gt3A_1991, %broadcast_in_dim3A_1997, %broadcast_in_dim3A_1998 : vector<16xi1>, vector<16xf32>
      %add3A_2000 = arith.addf %scan3A_1964, %select_n3A_1999 : vector<16xf32>
      scf.yield %add3A_1994, %add3A_2000 : vector<16xf32>, vector<16xf32>
    }
    %scan3A_1864 = arith.constant 32 : i32
    %dma_start3A_1865 = arith.constant 4 : i32
    %dma_start3A_1866 = arith.constant 0 : i32
    %dma_start3A_1867 = tpu.memref_slice %arg8[%dma_start3A_1865, %dma_start3A_1866] : memref<8x128xi32, #tpu.memory_space<vmem>> -> memref<1x128xi32, #tpu.memory_space<vmem>>
    %dma_start3A_1868 = tpu.memref_squeeze %dma_start3A_1867 : memref<1x128xi32, #tpu.memory_space<vmem>> -> memref<128xi32, #tpu.memory_space<vmem>>
    %dma_start3A_1869 = arith.constant 0 : i32
    %dma_start3A_1870 = arith.constant 0 : i32
    %dma_start3A_1871 = tpu.memref_slice %arg4[%dma_start3A_1869, %dma_start3A_1870] : memref<91000x128xf32, #tpu.memory_space<hbm>> -> memref<91000x128xf32, #tpu.memory_space<hbm>>
    tpu.enqueue_indirect_dma source(%dma_start3A_1871 : memref<91000x128xf32, #tpu.memory_space<hbm>>) target(%arg10 : memref<128x128xf32, #tpu.memory_space<vmem>>) offsets(%dma_start3A_1868 : memref<128xi32, #tpu.memory_space<vmem>>) semaphore(%arg13 : memref<!tpu.dma_semaphore, #tpu.memory_space<semaphore_mem>>)
    %dma_wait3A_1872 = arith.constant 3 : i32
    %dma_wait3A_1873 = arith.constant 0 : i32
    %dma_wait3A_1874 = tpu.memref_slice %arg8[%dma_wait3A_1872, %dma_wait3A_1873] : memref<8x128xi32, #tpu.memory_space<vmem>> -> memref<1x128xi32, #tpu.memory_space<vmem>>
    %dma_wait3A_1875 = tpu.memref_squeeze %dma_wait3A_1874 : memref<1x128xi32, #tpu.memory_space<vmem>> -> memref<128xi32, #tpu.memory_space<vmem>>
    %dma_wait3A_1876 = arith.constant 0 : i32
    %dma_wait3A_1877 = arith.constant 0 : i32
    %dma_wait3A_1878 = tpu.memref_slice %arg4[%dma_wait3A_1876, %dma_wait3A_1877] : memref<91000x128xf32, #tpu.memory_space<hbm>> -> memref<91000x128xf32, #tpu.memory_space<hbm>>
    tpu.wait_indirect_dma semaphore(%arg14 : memref<!tpu.dma_semaphore, #tpu.memory_space<semaphore_mem>>) src(%dma_wait3A_1878 : memref<91000x128xf32, #tpu.memory_space<hbm>>) dst(%arg11 : memref<128x128xf32, #tpu.memory_space<vmem>>)
    %scan3A_1879 = arith.constant 0 : i32
    %scan3A_1880 = arith.constant 32 : i32
    %scan3A_1881 = arith.addi %scan3A_1879, %scan3A_1880 : i32
    %scan3A_1882 = arith.constant 1 : i32
    %scan3A_1883:2 = scf.for %scan3A_1962 = %scan3A_1879 to %scan3A_1881 step %scan3A_1882 iter_args(%scan3A_1963 = %scan3A_1863#0, %scan3A_1964 = %scan3A_1863#1) -> (vector<16xf32>, vector<16xf32>)  : i32 {
      %mul3A_1965 = arith.constant 16 : i32
      %mul3A_1966 = arith.muli %scan3A_1962, %mul3A_1965 : i32
      %add3A_1967 = arith.constant 1536 : i32
      %add3A_1968 = arith.addi %add3A_1967, %mul3A_1966 : i32
      %get3A_1969 = arith.index_cast %add3A_1968 : i32 to index
      %get3A_1970 = tpu.vector_load %arg7[%get3A_1969] {strides = array<i32>} : memref<4096xf32, #tpu.memory_space<vmem>>, vector<16xf32>,
      %mul3A_1971 = arith.constant 4 : i32
      %mul3A_1972 = arith.muli %scan3A_1962, %mul3A_1971 : i32
      %add3A_1973 = vector.broadcast %mul3A_1972 : i32 to vector<16xi32>
      %add3A_1974 = arith.addi %add3A_1973, %shift_right_arithmetic3A_8 : vector<16xi32>
      %add3A_1975 = arith.constant 384 : i32
      %add3A_1976 = vector.broadcast %add3A_1975 : i32 to vector<16xi32>
      %add3A_1977 = arith.addi %add3A_1976, %add3A_1974 : vector<16xi32>
      %gather3A = tpu.vector_load_idx %arg9[%add3A_1977] : memref<1024xi32, #tpu.memory_space<vmem>>[vector<16xi32>], vector<16xi32>,
      %add3A_1978 = arith.addi %gather3A, %and3A_10 : vector<16xi32>
      %gather3A_1979 = tpu.vector_load_idx %arg11[%add3A_1974, %add3A_1978] : memref<128x128xf32, #tpu.memory_space<vmem>>[vector<16xi32>, vector<16xi32>], vector<16xf32>,
      %gather3A_1980 = tpu.vector_load_idx %arg6[%add3A_1977] : memref<1024xi32, #tpu.memory_space<vmem>>[vector<16xi32>], vector<16xi32>,
      %sub3A = arith.subf %get3A_1970, %gather3A_1979 : vector<16xf32>
      %abs3A = math.absf %sub3A : vector<16xf32>
      %lt3A = arith.constant 1.000000e+00 : f32
      %lt3A_1981 = vector.broadcast %lt3A : f32 to vector<16xf32>
      %lt3A_1982 = arith.cmpf olt, %abs3A, %lt3A_1981 : vector<16xf32>
      %mul3A_1983 = arith.constant 5.000000e-01 : f32
      %mul3A_1984 = vector.broadcast %mul3A_1983 : f32 to vector<16xf32>
      %mul3A_1985 = arith.mulf %mul3A_1984, %abs3A : vector<16xf32>
      %mul3A_1986 = arith.mulf %mul3A_1985, %abs3A : vector<16xf32>
      %sub3A_1987 = arith.constant 5.000000e-01 : f32
      %sub3A_1988 = vector.broadcast %sub3A_1987 : f32 to vector<16xf32>
      %sub3A_1989 = arith.subf %abs3A, %sub3A_1988 : vector<16xf32>
      %select_n3A = arith.select %lt3A_1982, %mul3A_1986, %sub3A_1989 : vector<16xi1>, vector<16xf32>
      %gt3A = arith.constant 0 : i32
      %gt3A_1990 = vector.broadcast %gt3A : i32 to vector<16xi32>
      %gt3A_1991 = arith.cmpi sgt, %gather3A_1980, %gt3A_1990 : vector<16xi32>
      %jit3A = arith.constant 0.000000e+00 : f32
      %broadcast_in_dim3A_1992 = vector.broadcast %jit3A : f32 to vector<16xf32>
      %select_n3A_1993 = arith.select %gt3A_1991, %select_n3A, %broadcast_in_dim3A_1992 : vector<16xi1>, vector<16xf32>
      %add3A_1994 = arith.addf %scan3A_1963, %select_n3A_1993 : vector<16xf32>
      %jit3A_1995 = arith.constant 1.000000e+00 : f32
      %jit3A_1996 = arith.constant 0.000000e+00 : f32
      %broadcast_in_dim3A_1997 = vector.broadcast %jit3A_1995 : f32 to vector<16xf32>
      %broadcast_in_dim3A_1998 = vector.broadcast %jit3A_1996 : f32 to vector<16xf32>
      %select_n3A_1999 = arith.select %gt3A_1991, %broadcast_in_dim3A_1997, %broadcast_in_dim3A_1998 : vector<16xi1>, vector<16xf32>
      %add3A_2000 = arith.addf %scan3A_1964, %select_n3A_1999 : vector<16xf32>
      scf.yield %add3A_1994, %add3A_2000 : vector<16xf32>, vector<16xf32>
    }
    %scan3A_1884 = arith.constant 32 : i32
    %dma_start3A_1885 = arith.constant 5 : i32
    %dma_start3A_1886 = arith.constant 0 : i32
    %dma_start3A_1887 = tpu.memref_slice %arg8[%dma_start3A_1885, %dma_start3A_1886] : memref<8x128xi32, #tpu.memory_space<vmem>> -> memref<1x128xi32, #tpu.memory_space<vmem>>
    %dma_start3A_1888 = tpu.memref_squeeze %dma_start3A_1887 : memref<1x128xi32, #tpu.memory_space<vmem>> -> memref<128xi32, #tpu.memory_space<vmem>>
    %dma_start3A_1889 = arith.constant 0 : i32
    %dma_start3A_1890 = arith.constant 0 : i32
    %dma_start3A_1891 = tpu.memref_slice %arg4[%dma_start3A_1889, %dma_start3A_1890] : memref<91000x128xf32, #tpu.memory_space<hbm>> -> memref<91000x128xf32, #tpu.memory_space<hbm>>
    tpu.enqueue_indirect_dma source(%dma_start3A_1891 : memref<91000x128xf32, #tpu.memory_space<hbm>>) target(%arg11 : memref<128x128xf32, #tpu.memory_space<vmem>>) offsets(%dma_start3A_1888 : memref<128xi32, #tpu.memory_space<vmem>>) semaphore(%arg14 : memref<!tpu.dma_semaphore, #tpu.memory_space<semaphore_mem>>)
    %dma_wait3A_1892 = arith.constant 4 : i32
    %dma_wait3A_1893 = arith.constant 0 : i32
    %dma_wait3A_1894 = tpu.memref_slice %arg8[%dma_wait3A_1892, %dma_wait3A_1893] : memref<8x128xi32, #tpu.memory_space<vmem>> -> memref<1x128xi32, #tpu.memory_space<vmem>>
    %dma_wait3A_1895 = tpu.memref_squeeze %dma_wait3A_1894 : memref<1x128xi32, #tpu.memory_space<vmem>> -> memref<128xi32, #tpu.memory_space<vmem>>
    %dma_wait3A_1896 = arith.constant 0 : i32
    %dma_wait3A_1897 = arith.constant 0 : i32
    %dma_wait3A_1898 = tpu.memref_slice %arg4[%dma_wait3A_1896, %dma_wait3A_1897] : memref<91000x128xf32, #tpu.memory_space<hbm>> -> memref<91000x128xf32, #tpu.memory_space<hbm>>
    tpu.wait_indirect_dma semaphore(%arg13 : memref<!tpu.dma_semaphore, #tpu.memory_space<semaphore_mem>>) src(%dma_wait3A_1898 : memref<91000x128xf32, #tpu.memory_space<hbm>>) dst(%arg10 : memref<128x128xf32, #tpu.memory_space<vmem>>)
    %scan3A_1899 = arith.constant 0 : i32
    %scan3A_1900 = arith.constant 32 : i32
    %scan3A_1901 = arith.addi %scan3A_1899, %scan3A_1900 : i32
    %scan3A_1902 = arith.constant 1 : i32
    %scan3A_1903:2 = scf.for %scan3A_1962 = %scan3A_1899 to %scan3A_1901 step %scan3A_1902 iter_args(%scan3A_1963 = %scan3A_1883#0, %scan3A_1964 = %scan3A_1883#1) -> (vector<16xf32>, vector<16xf32>)  : i32 {
      %mul3A_1965 = arith.constant 16 : i32
      %mul3A_1966 = arith.muli %scan3A_1962, %mul3A_1965 : i32
      %add3A_1967 = arith.constant 2048 : i32
      %add3A_1968 = arith.addi %add3A_1967, %mul3A_1966 : i32
      %get3A_1969 = arith.index_cast %add3A_1968 : i32 to index
      %get3A_1970 = tpu.vector_load %arg7[%get3A_1969] {strides = array<i32>} : memref<4096xf32, #tpu.memory_space<vmem>>, vector<16xf32>,
      %mul3A_1971 = arith.constant 4 : i32
      %mul3A_1972 = arith.muli %scan3A_1962, %mul3A_1971 : i32
      %add3A_1973 = vector.broadcast %mul3A_1972 : i32 to vector<16xi32>
      %add3A_1974 = arith.addi %add3A_1973, %shift_right_arithmetic3A_8 : vector<16xi32>
      %add3A_1975 = arith.constant 512 : i32
      %add3A_1976 = vector.broadcast %add3A_1975 : i32 to vector<16xi32>
      %add3A_1977 = arith.addi %add3A_1976, %add3A_1974 : vector<16xi32>
      %gather3A = tpu.vector_load_idx %arg9[%add3A_1977] : memref<1024xi32, #tpu.memory_space<vmem>>[vector<16xi32>], vector<16xi32>,
      %add3A_1978 = arith.addi %gather3A, %and3A_10 : vector<16xi32>
      %gather3A_1979 = tpu.vector_load_idx %arg10[%add3A_1974, %add3A_1978] : memref<128x128xf32, #tpu.memory_space<vmem>>[vector<16xi32>, vector<16xi32>], vector<16xf32>,
      %gather3A_1980 = tpu.vector_load_idx %arg6[%add3A_1977] : memref<1024xi32, #tpu.memory_space<vmem>>[vector<16xi32>], vector<16xi32>,
      %sub3A = arith.subf %get3A_1970, %gather3A_1979 : vector<16xf32>
      %abs3A = math.absf %sub3A : vector<16xf32>
      %lt3A = arith.constant 1.000000e+00 : f32
      %lt3A_1981 = vector.broadcast %lt3A : f32 to vector<16xf32>
      %lt3A_1982 = arith.cmpf olt, %abs3A, %lt3A_1981 : vector<16xf32>
      %mul3A_1983 = arith.constant 5.000000e-01 : f32
      %mul3A_1984 = vector.broadcast %mul3A_1983 : f32 to vector<16xf32>
      %mul3A_1985 = arith.mulf %mul3A_1984, %abs3A : vector<16xf32>
      %mul3A_1986 = arith.mulf %mul3A_1985, %abs3A : vector<16xf32>
      %sub3A_1987 = arith.constant 5.000000e-01 : f32
      %sub3A_1988 = vector.broadcast %sub3A_1987 : f32 to vector<16xf32>
      %sub3A_1989 = arith.subf %abs3A, %sub3A_1988 : vector<16xf32>
      %select_n3A = arith.select %lt3A_1982, %mul3A_1986, %sub3A_1989 : vector<16xi1>, vector<16xf32>
      %gt3A = arith.constant 0 : i32
      %gt3A_1990 = vector.broadcast %gt3A : i32 to vector<16xi32>
      %gt3A_1991 = arith.cmpi sgt, %gather3A_1980, %gt3A_1990 : vector<16xi32>
      %jit3A = arith.constant 0.000000e+00 : f32
      %broadcast_in_dim3A_1992 = vector.broadcast %jit3A : f32 to vector<16xf32>
      %select_n3A_1993 = arith.select %gt3A_1991, %select_n3A, %broadcast_in_dim3A_1992 : vector<16xi1>, vector<16xf32>
      %add3A_1994 = arith.addf %scan3A_1963, %select_n3A_1993 : vector<16xf32>
      %jit3A_1995 = arith.constant 1.000000e+00 : f32
      %jit3A_1996 = arith.constant 0.000000e+00 : f32
      %broadcast_in_dim3A_1997 = vector.broadcast %jit3A_1995 : f32 to vector<16xf32>
      %broadcast_in_dim3A_1998 = vector.broadcast %jit3A_1996 : f32 to vector<16xf32>
      %select_n3A_1999 = arith.select %gt3A_1991, %broadcast_in_dim3A_1997, %broadcast_in_dim3A_1998 : vector<16xi1>, vector<16xf32>
      %add3A_2000 = arith.addf %scan3A_1964, %select_n3A_1999 : vector<16xf32>
      scf.yield %add3A_1994, %add3A_2000 : vector<16xf32>, vector<16xf32>
    }
    %scan3A_1904 = arith.constant 32 : i32
    %dma_start3A_1905 = arith.constant 6 : i32
    %dma_start3A_1906 = arith.constant 0 : i32
    %dma_start3A_1907 = tpu.memref_slice %arg8[%dma_start3A_1905, %dma_start3A_1906] : memref<8x128xi32, #tpu.memory_space<vmem>> -> memref<1x128xi32, #tpu.memory_space<vmem>>
    %dma_start3A_1908 = tpu.memref_squeeze %dma_start3A_1907 : memref<1x128xi32, #tpu.memory_space<vmem>> -> memref<128xi32, #tpu.memory_space<vmem>>
    %dma_start3A_1909 = arith.constant 0 : i32
    %dma_start3A_1910 = arith.constant 0 : i32
    %dma_start3A_1911 = tpu.memref_slice %arg4[%dma_start3A_1909, %dma_start3A_1910] : memref<91000x128xf32, #tpu.memory_space<hbm>> -> memref<91000x128xf32, #tpu.memory_space<hbm>>
    tpu.enqueue_indirect_dma source(%dma_start3A_1911 : memref<91000x128xf32, #tpu.memory_space<hbm>>) target(%arg10 : memref<128x128xf32, #tpu.memory_space<vmem>>) offsets(%dma_start3A_1908 : memref<128xi32, #tpu.memory_space<vmem>>) semaphore(%arg13 : memref<!tpu.dma_semaphore, #tpu.memory_space<semaphore_mem>>)
    %dma_wait3A_1912 = arith.constant 5 : i32
    %dma_wait3A_1913 = arith.constant 0 : i32
    %dma_wait3A_1914 = tpu.memref_slice %arg8[%dma_wait3A_1912, %dma_wait3A_1913] : memref<8x128xi32, #tpu.memory_space<vmem>> -> memref<1x128xi32, #tpu.memory_space<vmem>>
    %dma_wait3A_1915 = tpu.memref_squeeze %dma_wait3A_1914 : memref<1x128xi32, #tpu.memory_space<vmem>> -> memref<128xi32, #tpu.memory_space<vmem>>
    %dma_wait3A_1916 = arith.constant 0 : i32
    %dma_wait3A_1917 = arith.constant 0 : i32
    %dma_wait3A_1918 = tpu.memref_slice %arg4[%dma_wait3A_1916, %dma_wait3A_1917] : memref<91000x128xf32, #tpu.memory_space<hbm>> -> memref<91000x128xf32, #tpu.memory_space<hbm>>
    tpu.wait_indirect_dma semaphore(%arg14 : memref<!tpu.dma_semaphore, #tpu.memory_space<semaphore_mem>>) src(%dma_wait3A_1918 : memref<91000x128xf32, #tpu.memory_space<hbm>>) dst(%arg11 : memref<128x128xf32, #tpu.memory_space<vmem>>)
    %scan3A_1919 = arith.constant 0 : i32
    %scan3A_1920 = arith.constant 32 : i32
    %scan3A_1921 = arith.addi %scan3A_1919, %scan3A_1920 : i32
    %scan3A_1922 = arith.constant 1 : i32
    %scan3A_1923:2 = scf.for %scan3A_1962 = %scan3A_1919 to %scan3A_1921 step %scan3A_1922 iter_args(%scan3A_1963 = %scan3A_1903#0, %scan3A_1964 = %scan3A_1903#1) -> (vector<16xf32>, vector<16xf32>)  : i32 {
      %mul3A_1965 = arith.constant 16 : i32
      %mul3A_1966 = arith.muli %scan3A_1962, %mul3A_1965 : i32
      %add3A_1967 = arith.constant 2560 : i32
      %add3A_1968 = arith.addi %add3A_1967, %mul3A_1966 : i32
      %get3A_1969 = arith.index_cast %add3A_1968 : i32 to index
      %get3A_1970 = tpu.vector_load %arg7[%get3A_1969] {strides = array<i32>} : memref<4096xf32, #tpu.memory_space<vmem>>, vector<16xf32>,
      %mul3A_1971 = arith.constant 4 : i32
      %mul3A_1972 = arith.muli %scan3A_1962, %mul3A_1971 : i32
      %add3A_1973 = vector.broadcast %mul3A_1972 : i32 to vector<16xi32>
      %add3A_1974 = arith.addi %add3A_1973, %shift_right_arithmetic3A_8 : vector<16xi32>
      %add3A_1975 = arith.constant 640 : i32
      %add3A_1976 = vector.broadcast %add3A_1975 : i32 to vector<16xi32>
      %add3A_1977 = arith.addi %add3A_1976, %add3A_1974 : vector<16xi32>
      %gather3A = tpu.vector_load_idx %arg9[%add3A_1977] : memref<1024xi32, #tpu.memory_space<vmem>>[vector<16xi32>], vector<16xi32>,
      %add3A_1978 = arith.addi %gather3A, %and3A_10 : vector<16xi32>
      %gather3A_1979 = tpu.vector_load_idx %arg11[%add3A_1974, %add3A_1978] : memref<128x128xf32, #tpu.memory_space<vmem>>[vector<16xi32>, vector<16xi32>], vector<16xf32>,
      %gather3A_1980 = tpu.vector_load_idx %arg6[%add3A_1977] : memref<1024xi32, #tpu.memory_space<vmem>>[vector<16xi32>], vector<16xi32>,
      %sub3A = arith.subf %get3A_1970, %gather3A_1979 : vector<16xf32>
      %abs3A = math.absf %sub3A : vector<16xf32>
      %lt3A = arith.constant 1.000000e+00 : f32
      %lt3A_1981 = vector.broadcast %lt3A : f32 to vector<16xf32>
      %lt3A_1982 = arith.cmpf olt, %abs3A, %lt3A_1981 : vector<16xf32>
      %mul3A_1983 = arith.constant 5.000000e-01 : f32
      %mul3A_1984 = vector.broadcast %mul3A_1983 : f32 to vector<16xf32>
      %mul3A_1985 = arith.mulf %mul3A_1984, %abs3A : vector<16xf32>
      %mul3A_1986 = arith.mulf %mul3A_1985, %abs3A : vector<16xf32>
      %sub3A_1987 = arith.constant 5.000000e-01 : f32
      %sub3A_1988 = vector.broadcast %sub3A_1987 : f32 to vector<16xf32>
      %sub3A_1989 = arith.subf %abs3A, %sub3A_1988 : vector<16xf32>
      %select_n3A = arith.select %lt3A_1982, %mul3A_1986, %sub3A_1989 : vector<16xi1>, vector<16xf32>
      %gt3A = arith.constant 0 : i32
      %gt3A_1990 = vector.broadcast %gt3A : i32 to vector<16xi32>
      %gt3A_1991 = arith.cmpi sgt, %gather3A_1980, %gt3A_1990 : vector<16xi32>
      %jit3A = arith.constant 0.000000e+00 : f32
      %broadcast_in_dim3A_1992 = vector.broadcast %jit3A : f32 to vector<16xf32>
      %select_n3A_1993 = arith.select %gt3A_1991, %select_n3A, %broadcast_in_dim3A_1992 : vector<16xi1>, vector<16xf32>
      %add3A_1994 = arith.addf %scan3A_1963, %select_n3A_1993 : vector<16xf32>
      %jit3A_1995 = arith.constant 1.000000e+00 : f32
      %jit3A_1996 = arith.constant 0.000000e+00 : f32
      %broadcast_in_dim3A_1997 = vector.broadcast %jit3A_1995 : f32 to vector<16xf32>
      %broadcast_in_dim3A_1998 = vector.broadcast %jit3A_1996 : f32 to vector<16xf32>
      %select_n3A_1999 = arith.select %gt3A_1991, %broadcast_in_dim3A_1997, %broadcast_in_dim3A_1998 : vector<16xi1>, vector<16xf32>
      %add3A_2000 = arith.addf %scan3A_1964, %select_n3A_1999 : vector<16xf32>
      scf.yield %add3A_1994, %add3A_2000 : vector<16xf32>, vector<16xf32>
    }
    %scan3A_1924 = arith.constant 32 : i32
    %dma_start3A_1925 = arith.constant 7 : i32
    %dma_start3A_1926 = arith.constant 0 : i32
    %dma_start3A_1927 = tpu.memref_slice %arg8[%dma_start3A_1925, %dma_start3A_1926] : memref<8x128xi32, #tpu.memory_space<vmem>> -> memref<1x128xi32, #tpu.memory_space<vmem>>
    %dma_start3A_1928 = tpu.memref_squeeze %dma_start3A_1927 : memref<1x128xi32, #tpu.memory_space<vmem>> -> memref<128xi32, #tpu.memory_space<vmem>>
    %dma_start3A_1929 = arith.constant 0 : i32
    %dma_start3A_1930 = arith.constant 0 : i32
    %dma_start3A_1931 = tpu.memref_slice %arg4[%dma_start3A_1929, %dma_start3A_1930] : memref<91000x128xf32, #tpu.memory_space<hbm>> -> memref<91000x128xf32, #tpu.memory_space<hbm>>
    tpu.enqueue_indirect_dma source(%dma_start3A_1931 : memref<91000x128xf32, #tpu.memory_space<hbm>>) target(%arg11 : memref<128x128xf32, #tpu.memory_space<vmem>>) offsets(%dma_start3A_1928 : memref<128xi32, #tpu.memory_space<vmem>>) semaphore(%arg14 : memref<!tpu.dma_semaphore, #tpu.memory_space<semaphore_mem>>)
    %dma_wait3A_1932 = arith.constant 6 : i32
    %dma_wait3A_1933 = arith.constant 0 : i32
    %dma_wait3A_1934 = tpu.memref_slice %arg8[%dma_wait3A_1932, %dma_wait3A_1933] : memref<8x128xi32, #tpu.memory_space<vmem>> -> memref<1x128xi32, #tpu.memory_space<vmem>>
    %dma_wait3A_1935 = tpu.memref_squeeze %dma_wait3A_1934 : memref<1x128xi32, #tpu.memory_space<vmem>> -> memref<128xi32, #tpu.memory_space<vmem>>
    %dma_wait3A_1936 = arith.constant 0 : i32
    %dma_wait3A_1937 = arith.constant 0 : i32
    %dma_wait3A_1938 = tpu.memref_slice %arg4[%dma_wait3A_1936, %dma_wait3A_1937] : memref<91000x128xf32, #tpu.memory_space<hbm>> -> memref<91000x128xf32, #tpu.memory_space<hbm>>
    tpu.wait_indirect_dma semaphore(%arg13 : memref<!tpu.dma_semaphore, #tpu.memory_space<semaphore_mem>>) src(%dma_wait3A_1938 : memref<91000x128xf32, #tpu.memory_space<hbm>>) dst(%arg10 : memref<128x128xf32, #tpu.memory_space<vmem>>)
    %scan3A_1939 = arith.constant 0 : i32
    %scan3A_1940 = arith.constant 32 : i32
    %scan3A_1941 = arith.addi %scan3A_1939, %scan3A_1940 : i32
    %scan3A_1942 = arith.constant 1 : i32
    %scan3A_1943:2 = scf.for %scan3A_1962 = %scan3A_1939 to %scan3A_1941 step %scan3A_1942 iter_args(%scan3A_1963 = %scan3A_1923#0, %scan3A_1964 = %scan3A_1923#1) -> (vector<16xf32>, vector<16xf32>)  : i32 {
      %mul3A_1965 = arith.constant 16 : i32
      %mul3A_1966 = arith.muli %scan3A_1962, %mul3A_1965 : i32
      %add3A_1967 = arith.constant 3072 : i32
      %add3A_1968 = arith.addi %add3A_1967, %mul3A_1966 : i32
      %get3A_1969 = arith.index_cast %add3A_1968 : i32 to index
      %get3A_1970 = tpu.vector_load %arg7[%get3A_1969] {strides = array<i32>} : memref<4096xf32, #tpu.memory_space<vmem>>, vector<16xf32>,
      %mul3A_1971 = arith.constant 4 : i32
      %mul3A_1972 = arith.muli %scan3A_1962, %mul3A_1971 : i32
      %add3A_1973 = vector.broadcast %mul3A_1972 : i32 to vector<16xi32>
      %add3A_1974 = arith.addi %add3A_1973, %shift_right_arithmetic3A_8 : vector<16xi32>
      %add3A_1975 = arith.constant 768 : i32
      %add3A_1976 = vector.broadcast %add3A_1975 : i32 to vector<16xi32>
      %add3A_1977 = arith.addi %add3A_1976, %add3A_1974 : vector<16xi32>
      %gather3A = tpu.vector_load_idx %arg9[%add3A_1977] : memref<1024xi32, #tpu.memory_space<vmem>>[vector<16xi32>], vector<16xi32>,
      %add3A_1978 = arith.addi %gather3A, %and3A_10 : vector<16xi32>
      %gather3A_1979 = tpu.vector_load_idx %arg10[%add3A_1974, %add3A_1978] : memref<128x128xf32, #tpu.memory_space<vmem>>[vector<16xi32>, vector<16xi32>], vector<16xf32>,
      %gather3A_1980 = tpu.vector_load_idx %arg6[%add3A_1977] : memref<1024xi32, #tpu.memory_space<vmem>>[vector<16xi32>], vector<16xi32>,
      %sub3A = arith.subf %get3A_1970, %gather3A_1979 : vector<16xf32>
      %abs3A = math.absf %sub3A : vector<16xf32>
      %lt3A = arith.constant 1.000000e+00 : f32
      %lt3A_1981 = vector.broadcast %lt3A : f32 to vector<16xf32>
      %lt3A_1982 = arith.cmpf olt, %abs3A, %lt3A_1981 : vector<16xf32>
      %mul3A_1983 = arith.constant 5.000000e-01 : f32
      %mul3A_1984 = vector.broadcast %mul3A_1983 : f32 to vector<16xf32>
      %mul3A_1985 = arith.mulf %mul3A_1984, %abs3A : vector<16xf32>
      %mul3A_1986 = arith.mulf %mul3A_1985, %abs3A : vector<16xf32>
      %sub3A_1987 = arith.constant 5.000000e-01 : f32
      %sub3A_1988 = vector.broadcast %sub3A_1987 : f32 to vector<16xf32>
      %sub3A_1989 = arith.subf %abs3A, %sub3A_1988 : vector<16xf32>
      %select_n3A = arith.select %lt3A_1982, %mul3A_1986, %sub3A_1989 : vector<16xi1>, vector<16xf32>
      %gt3A = arith.constant 0 : i32
      %gt3A_1990 = vector.broadcast %gt3A : i32 to vector<16xi32>
      %gt3A_1991 = arith.cmpi sgt, %gather3A_1980, %gt3A_1990 : vector<16xi32>
      %jit3A = arith.constant 0.000000e+00 : f32
      %broadcast_in_dim3A_1992 = vector.broadcast %jit3A : f32 to vector<16xf32>
      %select_n3A_1993 = arith.select %gt3A_1991, %select_n3A, %broadcast_in_dim3A_1992 : vector<16xi1>, vector<16xf32>
      %add3A_1994 = arith.addf %scan3A_1963, %select_n3A_1993 : vector<16xf32>
      %jit3A_1995 = arith.constant 1.000000e+00 : f32
      %jit3A_1996 = arith.constant 0.000000e+00 : f32
      %broadcast_in_dim3A_1997 = vector.broadcast %jit3A_1995 : f32 to vector<16xf32>
      %broadcast_in_dim3A_1998 = vector.broadcast %jit3A_1996 : f32 to vector<16xf32>
      %select_n3A_1999 = arith.select %gt3A_1991, %broadcast_in_dim3A_1997, %broadcast_in_dim3A_1998 : vector<16xi1>, vector<16xf32>
      %add3A_2000 = arith.addf %scan3A_1964, %select_n3A_1999 : vector<16xf32>
      scf.yield %add3A_1994, %add3A_2000 : vector<16xf32>, vector<16xf32>
    }
    %scan3A_1944 = arith.constant 32 : i32
    %dma_wait3A_1945 = arith.constant 7 : i32
    %dma_wait3A_1946 = arith.constant 0 : i32
    %dma_wait3A_1947 = tpu.memref_slice %arg8[%dma_wait3A_1945, %dma_wait3A_1946] : memref<8x128xi32, #tpu.memory_space<vmem>> -> memref<1x128xi32, #tpu.memory_space<vmem>>
    %dma_wait3A_1948 = tpu.memref_squeeze %dma_wait3A_1947 : memref<1x128xi32, #tpu.memory_space<vmem>> -> memref<128xi32, #tpu.memory_space<vmem>>
    %dma_wait3A_1949 = arith.constant 0 : i32
    %dma_wait3A_1950 = arith.constant 0 : i32
    %dma_wait3A_1951 = tpu.memref_slice %arg4[%dma_wait3A_1949, %dma_wait3A_1950] : memref<91000x128xf32, #tpu.memory_space<hbm>> -> memref<91000x128xf32, #tpu.memory_space<hbm>>
    tpu.wait_indirect_dma semaphore(%arg14 : memref<!tpu.dma_semaphore, #tpu.memory_space<semaphore_mem>>) src(%dma_wait3A_1951 : memref<91000x128xf32, #tpu.memory_space<hbm>>) dst(%arg11 : memref<128x128xf32, #tpu.memory_space<vmem>>)
    %scan3A_1952 = arith.constant 0 : i32
    %scan3A_1953 = arith.constant 32 : i32
    %scan3A_1954 = arith.addi %scan3A_1952, %scan3A_1953 : i32
    %scan3A_1955 = arith.constant 1 : i32
    %scan3A_1956:2 = scf.for %scan3A_1962 = %scan3A_1952 to %scan3A_1954 step %scan3A_1955 iter_args(%scan3A_1963 = %scan3A_1943#0, %scan3A_1964 = %scan3A_1943#1) -> (vector<16xf32>, vector<16xf32>)  : i32 {
      %mul3A_1965 = arith.constant 16 : i32
      %mul3A_1966 = arith.muli %scan3A_1962, %mul3A_1965 : i32
      %add3A_1967 = arith.constant 3584 : i32
      %add3A_1968 = arith.addi %add3A_1967, %mul3A_1966 : i32
      %get3A_1969 = arith.index_cast %add3A_1968 : i32 to index
      %get3A_1970 = tpu.vector_load %arg7[%get3A_1969] {strides = array<i32>} : memref<4096xf32, #tpu.memory_space<vmem>>, vector<16xf32>,
      %mul3A_1971 = arith.constant 4 : i32
      %mul3A_1972 = arith.muli %scan3A_1962, %mul3A_1971 : i32
      %add3A_1973 = vector.broadcast %mul3A_1972 : i32 to vector<16xi32>
      %add3A_1974 = arith.addi %add3A_1973, %shift_right_arithmetic3A_8 : vector<16xi32>
      %add3A_1975 = arith.constant 896 : i32
      %add3A_1976 = vector.broadcast %add3A_1975 : i32 to vector<16xi32>
      %add3A_1977 = arith.addi %add3A_1976, %add3A_1974 : vector<16xi32>
      %gather3A = tpu.vector_load_idx %arg9[%add3A_1977] : memref<1024xi32, #tpu.memory_space<vmem>>[vector<16xi32>], vector<16xi32>,
      %add3A_1978 = arith.addi %gather3A, %and3A_10 : vector<16xi32>
      %gather3A_1979 = tpu.vector_load_idx %arg11[%add3A_1974, %add3A_1978] : memref<128x128xf32, #tpu.memory_space<vmem>>[vector<16xi32>, vector<16xi32>], vector<16xf32>,
      %gather3A_1980 = tpu.vector_load_idx %arg6[%add3A_1977] : memref<1024xi32, #tpu.memory_space<vmem>>[vector<16xi32>], vector<16xi32>,
      %sub3A = arith.subf %get3A_1970, %gather3A_1979 : vector<16xf32>
      %abs3A = math.absf %sub3A : vector<16xf32>
      %lt3A = arith.constant 1.000000e+00 : f32
      %lt3A_1981 = vector.broadcast %lt3A : f32 to vector<16xf32>
      %lt3A_1982 = arith.cmpf olt, %abs3A, %lt3A_1981 : vector<16xf32>
      %mul3A_1983 = arith.constant 5.000000e-01 : f32
      %mul3A_1984 = vector.broadcast %mul3A_1983 : f32 to vector<16xf32>
      %mul3A_1985 = arith.mulf %mul3A_1984, %abs3A : vector<16xf32>
      %mul3A_1986 = arith.mulf %mul3A_1985, %abs3A : vector<16xf32>
      %sub3A_1987 = arith.constant 5.000000e-01 : f32
      %sub3A_1988 = vector.broadcast %sub3A_1987 : f32 to vector<16xf32>
      %sub3A_1989 = arith.subf %abs3A, %sub3A_1988 : vector<16xf32>
      %select_n3A = arith.select %lt3A_1982, %mul3A_1986, %sub3A_1989 : vector<16xi1>, vector<16xf32>
      %gt3A = arith.constant 0 : i32
      %gt3A_1990 = vector.broadcast %gt3A : i32 to vector<16xi32>
      %gt3A_1991 = arith.cmpi sgt, %gather3A_1980, %gt3A_1990 : vector<16xi32>
      %jit3A = arith.constant 0.000000e+00 : f32
      %broadcast_in_dim3A_1992 = vector.broadcast %jit3A : f32 to vector<16xf32>
      %select_n3A_1993 = arith.select %gt3A_1991, %select_n3A, %broadcast_in_dim3A_1992 : vector<16xi1>, vector<16xf32>
      %add3A_1994 = arith.addf %scan3A_1963, %select_n3A_1993 : vector<16xf32>
      %jit3A_1995 = arith.constant 1.000000e+00 : f32
      %jit3A_1996 = arith.constant 0.000000e+00 : f32
      %broadcast_in_dim3A_1997 = vector.broadcast %jit3A_1995 : f32 to vector<16xf32>
      %broadcast_in_dim3A_1998 = vector.broadcast %jit3A_1996 : f32 to vector<16xf32>
      %select_n3A_1999 = arith.select %gt3A_1991, %broadcast_in_dim3A_1997, %broadcast_in_dim3A_1998 : vector<16xi1>, vector<16xf32>
      %add3A_2000 = arith.addf %scan3A_1964, %select_n3A_1999 : vector<16xf32>
      scf.yield %add3A_1994, %add3A_2000 : vector<16xf32>, vector<16xf32>
    }
    %scan3A_1957 = arith.constant 32 : i32
    %swap3A_1958 = arith.constant 0 : index
    %swap3A_1959 = tpu.vector_load %arg12[%swap3A_1958] {strides = array<i32>} : memref<32xf32, #tpu.memory_space<vmem>>, vector<16xf32>,
    tpu.vector_store %arg12[%swap3A_1958], %scan3A_1956#0 {strides = array<i32>} : memref<32xf32, #tpu.memory_space<vmem>>, vector<16xf32>,
    %swap3A_1960 = arith.constant 16 : index
    %swap3A_1961 = tpu.vector_load %arg12[%swap3A_1960] {strides = array<i32>} : memref<32xf32, #tpu.memory_space<vmem>>, vector<16xf32>,
    tpu.vector_store %arg12[%swap3A_1960], %scan3A_1956#1 {strides = array<i32>} : memref<32xf32, #tpu.memory_space<vmem>>, vector<16xf32>,
    "tpu.region"() ({
      %run_scoped3A = tpu.sem_alloc : memref<!tpu.dma_semaphore, #tpu.memory_space<semaphore_mem>>
      %dma_start3A_1962 = arith.constant 0 : i32
      %dma_start3A_1963 = tpu.memref_slice %arg5[%add3A, %dma_start3A_1962] : memref<32x32xf32, #tpu.memory_space<hbm>> -> memref<1x32xf32, #tpu.memory_space<hbm>>
      %dma_start3A_1964 = tpu.memref_squeeze %dma_start3A_1963 : memref<1x32xf32, #tpu.memory_space<hbm>> -> memref<32xf32, #tpu.memory_space<hbm>>
      %dma_start3A_1965 = arith.constant 0 : i32
      %dma_start3A_1966 = tpu.memref_slice %arg5[%add3A, %dma_start3A_1965] : memref<32x32xf32, #tpu.memory_space<hbm>> -> memref<1x32xf32, #tpu.memory_space<hbm>>
      %dma_start3A_1967 = tpu.memref_squeeze %dma_start3A_1966 : memref<1x32xf32, #tpu.memory_space<hbm>> -> memref<32xf32, #tpu.memory_space<hbm>>
      tpu.enqueue_dma source(%arg12 : memref<32xf32, #tpu.memory_space<vmem>>) target(%dma_start3A_1967 : memref<32xf32, #tpu.memory_space<hbm>>) target_semaphore(%run_scoped3A : memref<!tpu.dma_semaphore, #tpu.memory_space<semaphore_mem>>)
      %dma_wait3A_1968 = arith.constant 0 : i32
      %dma_wait3A_1969 = tpu.memref_slice %arg5[%add3A, %dma_wait3A_1968] : memref<32x32xf32, #tpu.memory_space<hbm>> -> memref<1x32xf32, #tpu.memory_space<hbm>>
      %dma_wait3A_1970 = tpu.memref_squeeze %dma_wait3A_1969 : memref<1x32xf32, #tpu.memory_space<hbm>> -> memref<32xf32, #tpu.memory_space<hbm>>
      %dma_wait3A_1971 = arith.constant 0 : i32
      %dma_wait3A_1972 = tpu.memref_slice %arg5[%add3A, %dma_wait3A_1971] : memref<32x32xf32, #tpu.memory_space<hbm>> -> memref<1x32xf32, #tpu.memory_space<hbm>>
      %dma_wait3A_1973 = tpu.memref_squeeze %dma_wait3A_1972 : memref<1x32xf32, #tpu.memory_space<hbm>> -> memref<32xf32, #tpu.memory_space<hbm>>
      tpu.wait_dma2 semaphore(%run_scoped3A : memref<!tpu.dma_semaphore, #tpu.memory_space<semaphore_mem>>) src(%arg12 : memref<32xf32, #tpu.memory_space<vmem>>) dst(%dma_wait3A_1973 : memref<32xf32, #tpu.memory_space<hbm>>)
      tpu.yield
    }) : () -> ()
    return
  }
}

module attributes {stable_mosaic.version = 14 : i64} {
  func.func @_tc_finish(%arg0: memref<32x32xf32, #tpu.memory_space<vmem>>, %arg1: memref<1x1xf32, #tpu.memory_space<vmem>>) attributes {dimension_semantics = [], scalar_prefetch = 0 : i64, scratch_operands = 0 : i64, tpu.core_type = #tpu.core_type<tc>} {
    %get3A = arith.constant 0 : index
    %get3A_0 = arith.constant 0 : index
    %get3A_1 = vector.load %arg0[%get3A, %get3A_0] : memref<32x32xf32, #tpu.memory_space<vmem>>, vector<32x32xf32>
    %slice3A = vector.extract_strided_slice %get3A_1 {offsets = [0, 0], sizes = [32, 16], strides = [1, 1]} : vector<32x32xf32> to vector<32x16xf32>
    %reduce_sum3A = vector.shape_cast %slice3A : vector<32x16xf32> to vector<1x32x16xf32>
    %reduce_sum3A_2 = arith.constant dense<0.000000e+00> : vector<1xf32>
    %reduce_sum3A_3 = vector.multi_reduction <add>, %reduce_sum3A, %reduce_sum3A_2 [1, 2] : vector<1x32x16xf32> to vector<1xf32>
    %reduce_sum3A_4 = vector.shape_cast %reduce_sum3A_3 : vector<1xf32> to vector<1x1x1xf32>
    %reduce_sum3A_5 = vector.extract %reduce_sum3A_4[0, 0, 0] : f32 from vector<1x1x1xf32>
    %slice3A_6 = vector.extract_strided_slice %get3A_1 {offsets = [0, 16], sizes = [32, 16], strides = [1, 1]} : vector<32x32xf32> to vector<32x16xf32>
    %reduce_sum3A_7 = vector.shape_cast %slice3A_6 : vector<32x16xf32> to vector<1x32x16xf32>
    %reduce_sum3A_8 = arith.constant dense<0.000000e+00> : vector<1xf32>
    %reduce_sum3A_9 = vector.multi_reduction <add>, %reduce_sum3A_7, %reduce_sum3A_8 [1, 2] : vector<1x32x16xf32> to vector<1xf32>
    %reduce_sum3A_10 = vector.shape_cast %reduce_sum3A_9 : vector<1xf32> to vector<1x1x1xf32>
    %reduce_sum3A_11 = vector.extract %reduce_sum3A_10[0, 0, 0] : f32 from vector<1x1x1xf32>
    %gt3A = arith.constant 0.000000e+00 : f32
    %gt3A_12 = arith.cmpf ogt, %reduce_sum3A_11, %gt3A : f32
    %max3A = arith.constant 1.000000e+00 : f32
    %max3A_13 = arith.maximumf %reduce_sum3A_11, %max3A : f32
    %div3A = arith.divf %reduce_sum3A_5, %max3A_13 : f32
    %jit3A = arith.constant 0.000000e+00 : f32
    %select_n3A = arith.select %gt3A_12, %div3A, %jit3A : f32
    %reshape3A = vector.broadcast %select_n3A : f32 to vector<1x1xf32>
    %swap3A = arith.constant 0 : index
    %swap3A_14 = arith.constant 0 : index
    %swap3A_15 = vector.load %arg1[%swap3A, %swap3A_14] : memref<1x1xf32, #tpu.memory_space<vmem>>, vector<1x1xf32>
    tpu.vector_store %arg1[%swap3A, %swap3A_14], %reshape3A {strides = array<i32>} : memref<1x1xf32, #tpu.memory_space<vmem>>, vector<1x1xf32>,
    return
  }
}

</mosaic_0001>

<sc_bundles>
// kernel: kernel.4.cloned.1.call-start
scs
__scs_entry_jumppad:
0x0: {  	(pc) =	sbr.rel $0x88, $3  }
0x1: {  	(tag) =	ssettag $0x0;
	lr =	simm.s32 $0x1  }
0x2: {  	[smem:$0x3F9E] =	sst lr;
	_ =	strace $0xD0000000  }
0x3: {  	_ = 	snop  }
0x4: {  	_ = 	snop  }
0x5: {  	_ = 	snop  }
0x6: {  	_ = 	snop  }
0x7: {  	_ = 	snop  }
__scs_overlays_trampoline_lowered:
0x8: {  	[smem:$0x3FAD] =	sst s0  }
0x9: {  	[smem:$0x3FAE] =	sst s1  }
0xa: {  	[smem:$0x3FAF] =	sst s2  }
0xb: {  	[smem:$0x3FB0] =	sst s3  }
0xc: {  	[smem:$0x3FB1] =	sst s4  }
0xd: {  	[smem:$0x3FB2] =	sst s5  }
0xe: {  	[smem:$0x3FB3] =	sst s6  }
0xf: {  	[smem:$0x3FB4] =	sst s7  }
0x10: {  	[smem:$0x3FB5] =	sst s8  }
0x11: {  	[smem:$0x3FB6] =	sst s9;
	s0 =	simm.s32 @!p0 $0x0  }
0x12: {  	s1 =	sld [smem:$0x3F9C];
	s0 =	simm.s32 @p0 $0x1  }
0x13: {  	[smem:$0x3FB7] =	sst s0;
	s0 =	simm.s32 @!p1 $0x0  }
0x14: {  	s2 =	sld [smem:$0x3F9B];
	s0 =	simm.s32 @p1 $0x1  }
0x15: {  	[smem:$0x3FB8] =	sst s0;
	s0 =	simm.s32 @!p2 $0x0  }
0x16: {  	s3 =	sld [smem:$0x3FDB];
	s0 =	simm.s32 @p2 $0x1  }
0x17: {  	s4 =	simm.s32 $0x1BF5;
	[smem:$0x3FBA] =	sst s0  }
0x18: {  	s0 =	sld [smem:$0x3F9D];
	_ =	swait.ge [sflag:s4], $0x0  }
0x19: {  	s7 =	sld [smem:$0x3F9E]  }
0x1a: {  	s8 =	sadd.s32 $0xFFFFE003, lr  }
0x1b: {  	s9 =	sadd.s32 $0xFFFFFEF7, lr;
	s5 =	simm.s32 $0xFFFFFFFF;
	p2 =	slt.u32 s8, $0xFFFFF086  }
0x1c: {  	p1 =	slt.u32 s9, $0xF7A;
	s5 =	simm.s32 @!p2 $0x0  }
0x1d: {  	s5 =	simm.s32 @p1 $0x1;
	p0 =	seq.s32 s7, s2  }
0x1e: {  	s7 =	smul.u32 @!p0 $0xF7A, s2;
	p2 =	seq.s32 @!p0 s5, $0x0  }
0x1f: {  	s9 =	smul.u32 $0xF7A, s1;
	s8 =	simm.s32 @!p0 $0x1BF5;
	p2 =	por !p2, p0  }
0x20: {  	[sflag:s8] =	ssyncset.s32 @!p0 $0xFFFFF086;
	s6 =	sadd.s32 @!p0 s3, s7;
	s7 =	simm.s32 @!p0 $0x108  }
0x21: {  	s3 =	sadd.s32 s3, s9;
	s6 =	sadd.s32 @!p0 $0x88, s6;
	s7 =	simm.s32 @p2 $0x1082  }
0x22: {  	[simem:s7], [sflag:s8] =	dma.local @!p0 [hbm:s6], $0xF7A  }
0x23: {  	s9 =	sor.u32 $0xD0000000, s2;
	s6 =	simm.s32 $0x108;
	_ =	swait.ge @!p0 [sflag:s8], $0x0  }
0x24: {  	s3 =	sadd.s32 $0x88, s3;
	s6 =	simm.s32 @!p1 $0x1082;
	[sflag:s4] =	ssyncset.s32 $0xFFFFF086  }
0x25: {  	[simem:s6], [sflag:s4] =	dma.local [hbm:s3], $0xF7A  }
0x26: {  	[smem:$0x3F9E] =	sst s1;
	(tag) =	ssettag s2;
	_ =	strace s9  }
0x27: {  	s1 =	sld [smem:$0x3FAE]  }
0x28: {  	s2 =	sld [smem:$0x3FAF]  }
0x29: {  	s4 =	sld [smem:$0x3FB1]  }
0x2a: {  	p0 =	seq.s32 s5, $0x0;
	s5 =	sld [smem:$0x3FB2]  }
0x2b: {  	s6 =	sld [smem:$0x3FB3]  }
0x2c: {  	s7 =	sld [smem:$0x3FB4]  }
0x2d: {  	s3 =	simm.s32 $0x108;
	s8 =	sld [smem:$0x3FB5]  }
0x2e: {  	s3 =	simm.s32 @!p0 $0x1082;
	s9 =	sld [smem:$0x3FB6]  }
0x2f: {  	lr =	sadd.s32 s0, s3;
	s0 =	sld [smem:$0x3FAD]  }
0x30: {  	s3 =	sld [smem:$0x3FB0]  }
0x31: {  	[smem:$0x3FB9] =	sst s10  }
0x32: {  	s10 =	sld [smem:$0x3FB7];
	_ =	sdelay $0x3  }
0x33: {  	p0 =	seq.s32 s10, $0x1;
	s10 =	sld [smem:$0x3FB9];
	_ =	sdelay $0x3  }
0x34: {  	[smem:$0x3FB9] =	sst s10  }
0x35: {  	s10 =	sld [smem:$0x3FB8];
	_ =	sdelay $0x3  }
0x36: {  	p1 =	seq.s32 s10, $0x1;
	s10 =	sld [smem:$0x3FB9];
	_ =	sdelay $0x3  }
0x37: {  	[smem:$0x3FB9] =	sst s10  }
0x38: {  	s10 =	sld [smem:$0x3FBA]  }
0x39: {  	_ = 	snop;
	(pc) =	sbr.ind lr, $3  }
0x3a: {  	_ = 	snop  }
0x3b: {  	_ = 	snop  }
0x3c: {  	p2 =	seq.s32 s10, $0x1;
	s10 =	sld [smem:$0x3FB9]  }
0x3d: {  	_ =	shalt  }
0x3e: {  	_ =	shalt  }
0x3f: {  	_ =	shalt  }
0x40: {  	_ =	shalt  }
0x41: {  	_ =	shalt  }
0x42: {  	_ =	shalt  }
0x43: {  	_ =	shalt  }
0x44: {  	_ =	shalt  }
0x45: {  	_ =	shalt  }
0x46: {  	_ =	shalt  }
0x47: {  	_ =	shalt  }
0x48: {  	_ =	shalt  }
0x49: {  	_ =	shalt  }
0x4a: {  	_ =	shalt  }
0x4b: {  	_ =	shalt  }
0x4c: {  	_ =	shalt  }
0x4d: {  	_ =	shalt  }
0x4e: {  	_ =	shalt  }
0x4f: {  	_ =	shalt  }
0x50: {  	_ =	shalt  }
0x51: {  	_ =	shalt  }
0x52: {  	_ =	shalt  }
0x53: {  	_ =	shalt  }
0x54: {  	_ =	shalt  }
0x55: {  	_ =	shalt  }
0x56: {  	_ =	shalt  }
0x57: {  	_ =	shalt  }
0x58: {  	_ =	shalt  }
0x59: {  	_ =	shalt  }
0x5a: {  	_ =	shalt  }
0x5b: {  	_ =	shalt  }
0x5c: {  	_ =	shalt  }
0x5d: {  	_ =	shalt  }
0x5e: {  	_ =	shalt  }
0x5f: {  	_ =	shalt  }
0x60: {  	_ =	shalt  }
0x61: {  	_ =	shalt  }
0x62: {  	_ =	shalt  }
0x63: {  	_ =	shalt  }
0x64: {  	_ =	shalt  }
0x65: {  	_ =	shalt  }
0x66: {  	_ =	shalt  }
0x67: {  	_ =	shalt  }
0x68: {  	_ =	shalt  }
0x69: {  	_ =	shalt  }
0x6a: {  	_ =	shalt  }
0x6b: {  	_ =	shalt  }
0x6c: {  	_ =	shalt  }
0x6d: {  	_ =	shalt  }
0x6e: {  	_ =	shalt  }
0x6f: {  	_ =	shalt  }
0x70: {  	_ =	shalt  }
0x71: {  	_ =	shalt  }
0x72: {  	_ =	shalt  }
0x73: {  	_ =	shalt  }
0x74: {  	_ =	shalt  }
0x75: {  	_ =	shalt  }
0x76: {  	_ =	shalt  }
0x77: {  	_ =	shalt  }
0x78: {  	_ =	shalt  }
0x79: {  	_ =	shalt  }
0x7a: {  	_ =	shalt  }
0x7b: {  	_ =	shalt  }
0x7c: {  	_ =	shalt  }
0x7d: {  	_ =	shalt  }
0x7e: {  	_ =	shalt  }
0x7f: {  	_ =	shalt  }
0x80: {  	_ =	shalt  }
0x81: {  	_ =	shalt  }
0x82: {  	_ =	shalt  }
0x83: {  	_ =	shalt  }
0x84: {  	_ =	shalt  }
0x85: {  	_ =	shalt  }
0x86: {  	_ =	shalt  }
0x87: {  	_ =	shalt  }
.Lfunc_end0:
.L_simem_size_0:
called_computation_lowered:
.L_overlay_start_0:
0x88: {  	s2 =	sld [smem:$0x3FD9]  }
0x89: {  	s3 =	sld [smem:$0x3FFE];
	_ =	sdelay $0x1  }
0x8a: {  	s1 =	srdreg.scid  }
0x8b: {  	s0 =	sand.u32 $0x1, s1  }
0x8c: {  	s16 =	sshll.u32 s0, $0xA;
	s2 =	sadd.s32 s3, s2  }
0x8d: {  	s2 =	sadd.s32 s2, s16  }
0x8e: {  	[smem:$0x3FC5] =	sst s2  }
0x8f: {  	_ = 	snop  }
0x90: {  	(tm) =	ssettm $0x1  }
0x91: {  	s17 =	sld [smem:$0x3FFB];
	_ =	sdelay $0x3  }
0x92: {  	_ =	strace s17  }
0x93: {  	s2 =	sld [smem:$0x3FFC];
	_ =	sdelay $0x3  }
0x94: {  	_ =	strace s2  }
0x95: {  	s2 =	sld [smem:$0x3FFD];
	_ =	sdelay $0x3  }
0x96: {  	_ =	strace s2  }
0x97: {  	_ =	strace $0x8FFFFFFF  }
0x98: {  	s18 =	sld [smem:$0x3FDB];
	_ =	sdelay $0x1  }
0x99: {  	s19 =	simm.s32 $_scs_section_size  }
0x9a: {  	s4 =	simm.s32 $_size__tile_overlayer_lowered;
	s5 =	simm.s32 $_tile_overlayer_lowered  }
0x9b: {  	s22 =	simm.s32 $0x1BFF;
	s21 =	sshll.u32 s5, $0x1;
	s2 =	sadd.s32 s19, s18  }
0x9c: {  	s6 =	simm.s32 $0x0;
	s20 =	sshll.u32 s4, $0x1;
	s4 =	sadd.s32 s21, s2  }
0x9d: {  	[timem:s6], [sflag:s22] =	dma.local [hbm:s4], s20  }
0x9e: {  	_ =	swait.ge [sflag:s22], s20  }
0x9f: {  	s3 =	ssub.s32 $0x0, s20;
	[sflag:s22] =	ssyncset.done $0x0  }
0xa0: {  	[sflag:s22] =	ssyncadd.s32 s3;
	_ =	sdelay $0x1  }
0xa1: {  	s23 =	simm.s32 $0x1B8B  }
0xa2: {  	_ =	swait.ge [sflag:s23], $0x1  }
0xa3: {  	[sflag:s23] =	ssyncset.done $0x0  }
0xa4: {  	s25 =	simm.s32 $0x1B8E;
	s24 =	sld [smem:$0x3FFE];
	[sflag:s23] =	ssyncadd.s32 $0xFFFFFFFF  }
0xa5: {  	s26 =	simm.s32 $execute0_lowered;
	[smem:$0x3FD2] =	sst s25  }
0xa6: {  	s4 =	sshll.u32 s26, $0x1;
	_ =	strace $0x80000046;
	[dreg:$0x1] =	wrdreg $0xFFFFFFFF  }
0xa7: {  	s28 =	simm.s32 $_size_execute0_lowered;
	s2 =	sadd.s32 s2, s4;
	[dreg:$0x0] =	wrdreg $0x0  }
0xa8: {  	s4 =	sshll.u32 s28, $0x1;
	[dreg:$0x2] =	wrdreg s2  }
0xa9: {  	[dreg:$0x3] =	wrdreg s4  }
0xaa: {  	[dreg:$0x4] =	wrdreg $0xC0  }
0xab: {  	_ =	task [dreg:s6], $0x5FFFF  }
0xac: {  	[dreg:$0x1] =	wrdreg $0xFFFFFFFF  }
0xad: {  	[dreg:$0x0] =	wrdreg $0x60  }
0xae: {  	[dreg:$0x2] =	wrdreg s24  }
0xaf: {  	[dreg:$0x3] =	wrdreg $0x9  }
0xb0: {  	_ =	task.clear_ibuf [dreg:s6], $0x4FFFF;
	_ =	strace $0x90000046  }
0xb1: {  	s29 =	simm.s32 $0x9;
	_ =	strace $0x80000048  }
0xb2: {  	_ =	swait.ge [sflag:s29], $0x1  }
0xb3: {  	[sflag:s29] =	ssyncadd.s32 $0xFFFFFFFF  }
0xb4: {  	_ =	strace $0x90000048  }
0xb5: {  	_ =	sfence  }
0xb6: {  	s30 =	sld [smem:$0x0];
	_ =	sdelay $0x2  }
0xb7: {  	s31 =	sshll.u32 s1, $0xD;
	s1 =	sshrl.u32 s1, $0x2  }
0xb8: {  	s3 =	sand.u32 $0x4000, s31;
	s1 =	sadd.s32 s1, s30  }
0xb9: {  	s0 =	sor.u32 s3, s0;
	s1 =	sshll.u32 s1, $0x11  }
0xba: {  	s0 =	sor.u32 s1, s0  }
0xbb: {  	s0 =	sadd.s32 $0x8F2B, s0  }
0xbc: {  	[sflag:s0] =	ssyncadd.remote.s32 $0x1  }
0xbd: {  	_ =	sfence.sel $0xFFFF  }
0xbe: {  	[dreg:$0x0] =	wrdreg $0xFFFFFFFF;
	(pc) =	sbr.abs _section_cstart, $3  }
0xbf: {  	[dreg:$0x1] =	wrdreg $0xFFFFFFFF  }
0xc0: {  	_ =	task.clear_ibuf [dreg:s6], $0x2FFFF;
	_ =	strace $0x9FFFFFFF  }
0xc1: {  	(tm) =	ssettm $0x7FFFFFFF  }
tec
execute0_lowered:
.L_overlay_start_1:
0x0: {  	(tag) =	ssettag $0x1  }
0x1: {  	s1 =	srdreg.scid;
	s0 =	stileid.u32  }
0x2: {  	s3 =	sand.u32 $0x1, s1;
	s21 =	sshll.u32 s0, $0x1  }
0x3: {  	s4 =	sor.u32 s3, s21  }
0x4: {  	s6 =	sshll.u32 s4, $0xA  }
0x5: {  	v0 =	vmov s6  }
0x6: {  	s22 =	sor.u32 $0x10, s6;
	s23 =	sor.u32 $0x20, s6;
	v0 =	vmul.u32 $0x5B, v0  }
0x7: {  	v1 =	vmov s22;
	v2 =	vmov s23  }
0x8: {  	v1 =	vmul.u32 $0x5B, v1;
	v3 =	vbroadcast v0, $0x0;
	v0 =	vlaneseq.u32  }
0x9: {  	v2 =	vmul.u32 $0x5B, v2;
	v0 =	vmul.u32 $0x5B, v0  }
0xa: {  	s24 =	sor.u32 $0x30, s6;
	v1 =	vbroadcast v1, $0x0  }
0xb: {  	s25 =	sor.u32 $0x40, s6;
	v4 =	vmov s24;
	v2 =	vbroadcast v2, $0x0;
	v3 =	vadd.s32 v0, v3  }
0xc: {  	v5 =	vmov s25;
	v4 =	vmul.u32 $0x5B, v4;
	v1 =	vadd.s32 v0, v1;
	[tilespmem:$0x1FE90] =	vst v3  }
0xd: {  	v3 =	vmul.u32 $0x5B, v5;
	[tilespmem:$0x1FEA0] =	vst v1;
	v1 =	vadd.s32 v0, v2  }
0xe: {  	s26 =	sor.u32 $0x50, s6;
	s2 =	sor.u32 $0x60, s6;
	[tilespmem:$0x1FEB0] =	vst v1;
	v1 =	vbroadcast v4, $0x0  }
0xf: {  	s28 =	sor.u32 $0x70, s6;
	v32 =	vmov s2;
	v2 =	vbroadcast v3, $0x0;
	v3 =	vmov s26  }
0x10: {  	s29 =	sor.u32 $0x80, s6;
	v33 =	vmov s28;
	v3 =	vmul.u32 $0x5B, v3;
	v1 =	vadd.s32 v0, v1  }
0x11: {  	s30 =	sor.u32 $0x90, s6;
	v34 =	vmov s29;
	v4 =	vmul.u32 $0x5B, v32;
	[tilespmem:$0x1FEC0] =	vst v1;
	v1 =	vadd.s32 v0, v2  }
0x12: {  	s5 =	sor.u32 $0xC0, s6;
	s7 =	sor.u32 $0xD0, s6;
	v35 =	vmov s30;
	[tilespmem:$0x1FED0] =	vst v1;
	v1 =	vmul.u32 $0x5B, v33;
	v2 =	vbroadcast v3, $0x0  }
0x13: {  	s8 =	sor.u32 $0xE0, s6;
	v37 =	vmov s5;
	v6 =	vmov s7;
	v3 =	vbroadcast v4, $0x0  }
0x14: {  	s11 =	sor.u32 $0x110, s6;
	v40 =	vmov s8;
	v1 =	vbroadcast v1, $0x0;
	v2 =	vadd.s32 v0, v2  }
0x15: {  	s12 =	sor.u32 $0x120, s6;
	v41 =	vmov s11;
	v4 =	vmul.u32 $0x5B, v34;
	[tilespmem:$0x1FEE0] =	vst v2;
	v2 =	vadd.s32 v0, v3  }
0x16: {  	s13 =	sor.u32 $0x130, s6;
	s17 =	sor.u32 $0x170, s6;
	v42 =	vmov s12;
	[tilespmem:$0x1FEF0] =	vst v2;
	v2 =	vmul.u32 $0x5B, v35;
	v1 =	vadd.s32 v0, v1  }
0x17: {  	s31 =	sor.u32 $0xA0, s6;
	s18 =	sor.u32 $0x180, s6;
	v43 =	vmov s13;
	v45 =	vmov s17;
	[tilespmem:$0x1FF00] =	vst v1;
	v1 =	vbroadcast v4, $0x0  }
0x18: {  	s2 =	sor.u32 $0xB0, s6;
	v46 =	vmov s18;
	v3 =	vmov s31;
	v2 =	vbroadcast v2, $0x0  }
0x19: {  	s19 =	sor.u32 $0x190, s6;
	v36 =	vmov s2;
	v3 =	vmul.u32 $0x5B, v3;
	v1 =	vadd.s32 v0, v1  }
0x1a: {  	v47 =	vmov s19;
	v4 =	vmul.u32 $0x5B, v36;
	[tilespmem:$0x1FF10] =	vst v1;
	v2 =	vadd.s32 v0, v2  }
0x1b: {  	v38 =	vmul.u32 $0x5B, v6;
	v1 =	vmul.u32 $0x5B, v37;
	[tilespmem:$0x1FF20] =	vst v2;
	v2 =	vbroadcast v3, $0x0  }
0x1c: {  	s22 =	sor.u32 $0x1C0, s6;
	v6 =	vmul.u32 $0x5B, v43;
	v48 =	vmul.u32 $0x5B, v47;
	v3 =	vbroadcast v4, $0x0  }
0x1d: {  	s23 =	sor.u32 $0x1D0, s6;
	v49 =	vmov s22;
	v1 =	vbroadcast v1, $0x0;
	v2 =	vadd.s32 v0, v2  }
0x1e: {  	s24 =	sor.u32 $0x1E0, s6;
	s25 =	sor.u32 $0x1F0, s6;
	v50 =	vmov s23;
	v39 =	vbroadcast v38, $0x0;
	[tilespmem:$0x1FF30] =	vst v2;
	v2 =	vadd.s32 v0, v3  }
0x1f: {  	s28 =	sor.u32 $0x210, s6;
	s29 =	sor.u32 $0x220, s6;
	v51 =	vmov s24;
	v52 =	vmov s25;
	v1 =	vadd.s32 v0, v1;
	[tilespmem:$0x1FF40] =	vst v2  }
0x20: {  	s9 =	sor.u32 $0xF0, s6;
	s30 =	sor.u32 $0x230, s6;
	v53 =	vmov s28;
	v54 =	vmov s29;
	[tilespmem:$0x1FF50] =	vst v1;
	v1 =	vadd.s32 v0, v39  }
0x21: {  	s10 =	sor.u32 $0x100, s6;
	s5 =	sor.u32 $0x260, s6;
	v55 =	vmov s30;
	v2 =	vmul.u32 $0x5B, v40;
	[tilespmem:$0x1FF60] =	vst v1;
	v1 =	vmov s9  }
0x22: {  	s7 =	sor.u32 $0x270, s6;
	v57 =	vmov s5;
	v3 =	vmov s10;
	v1 =	vmul.u32 $0x5B, v1  }
0x23: {  	s8 =	sor.u32 $0x280, s6;
	v58 =	vmov s7;
	v3 =	vmul.u32 $0x5B, v3;
	v2 =	vbroadcast v2, $0x0  }
0x24: {  	v59 =	vmov s8;
	v4 =	vmul.u32 $0x5B, v41;
	v1 =	vbroadcast v1, $0x0  }
0x25: {  	s12 =	sor.u32 $0x2C0, s6;
	v5 =	vmul.u32 $0x5B, v42;
	v3 =	vbroadcast v3, $0x0;
	v2 =	vadd.s32 v0, v2  }
0x26: {  	s13 =	sor.u32 $0x2D0, s6;
	v63 =	vmov s12;
	[tilespmem:$0x1FF70] =	vst v2;
	v2 =	vbroadcast v4, $0x0;
	v1 =	vadd.s32 v0, v1  }
0x27: {  	s18 =	sor.u32 $0x320, s6;
	v8 =	vmov s13;
	v44 =	vbroadcast v5, $0x0;
	[tilespmem:$0x1FF80] =	vst v1;
	v1 =	vadd.s32 v0, v3  }
0x28: {  	s19 =	sor.u32 $0x330, s6;
	v11 =	vmov s18;
	v2 =	vadd.s32 v0, v2;
	[tilespmem:$0x1FF90] =	vst v1;
	v1 =	vbroadcast v6, $0x0  }
0x29: {  	s14 =	sor.u32 $0x140, s6;
	v12 =	vmov s19;
	s8 =	sor.u32 $0x370, s6;
	v60 =	vmul.u32 $0x5B, v59;
	[tilespmem:$0x1FFA0] =	vst v2;
	v2 =	vadd.s32 v0, v44  }
0x2a: {  	s15 =	sor.u32 $0x150, s6;
	s22 =	sor.u32 $0x380, s6;
	v15 =	vmov s8;
	[tilespmem:$0x1FFB0] =	vst v2;
	v2 =	vmov s14;
	v1 =	vadd.s32 v0, v1  }
0x2b: {  	s16 =	sor.u32 $0x160, s6;
	s24 =	sor.u32 $0x390, s6;
	v16 =	vmov s22;
	[tilespmem:$0x1FFC0] =	vst v1;
	v1 =	vmul.u32 $0x5B, v2;
	v2 =	vmov s15  }
0x2c: {  	s25 =	sor.u32 $0x3A0, s6;
	v17 =	vmov s24;
	v3 =	vmov s16;
	v2 =	vmul.u32 $0x5B, v2  }
0x2d: {  	s12 =	sor.u32 $0x3C0, s6;
	v18 =	vmov s25;
	v3 =	vmul.u32 $0x5B, v3;
	v1 =	vbroadcast v1, $0x0  }
0x2e: {  	v19 =	vmov s12;
	v4 =	vmul.u32 $0x5B, v45;
	v2 =	vbroadcast v2, $0x0  }
0x2f: {  	s29 =	sor.u32 $0x3D0, s6;
	v5 =	vmul.u32 $0x5B, v46;
	v3 =	vbroadcast v3, $0x0;
	v1 =	vadd.s32 v0, v1  }
0x30: {  	s30 =	sor.u32 $0x3E0, s6;
	v20 =	vmov s29;
	v4 =	vbroadcast v4, $0x0;
	[tilespmem:$0x1FFD0] =	vst v1;
	v2 =	vadd.s32 v0, v2  }
0x31: {  	s20 =	sor.u32 $0x1A0, s6;
	v21 =	vmov s30;
	v1 =	vbroadcast v5, $0x0;
	[tilespmem:$0x1FFE0] =	vst v2;
	v2 =	vadd.s32 v0, v3  }
0x32: {  	v24 =	vadd.s32 v0, v4;
	v4 =	vmul.u32 $0x5B, v49;
	[tilespmem:$0x1FFF0] =	vst v2;
	v2 =	vmov s20  }
0x33: {  	s21 =	sor.u32 $0x1B0, s6;
	v25 =	vadd.s32 v0, v1;
	v1 =	vbroadcast v48, $0x0;
	v2 =	vmul.u32 $0x5B, v2  }
0x34: {  	v61 =	vbroadcast v60, $0x0;
	v4 =	vbroadcast v4, $0x0;
	v3 =	vmov s21  }
0x35: {  	s31 =	sor.u32 $0x240, s6;
	v3 =	vmul.u32 $0x5B, v3;
	v26 =	vadd.s32 v0, v1;
	v1 =	vbroadcast v2, $0x0  }
0x36: {  	v56 =	vmov s31;
	v29 =	vadd.s32 v0, v4;
	v2 =	vmul.u32 $0x5B, v50  }
0x37: {  	v3 =	vbroadcast v3, $0x0;
	v27 =	vadd.s32 v0, v1;
	v1 =	vmul.u32 $0x5B, v52  }
0x38: {  	s26 =	sor.u32 $0x200, s6;
	v4 =	vmul.u32 $0x5B, v53;
	v5 =	vmul.u32 $0x5B, v51;
	v2 =	vbroadcast v2, $0x0  }
0x39: {  	v28 =	vadd.s32 v0, v3;
	v3 =	vmov s26;
	v1 =	vbroadcast v1, $0x0  }
0x3a: {  	s31 =	sor.u32 $0x3F0, s6;
	v3 =	vmul.u32 $0x5B, v3;
	v30 =	vadd.s32 v0, v2;
	v2 =	vbroadcast v5, $0x0  }
0x3b: {  	v7 =	vmov s31;
	v32 =	vadd.s32 v0, v1;
	v1 =	vmul.u32 $0x5B, v54  }
0x3c: {  	v31 =	vadd.s32 v0, v2;
	v2 =	vbroadcast v3, $0x0;
	v3 =	vbroadcast v4, $0x0  }
0x3d: {  	v7 =	vmul.u32 $0x5B, v7;
	v4 =	vmul.u32 $0x5B, v55;
	v1 =	vbroadcast v1, $0x0  }
0x3e: {  	s2 =	sor.u32 $0x250, s6;
	v33 =	vadd.s32 v0, v2;
	v34 =	vadd.s32 v0, v3;
	v2 =	vmul.u32 $0x5B, v56  }
0x3f: {  	v3 =	vmov s2;
	v35 =	vadd.s32 v0, v1;
	v1 =	vbroadcast v4, $0x0  }
0x40: {  	v23 =	vbroadcast v7, $0x0;
	s14 =	sor.u32 $0x2E0, s6;
	v3 =	vmul.u32 $0x5B, v3;
	v2 =	vbroadcast v2, $0x0  }
0x41: {  	v9 =	vmov s14;
	v4 =	vmul.u32 $0x5B, v57;
	v36 =	vadd.s32 v0, v1  }
0x42: {  	s9 =	sor.u32 $0x290, s6;
	v1 =	vmul.u32 $0x5B, v58;
	v37 =	vadd.s32 v0, v2;
	v2 =	vbroadcast v3, $0x0  }
0x43: {  	v62 =	vmov s9;
	v6 =	vmul.u32 $0x5B, v9;
	s20 =	sor.u32 $0x340, s6;
	v3 =	vbroadcast v4, $0x0  }
0x44: {  	s11 =	sor.u32 $0x2B0, s6;
	v13 =	vmov s20;
	v1 =	vbroadcast v1, $0x0;
	v38 =	vadd.s32 v0, v2  }
0x45: {  	s10 =	sor.u32 $0x2A0, s6;
	v39 =	vadd.s32 v0, v3;
	v2 =	vmul.u32 $0x5B, v62;
	v3 =	vmov s11  }
0x46: {  	v3 =	vmul.u32 $0x5B, v3;
	v40 =	vadd.s32 v0, v1;
	v1 =	vmov s10  }
0x47: {  	v4 =	vmul.u32 $0x5B, v63;
	v2 =	vbroadcast v2, $0x0;
	v1 =	vmul.u32 $0x5B, v1  }
0x48: {  	v14 =	vmul.u32 $0x5B, v13;
	v5 =	vmul.u32 $0x5B, v8;
	v3 =	vbroadcast v3, $0x0  }
0x49: {  	s17 =	sor.u32 $0x310, s6;
	v42 =	vadd.s32 v0, v2;
	v2 =	vbroadcast v4, $0x0;
	v1 =	vbroadcast v1, $0x0  }
0x4a: {  	v4 =	vmul.u32 $0x5B, v11;
	v44 =	vadd.s32 v0, v3;
	v3 =	vmov s17  }
0x4b: {  	s15 =	sor.u32 $0x2F0, s6;
	v45 =	vadd.s32 v0, v2;
	v43 =	vadd.s32 v0, v1;
	v1 =	vbroadcast v6, $0x0  }
0x4c: {  	s16 =	sor.u32 $0x300, s6;
	v2 =	vmov s15;
	v3 =	vmul.u32 $0x5B, v3;
	v4 =	vbroadcast v4, $0x0  }
0x4d: {  	v47 =	vadd.s32 v0, v1;
	v1 =	vmul.u32 $0x5B, v2;
	v2 =	vmov s16  }
0x4e: {  	v10 =	vbroadcast v5, $0x0;
	v3 =	vbroadcast v3, $0x0;
	v2 =	vmul.u32 $0x5B, v2  }
0x4f: {  	v5 =	vmul.u32 $0x5B, v12;
	v51 =	vadd.s32 v0, v4;
	v1 =	vbroadcast v1, $0x0  }
0x50: {  	s7 =	sor.u32 $0x360, s6;
	v4 =	vmul.u32 $0x5B, v15;
	v50 =	vadd.s32 v0, v3;
	v2 =	vbroadcast v2, $0x0  }
0x51: {  	s21 =	sor.u32 $0x350, s6;
	v3 =	vmov s7;
	v48 =	vadd.s32 v0, v1;
	v1 =	vbroadcast v5, $0x0  }
0x52: {  	v3 =	vmul.u32 $0x5B, v3;
	v49 =	vadd.s32 v0, v2;
	v2 =	vmov s21  }
0x53: {  	s5 =	rddreg [dreg:$0x0];
	s23 =	sshll.u32 s4, $0x7;
	s13 =	simm.s32 $0x5C00;
	v52 =	vadd.s32 v0, v1;
	v1 =	vbroadcast v14, $0x0;
	v2 =	vmul.u32 $0x5B, v2  }
0x54: {  	s18 =	simm.s32 $0x1580;
	s19 =	simm.s32 $0x1600;
	s8 =	simm.s32 $0x3;
	v41 =	vadd.s32 v0, v61;
	v4 =	vbroadcast v4, $0x0;
	v3 =	vbroadcast v3, $0x0  }
0x55: {  	s12 =	simm.s32 $0x1480;
	s22 =	simm.s32 $0x1780;
	s24 =	simm.s32 $0x0;
	v53 =	vadd.s32 v0, v1;
	v1 =	vbroadcast v2, $0x0;
	v2 =	vmul.u32 $0x5B, v16  }
0x56: {  	s9 =	sshll.u32 s4, $0x9;
	s4 =	sshll.u32 s4, $0x4;
	s11 =	sor.u32 $0x3B0, s6;
	v56 =	vadd.s32 v0, v4;
	v4 =	vmul.u32 $0x5B, v19;
	v5 =	vmul.u32 $0x5B, v17  }
0x57: {  	s9 =	sadd.s32 s9, s5;
	s14 =	simm.s32 $0x1;
	s2 =	simm.s32 $0x0;
	v55 =	vadd.s32 v0, v3;
	v3 =	vmov s11;
	v2 =	vbroadcast v2, $0x0  }
0x58: {  	s20 =	simm.s32 $0x1680;
	[smem:$0x7FF] =	sst s2;
	s10 =	ssub.s32 $0x2, s3;
	v3 =	vmul.u32 $0x5B, v3;
	v54 =	vadd.s32 v0, v1;
	v1 =	vmul.u32 $0x5B, v18  }
0x59: {  	s26 =	sadd.s32 s4, s5;
	_ =	strace $0x80000047;
	s28 =	sshrl.u32 s10, $0x1;
	v57 =	vadd.s32 v0, v2;
	v2 =	vbroadcast v5, $0x0;
	v5 =	vmul.u32 $0x5B, v20  }
0x5a: {  	s6 =	sadd.s32 $0x5A00, s26;
	s3 =	sadd.s32 $0x2EE0A00, s5;
	s10 =	ssub.s32 s10, s28;
	v6 =	vmul.u32 $0x5B, v21;
	v3 =	vbroadcast v3, $0x0;
	v1 =	vbroadcast v1, $0x0  }
0x5b: {  	s17 =	simm.s32 $0x2;
	s15 =	simm.s32 $0x1800;
	s16 =	simm.s32 $0x1500;
	v58 =	vadd.s32 v0, v2;
	v2 =	vbroadcast v4, $0x0;
	v22 =	vbroadcast v5, $0x0  }
0x5c: {  	v46 =	vadd.s32 v0, v10;
	s7 =	sadd.s32 s23, s5;
	s5 =	sadd.s32 $0xA00, s9;
	s9 =	simm.s32 $0x80;
	v59 =	vadd.s32 v0, v1;
	v1 =	vbroadcast v6, $0x0  }
0x5d: {  	s23 =	simm.s32 $0x9C00;
	s4 =	sadd.s32 $0x4A00, s7;
	s7 =	smax.u32 s10, $0x1;
	v60 =	vadd.s32 v0, v3;
	v61 =	vadd.s32 v0, v2;
	v62 =	vadd.s32 v0, v22  }
0x5e: {  	s10 =	simm.s32 $0x1400;
	s21 =	simm.s32 $0x1700;
	s11 =	simm.s32 $0x1C00;
	v63 =	vadd.s32 v0, v1;
	v0 =	vadd.s32 v0, v23;
	v1 =	vimm.f32 $0.0e+00  }
.LBB2_1:
0x5f: {  	[tilespmem:s2], [sflag:$0x3] =	stream.linear.gather [hbm4b:s4+s2], $0x400, $0x38;
	[tilespmem:$0x9C80] =	vst v63  }
0x60: {  	_ =	swait.ge [sflag:s8], $0x400  }
0x61: {  	[sflag:s8] =	ssyncset.done $0x0  }
0x62: {  	s25 =	simm.s32 $0x400;
	[sflag:s8] =	ssyncadd.s32 $0xFFFFFC00  }
0x63: {  	[tilespmem:s25], [sflag:$0x3] =	stream.linear.gather [hbm4b:s5+s2], $0x1000, $0x38;
	[tilespmem:$0x9C80] =	vst v63  }
0x64: {  	_ =	swait.ge [sflag:s8], $0x1000  }
0x65: {  	[sflag:s8] =	ssyncset.done $0x0  }
0x66: {  	v5 =	vld [tilespmem:$0x1FE90];
	[sflag:s8] =	ssyncadd.s32 $0xFFFFF000  }
0x67: {  	v2 =	vld [tilespmem:$0x0];
	_ =	sdelay $0x1  }
0x68: {  	v6 =	vld [tilespmem:$0x1FEA0]  }
0x69: {  	v3 =	vld [tilespmem:$0x10];
	_ =	sdelay $0x1  }
0x6a: {  	v2 =	vadd.s32 v2, v5  }
0x6b: {  	vm0 =	vlt.s32 v2, $0x2C6EFF  }
0x6c: {  	v2 =	vnsel vm0, $0x2C6EFF, v2  }
0x6d: {  	v4 =	vld [tilespmem:$0x20];
	v3 =	vadd.s32 v3, v6;
	v6 =	vshra.s32 v2, $0x5  }
0x6e: {  	[tilespmem:$0x1400] =	vst v6;
	v6 =	vld [tilespmem:$0x1FEB0];
	_ =	sdelay $0x3  }
0x6f: {  	vm0 =	vlt.s32 v3, $0x2C6EFF;
	v2 =	vshll.u32 v2, $0x2  }
0x70: {  	v3 =	vnsel vm0, $0x2C6EFF, v3;
	v2 =	vand.u32 $0x7C, v2;
	v4 =	vadd.s32 v4, v6  }
0x71: {  	v5 =	vld [tilespmem:$0x30];
	[tilespmem:$0x1800] =	vst v2;
	v2 =	vshra.s32 v3, $0x5;
	v3 =	vshll.u32 v3, $0x2;
	vm0 =	vlt.s32 v4, $0x2C6EFF  }
0x72: {  	[tilespmem:$0x1410] =	vst v2;
	v2 =	vand.u32 $0x7C, v3;
	v3 =	vnsel vm0, $0x2C6EFF, v4;
	v4 =	vld [tilespmem:$0x1FEC0];
	_ =	sdelay $0x4  }
0x73: {  	v4 =	vadd.s32 v5, v4  }
0x74: {  	v7 =	vld [tilespmem:$0x40];
	[tilespmem:$0x1810] =	vst v2;
	v2 =	vshra.s32 v3, $0x5;
	v3 =	vshll.u32 v3, $0x2;
	vm0 =	vlt.s32 v4, $0x2C6EFF  }
0x75: {  	[tilespmem:$0x1420] =	vst v2;
	v2 =	vand.u32 $0x7C, v3;
	v3 =	vnsel vm0, $0x2C6EFF, v4;
	v4 =	vld [tilespmem:$0x1FED0];
	_ =	sdelay $0x4  }
0x76: {  	v4 =	vadd.s32 v7, v4  }
0x77: {  	v6 =	vld [tilespmem:$0x50];
	[tilespmem:$0x1820] =	vst v2;
	v2 =	vshra.s32 v3, $0x5;
	v3 =	vshll.u32 v3, $0x2;
	vm0 =	vlt.s32 v4, $0x2C6EFF  }
0x78: {  	[tilespmem:$0x1430] =	vst v2;
	v2 =	vand.u32 $0x7C, v3;
	v3 =	vnsel vm0, $0x2C6EFF, v4;
	v4 =	vld [tilespmem:$0x1FEE0];
	_ =	sdelay $0x4  }
0x79: {  	v4 =	vadd.s32 v6, v4  }
0x7a: {  	v5 =	vld [tilespmem:$0x60];
	[tilespmem:$0x1830] =	vst v2;
	v2 =	vshra.s32 v3, $0x5;
	v3 =	vshll.u32 v3, $0x2;
	vm0 =	vlt.s32 v4, $0x2C6EFF  }
0x7b: {  	[tilespmem:$0x1440] =	vst v2;
	v2 =	vand.u32 $0x7C, v3;
	v3 =	vnsel vm0, $0x2C6EFF, v4;
	v4 =	vld [tilespmem:$0x1FEF0];
	_ =	sdelay $0x4  }
0x7c: {  	v4 =	vadd.s32 v5, v4  }
0x7d: {  	v7 =	vld [tilespmem:$0x70];
	[tilespmem:$0x1840] =	vst v2;
	v2 =	vshra.s32 v3, $0x5;
	v3 =	vshll.u32 v3, $0x2;
	vm0 =	vlt.s32 v4, $0x2C6EFF  }
0x7e: {  	[tilespmem:$0x1450] =	vst v2;
	v2 =	vand.u32 $0x7C, v3;
	v3 =	vnsel vm0, $0x2C6EFF, v4;
	v4 =	vld [tilespmem:$0x1FF00];
	_ =	sdelay $0x4  }
0x7f: {  	v4 =	vadd.s32 v7, v4  }
0x80: {  	[tilespmem:$0x1850] =	vst v2;
	v2 =	vshra.s32 v3, $0x5;
	v3 =	vshll.u32 v3, $0x2;
	vm0 =	vlt.s32 v4, $0x2C6EFF  }
0x81: {  	[tilespmem:$0x1460] =	vst v2;
	v2 =	vand.u32 $0x7C, v3;
	v3 =	vnsel vm0, $0x2C6EFF, v4  }
0x82: {  	[tilespmem:$0x1860] =	vst v2;
	v2 =	vshra.s32 v3, $0x5;
	v3 =	vshll.u32 v3, $0x2  }
0x83: {  	[tilespmem:$0x1470] =	vst v2;
	v2 =	vand.u32 $0x7C, v3  }
0x84: {  	[tilespmem:$0x1870] =	vst v2  }
0x85: {  	v5 =	vld [tilespmem:$0x1FF10];
	[tilespmem:s11], [sflag:$0x1] =	stream.indirect.gather [hbm4b:s3+s9], $0x80, s10, s9, $0xb8  }
0x86: {  	v2 =	vld [tilespmem:$0x80];
	_ =	sdelay $0x1  }
0x87: {  	v6 =	vld [tilespmem:$0x1FF20]  }
0x88: {  	v3 =	vld [tilespmem:$0x90];
	_ =	sdelay $0x1  }
0x89: {  	v2 =	vadd.s32 v2, v5  }
0x8a: {  	vm0 =	vlt.s32 v2, $0x2C6EFF  }
0x8b: {  	v2 =	vnsel vm0, $0x2C6EFF, v2  }
0x8c: {  	v4 =	vld [tilespmem:$0xA0];
	v3 =	vadd.s32 v3, v6;
	v6 =	vshra.s32 v2, $0x5  }
0x8d: {  	[tilespmem:$0x1480] =	vst v6;
	v6 =	vld [tilespmem:$0x1FF30];
	_ =	sdelay $0x3  }
0x8e: {  	vm0 =	vlt.s32 v3, $0x2C6EFF;
	v2 =	vshll.u32 v2, $0x2  }
0x8f: {  	v3 =	vnsel vm0, $0x2C6EFF, v3;
	v2 =	vand.u32 $0x7C, v2;
	v4 =	vadd.s32 v4, v6  }
0x90: {  	v5 =	vld [tilespmem:$0xB0];
	[tilespmem:$0x1880] =	vst v2;
	v2 =	vshra.s32 v3, $0x5;
	v3 =	vshll.u32 v3, $0x2;
	vm0 =	vlt.s32 v4, $0x2C6EFF  }
0x91: {  	[tilespmem:$0x1490] =	vst v2;
	v2 =	vand.u32 $0x7C, v3;
	v3 =	vnsel vm0, $0x2C6EFF, v4;
	v4 =	vld [tilespmem:$0x1FF40];
	_ =	sdelay $0x4  }
0x92: {  	v4 =	vadd.s32 v5, v4  }
0x93: {  	v7 =	vld [tilespmem:$0xC0];
	[tilespmem:$0x1890] =	vst v2;
	v2 =	vshra.s32 v3, $0x5;
	v3 =	vshll.u32 v3, $0x2;
	vm0 =	vlt.s32 v4, $0x2C6EFF  }
0x94: {  	[tilespmem:$0x14A0] =	vst v2;
	v2 =	vand.u32 $0x7C, v3;
	v3 =	vnsel vm0, $0x2C6EFF, v4;
	v4 =	vld [tilespmem:$0x1FF50];
	_ =	sdelay $0x4  }
0x95: {  	v4 =	vadd.s32 v7, v4  }
0x96: {  	v6 =	vld [tilespmem:$0xD0];
	[tilespmem:$0x18A0] =	vst v2;
	v2 =	vshra.s32 v3, $0x5;
	v3 =	vshll.u32 v3, $0x2;
	vm0 =	vlt.s32 v4, $0x2C6EFF  }
0x97: {  	[tilespmem:$0x14B0] =	vst v2;
	v2 =	vand.u32 $0x7C, v3;
	v3 =	vnsel vm0, $0x2C6EFF, v4;
	v4 =	vld [tilespmem:$0x1FF60];
	_ =	sdelay $0x4  }
0x98: {  	v4 =	vadd.s32 v6, v4  }
0x99: {  	v5 =	vld [tilespmem:$0xE0];
	[tilespmem:$0x18B0] =	vst v2;
	v2 =	vshra.s32 v3, $0x5;
	v3 =	vshll.u32 v3, $0x2;
	vm0 =	vlt.s32 v4, $0x2C6EFF  }
0x9a: {  	[tilespmem:$0x14C0] =	vst v2;
	v2 =	vand.u32 $0x7C, v3;
	v3 =	vnsel vm0, $0x2C6EFF, v4;
	v4 =	vld [tilespmem:$0x1FF70];
	_ =	sdelay $0x4  }
0x9b: {  	v4 =	vadd.s32 v5, v4  }
0x9c: {  	v7 =	vld [tilespmem:$0xF0];
	[tilespmem:$0x18C0] =	vst v2;
	v2 =	vshra.s32 v3, $0x5;
	v3 =	vshll.u32 v3, $0x2;
	vm0 =	vlt.s32 v4, $0x2C6EFF  }
0x9d: {  	[tilespmem:$0x14D0] =	vst v2;
	v2 =	vand.u32 $0x7C, v3;
	v3 =	vnsel vm0, $0x2C6EFF, v4;
	v4 =	vld [tilespmem:$0x1FF80];
	_ =	sdelay $0x4  }
0x9e: {  	v4 =	vadd.s32 v7, v4  }
0x9f: {  	[tilespmem:$0x18D0] =	vst v2;
	v2 =	vshra.s32 v3, $0x5;
	v3 =	vshll.u32 v3, $0x2;
	vm0 =	vlt.s32 v4, $0x2C6EFF  }
0xa0: {  	[tilespmem:$0x14E0] =	vst v2;
	v2 =	vand.u32 $0x7C, v3;
	v3 =	vnsel vm0, $0x2C6EFF, v4  }
0xa1: {  	[tilespmem:$0x18E0] =	vst v2;
	v2 =	vshra.s32 v3, $0x5;
	v3 =	vshll.u32 v3, $0x2  }
0xa2: {  	[tilespmem:$0x14F0] =	vst v2;
	v2 =	vand.u32 $0x7C, v3  }
0xa3: {  	[tilespmem:$0x18F0] =	vst v2  }
0xa4: {  	v5 =	vld [tilespmem:$0x1FF90];
	[tilespmem:s13], [sflag:$0x2] =	stream.indirect.gather [hbm4b:s3+s9], $0x80, s12, s9, $0xb8  }
0xa5: {  	v2 =	vld [tilespmem:$0x100];
	_ =	sdelay $0x1  }
0xa6: {  	v6 =	vld [tilespmem:$0x1FFA0]  }
0xa7: {  	v3 =	vld [tilespmem:$0x110];
	_ =	sdelay $0x1  }
0xa8: {  	v2 =	vadd.s32 v2, v5  }
0xa9: {  	vm0 =	vlt.s32 v2, $0x2C6EFF  }
0xaa: {  	v2 =	vnsel vm0, $0x2C6EFF, v2  }
0xab: {  	v4 =	vld [tilespmem:$0x120];
	v3 =	vadd.s32 v3, v6;
	v6 =	vshra.s32 v2, $0x5  }
0xac: {  	[tilespmem:$0x1500] =	vst v6;
	v6 =	vld [tilespmem:$0x1FFB0];
	_ =	sdelay $0x3  }
0xad: {  	vm0 =	vlt.s32 v3, $0x2C6EFF;
	v2 =	vshll.u32 v2, $0x2  }
0xae: {  	v3 =	vnsel vm0, $0x2C6EFF, v3;
	v2 =	vand.u32 $0x7C, v2;
	v4 =	vadd.s32 v4, v6  }
0xaf: {  	v5 =	vld [tilespmem:$0x130];
	[tilespmem:$0x1900] =	vst v2;
	v2 =	vshra.s32 v3, $0x5;
	v3 =	vshll.u32 v3, $0x2;
	vm0 =	vlt.s32 v4, $0x2C6EFF  }
0xb0: {  	[tilespmem:$0x1510] =	vst v2;
	v2 =	vand.u32 $0x7C, v3;
	v3 =	vnsel vm0, $0x2C6EFF, v4;
	v4 =	vld [tilespmem:$0x1FFC0];
	_ =	sdelay $0x4  }
0xb1: {  	v4 =	vadd.s32 v5, v4  }
0xb2: {  	v7 =	vld [tilespmem:$0x140];
	[tilespmem:$0x1910] =	vst v2;
	v2 =	vshra.s32 v3, $0x5;
	v3 =	vshll.u32 v3, $0x2;
	vm0 =	vlt.s32 v4, $0x2C6EFF  }
0xb3: {  	[tilespmem:$0x1520] =	vst v2;
	v2 =	vand.u32 $0x7C, v3;
	v3 =	vnsel vm0, $0x2C6EFF, v4;
	v4 =	vld [tilespmem:$0x1FFD0];
	_ =	sdelay $0x4  }
0xb4: {  	v4 =	vadd.s32 v7, v4  }
0xb5: {  	v6 =	vld [tilespmem:$0x150];
	[tilespmem:$0x1920] =	vst v2;
	v2 =	vshra.s32 v3, $0x5;
	v3 =	vshll.u32 v3, $0x2;
	vm0 =	vlt.s32 v4, $0x2C6EFF  }
0xb6: {  	[tilespmem:$0x1530] =	vst v2;
	v2 =	vand.u32 $0x7C, v3;
	v3 =	vnsel vm0, $0x2C6EFF, v4;
	v4 =	vld [tilespmem:$0x1FFE0];
	_ =	sdelay $0x4  }
0xb7: {  	v4 =	vadd.s32 v6, v4  }
0xb8: {  	v5 =	vld [tilespmem:$0x160];
	[tilespmem:$0x1930] =	vst v2;
	v2 =	vshra.s32 v3, $0x5;
	v3 =	vshll.u32 v3, $0x2;
	vm0 =	vlt.s32 v4, $0x2C6EFF  }
0xb9: {  	[tilespmem:$0x1540] =	vst v2;
	v2 =	vand.u32 $0x7C, v3;
	v3 =	vnsel vm0, $0x2C6EFF, v4;
	v4 =	vld [tilespmem:$0x1FFF0];
	_ =	sdelay $0x1  }
0xba: {  	v7 =	vld [tilespmem:$0x170];
	_ =	sdelay $0x1  }
0xbb: {  	v6 =	vld [tilespmem:$0x180]  }
0xbc: {  	v4 =	vadd.s32 v5, v4  }
0xbd: {  	[tilespmem:$0x1940] =	vst v2;
	v2 =	vshra.s32 v3, $0x5;
	v3 =	vshll.u32 v3, $0x2;
	v5 =	vld [tilespmem:$0x190];
	vm0 =	vlt.s32 v4, $0x2C6EFF  }
0xbe: {  	[tilespmem:$0x1550] =	vst v2;
	v2 =	vand.u32 $0x7C, v3;
	v3 =	vnsel vm0, $0x2C6EFF, v4;
	v4 =	vadd.s32 v7, v24  }
0xbf: {  	[tilespmem:$0x1950] =	vst v2;
	v7 =	vld [tilespmem:$0x1A0];
	v2 =	vshra.s32 v3, $0x5;
	v3 =	vshll.u32 v3, $0x2;
	vm0 =	vlt.s32 v4, $0x2C6EFF  }
0xc0: {  	[tilespmem:$0x1560] =	vst v2;
	v2 =	vand.u32 $0x7C, v3;
	v3 =	vnsel vm0, $0x2C6EFF, v4;
	v4 =	vadd.s32 v6, v25  }
0xc1: {  	v6 =	vld [tilespmem:$0x1B0];
	[tilespmem:$0x1960] =	vst v2;
	v2 =	vshra.s32 v3, $0x5;
	v3 =	vshll.u32 v3, $0x2;
	vm0 =	vlt.s32 v4, $0x2C6EFF  }
0xc2: {  	[tilespmem:$0x1570] =	vst v2;
	v2 =	vand.u32 $0x7C, v3;
	v3 =	vnsel vm0, $0x2C6EFF, v4;
	v4 =	vadd.s32 v5, v26  }
0xc3: {  	v5 =	vld [tilespmem:$0x1C0];
	[tilespmem:$0x1970] =	vst v2;
	v2 =	vshra.s32 v3, $0x5;
	v3 =	vshll.u32 v3, $0x2;
	vm0 =	vlt.s32 v4, $0x2C6EFF  }
0xc4: {  	[tilespmem:$0x1580] =	vst v2;
	v2 =	vand.u32 $0x7C, v3;
	v3 =	vnsel vm0, $0x2C6EFF, v4;
	v4 =	vadd.s32 v7, v27  }
0xc5: {  	v7 =	vld [tilespmem:$0x1D0];
	[tilespmem:$0x1980] =	vst v2;
	v2 =	vshra.s32 v3, $0x5;
	v3 =	vshll.u32 v3, $0x2;
	vm0 =	vlt.s32 v4, $0x2C6EFF  }
0xc6: {  	[tilespmem:$0x1590] =	vst v2;
	v2 =	vand.u32 $0x7C, v3;
	v3 =	vnsel vm0, $0x2C6EFF, v4;
	v4 =	vadd.s32 v6, v28  }
0xc7: {  	v6 =	vld [tilespmem:$0x1E0];
	[tilespmem:$0x1990] =	vst v2;
	v2 =	vshra.s32 v3, $0x5;
	v3 =	vshll.u32 v3, $0x2;
	vm0 =	vlt.s32 v4, $0x2C6EFF  }
0xc8: {  	[tilespmem:$0x15A0] =	vst v2;
	v2 =	vand.u32 $0x7C, v3;
	v3 =	vnsel vm0, $0x2C6EFF, v4;
	v4 =	vadd.s32 v5, v29  }
0xc9: {  	v5 =	vld [tilespmem:$0x1F0];
	[tilespmem:$0x19A0] =	vst v2;
	v2 =	vshra.s32 v3, $0x5;
	v3 =	vshll.u32 v3, $0x2;
	vm0 =	vlt.s32 v4, $0x2C6EFF  }
0xca: {  	[tilespmem:$0x15B0] =	vst v2;
	v2 =	vand.u32 $0x7C, v3;
	v3 =	vnsel vm0, $0x2C6EFF, v4;
	v4 =	vadd.s32 v7, v30  }
0xcb: {  	v7 =	vld [tilespmem:$0x200];
	[tilespmem:$0x19B0] =	vst v2;
	v2 =	vshra.s32 v3, $0x5;
	v3 =	vshll.u32 v3, $0x2;
	vm0 =	vlt.s32 v4, $0x2C6EFF  }
0xcc: {  	[tilespmem:$0x15C0] =	vst v2;
	v2 =	vand.u32 $0x7C, v3;
	v3 =	vnsel vm0, $0x2C6EFF, v4;
	v4 =	vadd.s32 v6, v31  }
0xcd: {  	v6 =	vld [tilespmem:$0x210];
	[tilespmem:$0x19C0] =	vst v2;
	v2 =	vshra.s32 v3, $0x5;
	v3 =	vshll.u32 v3, $0x2;
	vm0 =	vlt.s32 v4, $0x2C6EFF  }
0xce: {  	[tilespmem:$0x15D0] =	vst v2;
	v2 =	vand.u32 $0x7C, v3;
	v3 =	vnsel vm0, $0x2C6EFF, v4;
	v4 =	vadd.s32 v5, v32  }
0xcf: {  	v5 =	vld [tilespmem:$0x220];
	[tilespmem:$0x19D0] =	vst v2;
	v2 =	vshra.s32 v3, $0x5;
	v3 =	vshll.u32 v3, $0x2;
	vm0 =	vlt.s32 v4, $0x2C6EFF  }
0xd0: {  	[tilespmem:$0x15E0] =	vst v2;
	v2 =	vand.u32 $0x7C, v3;
	v3 =	vnsel vm0, $0x2C6EFF, v4;
	v4 =	vadd.s32 v7, v33  }
0xd1: {  	v7 =	vld [tilespmem:$0x230];
	[tilespmem:$0x19E0] =	vst v2;
	v2 =	vshra.s32 v3, $0x5;
	v3 =	vshll.u32 v3, $0x2;
	vm0 =	vlt.s32 v4, $0x2C6EFF  }
0xd2: {  	[tilespmem:$0x15F0] =	vst v2;
	v2 =	vand.u32 $0x7C, v3;
	v3 =	vnsel vm0, $0x2C6EFF, v4;
	v4 =	vadd.s32 v6, v34  }
0xd3: {  	v6 =	vld [tilespmem:$0x240];
	[tilespmem:$0x19F0] =	vst v2;
	v2 =	vshra.s32 v3, $0x5;
	v3 =	vshll.u32 v3, $0x2;
	vm0 =	vlt.s32 v4, $0x2C6EFF  }
0xd4: {  	[tilespmem:$0x1600] =	vst v2;
	v2 =	vand.u32 $0x7C, v3;
	v3 =	vnsel vm0, $0x2C6EFF, v4;
	v4 =	vadd.s32 v5, v35  }
0xd5: {  	v5 =	vld [tilespmem:$0x250];
	[tilespmem:$0x1A00] =	vst v2;
	v2 =	vshra.s32 v3, $0x5;
	v3 =	vshll.u32 v3, $0x2;
	vm0 =	vlt.s32 v4, $0x2C6EFF  }
0xd6: {  	[tilespmem:$0x1610] =	vst v2;
	v2 =	vand.u32 $0x7C, v3;
	v3 =	vnsel vm0, $0x2C6EFF, v4;
	v4 =	vadd.s32 v7, v36  }
0xd7: {  	v7 =	vld [tilespmem:$0x260];
	[tilespmem:$0x1A10] =	vst v2;
	v2 =	vshra.s32 v3, $0x5;
	v3 =	vshll.u32 v3, $0x2;
	vm0 =	vlt.s32 v4, $0x2C6EFF  }
0xd8: {  	[tilespmem:$0x1620] =	vst v2;
	v2 =	vand.u32 $0x7C, v3;
	v3 =	vnsel vm0, $0x2C6EFF, v4;
	v4 =	vadd.s32 v6, v37  }
0xd9: {  	v6 =	vld [tilespmem:$0x270];
	[tilespmem:$0x1A20] =	vst v2;
	v2 =	vshra.s32 v3, $0x5;
	v3 =	vshll.u32 v3, $0x2;
	vm0 =	vlt.s32 v4, $0x2C6EFF  }
0xda: {  	[tilespmem:$0x1630] =	vst v2;
	v2 =	vand.u32 $0x7C, v3;
	v3 =	vnsel vm0, $0x2C6EFF, v4;
	v4 =	vadd.s32 v5, v38  }
0xdb: {  	v5 =	vld [tilespmem:$0x280];
	[tilespmem:$0x1A30] =	vst v2;
	v2 =	vshra.s32 v3, $0x5;
	v3 =	vshll.u32 v3, $0x2;
	vm0 =	vlt.s32 v4, $0x2C6EFF  }
0xdc: {  	[tilespmem:$0x1640] =	vst v2;
	v2 =	vand.u32 $0x7C, v3;
	v3 =	vnsel vm0, $0x2C6EFF, v4;
	v4 =	vadd.s32 v7, v39  }
0xdd: {  	v7 =	vld [tilespmem:$0x290];
	[tilespmem:$0x1A40] =	vst v2;
	v2 =	vshra.s32 v3, $0x5;
	v3 =	vshll.u32 v3, $0x2;
	vm0 =	vlt.s32 v4, $0x2C6EFF  }
0xde: {  	[tilespmem:$0x1650] =	vst v2;
	v2 =	vand.u32 $0x7C, v3;
	v3 =	vnsel vm0, $0x2C6EFF, v4;
	v4 =	vadd.s32 v6, v40  }
0xdf: {  	v6 =	vld [tilespmem:$0x2A0];
	[tilespmem:$0x1A50] =	vst v2;
	v2 =	vshra.s32 v3, $0x5;
	v3 =	vshll.u32 v3, $0x2;
	vm0 =	vlt.s32 v4, $0x2C6EFF  }
0xe0: {  	[tilespmem:$0x1660] =	vst v2;
	v2 =	vand.u32 $0x7C, v3;
	v3 =	vnsel vm0, $0x2C6EFF, v4;
	v4 =	vadd.s32 v5, v41  }
0xe1: {  	v5 =	vld [tilespmem:$0x2B0];
	[tilespmem:$0x1A60] =	vst v2;
	v2 =	vshra.s32 v3, $0x5;
	v3 =	vshll.u32 v3, $0x2;
	vm0 =	vlt.s32 v4, $0x2C6EFF  }
0xe2: {  	[tilespmem:$0x1670] =	vst v2;
	v2 =	vand.u32 $0x7C, v3;
	v3 =	vnsel vm0, $0x2C6EFF, v4;
	v4 =	vadd.s32 v7, v42  }
0xe3: {  	v7 =	vld [tilespmem:$0x2C0];
	[tilespmem:$0x1A70] =	vst v2;
	v2 =	vshra.s32 v3, $0x5;
	v3 =	vshll.u32 v3, $0x2;
	vm0 =	vlt.s32 v4, $0x2C6EFF  }
0xe4: {  	[tilespmem:$0x1680] =	vst v2;
	v2 =	vand.u32 $0x7C, v3;
	v3 =	vnsel vm0, $0x2C6EFF, v4;
	v4 =	vadd.s32 v6, v43  }
0xe5: {  	v6 =	vld [tilespmem:$0x2D0];
	[tilespmem:$0x1A80] =	vst v2;
	v2 =	vshra.s32 v3, $0x5;
	v3 =	vshll.u32 v3, $0x2;
	vm0 =	vlt.s32 v4, $0x2C6EFF  }
0xe6: {  	[tilespmem:$0x1690] =	vst v2;
	v2 =	vand.u32 $0x7C, v3;
	v3 =	vnsel vm0, $0x2C6EFF, v4;
	v4 =	vadd.s32 v5, v44  }
0xe7: {  	v5 =	vld [tilespmem:$0x2E0];
	[tilespmem:$0x1A90] =	vst v2;
	v2 =	vshra.s32 v3, $0x5;
	v3 =	vshll.u32 v3, $0x2;
	vm0 =	vlt.s32 v4, $0x2C6EFF  }
0xe8: {  	[tilespmem:$0x16A0] =	vst v2;
	v2 =	vand.u32 $0x7C, v3;
	v3 =	vnsel vm0, $0x2C6EFF, v4;
	v4 =	vadd.s32 v7, v45  }
0xe9: {  	v7 =	vld [tilespmem:$0x2F0];
	[tilespmem:$0x1AA0] =	vst v2;
	v2 =	vshra.s32 v3, $0x5;
	v3 =	vshll.u32 v3, $0x2;
	vm0 =	vlt.s32 v4, $0x2C6EFF  }
0xea: {  	[tilespmem:$0x16B0] =	vst v2;
	v2 =	vand.u32 $0x7C, v3;
	v3 =	vnsel vm0, $0x2C6EFF, v4;
	v4 =	vadd.s32 v6, v46  }
0xeb: {  	v6 =	vld [tilespmem:$0x300];
	[tilespmem:$0x1AB0] =	vst v2;
	v2 =	vshra.s32 v3, $0x5;
	v3 =	vshll.u32 v3, $0x2;
	vm0 =	vlt.s32 v4, $0x2C6EFF  }
0xec: {  	[tilespmem:$0x16C0] =	vst v2;
	v2 =	vand.u32 $0x7C, v3;
	v3 =	vnsel vm0, $0x2C6EFF, v4;
	v4 =	vadd.s32 v5, v47  }
0xed: {  	v5 =	vld [tilespmem:$0x310];
	[tilespmem:$0x1AC0] =	vst v2;
	v2 =	vshra.s32 v3, $0x5;
	v3 =	vshll.u32 v3, $0x2;
	vm0 =	vlt.s32 v4, $0x2C6EFF  }
0xee: {  	[tilespmem:$0x16D0] =	vst v2;
	v2 =	vand.u32 $0x7C, v3;
	v3 =	vnsel vm0, $0x2C6EFF, v4;
	v4 =	vadd.s32 v7, v48  }
0xef: {  	v7 =	vld [tilespmem:$0x320];
	[tilespmem:$0x1AD0] =	vst v2;
	v2 =	vshra.s32 v3, $0x5;
	v3 =	vshll.u32 v3, $0x2;
	vm0 =	vlt.s32 v4, $0x2C6EFF  }
0xf0: {  	[tilespmem:$0x16E0] =	vst v2;
	v2 =	vand.u32 $0x7C, v3;
	v3 =	vnsel vm0, $0x2C6EFF, v4;
	v4 =	vadd.s32 v6, v49  }
0xf1: {  	v6 =	vld [tilespmem:$0x330];
	[tilespmem:$0x1AE0] =	vst v2;
	v2 =	vshra.s32 v3, $0x5;
	v3 =	vshll.u32 v3, $0x2;
	vm0 =	vlt.s32 v4, $0x2C6EFF  }
0xf2: {  	[tilespmem:$0x16F0] =	vst v2;
	v2 =	vand.u32 $0x7C, v3;
	v3 =	vnsel vm0, $0x2C6EFF, v4;
	v4 =	vadd.s32 v5, v50  }
0xf3: {  	v5 =	vld [tilespmem:$0x340];
	[tilespmem:$0x1AF0] =	vst v2;
	v2 =	vshra.s32 v3, $0x5;
	v3 =	vshll.u32 v3, $0x2;
	vm0 =	vlt.s32 v4, $0x2C6EFF  }
0xf4: {  	[tilespmem:$0x1700] =	vst v2;
	v2 =	vand.u32 $0x7C, v3;
	v3 =	vnsel vm0, $0x2C6EFF, v4;
	v4 =	vadd.s32 v7, v51  }
0xf5: {  	v7 =	vld [tilespmem:$0x350];
	[tilespmem:$0x1B00] =	vst v2;
	v2 =	vshra.s32 v3, $0x5;
	v3 =	vshll.u32 v3, $0x2;
	vm0 =	vlt.s32 v4, $0x2C6EFF  }
0xf6: {  	[tilespmem:$0x1710] =	vst v2;
	v2 =	vand.u32 $0x7C, v3;
	v3 =	vnsel vm0, $0x2C6EFF, v4;
	v4 =	vadd.s32 v6, v52  }
0xf7: {  	v6 =	vld [tilespmem:$0x360];
	[tilespmem:$0x1B10] =	vst v2;
	v2 =	vshra.s32 v3, $0x5;
	v3 =	vshll.u32 v3, $0x2;
	vm0 =	vlt.s32 v4, $0x2C6EFF  }
0xf8: {  	[tilespmem:$0x1720] =	vst v2;
	v2 =	vand.u32 $0x7C, v3;
	v3 =	vnsel vm0, $0x2C6EFF, v4;
	v4 =	vadd.s32 v5, v53  }
0xf9: {  	v5 =	vld [tilespmem:$0x370];
	[tilespmem:$0x1B20] =	vst v2;
	v2 =	vshra.s32 v3, $0x5;
	v3 =	vshll.u32 v3, $0x2;
	vm0 =	vlt.s32 v4, $0x2C6EFF  }
0xfa: {  	[tilespmem:$0x1730] =	vst v2;
	v2 =	vand.u32 $0x7C, v3;
	v3 =	vnsel vm0, $0x2C6EFF, v4;
	v4 =	vadd.s32 v7, v54  }
0xfb: {  	v7 =	vld [tilespmem:$0x380];
	[tilespmem:$0x1B30] =	vst v2;
	v2 =	vshra.s32 v3, $0x5;
	v3 =	vshll.u32 v3, $0x2;
	vm0 =	vlt.s32 v4, $0x2C6EFF  }
0xfc: {  	[tilespmem:$0x1740] =	vst v2;
	v2 =	vand.u32 $0x7C, v3;
	v3 =	vnsel vm0, $0x2C6EFF, v4;
	v4 =	vadd.s32 v6, v55  }
0xfd: {  	v6 =	vld [tilespmem:$0x390];
	[tilespmem:$0x1B40] =	vst v2;
	v2 =	vshra.s32 v3, $0x5;
	v3 =	vshll.u32 v3, $0x2;
	vm0 =	vlt.s32 v4, $0x2C6EFF  }
0xfe: {  	[tilespmem:$0x1750] =	vst v2;
	v2 =	vand.u32 $0x7C, v3;
	v3 =	vnsel vm0, $0x2C6EFF, v4;
	v4 =	vadd.s32 v5, v56  }
0xff: {  	v5 =	vld [tilespmem:$0x3A0];
	[tilespmem:$0x1B50] =	vst v2;
	v2 =	vshra.s32 v3, $0x5;
	v3 =	vshll.u32 v3, $0x2;
	vm0 =	vlt.s32 v4, $0x2C6EFF  }
0x100: {  	[tilespmem:$0x1760] =	vst v2;
	v2 =	vand.u32 $0x7C, v3;
	v3 =	vnsel vm0, $0x2C6EFF, v4;
	v4 =	vadd.s32 v7, v57  }
0x101: {  	v7 =	vld [tilespmem:$0x3B0];
	[tilespmem:$0x1B60] =	vst v2;
	v2 =	vshra.s32 v3, $0x5;
	v3 =	vshll.u32 v3, $0x2;
	vm0 =	vlt.s32 v4, $0x2C6EFF  }
0x102: {  	[tilespmem:$0x1770] =	vst v2;
	v2 =	vand.u32 $0x7C, v3;
	v3 =	vnsel vm0, $0x2C6EFF, v4;
	v4 =	vadd.s32 v6, v58  }
0x103: {  	v6 =	vld [tilespmem:$0x3C0];
	[tilespmem:$0x1B70] =	vst v2;
	v2 =	vshra.s32 v3, $0x5;
	v3 =	vshll.u32 v3, $0x2;
	vm0 =	vlt.s32 v4, $0x2C6EFF  }
0x104: {  	[tilespmem:$0x1780] =	vst v2;
	v2 =	vand.u32 $0x7C, v3;
	v3 =	vnsel vm0, $0x2C6EFF, v4;
	v4 =	vadd.s32 v5, v59  }
0x105: {  	v5 =	vld [tilespmem:$0x3D0];
	[tilespmem:$0x1B80] =	vst v2;
	v2 =	vshra.s32 v3, $0x5;
	v3 =	vshll.u32 v3, $0x2;
	vm0 =	vlt.s32 v4, $0x2C6EFF  }
0x106: {  	[tilespmem:$0x1790] =	vst v2;
	v2 =	vand.u32 $0x7C, v3;
	v3 =	vnsel vm0, $0x2C6EFF, v4;
	v4 =	vadd.s32 v7, v60  }
0x107: {  	v7 =	vld [tilespmem:$0x3E0];
	[tilespmem:$0x1B90] =	vst v2;
	v2 =	vshra.s32 v3, $0x5;
	v3 =	vshll.u32 v3, $0x2;
	vm0 =	vlt.s32 v4, $0x2C6EFF  }
0x108: {  	[tilespmem:$0x17A0] =	vst v2;
	v2 =	vand.u32 $0x7C, v3;
	v3 =	vnsel vm0, $0x2C6EFF, v4;
	v4 =	vadd.s32 v6, v61  }
0x109: {  	v6 =	vld [tilespmem:$0x3F0];
	[tilespmem:$0x1BA0] =	vst v2;
	v2 =	vshra.s32 v3, $0x5;
	v3 =	vshll.u32 v3, $0x2;
	vm0 =	vlt.s32 v4, $0x2C6EFF  }
0x10a: {  	[tilespmem:$0x17B0] =	vst v2;
	v2 =	vand.u32 $0x7C, v3;
	v3 =	vnsel vm0, $0x2C6EFF, v4;
	v4 =	vadd.s32 v5, v62  }
0x10b: {  	[tilespmem:$0x1BB0] =	vst v2;
	v2 =	vshra.s32 v3, $0x5;
	v3 =	vshll.u32 v3, $0x2;
	vm0 =	vlt.s32 v4, $0x2C6EFF  }
0x10c: {  	[tilespmem:$0x17C0] =	vst v2;
	v2 =	vand.u32 $0x7C, v3;
	v3 =	vnsel vm0, $0x2C6EFF, v4;
	v4 =	vadd.s32 v7, v63  }
0x10d: {  	[tilespmem:$0x1BC0] =	vst v2;
	v2 =	vshra.s32 v3, $0x5;
	v3 =	vshll.u32 v3, $0x2;
	vm0 =	vlt.s32 v4, $0x2C6EFF  }
0x10e: {  	[tilespmem:$0x17D0] =	vst v2;
	v2 =	vand.u32 $0x7C, v3;
	v3 =	vnsel vm0, $0x2C6EFF, v4;
	v4 =	vadd.s32 v6, v0  }
0x10f: {  	[tilespmem:$0x1BD0] =	vst v2;
	v2 =	vshra.s32 v3, $0x5;
	v3 =	vshll.u32 v3, $0x2;
	vm0 =	vlt.s32 v4, $0x2C6EFF  }
0x110: {  	v5 =	vlaneseq.u32;
	[tilespmem:$0x17E0] =	vst v2;
	v2 =	vand.u32 $0x7C, v3;
	v3 =	vnsel vm0, $0x2C6EFF, v4  }
0x111: {  	[tilespmem:$0x1BE0] =	vst v2;
	v2 =	vshra.s32 v3, $0x5;
	v4 =	vshll.u32 v3, $0x2;
	v3 =	vshrl.u32 v5, $0x2  }
0x112: {  	[tilespmem:$0x17F0] =	vst v2;
	v2 =	vand.u32 $0x7C, v4;
	v6 =	vor.u32 s2, v3  }
0x113: {  	[tilespmem:$0x1BF0] =	vst v2  }
0x114: {  	_ =	swait.ge [sflag:s14], $0x4000  }
0x115: {  	s26 =	simm.s32 $0x4;
	[sflag:s14] =	ssyncset.done $0x0  }
0x116: {  	v7 =	vor.u32 s26, v3;
	[sflag:s14] =	ssyncadd.s32 $0xFFFFC000  }
0x117: {  	v4 =	vld.idx.msk [tilespmem:v6+s15+$0x0], $0xffff;
	_ =	sdelay $0x3  }
0x118: {  	v2 =	vand.u32 $0x3, v5;
	v10 =	vld.idx.msk [tilespmem:v7+s15+$0x0], $0xffff  }
0x119: {  	v5 =	vadd.s32 v2, v4  }
0x11a: {  	s1 =	simm.s32 $0x8;
	v8 =	vshll.u32 v6, $0x7;
	v9 =	vand.u32 $0xFFFFFF80, v5  }
0x11b: {  	v4 =	vor.u32 s1, v3;
	v5 =	vand.u32 $0x7F, v5;
	v8 =	vadd.s32 v8, v9  }
0x11c: {  	v5 =	vor.u32 v5, v8  }
0x11d: {  	v9 =	vadd.s32 v2, v10  }
0x11e: {  	v10 =	vshll.u32 v7, $0x7;
	v11 =	vand.u32 $0xFFFFFF80, v9  }
0x11f: {  	v10 =	vadd.s32 v10, v11;
	v11 =	vld [tilespmem:s25+$0x0]  }
0x120: {  	v9 =	vand.u32 $0x7F, v9;
	v8 =	vld.idx.msk [tilespmem:v4+s15+$0x0], $0xffff  }
0x121: {  	s28 =	simm.s32 $0xC;
	v10 =	vor.u32 v9, v10;
	v12 =	vld.idx.msk [tilespmem:v5+s11+$0x0], $0xffff  }
0x122: {  	v5 =	vor.u32 s28, v3;
	_ =	sdelay $0x2  }
0x123: {  	v13 =	vld.idx.msk [tilespmem:v6+s2+$0x0], $0xffff  }
0x124: {  	s29 =	simm.s32 $0x10;
	v6 =	vadd.s32 v2, v8;
	v10 =	vld.idx.msk [tilespmem:v10+s11+$0x0], $0xffff;
	v8 =	vsub.f32 v11, v12  }
0x125: {  	s30 =	simm.s32 $0x410;
	v9 =	vor.u32 s29, v3;
	v14 =	vld.idx.msk [tilespmem:v5+s15+$0x0], $0xffff;
	v11 =	vshll.u32 v4, $0x7;
	v12 =	vand.u32 $0xFFFFFF80, v6  }
0x126: {  	v6 =	vand.u32 $0x7F, v6;
	v11 =	vadd.s32 v11, v12;
	v12 =	vld [tilespmem:s30+$0x0];
	v8 =	vand.u32 $0x7FFFFFFF, v8  }
0x127: {  	v11 =	vor.u32 v6, v11;
	v15 =	vmul.f32 $5.000000000e-01, v8  }
0x128: {  	vm0 =	vgt.s32 v13, $0x0  }
0x129: {  	s31 =	simm.s32 $0x14;
	v17 =	vshll.u32 v5, $0x7;
	v16 =	vadd.f32 $-5.000000000e-01, v8;
	v15 =	vmul.f32 v15, v8  }
0x12a: {  	v6 =	vor.u32 s31, v3;
	vm1 =	vlt.f32 v8, $1.000000000e+00;
	v8 =	vld.idx.msk [tilespmem:v7+s2+$0x0], $0xffff;
	v7 =	vadd.s32 v2, v14  }
0x12b: {  	v13 =	vld.idx.msk [tilespmem:v9+s15+$0x0], $0xffff;
	v10 =	vsub.f32 v12, v10;
	v14 =	vand.u32 $0xFFFFFF80, v7;
	v12 =	vsel vm1, v15, v16  }
0x12c: {  	s25 =	simm.s32 $0x420;
	v15 =	vand.u32 $0x7F, v7;
	v11 =	vld.idx.msk [tilespmem:v11+s11+$0x0], $0xffff;
	v16 =	vadd.s32 v17, v14;
	v7 =	vnsel vm0, $0x0, v12  }
0x12d: {  	s26 =	simm.s32 $0x18;
	v12 =	vld [tilespmem:s25+$0x0];
	v14 =	vand.u32 $0x7FFFFFFF, v10;
	v10 =	vimm.f32 $0.0e+00;
	v7 =	vadd.f32 v7, v1  }
.LBB2_2:
0x12e: {  	p0 =	sne.s32 s26, $0x7C;
	v16 =	vor.u32 v15, v16;
	v15 =	vmul.f32 $5.000000000e-01, v14;
	v17 =	vsel vm0, $0x3F800000, v1  }
0x12f: {  	v10 =	vadd.f32 v17, v10  }
.Ltmp0:
0x130: {  	v18 =	vadd.f32 $-5.000000000e-01, v14;
	v17 =	vor.u32 s26, v3;
	v15 =	vmul.f32 v15, v14;
	(pc) =	sbr.rel @p0 .LBB2_2-.Ltmp0, $4  }
0x131: {  	v19 =	vshll.u32 v9, $0x7;
	vm1 =	vlt.f32 v14, $1.000000000e+00;
	vm0 =	vgt.s32 v8, $0x0;
	v8 =	vld.idx.msk [tilespmem:v4+s2+$0x0], $0xffff;
	v4 =	vmovc v5;
	v5 =	vmovc v9  }
0x132: {  	v21 =	vadd.s32 v2, v13;
	v13 =	vld.idx.msk [tilespmem:v6+s15+$0x0], $0xffff;
	v14 =	vsub.f32 v12, v11;
	v12 =	vsel vm1, v15, v18  }
0x133: {  	s25 =	sadd.s32 $0x10, s25;
	v9 =	vmovc v6;
	v18 =	vand.u32 $0xFFFFFF80, v21;
	v15 =	vand.u32 $0x7F, v21;
	v6 =	vmovc v17;
	v11 =	vld.idx.msk [tilespmem:v16+s11+$0x0], $0xffff;
	v20 =	vnsel vm0, $0x0, v12  }
0x134: {  	s26 =	sadd.s32 $0x4, s26;
	v16 =	vadd.s32 v19, v18;
	v12 =	vld [tilespmem:s25+$0x0];
	v14 =	vand.u32 $0x7FFFFFFF, v14;
	v7 =	vadd.f32 v20, v7  }
0x135: {  	_ =	sdelay $0x3  }
0x136: {  	v17 =	vld.idx.msk [tilespmem:v6+s15+$0x0], $0xffff;
	_ =	sdelay $0x1  }
0x137: {  	v13 =	vadd.s32 v2, v13  }
0x138: {  	v15 =	vor.u32 v15, v16;
	v16 =	vshll.u32 v9, $0x7;
	v18 =	vand.u32 $0xFFFFFF80, v13  }
0x139: {  	v13 =	vand.u32 $0x7F, v13;
	v16 =	vadd.s32 v16, v18  }
0x13a: {  	v13 =	vor.u32 v13, v16;
	v16 =	vadd.s32 v2, v17  }
0x13b: {  	v4 =	vld.idx.msk [tilespmem:v4+s2+$0x0], $0xffff;
	v17 =	vshll.u32 v6, $0x7;
	v18 =	vand.u32 $0xFFFFFF80, v16  }
0x13c: {  	v9 =	vld.idx.msk [tilespmem:v9+s2+$0x0], $0xffff;
	v16 =	vand.u32 $0x7F, v16;
	v17 =	vadd.s32 v17, v18  }
0x13d: {  	v16 =	vor.u32 v16, v17;
	v17 =	vld.idx.msk [tilespmem:v5+s2+$0x0], $0xffff;
	v5 =	vmul.f32 $5.000000000e-01, v14  }
0x13e: {  	s25 =	sadd.s32 $0x10, s25;
	v15 =	vld.idx.msk [tilespmem:v15+s11+$0x0], $0xffff  }
0x13f: {  	v20 =	vadd.f32 $-5.000000000e-01, v14;
	v18 =	vld [tilespmem:s25+$0x0];
	s25 =	sadd.s32 $0x10, s25;
	v5 =	vmul.f32 v5, v14  }
0x140: {  	vm1 =	vlt.f32 v14, $1.000000000e+00;
	v11 =	vsub.f32 v12, v11;
	v19 =	vld [tilespmem:s25+$0x0]  }
0x141: {  	v13 =	vld.idx.msk [tilespmem:v13+s11+$0x0], $0xffff;
	v14 =	vsel vm1, v5, v20  }
0x142: {  	s1 =	simm.s32 $0x0;
	v5 =	vor.u32 $0x80, v3;
	vm1 =	vgt.s32 v8, $0x0;
	v8 =	vand.u32 $0x7FFFFFFF, v11;
	v11 =	vld.idx.msk [tilespmem:v6+s2+$0x0], $0xffff  }
0x143: {  	s25 =	sadd.s32 $0x10, s25;
	v12 =	vld.idx.msk [tilespmem:v16+s11+$0x0], $0xffff;
	v20 =	vor.u32 s1, v5  }
0x144: {  	v6 =	vsel vm0, $0x3F800000, v1;
	v15 =	vsub.f32 v18, v15;
	v16 =	vld [tilespmem:s25+$0x0];
	v18 =	vmul.f32 $5.000000000e-01, v8;
	[tilespmem:s11], [sflag:$0x1] =	stream.indirect.gather [hbm4b:s3+s9], $0x80, s16, s9, $0xb8  }
0x145: {  	v6 =	vadd.f32 v6, v10;
	v10 =	vnsel vm1, $0x0, v14;
	vm0 =	vlt.f32 v8, $1.000000000e+00;
	_ =	swait.ge [sflag:s17], $0x4000  }
0x146: {  	v15 =	vand.u32 $0x7FFFFFFF, v15;
	v14 =	vmul.f32 v18, v8;
	v18 =	vadd.f32 $-5.000000000e-01, v8;
	[sflag:s17] =	ssyncset.done $0x0  }
0x147: {  	v7 =	vadd.f32 v10, v7;
	v10 =	vsel vm1, $0x3F800000, v1;
	v8 =	vmul.f32 $5.000000000e-01, v15;
	[sflag:s17] =	ssyncadd.s32 $0xFFFFC000  }
0x148: {  	s26 =	simm.s32 $0x4;
	vm1 =	vgt.s32 v4, $0x0;
	v10 =	vadd.f32 v10, v6;
	v4 =	vsel vm0, v14, v18;
	v14 =	vld.idx.msk [tilespmem:v20+s15+$0x0], $0xffff  }
0x149: {  	v13 =	vsub.f32 v19, v13;
	v6 =	vor.u32 s26, v5;
	v8 =	vmul.f32 v8, v15  }
0x14a: {  	v18 =	vadd.f32 $-5.000000000e-01, v15;
	vm0 =	vlt.f32 v15, $1.000000000e+00;
	v4 =	vnsel vm1, $0x0, v4  }
0x14b: {  	v15 =	vsel vm1, $0x3F800000, v1;
	v13 =	vand.u32 $0x7FFFFFFF, v13;
	v7 =	vadd.f32 v4, v7  }
0x14c: {  	v8 =	vsel vm0, v8, v18;
	v18 =	vmov s1;
	v4 =	vmul.u32 $0x80, v3  }
0x14d: {  	vm0 =	vgt.s32 v17, $0x0;
	v17 =	vshll.u32 v18, $0x7;
	v14 =	vadd.s32 v2, v14  }
0x14e: {  	v12 =	vsub.f32 v16, v12;
	v17 =	vor.u32 v4, v17;
	v18 =	vand.u32 $0xFFFFFF80, v14  }
0x14f: {  	v10 =	vadd.f32 v15, v10;
	v17 =	vadd.s32 v17, v18;
	v18 =	vmul.f32 $5.000000000e-01, v13  }
0x150: {  	v8 =	vnsel vm0, $0x0, v8;
	v12 =	vand.u32 $0x7FFFFFFF, v12;
	v14 =	vand.u32 $0x7F, v14  }
0x151: {  	v16 =	vld.idx.msk [tilespmem:v6+s15+$0x0], $0xffff;
	v14 =	vor.u32 v14, v17;
	v17 =	vadd.f32 $-5.000000000e-01, v13;
	v15 =	vmul.f32 v18, v13  }
0x152: {  	s28 =	simm.s32 $0x8;
	v18 =	vsel vm0, $0x3F800000, v1;
	vm0 =	vlt.f32 v13, $1.000000000e+00;
	v13 =	vmul.f32 $5.000000000e-01, v12  }
0x153: {  	vm1 =	vgt.s32 v9, $0x0;
	v8 =	vadd.f32 v8, v7;
	v7 =	vor.u32 s28, v5  }
0x154: {  	s25 =	sand.u32 $0x1F0, s1;
	v9 =	vsel vm0, v15, v17;
	v13 =	vmul.f32 v13, v12;
	v17 =	vmov s26  }
0x155: {  	v15 =	vadd.f32 $-5.000000000e-01, v12;
	vm0 =	vlt.f32 v12, $1.000000000e+00;
	v12 =	vshll.u32 v17, $0x7;
	v17 =	vld [tilespmem:s25+$0x600]  }
0x156: {  	v16 =	vadd.s32 v2, v16;
	v14 =	vld.idx.msk [tilespmem:v14+s13+$0x0], $0xffff  }
0x157: {  	v13 =	vsel vm0, v13, v15;
	v15 =	vand.u32 $0xFFFFFF80, v16;
	v12 =	vor.u32 v4, v12  }
0x158: {  	v10 =	vadd.f32 v18, v10;
	v18 =	vld.idx.msk [tilespmem:v7+s15+$0x0], $0xffff;
	v12 =	vadd.s32 v12, v15;
	v15 =	vand.u32 $0x7F, v16  }
0x159: {  	s26 =	simm.s32 $0xC;
	v9 =	vnsel vm1, $0x0, v9;
	vm0 =	vgt.s32 v11, $0x0;
	v12 =	vor.u32 v15, v12  }
0x15a: {  	s1 =	simm.s32 $0x10;
	v8 =	vadd.f32 v9, v8;
	v11 =	vor.u32 s26, v5;
	v16 =	vsel vm1, $0x3F800000, v1  }
0x15b: {  	s25 =	sand.u32 $0x1F0, s1;
	v13 =	vnsel vm0, $0x0, v13;
	v9 =	vadd.f32 v16, v10;
	v14 =	vsub.f32 v17, v14  }
0x15c: {  	v10 =	vmov s28;
	v15 =	vsel vm0, $0x3F800000, v1;
	v8 =	vadd.f32 v13, v8;
	v13 =	vld [tilespmem:s25+$0x600]  }
0x15d: {  	v16 =	vshll.u32 v10, $0x7;
	v10 =	vld.idx.msk [tilespmem:v20+s2+$0x0], $0xffff;
	v17 =	vadd.s32 v2, v18;
	v18 =	vand.u32 $0x7FFFFFFF, v14  }
0x15e: {  	v16 =	vor.u32 v4, v16;
	v14 =	vand.u32 $0xFFFFFF80, v17;
	v12 =	vld.idx.msk [tilespmem:v12+s13+$0x0], $0xffff;
	v19 =	vmul.f32 $5.000000000e-01, v18  }
0x15f: {  	v9 =	vadd.f32 v15, v9;
	v17 =	vand.u32 $0x7F, v17;
	v14 =	vadd.s32 v16, v14  }
0x160: {  	s29 =	simm.s32 $0x20;
	s31 =	simm.s32 $0x50;
	v16 =	vadd.f32 $-5.000000000e-01, v18;
	v15 =	vor.u32 v17, v14;
	v17 =	vld.idx.msk [tilespmem:v11+s15+$0x0], $0xffff;
	v14 =	vmul.f32 v19, v18  }
0x161: {  	s30 =	simm.s32 $0x10;
	s28 =	simm.s32 $0x30;
	s25 =	simm.s32 $0x40;
	vm0 =	vlt.f32 v18, $1.000000000e+00  }
.LBB2_4:
0x162: {  	p0 =	sne.s32 s31, $0x1F0;
	v18 =	vor.u32 s30, v5;
	v14 =	vsel vm0, v14, v16;
	vm0 =	vgt.s32 v10, $0x0  }
0x163: {  	v13 =	vsub.f32 v13, v12;
	v12 =	vnsel vm0, $0x0, v14;
	v14 =	vsel vm0, $0x3F800000, v1  }
0x164: {  	v16 =	vmov s26;
	s26 =	smov.u32 s30;
	v10 =	vld.idx.msk [tilespmem:v6+s2+$0x0], $0xffff;
	v8 =	vadd.f32 v12, v8;
	v6 =	vmovc v7;
	v7 =	vmov v11  }
.Ltmp1:
0x165: {  	s1 =	sand.u32 $0x1F0, s29;
	s29 =	smov.u32 s28;
	v16 =	vshll.u32 v16, $0x7;
	v19 =	vadd.s32 v2, v17;
	v11 =	vmovc v18;
	v12 =	vld.idx.msk [tilespmem:v15+s13+$0x0], $0xffff;
	v20 =	vand.u32 $0x7FFFFFFF, v13;
	(pc) =	sbr.rel @p0 .LBB2_4-.Ltmp1, $4  }
0x166: {  	s28 =	smov.u32 s25;
	s25 =	smov.u32 s31;
	v16 =	vor.u32 v4, v16;
	v15 =	vand.u32 $0xFFFFFF80, v19;
	v13 =	vld [tilespmem:s1+$0x600];
	v21 =	vmul.f32 $5.000000000e-01, v20  }
0x167: {  	v9 =	vadd.f32 v14, v9;
	v15 =	vadd.s32 v16, v15;
	v17 =	vld.idx.msk [tilespmem:v18+s15+$0x0], $0xffff;
	v18 =	vand.u32 $0x7F, v19  }
0x168: {  	v16 =	vadd.f32 $-5.000000000e-01, v20;
	v15 =	vor.u32 v18, v15;
	v14 =	vmul.f32 v21, v20  }
0x169: {  	s31 =	sadd.s32 $0x10, s31;
	s30 =	sadd.s32 $0x4, s30;
	vm0 =	vlt.f32 v20, $1.000000000e+00  }
0x16a: {  	v18 =	vor.u32 s30, v5;
	_ =	sdelay $0x4  }
0x16b: {  	v5 =	vld.idx.msk [tilespmem:v18+s15+$0x0], $0xffff  }
0x16c: {  	v19 =	vmov s26  }
0x16d: {  	v19 =	vshll.u32 v19, $0x7;
	v17 =	vadd.s32 v2, v17  }
0x16e: {  	v19 =	vor.u32 v4, v19;
	v20 =	vand.u32 $0xFFFFFF80, v17  }
0x16f: {  	v17 =	vand.u32 $0x7F, v17;
	v19 =	vadd.s32 v19, v20;
	v20 =	vmov s30  }
0x170: {  	v17 =	vor.u32 v17, v19;
	v19 =	vshll.u32 v20, $0x7;
	v5 =	vadd.s32 v2, v5  }
0x171: {  	v6 =	vld.idx.msk [tilespmem:v6+s2+$0x0], $0xffff;
	v19 =	vor.u32 v4, v19;
	v20 =	vand.u32 $0xFFFFFF80, v5  }
0x172: {  	v15 =	vld.idx.msk [tilespmem:v15+s13+$0x0], $0xffff;
	v5 =	vand.u32 $0x7F, v5;
	v19 =	vadd.s32 v19, v20  }
0x173: {  	v7 =	vld.idx.msk [tilespmem:v7+s2+$0x0], $0xffff;
	v5 =	vor.u32 v5, v19  }
0x174: {  	s1 =	sand.u32 $0x1F0, s29;
	v11 =	vld.idx.msk [tilespmem:v11+s2+$0x0], $0xffff  }
0x175: {  	v20 =	vld [tilespmem:s1+$0x600]  }
0x176: {  	s26 =	sand.u32 $0x1F0, s28;
	v12 =	vsub.f32 v13, v12;
	v18 =	vld.idx.msk [tilespmem:v18+s2+$0x0], $0xffff  }
0x177: {  	v19 =	vld [tilespmem:s26+$0x600]  }
0x178: {  	v12 =	vand.u32 $0x7FFFFFFF, v12;
	s26 =	sand.u32 $0x1F0, s25;
	s25 =	simm.s32 $0x0;
	v13 =	vld.idx.msk [tilespmem:v5+s13+$0x0], $0xffff;
	v5 =	vor.u32 $0x100, v3  }
0x179: {  	v23 =	vmul.f32 $5.000000000e-01, v12;
	v17 =	vld.idx.msk [tilespmem:v17+s13+$0x0], $0xffff;
	v22 =	vor.u32 s25, v5  }
0x17a: {  	v14 =	vsel vm0, v14, v16;
	vm0 =	vgt.s32 v10, $0x0;
	v21 =	vld [tilespmem:s26+$0x600];
	v10 =	vsub.f32 v20, v15;
	[tilespmem:s13], [sflag:$0x2] =	stream.indirect.gather [hbm4b:s3+s9], $0x80, s18, s9, $0xb8  }
0x17b: {  	v14 =	vnsel vm0, $0x0, v14;
	v16 =	vadd.f32 $-5.000000000e-01, v12;
	v15 =	vmul.f32 v23, v12;
	_ =	swait.ge [sflag:s14], $0x4000  }
0x17c: {  	v20 =	vsel vm0, $0x3F800000, v1;
	vm0 =	vlt.f32 v12, $1.000000000e+00;
	v10 =	vand.u32 $0x7FFFFFFF, v10;
	[sflag:s14] =	ssyncset.done $0x0  }
0x17d: {  	v12 =	vsel vm0, v15, v16;
	vm0 =	vgt.s32 v6, $0x0;
	v6 =	vmul.f32 $5.000000000e-01, v10;
	[sflag:s14] =	ssyncadd.s32 $0xFFFFC000  }
0x17e: {  	v8 =	vadd.f32 v14, v8;
	v9 =	vadd.f32 v20, v9;
	v12 =	vnsel vm0, $0x0, v12;
	v15 =	vld.idx.msk [tilespmem:v22+s15+$0x0], $0xffff  }
0x17f: {  	v14 =	vsel vm0, $0x3F800000, v1;
	v16 =	vadd.f32 $-5.000000000e-01, v10;
	v6 =	vmul.f32 v6, v10  }
0x180: {  	s1 =	simm.s32 $0x4;
	vm0 =	vlt.f32 v10, $1.000000000e+00;
	v9 =	vadd.f32 v14, v9;
	v14 =	vsub.f32 v19, v17  }
0x181: {  	v8 =	vadd.f32 v12, v8;
	v10 =	vsel vm0, v6, v16;
	v6 =	vor.u32 s1, v5  }
0x182: {  	v12 =	vmov s25;
	v13 =	vsub.f32 v21, v13;
	v14 =	vand.u32 $0x7FFFFFFF, v14  }
0x183: {  	vm0 =	vgt.s32 v7, $0x0;
	v7 =	vshll.u32 v12, $0x7;
	v12 =	vadd.s32 v2, v15  }
0x184: {  	v16 =	vmul.f32 $5.000000000e-01, v14;
	v7 =	vor.u32 v4, v7;
	v15 =	vand.u32 $0xFFFFFF80, v12  }
0x185: {  	v10 =	vnsel vm0, $0x0, v10;
	v12 =	vand.u32 $0x7F, v12;
	v7 =	vadd.s32 v7, v15  }
0x186: {  	s26 =	simm.s32 $0x8;
	v13 =	vand.u32 $0x7FFFFFFF, v13;
	v8 =	vadd.f32 v10, v8;
	v17 =	vld.idx.msk [tilespmem:v6+s15+$0x0], $0xffff;
	v12 =	vor.u32 v12, v7  }
0x187: {  	v10 =	vmul.f32 $5.000000000e-01, v13;
	v15 =	vsel vm0, $0x3F800000, v1;
	v7 =	vor.u32 s26, v5  }
0x188: {  	v9 =	vadd.f32 v15, v9;
	v15 =	vmul.f32 v16, v14;
	v16 =	vadd.f32 $-5.000000000e-01, v14  }
0x189: {  	s25 =	sand.u32 $0x1F0, s25;
	v10 =	vmul.f32 v10, v13;
	vm0 =	vlt.f32 v14, $1.000000000e+00;
	v14 =	vadd.f32 $-5.000000000e-01, v13  }
0x18a: {  	v15 =	vsel vm0, v15, v16;
	vm0 =	vlt.f32 v13, $1.000000000e+00;
	v13 =	vmov s1;
	v16 =	vld [tilespmem:s25+$0x800]  }
0x18b: {  	v10 =	vsel vm0, v10, v14;
	v13 =	vshll.u32 v13, $0x7;
	v14 =	vadd.s32 v2, v17;
	v12 =	vld.idx.msk [tilespmem:v12+s11+$0x0], $0xffff  }
0x18c: {  	vm0 =	vgt.s32 v11, $0x0;
	v11 =	vand.u32 $0xFFFFFF80, v14;
	v13 =	vor.u32 v4, v13  }
0x18d: {  	v14 =	vand.u32 $0x7F, v14;
	v17 =	vld.idx.msk [tilespmem:v7+s15+$0x0], $0xffff;
	v11 =	vadd.s32 v13, v11;
	v13 =	vnsel vm0, $0x0, v15  }
0x18e: {  	v15 =	vsel vm0, $0x3F800000, v1;
	vm0 =	vgt.s32 v18, $0x0;
	v14 =	vor.u32 v14, v11  }
0x18f: {  	s28 =	simm.s32 $0xC;
	v8 =	vadd.f32 v13, v8;
	v13 =	vnsel vm0, $0x0, v10;
	v10 =	vmov s26;
	s26 =	simm.s32 $0x10  }
0x190: {  	v11 =	vor.u32 s28, v5;
	s1 =	sand.u32 $0x1F0, s26;
	v12 =	vsub.f32 v16, v12  }
0x191: {  	v9 =	vadd.f32 v15, v9;
	v15 =	vsel vm0, $0x3F800000, v1;
	v8 =	vadd.f32 v13, v8;
	v13 =	vld [tilespmem:s1+$0x800]  }
0x192: {  	v16 =	vshll.u32 v10, $0x7;
	v17 =	vadd.s32 v2, v17;
	v10 =	vld.idx.msk [tilespmem:v22+s2+$0x0], $0xffff;
	v18 =	vand.u32 $0x7FFFFFFF, v12  }
0x193: {  	v19 =	vand.u32 $0xFFFFFF80, v17;
	v16 =	vor.u32 v4, v16;
	v12 =	vld.idx.msk [tilespmem:v14+s11+$0x0], $0xffff;
	v20 =	vmul.f32 $5.000000000e-01, v18  }
0x194: {  	v9 =	vadd.f32 v15, v9;
	v14 =	vand.u32 $0x7F, v17;
	v16 =	vadd.s32 v16, v19  }
0x195: {  	s29 =	simm.s32 $0x20;
	s31 =	simm.s32 $0x50;
	v17 =	vld.idx.msk [tilespmem:v11+s15+$0x0], $0xffff;
	v14 =	vor.u32 v14, v16;
	v16 =	vadd.f32 $-5.000000000e-01, v18;
	v15 =	vmul.f32 v20, v18  }
0x196: {  	s30 =	simm.s32 $0x10;
	s25 =	simm.s32 $0x40;
	s26 =	simm.s32 $0x30;
	vm0 =	vlt.f32 v18, $1.000000000e+00  }
.LBB2_6:
0x197: {  	p0 =	sne.s32 s31, $0x1F0;
	v18 =	vor.u32 s30, v5;
	v15 =	vsel vm0, v15, v16;
	vm0 =	vgt.s32 v10, $0x0  }
0x198: {  	v13 =	vsub.f32 v13, v12;
	v12 =	vnsel vm0, $0x0, v15;
	v15 =	vsel vm0, $0x3F800000, v1  }
0x199: {  	v16 =	vmov s28;
	s28 =	smov.u32 s30;
	v10 =	vld.idx.msk [tilespmem:v6+s2+$0x0], $0xffff;
	v8 =	vadd.f32 v12, v8;
	v9 =	vadd.f32 v15, v9;
	v6 =	vmovc v7;
	v7 =	vmovc v11  }
.Ltmp2:
0x19a: {  	s1 =	sand.u32 $0x1F0, s29;
	s29 =	smov.u32 s26;
	v15 =	vshll.u32 v16, $0x7;
	v16 =	vadd.s32 v2, v17;
	v11 =	vmovc v18;
	v12 =	vld.idx.msk [tilespmem:v14+s11+$0x0], $0xffff;
	v19 =	vand.u32 $0x7FFFFFFF, v13;
	(pc) =	sbr.rel @p0 .LBB2_6-.Ltmp2, $4  }
0x19b: {  	s26 =	smov.u32 s25;
	s25 =	smov.u32 s31;
	v14 =	vand.u32 $0xFFFFFF80, v16;
	v15 =	vor.u32 v4, v15;
	v13 =	vld [tilespmem:s1+$0x800];
	v20 =	vmul.f32 $5.000000000e-01, v19  }
0x19c: {  	v16 =	vand.u32 $0x7F, v16;
	v14 =	vadd.s32 v15, v14;
	v17 =	vld.idx.msk [tilespmem:v18+s15+$0x0], $0xffff  }
0x19d: {  	v14 =	vor.u32 v16, v14;
	v16 =	vadd.f32 $-5.000000000e-01, v19;
	v15 =	vmul.f32 v20, v19  }
0x19e: {  	s31 =	sadd.s32 $0x10, s31;
	s30 =	sadd.s32 $0x4, s30;
	vm0 =	vlt.f32 v19, $1.000000000e+00  }
0x19f: {  	v18 =	vor.u32 s30, v5;
	_ =	sdelay $0x4  }
0x1a0: {  	v5 =	vld.idx.msk [tilespmem:v18+s15+$0x0], $0xffff  }
0x1a1: {  	v19 =	vmov s28  }
0x1a2: {  	v19 =	vshll.u32 v19, $0x7;
	v17 =	vadd.s32 v2, v17  }
0x1a3: {  	v19 =	vor.u32 v4, v19;
	v20 =	vand.u32 $0xFFFFFF80, v17  }
0x1a4: {  	v17 =	vand.u32 $0x7F, v17;
	v19 =	vadd.s32 v19, v20;
	v20 =	vmov s30  }
0x1a5: {  	v17 =	vor.u32 v17, v19;
	v19 =	vshll.u32 v20, $0x7;
	v5 =	vadd.s32 v2, v5  }
0x1a6: {  	v6 =	vld.idx.msk [tilespmem:v6+s2+$0x0], $0xffff;
	v19 =	vor.u32 v4, v19;
	v20 =	vand.u32 $0xFFFFFF80, v5  }
0x1a7: {  	v14 =	vld.idx.msk [tilespmem:v14+s11+$0x0], $0xffff;
	v5 =	vand.u32 $0x7F, v5;
	v19 =	vadd.s32 v19, v20  }
0x1a8: {  	v7 =	vld.idx.msk [tilespmem:v7+s2+$0x0], $0xffff;
	v5 =	vor.u32 v5, v19  }
0x1a9: {  	s1 =	sand.u32 $0x1F0, s29;
	v11 =	vld.idx.msk [tilespmem:v11+s2+$0x0], $0xffff  }
0x1aa: {  	v20 =	vld [tilespmem:s1+$0x800]  }
0x1ab: {  	s26 =	sand.u32 $0x1F0, s26;
	v12 =	vsub.f32 v13, v12;
	v18 =	vld.idx.msk [tilespmem:v18+s2+$0x0], $0xffff  }
0x1ac: {  	v19 =	vld [tilespmem:s26+$0x800]  }
0x1ad: {  	v12 =	vand.u32 $0x7FFFFFFF, v12;
	s26 =	sand.u32 $0x1F0, s25;
	s25 =	simm.s32 $0x0;
	v13 =	vld.idx.msk [tilespmem:v5+s11+$0x0], $0xffff;
	v5 =	vor.u32 $0x180, v3  }
0x1ae: {  	v23 =	vmul.f32 $5.000000000e-01, v12;
	v17 =	vld.idx.msk [tilespmem:v17+s11+$0x0], $0xffff;
	v22 =	vor.u32 s25, v5  }
0x1af: {  	v15 =	vsel vm0, v15, v16;
	vm0 =	vgt.s32 v10, $0x0;
	v21 =	vld [tilespmem:s26+$0x800];
	v10 =	vsub.f32 v20, v14;
	[tilespmem:s11], [sflag:$0x1] =	stream.indirect.gather [hbm4b:s3+s9], $0x80, s19, s9, $0xb8  }
0x1b0: {  	v16 =	vadd.f32 $-5.000000000e-01, v12;
	v14 =	vnsel vm0, $0x0, v15;
	v15 =	vmul.f32 v23, v12;
	_ =	swait.ge [sflag:s17], $0x4000  }
0x1b1: {  	v20 =	vsel vm0, $0x3F800000, v1;
	vm0 =	vlt.f32 v12, $1.000000000e+00;
	v10 =	vand.u32 $0x7FFFFFFF, v10;
	[sflag:s17] =	ssyncset.done $0x0  }
0x1b2: {  	v12 =	vsel vm0, v15, v16;
	vm0 =	vgt.s32 v6, $0x0;
	v6 =	vmul.f32 $5.000000000e-01, v10;
	[sflag:s17] =	ssyncadd.s32 $0xFFFFC000  }
0x1b3: {  	v8 =	vadd.f32 v14, v8;
	v9 =	vadd.f32 v20, v9;
	v12 =	vnsel vm0, $0x0, v12;
	v15 =	vld.idx.msk [tilespmem:v22+s15+$0x0], $0xffff  }
0x1b4: {  	v14 =	vsel vm0, $0x3F800000, v1;
	v16 =	vadd.f32 $-5.000000000e-01, v10;
	v6 =	vmul.f32 v6, v10  }
0x1b5: {  	s1 =	simm.s32 $0x4;
	vm0 =	vlt.f32 v10, $1.000000000e+00;
	v9 =	vadd.f32 v14, v9;
	v14 =	vsub.f32 v19, v17  }
0x1b6: {  	v8 =	vadd.f32 v12, v8;
	v10 =	vsel vm0, v6, v16;
	v6 =	vor.u32 s1, v5  }
0x1b7: {  	v12 =	vmov s25;
	v13 =	vsub.f32 v21, v13;
	v14 =	vand.u32 $0x7FFFFFFF, v14  }
0x1b8: {  	vm0 =	vgt.s32 v7, $0x0;
	v7 =	vshll.u32 v12, $0x7;
	v12 =	vadd.s32 v2, v15  }
0x1b9: {  	v16 =	vmul.f32 $5.000000000e-01, v14;
	v7 =	vor.u32 v4, v7;
	v15 =	vand.u32 $0xFFFFFF80, v12  }
0x1ba: {  	v10 =	vnsel vm0, $0x0, v10;
	v12 =	vand.u32 $0x7F, v12;
	v7 =	vadd.s32 v7, v15  }
0x1bb: {  	s26 =	simm.s32 $0x8;
	v13 =	vand.u32 $0x7FFFFFFF, v13;
	v8 =	vadd.f32 v10, v8;
	v17 =	vld.idx.msk [tilespmem:v6+s15+$0x0], $0xffff;
	v12 =	vor.u32 v12, v7  }
0x1bc: {  	v10 =	vmul.f32 $5.000000000e-01, v13;
	v15 =	vsel vm0, $0x3F800000, v1;
	v7 =	vor.u32 s26, v5  }
0x1bd: {  	v9 =	vadd.f32 v15, v9;
	v15 =	vmul.f32 v16, v14;
	v16 =	vadd.f32 $-5.000000000e-01, v14  }
0x1be: {  	s25 =	sand.u32 $0x1F0, s25;
	v10 =	vmul.f32 v10, v13;
	vm0 =	vlt.f32 v14, $1.000000000e+00;
	v14 =	vadd.f32 $-5.000000000e-01, v13  }
0x1bf: {  	v15 =	vsel vm0, v15, v16;
	vm0 =	vlt.f32 v13, $1.000000000e+00;
	v13 =	vmov s1;
	v16 =	vld [tilespmem:s25+$0xA00]  }
0x1c0: {  	v10 =	vsel vm0, v10, v14;
	v13 =	vshll.u32 v13, $0x7;
	v14 =	vadd.s32 v2, v17;
	v12 =	vld.idx.msk [tilespmem:v12+s13+$0x0], $0xffff  }
0x1c1: {  	vm0 =	vgt.s32 v11, $0x0;
	v11 =	vand.u32 $0xFFFFFF80, v14;
	v13 =	vor.u32 v4, v13  }
0x1c2: {  	v14 =	vand.u32 $0x7F, v14;
	v17 =	vld.idx.msk [tilespmem:v7+s15+$0x0], $0xffff;
	v11 =	vadd.s32 v13, v11;
	v13 =	vnsel vm0, $0x0, v15  }
0x1c3: {  	v15 =	vsel vm0, $0x3F800000, v1;
	vm0 =	vgt.s32 v18, $0x0;
	v14 =	vor.u32 v14, v11  }
0x1c4: {  	s28 =	simm.s32 $0xC;
	v8 =	vadd.f32 v13, v8;
	v13 =	vnsel vm0, $0x0, v10;
	v10 =	vmov s26;
	s26 =	simm.s32 $0x10  }
0x1c5: {  	v11 =	vor.u32 s28, v5;
	s1 =	sand.u32 $0x1F0, s26;
	v12 =	vsub.f32 v16, v12  }
0x1c6: {  	v9 =	vadd.f32 v15, v9;
	v15 =	vsel vm0, $0x3F800000, v1;
	v8 =	vadd.f32 v13, v8;
	v13 =	vld [tilespmem:s1+$0xA00]  }
0x1c7: {  	v16 =	vshll.u32 v10, $0x7;
	v17 =	vadd.s32 v2, v17;
	v10 =	vld.idx.msk [tilespmem:v22+s2+$0x0], $0xffff;
	v18 =	vand.u32 $0x7FFFFFFF, v12  }
0x1c8: {  	v19 =	vand.u32 $0xFFFFFF80, v17;
	v16 =	vor.u32 v4, v16;
	v12 =	vld.idx.msk [tilespmem:v14+s13+$0x0], $0xffff;
	v20 =	vmul.f32 $5.000000000e-01, v18  }
0x1c9: {  	v9 =	vadd.f32 v15, v9;
	v14 =	vand.u32 $0x7F, v17;
	v16 =	vadd.s32 v16, v19  }
0x1ca: {  	s29 =	simm.s32 $0x20;
	s31 =	simm.s32 $0x50;
	v17 =	vld.idx.msk [tilespmem:v11+s15+$0x0], $0xffff;
	v14 =	vor.u32 v14, v16;
	v16 =	vadd.f32 $-5.000000000e-01, v18;
	v15 =	vmul.f32 v20, v18  }
0x1cb: {  	s30 =	simm.s32 $0x10;
	s25 =	simm.s32 $0x40;
	s26 =	simm.s32 $0x30;
	vm0 =	vlt.f32 v18, $1.000000000e+00  }
.LBB2_8:
0x1cc: {  	p0 =	sne.s32 s31, $0x1F0;
	v18 =	vor.u32 s30, v5;
	v15 =	vsel vm0, v15, v16;
	vm0 =	vgt.s32 v10, $0x0  }
0x1cd: {  	v13 =	vsub.f32 v13, v12;
	v12 =	vnsel vm0, $0x0, v15;
	v15 =	vsel vm0, $0x3F800000, v1  }
0x1ce: {  	v16 =	vmov s28;
	s28 =	smov.u32 s30;
	v10 =	vld.idx.msk [tilespmem:v6+s2+$0x0], $0xffff;
	v8 =	vadd.f32 v12, v8;
	v9 =	vadd.f32 v15, v9;
	v6 =	vmovc v7;
	v7 =	vmovc v11  }
.Ltmp3:
0x1cf: {  	s1 =	sand.u32 $0x1F0, s29;
	s29 =	smov.u32 s26;
	v15 =	vshll.u32 v16, $0x7;
	v16 =	vadd.s32 v2, v17;
	v11 =	vmovc v18;
	v12 =	vld.idx.msk [tilespmem:v14+s13+$0x0], $0xffff;
	v19 =	vand.u32 $0x7FFFFFFF, v13;
	(pc) =	sbr.rel @p0 .LBB2_8-.Ltmp3, $4  }
0x1d0: {  	s26 =	smov.u32 s25;
	s25 =	smov.u32 s31;
	v14 =	vand.u32 $0xFFFFFF80, v16;
	v15 =	vor.u32 v4, v15;
	v13 =	vld [tilespmem:s1+$0xA00];
	v20 =	vmul.f32 $5.000000000e-01, v19  }
0x1d1: {  	v16 =	vand.u32 $0x7F, v16;
	v14 =	vadd.s32 v15, v14;
	v17 =	vld.idx.msk [tilespmem:v18+s15+$0x0], $0xffff  }
0x1d2: {  	v14 =	vor.u32 v16, v14;
	v16 =	vadd.f32 $-5.000000000e-01, v19;
	v15 =	vmul.f32 v20, v19  }
0x1d3: {  	s31 =	sadd.s32 $0x10, s31;
	s30 =	sadd.s32 $0x4, s30;
	vm0 =	vlt.f32 v19, $1.000000000e+00  }
0x1d4: {  	v18 =	vor.u32 s30, v5;
	_ =	sdelay $0x4  }
0x1d5: {  	v5 =	vld.idx.msk [tilespmem:v18+s15+$0x0], $0xffff  }
0x1d6: {  	v19 =	vmov s28  }
0x1d7: {  	v19 =	vshll.u32 v19, $0x7;
	v17 =	vadd.s32 v2, v17  }
0x1d8: {  	v19 =	vor.u32 v4, v19;
	v20 =	vand.u32 $0xFFFFFF80, v17  }
0x1d9: {  	v17 =	vand.u32 $0x7F, v17;
	v19 =	vadd.s32 v19, v20;
	v20 =	vmov s30  }
0x1da: {  	v17 =	vor.u32 v17, v19;
	v19 =	vshll.u32 v20, $0x7;
	v5 =	vadd.s32 v2, v5  }
0x1db: {  	v6 =	vld.idx.msk [tilespmem:v6+s2+$0x0], $0xffff;
	v19 =	vor.u32 v4, v19;
	v20 =	vand.u32 $0xFFFFFF80, v5  }
0x1dc: {  	v14 =	vld.idx.msk [tilespmem:v14+s13+$0x0], $0xffff;
	v5 =	vand.u32 $0x7F, v5;
	v19 =	vadd.s32 v19, v20  }
0x1dd: {  	v7 =	vld.idx.msk [tilespmem:v7+s2+$0x0], $0xffff;
	v5 =	vor.u32 v5, v19  }
0x1de: {  	s1 =	sand.u32 $0x1F0, s29;
	v11 =	vld.idx.msk [tilespmem:v11+s2+$0x0], $0xffff  }
0x1df: {  	v20 =	vld [tilespmem:s1+$0xA00]  }
0x1e0: {  	s26 =	sand.u32 $0x1F0, s26;
	v12 =	vsub.f32 v13, v12;
	v18 =	vld.idx.msk [tilespmem:v18+s2+$0x0], $0xffff  }
0x1e1: {  	v19 =	vld [tilespmem:s26+$0xA00]  }
0x1e2: {  	v12 =	vand.u32 $0x7FFFFFFF, v12;
	s26 =	sand.u32 $0x1F0, s25;
	s25 =	simm.s32 $0x0;
	v13 =	vld.idx.msk [tilespmem:v5+s13+$0x0], $0xffff;
	v5 =	vor.u32 $0x200, v3  }
0x1e3: {  	v23 =	vmul.f32 $5.000000000e-01, v12;
	v17 =	vld.idx.msk [tilespmem:v17+s13+$0x0], $0xffff;
	v22 =	vor.u32 s25, v5  }
0x1e4: {  	v15 =	vsel vm0, v15, v16;
	vm0 =	vgt.s32 v10, $0x0;
	v21 =	vld [tilespmem:s26+$0xA00];
	v10 =	vsub.f32 v20, v14;
	[tilespmem:s13], [sflag:$0x2] =	stream.indirect.gather [hbm4b:s3+s9], $0x80, s20, s9, $0xb8  }
0x1e5: {  	v16 =	vadd.f32 $-5.000000000e-01, v12;
	v14 =	vnsel vm0, $0x0, v15;
	v15 =	vmul.f32 v23, v12;
	_ =	swait.ge [sflag:s14], $0x4000  }
0x1e6: {  	v20 =	vsel vm0, $0x3F800000, v1;
	vm0 =	vlt.f32 v12, $1.000000000e+00;
	v10 =	vand.u32 $0x7FFFFFFF, v10;
	[sflag:s14] =	ssyncset.done $0x0  }
0x1e7: {  	v12 =	vsel vm0, v15, v16;
	vm0 =	vgt.s32 v6, $0x0;
	v6 =	vmul.f32 $5.000000000e-01, v10;
	[sflag:s14] =	ssyncadd.s32 $0xFFFFC000  }
0x1e8: {  	v8 =	vadd.f32 v14, v8;
	v9 =	vadd.f32 v20, v9;
	v12 =	vnsel vm0, $0x0, v12;
	v15 =	vld.idx.msk [tilespmem:v22+s15+$0x0], $0xffff  }
0x1e9: {  	v14 =	vsel vm0, $0x3F800000, v1;
	v16 =	vadd.f32 $-5.000000000e-01, v10;
	v6 =	vmul.f32 v6, v10  }
0x1ea: {  	s1 =	simm.s32 $0x4;
	vm0 =	vlt.f32 v10, $1.000000000e+00;
	v9 =	vadd.f32 v14, v9;
	v14 =	vsub.f32 v19, v17  }
0x1eb: {  	v8 =	vadd.f32 v12, v8;
	v10 =	vsel vm0, v6, v16;
	v6 =	vor.u32 s1, v5  }
0x1ec: {  	v12 =	vmov s25;
	v13 =	vsub.f32 v21, v13;
	v14 =	vand.u32 $0x7FFFFFFF, v14  }
0x1ed: {  	vm0 =	vgt.s32 v7, $0x0;
	v7 =	vshll.u32 v12, $0x7;
	v12 =	vadd.s32 v2, v15  }
0x1ee: {  	v16 =	vmul.f32 $5.000000000e-01, v14;
	v7 =	vor.u32 v4, v7;
	v15 =	vand.u32 $0xFFFFFF80, v12  }
0x1ef: {  	v10 =	vnsel vm0, $0x0, v10;
	v12 =	vand.u32 $0x7F, v12;
	v7 =	vadd.s32 v7, v15  }
0x1f0: {  	s26 =	simm.s32 $0x8;
	v13 =	vand.u32 $0x7FFFFFFF, v13;
	v8 =	vadd.f32 v10, v8;
	v17 =	vld.idx.msk [tilespmem:v6+s15+$0x0], $0xffff;
	v12 =	vor.u32 v12, v7  }
0x1f1: {  	v10 =	vmul.f32 $5.000000000e-01, v13;
	v15 =	vsel vm0, $0x3F800000, v1;
	v7 =	vor.u32 s26, v5  }
0x1f2: {  	v9 =	vadd.f32 v15, v9;
	v15 =	vmul.f32 v16, v14;
	v16 =	vadd.f32 $-5.000000000e-01, v14  }
0x1f3: {  	s25 =	sand.u32 $0x1F0, s25;
	v10 =	vmul.f32 v10, v13;
	vm0 =	vlt.f32 v14, $1.000000000e+00;
	v14 =	vadd.f32 $-5.000000000e-01, v13  }
0x1f4: {  	v15 =	vsel vm0, v15, v16;
	vm0 =	vlt.f32 v13, $1.000000000e+00;
	v13 =	vmov s1;
	v16 =	vld [tilespmem:s25+$0xC00]  }
0x1f5: {  	v10 =	vsel vm0, v10, v14;
	v13 =	vshll.u32 v13, $0x7;
	v14 =	vadd.s32 v2, v17;
	v12 =	vld.idx.msk [tilespmem:v12+s11+$0x0], $0xffff  }
0x1f6: {  	vm0 =	vgt.s32 v11, $0x0;
	v11 =	vand.u32 $0xFFFFFF80, v14;
	v13 =	vor.u32 v4, v13  }
0x1f7: {  	v14 =	vand.u32 $0x7F, v14;
	v17 =	vld.idx.msk [tilespmem:v7+s15+$0x0], $0xffff;
	v11 =	vadd.s32 v13, v11;
	v13 =	vnsel vm0, $0x0, v15  }
0x1f8: {  	v15 =	vsel vm0, $0x3F800000, v1;
	vm0 =	vgt.s32 v18, $0x0;
	v14 =	vor.u32 v14, v11  }
0x1f9: {  	s28 =	simm.s32 $0xC;
	v8 =	vadd.f32 v13, v8;
	v13 =	vnsel vm0, $0x0, v10;
	v10 =	vmov s26;
	s26 =	simm.s32 $0x10  }
0x1fa: {  	v11 =	vor.u32 s28, v5;
	s1 =	sand.u32 $0x1F0, s26;
	v12 =	vsub.f32 v16, v12  }
0x1fb: {  	v9 =	vadd.f32 v15, v9;
	v15 =	vsel vm0, $0x3F800000, v1;
	v8 =	vadd.f32 v13, v8;
	v13 =	vld [tilespmem:s1+$0xC00]  }
0x1fc: {  	v16 =	vshll.u32 v10, $0x7;
	v17 =	vadd.s32 v2, v17;
	v10 =	vld.idx.msk [tilespmem:v22+s2+$0x0], $0xffff;
	v18 =	vand.u32 $0x7FFFFFFF, v12  }
0x1fd: {  	v19 =	vand.u32 $0xFFFFFF80, v17;
	v16 =	vor.u32 v4, v16;
	v12 =	vld.idx.msk [tilespmem:v14+s11+$0x0], $0xffff;
	v20 =	vmul.f32 $5.000000000e-01, v18  }
0x1fe: {  	v9 =	vadd.f32 v15, v9;
	v14 =	vand.u32 $0x7F, v17;
	v16 =	vadd.s32 v16, v19  }
0x1ff: {  	s29 =	simm.s32 $0x20;
	s31 =	simm.s32 $0x50;
	v17 =	vld.idx.msk [tilespmem:v11+s15+$0x0], $0xffff;
	v14 =	vor.u32 v14, v16;
	v16 =	vadd.f32 $-5.000000000e-01, v18;
	v15 =	vmul.f32 v20, v18  }
0x200: {  	s30 =	simm.s32 $0x10;
	s25 =	simm.s32 $0x40;
	s26 =	simm.s32 $0x30;
	vm0 =	vlt.f32 v18, $1.000000000e+00  }
.LBB2_10:
0x201: {  	p0 =	sne.s32 s31, $0x1F0;
	v18 =	vor.u32 s30, v5;
	v15 =	vsel vm0, v15, v16;
	vm0 =	vgt.s32 v10, $0x0  }
0x202: {  	v13 =	vsub.f32 v13, v12;
	v12 =	vnsel vm0, $0x0, v15;
	v15 =	vsel vm0, $0x3F800000, v1  }
0x203: {  	v16 =	vmov s28;
	s28 =	smov.u32 s30;
	v10 =	vld.idx.msk [tilespmem:v6+s2+$0x0], $0xffff;
	v8 =	vadd.f32 v12, v8;
	v9 =	vadd.f32 v15, v9;
	v6 =	vmovc v7;
	v7 =	vmovc v11  }
.Ltmp4:
0x204: {  	s1 =	sand.u32 $0x1F0, s29;
	s29 =	smov.u32 s26;
	v15 =	vshll.u32 v16, $0x7;
	v16 =	vadd.s32 v2, v17;
	v11 =	vmovc v18;
	v12 =	vld.idx.msk [tilespmem:v14+s11+$0x0], $0xffff;
	v19 =	vand.u32 $0x7FFFFFFF, v13;
	(pc) =	sbr.rel @p0 .LBB2_10-.Ltmp4, $4  }
0x205: {  	s26 =	smov.u32 s25;
	s25 =	smov.u32 s31;
	v14 =	vand.u32 $0xFFFFFF80, v16;
	v15 =	vor.u32 v4, v15;
	v13 =	vld [tilespmem:s1+$0xC00];
	v20 =	vmul.f32 $5.000000000e-01, v19  }
0x206: {  	v16 =	vand.u32 $0x7F, v16;
	v14 =	vadd.s32 v15, v14;
	v17 =	vld.idx.msk [tilespmem:v18+s15+$0x0], $0xffff  }
0x207: {  	v14 =	vor.u32 v16, v14;
	v16 =	vadd.f32 $-5.000000000e-01, v19;
	v15 =	vmul.f32 v20, v19  }
0x208: {  	s31 =	sadd.s32 $0x10, s31;
	s30 =	sadd.s32 $0x4, s30;
	vm0 =	vlt.f32 v19, $1.000000000e+00  }
0x209: {  	v18 =	vor.u32 s30, v5;
	_ =	sdelay $0x4  }
0x20a: {  	v5 =	vld.idx.msk [tilespmem:v18+s15+$0x0], $0xffff  }
0x20b: {  	v19 =	vmov s28  }
0x20c: {  	v19 =	vshll.u32 v19, $0x7;
	v17 =	vadd.s32 v2, v17  }
0x20d: {  	v19 =	vor.u32 v4, v19;
	v20 =	vand.u32 $0xFFFFFF80, v17  }
0x20e: {  	v17 =	vand.u32 $0x7F, v17;
	v19 =	vadd.s32 v19, v20;
	v20 =	vmov s30  }
0x20f: {  	v17 =	vor.u32 v17, v19;
	v19 =	vshll.u32 v20, $0x7;
	v5 =	vadd.s32 v2, v5  }
0x210: {  	v6 =	vld.idx.msk [tilespmem:v6+s2+$0x0], $0xffff;
	v19 =	vor.u32 v4, v19;
	v20 =	vand.u32 $0xFFFFFF80, v5  }
0x211: {  	v14 =	vld.idx.msk [tilespmem:v14+s11+$0x0], $0xffff;
	v5 =	vand.u32 $0x7F, v5;
	v19 =	vadd.s32 v19, v20  }
0x212: {  	v7 =	vld.idx.msk [tilespmem:v7+s2+$0x0], $0xffff;
	v5 =	vor.u32 v5, v19  }
0x213: {  	s1 =	sand.u32 $0x1F0, s29;
	v11 =	vld.idx.msk [tilespmem:v11+s2+$0x0], $0xffff  }
0x214: {  	v20 =	vld [tilespmem:s1+$0xC00]  }
0x215: {  	s26 =	sand.u32 $0x1F0, s26;
	v12 =	vsub.f32 v13, v12;
	v18 =	vld.idx.msk [tilespmem:v18+s2+$0x0], $0xffff  }
0x216: {  	v19 =	vld [tilespmem:s26+$0xC00]  }
0x217: {  	v12 =	vand.u32 $0x7FFFFFFF, v12;
	s26 =	sand.u32 $0x1F0, s25;
	s25 =	simm.s32 $0x0;
	v13 =	vld.idx.msk [tilespmem:v5+s11+$0x0], $0xffff;
	v5 =	vor.u32 $0x280, v3  }
0x218: {  	v23 =	vmul.f32 $5.000000000e-01, v12;
	v17 =	vld.idx.msk [tilespmem:v17+s11+$0x0], $0xffff;
	v22 =	vor.u32 s25, v5  }
0x219: {  	v15 =	vsel vm0, v15, v16;
	vm0 =	vgt.s32 v10, $0x0;
	v21 =	vld [tilespmem:s26+$0xC00];
	v10 =	vsub.f32 v20, v14;
	[tilespmem:s11], [sflag:$0x1] =	stream.indirect.gather [hbm4b:s3+s9], $0x80, s21, s9, $0xb8  }
0x21a: {  	v16 =	vadd.f32 $-5.000000000e-01, v12;
	v14 =	vnsel vm0, $0x0, v15;
	v15 =	vmul.f32 v23, v12;
	_ =	swait.ge [sflag:s17], $0x4000  }
0x21b: {  	v20 =	vsel vm0, $0x3F800000, v1;
	vm0 =	vlt.f32 v12, $1.000000000e+00;
	v10 =	vand.u32 $0x7FFFFFFF, v10;
	[sflag:s17] =	ssyncset.done $0x0  }
0x21c: {  	v12 =	vsel vm0, v15, v16;
	vm0 =	vgt.s32 v6, $0x0;
	v6 =	vmul.f32 $5.000000000e-01, v10;
	[sflag:s17] =	ssyncadd.s32 $0xFFFFC000  }
0x21d: {  	v8 =	vadd.f32 v14, v8;
	v9 =	vadd.f32 v20, v9;
	v12 =	vnsel vm0, $0x0, v12;
	v15 =	vld.idx.msk [tilespmem:v22+s15+$0x0], $0xffff  }
0x21e: {  	v14 =	vsel vm0, $0x3F800000, v1;
	v16 =	vadd.f32 $-5.000000000e-01, v10;
	v6 =	vmul.f32 v6, v10  }
0x21f: {  	s1 =	simm.s32 $0x4;
	vm0 =	vlt.f32 v10, $1.000000000e+00;
	v9 =	vadd.f32 v14, v9;
	v14 =	vsub.f32 v19, v17  }
0x220: {  	v8 =	vadd.f32 v12, v8;
	v10 =	vsel vm0, v6, v16;
	v6 =	vor.u32 s1, v5  }
0x221: {  	v12 =	vmov s25;
	v13 =	vsub.f32 v21, v13;
	v14 =	vand.u32 $0x7FFFFFFF, v14  }
0x222: {  	vm0 =	vgt.s32 v7, $0x0;
	v7 =	vshll.u32 v12, $0x7;
	v12 =	vadd.s32 v2, v15  }
0x223: {  	v16 =	vmul.f32 $5.000000000e-01, v14;
	v7 =	vor.u32 v4, v7;
	v15 =	vand.u32 $0xFFFFFF80, v12  }
0x224: {  	v10 =	vnsel vm0, $0x0, v10;
	v12 =	vand.u32 $0x7F, v12;
	v7 =	vadd.s32 v7, v15  }
0x225: {  	s26 =	simm.s32 $0x8;
	v13 =	vand.u32 $0x7FFFFFFF, v13;
	v8 =	vadd.f32 v10, v8;
	v17 =	vld.idx.msk [tilespmem:v6+s15+$0x0], $0xffff;
	v12 =	vor.u32 v12, v7  }
0x226: {  	v10 =	vmul.f32 $5.000000000e-01, v13;
	v15 =	vsel vm0, $0x3F800000, v1;
	v7 =	vor.u32 s26, v5  }
0x227: {  	v9 =	vadd.f32 v15, v9;
	v15 =	vmul.f32 v16, v14;
	v16 =	vadd.f32 $-5.000000000e-01, v14  }
0x228: {  	s25 =	sand.u32 $0x1F0, s25;
	v10 =	vmul.f32 v10, v13;
	vm0 =	vlt.f32 v14, $1.000000000e+00;
	v14 =	vadd.f32 $-5.000000000e-01, v13  }
0x229: {  	v15 =	vsel vm0, v15, v16;
	vm0 =	vlt.f32 v13, $1.000000000e+00;
	v13 =	vmov s1;
	v16 =	vld [tilespmem:s25+$0xE00]  }
0x22a: {  	v10 =	vsel vm0, v10, v14;
	v13 =	vshll.u32 v13, $0x7;
	v14 =	vadd.s32 v2, v17;
	v12 =	vld.idx.msk [tilespmem:v12+s13+$0x0], $0xffff  }
0x22b: {  	vm0 =	vgt.s32 v11, $0x0;
	v11 =	vand.u32 $0xFFFFFF80, v14;
	v13 =	vor.u32 v4, v13  }
0x22c: {  	v14 =	vand.u32 $0x7F, v14;
	v17 =	vld.idx.msk [tilespmem:v7+s15+$0x0], $0xffff;
	v11 =	vadd.s32 v13, v11;
	v13 =	vnsel vm0, $0x0, v15  }
0x22d: {  	v15 =	vsel vm0, $0x3F800000, v1;
	vm0 =	vgt.s32 v18, $0x0;
	v14 =	vor.u32 v14, v11  }
0x22e: {  	s28 =	simm.s32 $0xC;
	v8 =	vadd.f32 v13, v8;
	v13 =	vnsel vm0, $0x0, v10;
	v10 =	vmov s26;
	s26 =	simm.s32 $0x10  }
0x22f: {  	v11 =	vor.u32 s28, v5;
	s1 =	sand.u32 $0x1F0, s26;
	v12 =	vsub.f32 v16, v12  }
0x230: {  	v9 =	vadd.f32 v15, v9;
	v15 =	vsel vm0, $0x3F800000, v1;
	v8 =	vadd.f32 v13, v8;
	v13 =	vld [tilespmem:s1+$0xE00]  }
0x231: {  	v16 =	vshll.u32 v10, $0x7;
	v17 =	vadd.s32 v2, v17;
	v10 =	vld.idx.msk [tilespmem:v22+s2+$0x0], $0xffff;
	v18 =	vand.u32 $0x7FFFFFFF, v12  }
0x232: {  	v19 =	vand.u32 $0xFFFFFF80, v17;
	v16 =	vor.u32 v4, v16;
	v12 =	vld.idx.msk [tilespmem:v14+s13+$0x0], $0xffff;
	v20 =	vmul.f32 $5.000000000e-01, v18  }
0x233: {  	v9 =	vadd.f32 v15, v9;
	v14 =	vand.u32 $0x7F, v17;
	v16 =	vadd.s32 v16, v19  }
0x234: {  	s29 =	simm.s32 $0x20;
	s31 =	simm.s32 $0x50;
	v17 =	vld.idx.msk [tilespmem:v11+s15+$0x0], $0xffff;
	v14 =	vor.u32 v14, v16;
	v16 =	vadd.f32 $-5.000000000e-01, v18;
	v15 =	vmul.f32 v20, v18  }
0x235: {  	s30 =	simm.s32 $0x10;
	s25 =	simm.s32 $0x40;
	s26 =	simm.s32 $0x30;
	vm0 =	vlt.f32 v18, $1.000000000e+00  }
.LBB2_12:
0x236: {  	p0 =	sne.s32 s31, $0x1F0;
	v18 =	vor.u32 s30, v5;
	v15 =	vsel vm0, v15, v16;
	vm0 =	vgt.s32 v10, $0x0  }
0x237: {  	v13 =	vsub.f32 v13, v12;
	v12 =	vnsel vm0, $0x0, v15;
	v15 =	vsel vm0, $0x3F800000, v1  }
0x238: {  	v16 =	vmov s28;
	s28 =	smov.u32 s30;
	v10 =	vld.idx.msk [tilespmem:v6+s2+$0x0], $0xffff;
	v8 =	vadd.f32 v12, v8;
	v9 =	vadd.f32 v15, v9;
	v6 =	vmovc v7;
	v7 =	vmovc v11  }
.Ltmp5:
0x239: {  	s1 =	sand.u32 $0x1F0, s29;
	s29 =	smov.u32 s26;
	v15 =	vshll.u32 v16, $0x7;
	v16 =	vadd.s32 v2, v17;
	v11 =	vmovc v18;
	v12 =	vld.idx.msk [tilespmem:v14+s13+$0x0], $0xffff;
	v19 =	vand.u32 $0x7FFFFFFF, v13;
	(pc) =	sbr.rel @p0 .LBB2_12-.Ltmp5, $4  }
0x23a: {  	s26 =	smov.u32 s25;
	s25 =	smov.u32 s31;
	v14 =	vand.u32 $0xFFFFFF80, v16;
	v15 =	vor.u32 v4, v15;
	v13 =	vld [tilespmem:s1+$0xE00];
	v20 =	vmul.f32 $5.000000000e-01, v19  }
0x23b: {  	v16 =	vand.u32 $0x7F, v16;
	v14 =	vadd.s32 v15, v14;
	v17 =	vld.idx.msk [tilespmem:v18+s15+$0x0], $0xffff  }
0x23c: {  	v14 =	vor.u32 v16, v14;
	v16 =	vadd.f32 $-5.000000000e-01, v19;
	v15 =	vmul.f32 v20, v19  }
0x23d: {  	s31 =	sadd.s32 $0x10, s31;
	s30 =	sadd.s32 $0x4, s30;
	vm0 =	vlt.f32 v19, $1.000000000e+00  }
0x23e: {  	v18 =	vor.u32 s30, v5;
	_ =	sdelay $0x4  }
0x23f: {  	v5 =	vld.idx.msk [tilespmem:v18+s15+$0x0], $0xffff  }
0x240: {  	v19 =	vmov s28  }
0x241: {  	v19 =	vshll.u32 v19, $0x7;
	v17 =	vadd.s32 v2, v17  }
0x242: {  	v19 =	vor.u32 v4, v19;
	v20 =	vand.u32 $0xFFFFFF80, v17  }
0x243: {  	v17 =	vand.u32 $0x7F, v17;
	v19 =	vadd.s32 v19, v20;
	v20 =	vmov s30  }
0x244: {  	v17 =	vor.u32 v17, v19;
	v19 =	vshll.u32 v20, $0x7;
	v5 =	vadd.s32 v2, v5  }
0x245: {  	v6 =	vld.idx.msk [tilespmem:v6+s2+$0x0], $0xffff;
	v19 =	vor.u32 v4, v19;
	v20 =	vand.u32 $0xFFFFFF80, v5  }
0x246: {  	v14 =	vld.idx.msk [tilespmem:v14+s13+$0x0], $0xffff;
	v5 =	vand.u32 $0x7F, v5;
	v19 =	vadd.s32 v19, v20  }
0x247: {  	v7 =	vld.idx.msk [tilespmem:v7+s2+$0x0], $0xffff;
	v5 =	vor.u32 v5, v19  }
0x248: {  	s1 =	sand.u32 $0x1F0, s29;
	v11 =	vld.idx.msk [tilespmem:v11+s2+$0x0], $0xffff  }
0x249: {  	v20 =	vld [tilespmem:s1+$0xE00]  }
0x24a: {  	s26 =	sand.u32 $0x1F0, s26;
	v12 =	vsub.f32 v13, v12;
	v18 =	vld.idx.msk [tilespmem:v18+s2+$0x0], $0xffff  }
0x24b: {  	v19 =	vld [tilespmem:s26+$0xE00]  }
0x24c: {  	v12 =	vand.u32 $0x7FFFFFFF, v12;
	s26 =	sand.u32 $0x1F0, s25;
	s25 =	simm.s32 $0x0;
	v13 =	vld.idx.msk [tilespmem:v5+s13+$0x0], $0xffff;
	v5 =	vor.u32 $0x300, v3  }
0x24d: {  	v23 =	vmul.f32 $5.000000000e-01, v12;
	v17 =	vld.idx.msk [tilespmem:v17+s13+$0x0], $0xffff;
	v22 =	vor.u32 s25, v5  }
0x24e: {  	v15 =	vsel vm0, v15, v16;
	vm0 =	vgt.s32 v10, $0x0;
	v21 =	vld [tilespmem:s26+$0xE00];
	v10 =	vsub.f32 v20, v14;
	[tilespmem:s13], [sflag:$0x2] =	stream.indirect.gather [hbm4b:s3+s9], $0x80, s22, s9, $0xb8  }
0x24f: {  	v16 =	vadd.f32 $-5.000000000e-01, v12;
	v14 =	vnsel vm0, $0x0, v15;
	v15 =	vmul.f32 v23, v12;
	_ =	swait.ge [sflag:s14], $0x4000  }
0x250: {  	v20 =	vsel vm0, $0x3F800000, v1;
	vm0 =	vlt.f32 v12, $1.000000000e+00;
	v10 =	vand.u32 $0x7FFFFFFF, v10;
	[sflag:s14] =	ssyncset.done $0x0  }
0x251: {  	v12 =	vsel vm0, v15, v16;
	vm0 =	vgt.s32 v6, $0x0;
	v6 =	vmul.f32 $5.000000000e-01, v10;
	[sflag:s14] =	ssyncadd.s32 $0xFFFFC000  }
0x252: {  	v8 =	vadd.f32 v14, v8;
	v9 =	vadd.f32 v20, v9;
	v12 =	vnsel vm0, $0x0, v12;
	v15 =	vld.idx.msk [tilespmem:v22+s15+$0x0], $0xffff  }
0x253: {  	v14 =	vsel vm0, $0x3F800000, v1;
	v16 =	vadd.f32 $-5.000000000e-01, v10;
	v6 =	vmul.f32 v6, v10  }
0x254: {  	s1 =	simm.s32 $0x4;
	vm0 =	vlt.f32 v10, $1.000000000e+00;
	v9 =	vadd.f32 v14, v9;
	v14 =	vsub.f32 v19, v17  }
0x255: {  	v8 =	vadd.f32 v12, v8;
	v10 =	vsel vm0, v6, v16;
	v6 =	vor.u32 s1, v5  }
0x256: {  	v12 =	vmov s25;
	v13 =	vsub.f32 v21, v13;
	v14 =	vand.u32 $0x7FFFFFFF, v14  }
0x257: {  	vm0 =	vgt.s32 v7, $0x0;
	v7 =	vshll.u32 v12, $0x7;
	v12 =	vadd.s32 v2, v15  }
0x258: {  	v16 =	vmul.f32 $5.000000000e-01, v14;
	v7 =	vor.u32 v4, v7;
	v15 =	vand.u32 $0xFFFFFF80, v12  }
0x259: {  	v10 =	vnsel vm0, $0x0, v10;
	v12 =	vand.u32 $0x7F, v12;
	v7 =	vadd.s32 v7, v15  }
0x25a: {  	s26 =	simm.s32 $0x8;
	v13 =	vand.u32 $0x7FFFFFFF, v13;
	v8 =	vadd.f32 v10, v8;
	v17 =	vld.idx.msk [tilespmem:v6+s15+$0x0], $0xffff;
	v12 =	vor.u32 v12, v7  }
0x25b: {  	v10 =	vmul.f32 $5.000000000e-01, v13;
	v15 =	vsel vm0, $0x3F800000, v1;
	v7 =	vor.u32 s26, v5  }
0x25c: {  	v9 =	vadd.f32 v15, v9;
	v15 =	vmul.f32 v16, v14;
	v16 =	vadd.f32 $-5.000000000e-01, v14  }
0x25d: {  	s25 =	sand.u32 $0x1F0, s25;
	v10 =	vmul.f32 v10, v13;
	vm0 =	vlt.f32 v14, $1.000000000e+00;
	v14 =	vadd.f32 $-5.000000000e-01, v13  }
0x25e: {  	v15 =	vsel vm0, v15, v16;
	vm0 =	vlt.f32 v13, $1.000000000e+00;
	v13 =	vmov s1;
	v16 =	vld [tilespmem:s25+$0x1000]  }
0x25f: {  	v10 =	vsel vm0, v10, v14;
	v13 =	vshll.u32 v13, $0x7;
	v14 =	vadd.s32 v2, v17;
	v12 =	vld.idx.msk [tilespmem:v12+s11+$0x0], $0xffff  }
0x260: {  	vm0 =	vgt.s32 v11, $0x0;
	v11 =	vand.u32 $0xFFFFFF80, v14;
	v13 =	vor.u32 v4, v13  }
0x261: {  	v14 =	vand.u32 $0x7F, v14;
	v17 =	vld.idx.msk [tilespmem:v7+s15+$0x0], $0xffff;
	v11 =	vadd.s32 v13, v11;
	v13 =	vnsel vm0, $0x0, v15  }
0x262: {  	v15 =	vsel vm0, $0x3F800000, v1;
	vm0 =	vgt.s32 v18, $0x0;
	v14 =	vor.u32 v14, v11  }
0x263: {  	s28 =	simm.s32 $0xC;
	v8 =	vadd.f32 v13, v8;
	v13 =	vnsel vm0, $0x0, v10;
	v10 =	vmov s26;
	s26 =	simm.s32 $0x10  }
0x264: {  	v11 =	vor.u32 s28, v5;
	s1 =	sand.u32 $0x1F0, s26;
	v12 =	vsub.f32 v16, v12  }
0x265: {  	v9 =	vadd.f32 v15, v9;
	v15 =	vsel vm0, $0x3F800000, v1;
	v8 =	vadd.f32 v13, v8;
	v13 =	vld [tilespmem:s1+$0x1000]  }
0x266: {  	v16 =	vshll.u32 v10, $0x7;
	v17 =	vadd.s32 v2, v17;
	v10 =	vld.idx.msk [tilespmem:v22+s2+$0x0], $0xffff;
	v18 =	vand.u32 $0x7FFFFFFF, v12  }
0x267: {  	v19 =	vand.u32 $0xFFFFFF80, v17;
	v16 =	vor.u32 v4, v16;
	v12 =	vld.idx.msk [tilespmem:v14+s11+$0x0], $0xffff;
	v20 =	vmul.f32 $5.000000000e-01, v18  }
0x268: {  	v9 =	vadd.f32 v15, v9;
	v14 =	vand.u32 $0x7F, v17;
	v16 =	vadd.s32 v16, v19  }
0x269: {  	s29 =	simm.s32 $0x20;
	s31 =	simm.s32 $0x50;
	v17 =	vld.idx.msk [tilespmem:v11+s15+$0x0], $0xffff;
	v14 =	vor.u32 v14, v16;
	v16 =	vadd.f32 $-5.000000000e-01, v18;
	v15 =	vmul.f32 v20, v18  }
0x26a: {  	s30 =	simm.s32 $0x10;
	s25 =	simm.s32 $0x40;
	s26 =	simm.s32 $0x30;
	vm0 =	vlt.f32 v18, $1.000000000e+00  }
.LBB2_14:
0x26b: {  	p0 =	sne.s32 s31, $0x1F0;
	v18 =	vor.u32 s30, v5;
	v15 =	vsel vm0, v15, v16;
	vm0 =	vgt.s32 v10, $0x0  }
0x26c: {  	v13 =	vsub.f32 v13, v12;
	v12 =	vnsel vm0, $0x0, v15;
	v15 =	vsel vm0, $0x3F800000, v1  }
0x26d: {  	v16 =	vmov s28;
	s28 =	smov.u32 s30;
	v10 =	vld.idx.msk [tilespmem:v6+s2+$0x0], $0xffff;
	v8 =	vadd.f32 v12, v8;
	v9 =	vadd.f32 v15, v9;
	v6 =	vmovc v7;
	v7 =	vmovc v11  }
.Ltmp6:
0x26e: {  	s1 =	sand.u32 $0x1F0, s29;
	s29 =	smov.u32 s26;
	v15 =	vshll.u32 v16, $0x7;
	v16 =	vadd.s32 v2, v17;
	v11 =	vmovc v18;
	v12 =	vld.idx.msk [tilespmem:v14+s11+$0x0], $0xffff;
	v19 =	vand.u32 $0x7FFFFFFF, v13;
	(pc) =	sbr.rel @p0 .LBB2_14-.Ltmp6, $4  }
0x26f: {  	s26 =	smov.u32 s25;
	s25 =	smov.u32 s31;
	v14 =	vand.u32 $0xFFFFFF80, v16;
	v15 =	vor.u32 v4, v15;
	v13 =	vld [tilespmem:s1+$0x1000];
	v20 =	vmul.f32 $5.000000000e-01, v19  }
0x270: {  	v16 =	vand.u32 $0x7F, v16;
	v14 =	vadd.s32 v15, v14;
	v17 =	vld.idx.msk [tilespmem:v18+s15+$0x0], $0xffff  }
0x271: {  	v14 =	vor.u32 v16, v14;
	v16 =	vadd.f32 $-5.000000000e-01, v19;
	v15 =	vmul.f32 v20, v19  }
0x272: {  	s31 =	sadd.s32 $0x10, s31;
	s30 =	sadd.s32 $0x4, s30;
	vm0 =	vlt.f32 v19, $1.000000000e+00  }
0x273: {  	v5 =	vor.u32 s30, v5;
	_ =	sdelay $0x4  }
0x274: {  	v18 =	vld.idx.msk [tilespmem:v5+s15+$0x0], $0xffff  }
0x275: {  	v19 =	vmov s28  }
0x276: {  	v19 =	vshll.u32 v19, $0x7;
	v17 =	vadd.s32 v2, v17  }
0x277: {  	v19 =	vor.u32 v4, v19;
	v20 =	vand.u32 $0xFFFFFF80, v17  }
0x278: {  	v17 =	vand.u32 $0x7F, v17;
	v19 =	vadd.s32 v19, v20;
	v20 =	vmov s30  }
0x279: {  	v6 =	vld.idx.msk [tilespmem:v6+s2+$0x0], $0xffff;
	v17 =	vor.u32 v17, v19;
	v19 =	vshll.u32 v20, $0x7;
	v18 =	vadd.s32 v2, v18  }
0x27a: {  	v14 =	vld.idx.msk [tilespmem:v14+s11+$0x0], $0xffff;
	v19 =	vor.u32 v4, v19;
	v20 =	vand.u32 $0xFFFFFF80, v18  }
0x27b: {  	v7 =	vld.idx.msk [tilespmem:v7+s2+$0x0], $0xffff;
	v18 =	vand.u32 $0x7F, v18;
	v19 =	vadd.s32 v19, v20  }
0x27c: {  	s1 =	sand.u32 $0x1F0, s29;
	v11 =	vld.idx.msk [tilespmem:v11+s2+$0x0], $0xffff;
	v18 =	vor.u32 v18, v19  }
0x27d: {  	v20 =	vld [tilespmem:s1+$0x1000]  }
0x27e: {  	s26 =	sand.u32 $0x1F0, s26;
	v12 =	vsub.f32 v13, v12;
	v23 =	vld.idx.msk [tilespmem:v5+s2+$0x0], $0xffff  }
0x27f: {  	v3 =	vor.u32 $0x380, v3;
	v19 =	vld [tilespmem:s26+$0x1000];
	s26 =	sand.u32 $0x1F0, s25;
	s25 =	simm.s32 $0x0  }
0x280: {  	v12 =	vand.u32 $0x7FFFFFFF, v12;
	v17 =	vld.idx.msk [tilespmem:v17+s11+$0x0], $0xffff;
	v21 =	vor.u32 s25, v3  }
0x281: {  	v22 =	vmul.f32 $5.000000000e-01, v12;
	v13 =	vld.idx.msk [tilespmem:v18+s11+$0x0], $0xffff  }
0x282: {  	v5 =	vsel vm0, v15, v16;
	vm0 =	vgt.s32 v10, $0x0;
	v10 =	vsub.f32 v20, v14;
	v18 =	vld [tilespmem:s26+$0x1000];
	_ =	swait.ge [sflag:s17], $0x4000  }
0x283: {  	v15 =	vadd.f32 $-5.000000000e-01, v12;
	v5 =	vnsel vm0, $0x0, v5;
	v14 =	vmul.f32 v22, v12;
	[sflag:s17] =	ssyncset.done $0x0  }
0x284: {  	v16 =	vsel vm0, $0x3F800000, v1;
	vm0 =	vlt.f32 v12, $1.000000000e+00;
	v10 =	vand.u32 $0x7FFFFFFF, v10;
	[sflag:s17] =	ssyncadd.s32 $0xFFFFC000  }
0x285: {  	v12 =	vsel vm0, v14, v15;
	vm0 =	vgt.s32 v6, $0x0;
	v6 =	vmul.f32 $5.000000000e-01, v10;
	v14 =	vld.idx.msk [tilespmem:v21+s15+$0x0], $0xffff  }
0x286: {  	v5 =	vadd.f32 v5, v8;
	v8 =	vadd.f32 v16, v9;
	v9 =	vnsel vm0, $0x0, v12  }
0x287: {  	v12 =	vsel vm0, $0x3F800000, v1;
	v15 =	vadd.f32 $-5.000000000e-01, v10;
	v6 =	vmul.f32 v6, v10  }
0x288: {  	s1 =	simm.s32 $0x4;
	vm0 =	vlt.f32 v10, $1.000000000e+00;
	v9 =	vadd.f32 v9, v5;
	v8 =	vadd.f32 v12, v8  }
0x289: {  	v5 =	vor.u32 s1, v3;
	v10 =	vmov s25;
	v6 =	vsel vm0, v6, v15  }
0x28a: {  	vm0 =	vgt.s32 v7, $0x0;
	v7 =	vshll.u32 v10, $0x7;
	v10 =	vadd.s32 v2, v14  }
0x28b: {  	v12 =	vsub.f32 v19, v17;
	v7 =	vor.u32 v4, v7;
	v14 =	vand.u32 $0xFFFFFF80, v10  }
0x28c: {  	v13 =	vsub.f32 v18, v13;
	v10 =	vand.u32 $0x7F, v10;
	v7 =	vadd.s32 v7, v14  }
0x28d: {  	v12 =	vand.u32 $0x7FFFFFFF, v12;
	v6 =	vnsel vm0, $0x0, v6;
	v7 =	vor.u32 v10, v7  }
0x28e: {  	s26 =	simm.s32 $0x8;
	v13 =	vand.u32 $0x7FFFFFFF, v13;
	v15 =	vld.idx.msk [tilespmem:v5+s15+$0x0], $0xffff;
	v9 =	vadd.f32 v6, v9;
	v14 =	vmul.f32 $5.000000000e-01, v12  }
0x28f: {  	v16 =	vmul.f32 $5.000000000e-01, v13;
	v6 =	vor.u32 s26, v3;
	v10 =	vsel vm0, $0x3F800000, v1  }
0x290: {  	v8 =	vadd.f32 v10, v8;
	v10 =	vmul.f32 v14, v12;
	v14 =	vadd.f32 $-5.000000000e-01, v12  }
0x291: {  	vm0 =	vlt.f32 v12, $1.000000000e+00;
	v12 =	vmul.f32 v16, v13;
	v16 =	vadd.f32 $-5.000000000e-01, v13  }
0x292: {  	s25 =	sand.u32 $0x1F0, s25;
	v10 =	vsel vm0, v10, v14;
	vm0 =	vlt.f32 v13, $1.000000000e+00;
	v13 =	vmov s1;
	v14 =	vld.idx.msk [tilespmem:v7+s13+$0x0], $0xffff  }
0x293: {  	v7 =	vsel vm0, v12, v16;
	v12 =	vshll.u32 v13, $0x7;
	v13 =	vadd.s32 v2, v15;
	v15 =	vld [tilespmem:s25+$0x1200]  }
0x294: {  	vm0 =	vgt.s32 v11, $0x0;
	v11 =	vand.u32 $0xFFFFFF80, v13;
	v12 =	vor.u32 v4, v12  }
0x295: {  	v16 =	vld.idx.msk [tilespmem:v6+s15+$0x0], $0xffff;
	v10 =	vnsel vm0, $0x0, v10;
	v11 =	vadd.s32 v12, v11;
	v12 =	vand.u32 $0x7F, v13  }
0x296: {  	v13 =	vsel vm0, $0x3F800000, v1;
	vm0 =	vgt.s32 v23, $0x0;
	v11 =	vor.u32 v12, v11  }
0x297: {  	s28 =	simm.s32 $0xC;
	v9 =	vadd.f32 v10, v9;
	v10 =	vmov s26;
	s26 =	simm.s32 $0x10;
	v8 =	vadd.f32 v13, v8  }
0x298: {  	v12 =	vnsel vm0, $0x0, v7;
	v7 =	vor.u32 s28, v3;
	s1 =	sand.u32 $0x1F0, s26;
	v13 =	vsub.f32 v15, v14  }
0x299: {  	v9 =	vadd.f32 v12, v9;
	v12 =	vld [tilespmem:s1+$0x1200];
	v14 =	vsel vm0, $0x3F800000, v1  }
0x29a: {  	v15 =	vshll.u32 v10, $0x7;
	v16 =	vadd.s32 v2, v16;
	v10 =	vld.idx.msk [tilespmem:v21+s2+$0x0], $0xffff;
	v17 =	vand.u32 $0x7FFFFFFF, v13  }
0x29b: {  	v15 =	vor.u32 v4, v15;
	v13 =	vand.u32 $0xFFFFFF80, v16;
	v11 =	vld.idx.msk [tilespmem:v11+s13+$0x0], $0xffff;
	v18 =	vmul.f32 $5.000000000e-01, v17  }
0x29c: {  	v8 =	vadd.f32 v14, v8;
	v16 =	vand.u32 $0x7F, v16;
	v13 =	vadd.s32 v15, v13  }
0x29d: {  	s29 =	simm.s32 $0x20;
	s31 =	simm.s32 $0x50;
	v14 =	vld.idx.msk [tilespmem:v7+s15+$0x0], $0xffff;
	v13 =	vor.u32 v16, v13;
	v16 =	vadd.f32 $-5.000000000e-01, v17;
	v15 =	vmul.f32 v18, v17  }
0x29e: {  	s30 =	simm.s32 $0x10;
	s25 =	simm.s32 $0x40;
	s26 =	simm.s32 $0x30;
	vm0 =	vlt.f32 v17, $1.000000000e+00  }
.LBB2_16:
0x29f: {  	p0 =	sne.s32 s31, $0x1F0;
	v17 =	vor.u32 s30, v3;
	v15 =	vsel vm0, v15, v16;
	vm0 =	vgt.s32 v10, $0x0  }
0x2a0: {  	v12 =	vsub.f32 v12, v11;
	v11 =	vnsel vm0, $0x0, v15;
	v15 =	vsel vm0, $0x3F800000, v1  }
0x2a1: {  	v16 =	vmov s28;
	s28 =	smov.u32 s30;
	v10 =	vld.idx.msk [tilespmem:v5+s2+$0x0], $0xffff;
	v9 =	vadd.f32 v11, v9;
	v8 =	vadd.f32 v15, v8;
	v5 =	vmovc v6;
	v6 =	vmovc v7  }
.Ltmp7:
0x2a2: {  	s1 =	sand.u32 $0x1F0, s29;
	s29 =	smov.u32 s26;
	v15 =	vshll.u32 v16, $0x7;
	v16 =	vadd.s32 v2, v14;
	v7 =	vmovc v17;
	v11 =	vld.idx.msk [tilespmem:v13+s13+$0x0], $0xffff;
	v18 =	vand.u32 $0x7FFFFFFF, v12;
	(pc) =	sbr.rel @p0 .LBB2_16-.Ltmp7, $4  }
0x2a3: {  	s26 =	smov.u32 s25;
	s25 =	smov.u32 s31;
	v13 =	vand.u32 $0xFFFFFF80, v16;
	v15 =	vor.u32 v4, v15;
	v12 =	vld [tilespmem:s1+$0x1200];
	v19 =	vmul.f32 $5.000000000e-01, v18  }
0x2a4: {  	v16 =	vand.u32 $0x7F, v16;
	v13 =	vadd.s32 v15, v13;
	v14 =	vld.idx.msk [tilespmem:v17+s15+$0x0], $0xffff  }
0x2a5: {  	v13 =	vor.u32 v16, v13;
	v16 =	vadd.f32 $-5.000000000e-01, v18;
	v15 =	vmul.f32 v19, v18  }
0x2a6: {  	s31 =	sadd.s32 $0x10, s31;
	s30 =	sadd.s32 $0x4, s30;
	vm0 =	vlt.f32 v18, $1.000000000e+00  }
0x2a7: {  	v3 =	vor.u32 s30, v3;
	_ =	sdelay $0x4  }
0x2a8: {  	v18 =	vmov s28;
	v17 =	vld.idx.msk [tilespmem:v3+s15+$0x0], $0xffff  }
0x2a9: {  	v18 =	vshll.u32 v18, $0x7;
	v14 =	vadd.s32 v2, v14  }
0x2aa: {  	s1 =	sand.u32 $0x1F0, s29;
	v13 =	vld.idx.msk [tilespmem:v13+s13+$0x0], $0xffff;
	v18 =	vor.u32 v4, v18;
	v19 =	vand.u32 $0xFFFFFF80, v14  }
0x2ab: {  	v21 =	vld [tilespmem:s1+$0x1200];
	v14 =	vand.u32 $0x7F, v14;
	v18 =	vadd.s32 v18, v19  }
0x2ac: {  	v22 =	vmov s30;
	v14 =	vor.u32 v14, v18  }
0x2ad: {  	v23 =	vshll.u32 v22, $0x7;
	v2 =	vadd.s32 v2, v17  }
0x2ae: {  	v22 =	vor.u32 v4, v23;
	v23 =	vand.u32 $0xFFFFFF80, v2  }
0x2af: {  	s30 =	sand.u32 $0x1F0, s26;
	v6 =	vld.idx.msk [tilespmem:v6+s2+$0x0], $0xffff;
	v11 =	vsub.f32 v12, v11;
	v2 =	vand.u32 $0x7F, v2;
	v4 =	vadd.s32 v22, v23  }
0x2b0: {  	v13 =	vsub.f32 v21, v13;
	v21 =	vld [tilespmem:s30+$0x1200];
	v2 =	vor.u32 v2, v4  }
0x2b1: {  	vm7 =	vgt.s32 v10, $0x0;
	v11 =	vand.u32 $0x7FFFFFFF, v11;
	v12 =	vld.idx.msk [tilespmem:v14+s13+$0x0], $0xffff  }
0x2b2: {  	s31 =	sand.u32 $0x1F0, s25;
	v19 =	vsel vm0, v15, v16;
	v20 =	vmul.f32 $5.000000000e-01, v11;
	v16 =	vsel vm7, $0x3F800000, v1;
	v3 =	vld.idx.msk [tilespmem:v3+s2+$0x0], $0xffff  }
0x2b3: {  	vm8 =	vlt.f32 v11, $1.000000000e+00;
	v8 =	vadd.f32 v16, v8;
	v17 =	vld [tilespmem:s31+$0x1200]  }
0x2b4: {  	vm11 =	vgt.s32 v6, $0x0;
	v10 =	vmul.f32 v20, v11;
	v13 =	vand.u32 $0x7FFFFFFF, v13;
	v4 =	vld.idx.msk [tilespmem:v5+s2+$0x0], $0xffff  }
0x2b5: {  	v16 =	vsel vm11, $0x3F800000, v1;
	v20 =	vadd.f32 $-5.000000000e-01, v13;
	v23 =	vmul.f32 $5.000000000e-01, v13;
	v2 =	vld.idx.msk [tilespmem:v2+s13+$0x0], $0xffff  }
0x2b6: {  	vm10 =	vlt.f32 v13, $1.000000000e+00;
	v22 =	vadd.f32 $-5.000000000e-01, v11;
	v21 =	vsub.f32 v21, v12  }
0x2b7: {  	vm15 =	vgt.s32 v3, $0x0;
	v5 =	vnsel vm7, $0x0, v19;
	v19 =	vmul.f32 v23, v13  }
0x2b8: {  	v5 =	vadd.f32 v5, v9;
	v18 =	vsel vm8, v10, v22;
	v13 =	vld.idx.msk [tilespmem:v7+s2+$0x0], $0xffff;
	v23 =	vand.u32 $0x7FFFFFFF, v21  }
0x2b9: {  	vm9 =	vgt.s32 v4, $0x0;
	v4 =	vsel vm10, v19, v20;
	v14 =	vmul.f32 $5.000000000e-01, v23  }
0x2ba: {  	v15 =	vadd.f32 $-5.000000000e-01, v23;
	vm12 =	vlt.f32 v23, $1.000000000e+00;
	v2 =	vsub.f32 v17, v2  }
0x2bb: {  	v9 =	vnsel vm9, $0x0, v18;
	v22 =	vsel vm9, $0x3F800000, v1;
	v4 =	vnsel vm11, $0x0, v4  }
0x2bc: {  	v5 =	vadd.f32 v9, v5;
	v8 =	vadd.f32 v22, v8;
	v2 =	vand.u32 $0x7FFFFFFF, v2  }
0x2bd: {  	vm13 =	vgt.s32 v13, $0x0;
	v7 =	vmul.f32 v14, v23;
	v17 =	vmul.f32 $5.000000000e-01, v2  }
0x2be: {  	v21 =	vsel vm13, $0x3F800000, v1;
	v4 =	vadd.f32 v4, v5;
	v18 =	vadd.f32 v16, v8  }
0x2bf: {  	v7 =	vsel vm12, v7, v15;
	v20 =	vadd.f32 $-5.000000000e-01, v2;
	v19 =	vmul.f32 v17, v2  }
0x2c0: {  	v7 =	vnsel vm13, $0x0, v7;
	v3 =	vadd.f32 v21, v18;
	vm14 =	vlt.f32 v2, $1.000000000e+00  }
0x2c1: {  	v23 =	vsel vm15, $0x3F800000, v1;
	v2 =	vadd.f32 v7, v4;
	v22 =	vsel vm14, v19, v20  }
0x2c2: {  	v3 =	vadd.f32 v23, v3;
	v4 =	vnsel vm15, $0x0, v22  }
0x2c3: {  	s24 =	sadd.s32 $0x1, s24;
	v2 =	vadd.f32 v4, v2  }
0x2c4: {  	p0 =	sne.s32 s24, s7;
	[tilespmem:$0x9C10] =	vst v3  }
.Ltmp8:
0x2c5: {  	[tilespmem:$0x9C00] =	vst v2;
	(pc) =	sbr.rel @p0 .LBB2_1-.Ltmp8, $4  }
0x2c6: {  	[hbm4b:s6+s2] =	stream.linear.scatter [tilespmem:s23], [sflag:$0x3], $0x80, $0x38;
	[tilespmem:$0x9C80] =	vst v63  }
0x2c7: {  	_ =	swait.ge [sflag:s8], $0x80  }
0x2c8: {  	[sflag:s8] =	ssyncset.done $0x0  }
0x2c9: {  	[sflag:s8] =	ssyncadd.s32 $0xFFFFFF80  }
0x2ca: {  	_ =	sfence.sel $0x180000  }
0x2cb: {  	[bflag:$0x0] =	sbarrier.arrive $0xFFFF  }
0x2cc: {  	_ =	strace $0x90000047  }
0x2cd: {  	[bflag:$0x2] =	sbarrier.arrive $0xFFFF  }
0x2ce: {  	p0 =	sne.s32 s0, $0x0;
	s0 =	rddreg [dreg:$0x1]  }
0x2cf: {  	s0 =	sadd.s32 @!p0 $0x100000, s0  }
0x2d0: {  	[sflag:s0] =	ssyncadd.tile.s32 @!p0 $0x1;
	_ =	shalt  }
.Lfunc_end2:
_tile_overlayer_lowered:
.L_overlay_start_2:
0x2d1: {  	(tag) =	ssettag $0x2  }
0x2d2: {  	s0 =	rddreg [dreg:$0x0];
	s2 =	stileid.u32  }
0x2d3: {  	s1 =	rddreg [dreg:$0x1];
	p0 =	sne.s32 s2, $0x0  }
0x2d4: {  	s3 =	rddreg [dreg:$0x2];
	[bflag:$0x3] =	sbarrier.arrive $0xFFFF;
	s2 =	simm.s32 @!p0 $0x1C03  }
0x2d5: {  	[timem:s3], [sflag:s2] =	dma.local @!p0 [hbm:s0], s1  }
0x2d6: {  	s0 =	simm.s32 @!p0 $0x3  }
0x2d7: {  	_ =	swait.ge @!p0 [sflag:s0], s1  }
0x2d8: {  	s1 =	ssub.s32 @!p0 $0x0, s1;
	[sflag:s0] =	ssyncset.done @!p0 $0x0  }
0x2d9: {  	[sflag:s0] =	ssyncadd.s32 @!p0 s1  }
0x2da: {  	[bflag:$0x3] =	sbarrier.arrive $0xFFFF  }
0x2db: {  	_ =	shalt  }

</sc_bundles>
